<compile_context>
chip_gen: v7x
topology: tpu7x:2x2x1
jax: 0.10.2.dev20260603
libtpu: 0.0.44.dev20260713+nightly
codegen_flags: <defaults>
</compile_context>

<pallas_src>
import functools

import jax
import jax.numpy as jnp
from jax import lax
from jax.experimental import pallas as pl
from jax.experimental.pallas import tpu as pltpu
from jax.experimental.pallas import tpu_sc as plsc

N = 10000
NPAD = 10240
E = 320000
D = 128
DH = 64
NUM_ET = 40
ET_PAD = 128

L = 16
NC = 2
NS = 16
NW = NC * NS
EPT = E // NW

C = 80
NCHUNK = EPT // C
VPC = C // L
UN = 4

SLC = NPAD // NS

_SELU_LAM = 1.0507009873554804934193349852946
_SELU_ALPHA = 1.6732632423543772848170429916717

_mesh = plsc.VectorSubcoreMesh(core_axis_name="c", subcore_axis_name="s")
_sc_params = pltpu.CompilerParams(
    needs_layout_passes=False, use_tc_tiling_on_sc=False)


def _tc_proj_body(x_ref, w_ref, a2_ref, wr_ref, rel_ref, ae_ref,
                  ha_ref, hb_ref, s_ref, re_ref):
    h = jnp.dot(x_ref[...], w_ref[...], preferred_element_type=jnp.float32)
    ha_ref[...] = h[:, :DH]
    hb_ref[...] = h[:, DH:]
    s_ref[...] = jnp.dot(h, a2_ref[...], preferred_element_type=jnp.float32)
    rp = jnp.dot(rel_ref[...], wr_ref[...], preferred_element_type=jnp.float32)
    re_ref[...] = jnp.dot(rp, ae_ref[...], preferred_element_type=jnp.float32)


_tc_proj = pl.pallas_call(
    _tc_proj_body,
    out_shape=[
        jax.ShapeDtypeStruct((N, DH), jnp.float32),
        jax.ShapeDtypeStruct((N, DH), jnp.float32),
        jax.ShapeDtypeStruct((N, 8), jnp.float32),
        jax.ShapeDtypeStruct((NUM_ET, 8), jnp.float32),
    ],
)


def _zero_vmem_rows(buf, nvecs):
    kv = DH // L

    def zbody(i, carry):
        buf[i // kv, pl.ds((i % kv) * L, L)] = jnp.zeros((L,), jnp.float32)
        return carry

    lax.fori_loop(0, nvecs, zbody, 0)


def _msg_pipeline(src_v, dst_v, et_v, hl_v, hr_v, re_v, ex_v,
                  rows_bufs, sbufs, gsems, ssems, h_hbm, acc_sh,
                  psum_sh=None, sem_p=None):

    def start_gather(c, b):
        pltpu.async_copy(
            h_hbm.at[src_v.at[pl.ds(c * C, C)]], rows_bufs[b], gsems[b])

    def start_scatter(c, b):
        pltpu.async_copy(
            sbufs[b], acc_sh.at[dst_v.at[c]], ssems[b], add=True)

    def wait_gather(b):
        pltpu.make_async_copy(
            h_hbm.at[src_v.at[pl.ds(0, C)]], rows_bufs[b], gsems[b]).wait()

    def wait_scatter(b):
        pltpu.make_async_copy(
            sbufs[b], acc_sh.at[dst_v.at[0]], ssems[b]).wait()

    def compute(c, b):
        rows = rows_bufs[b]
        sb = sbufs[b]

        for j in range(VPC):
            sl = pl.ds(c * C + j * L, L)
            sv = src_v[sl]
            dv = dst_v[c, pl.ds(j * L, L)]
            ev = et_v[sl]
            z = (plsc.load_gather(hl_v, [sv])
                 + plsc.load_gather(hr_v, [dv])
                 + plsc.load_gather(re_v, [ev]))
            e = jnp.where(z >= 0.0, z, 0.2 * z)
            ex_v[sl] = jnp.exp(e)

        if psum_sh is not None:
            pltpu.async_copy(
                ex_v.at[pl.ds(pl.multiple_of(c * C, 8), C)],
                psum_sh.at[dst_v.at[c]], sem_p, add=True)

        @plsc.parallel_loop(0, C, 1, unroll=UN)
        def _(e):
            av = plsc.load_gather(ex_v, [lax.broadcast(c * C + e, (L,))])
            for k in range(DH // L):
                sl = pl.ds(k * L, L)
                sb[e, sl] = rows[e, sl] * av

    start_gather(0, 0)
    start_gather(1, 1)

    def gbody(g, carry):
        for b in range(2):
            c = 2 * g + b
            wait_gather(b)

            @pl.when(g >= 1)
            def _():
                wait_scatter(b)

            compute(c, b)

            @pl.when(c + 2 < NCHUNK)
            def _():
                start_gather(c + 2, b)

            start_scatter(c, b)
        return carry

    lax.fori_loop(0, (NCHUNK - 1) // 2, gbody, 0)

    ct = NCHUNK - 1
    wait_gather(0)
    wait_scatter(0)
    compute(ct, 0)
    start_scatter(ct, 0)
    wait_scatter(1)
    wait_scatter(0)


_msg_scratch = [
    pltpu.VMEM((EPT,), jnp.int32),
    pltpu.VMEM((NCHUNK, C), jnp.int32),
    pltpu.VMEM((EPT,), jnp.int32),
    pltpu.VMEM((NPAD,), jnp.float32),
    pltpu.VMEM((NPAD,), jnp.float32),
    pltpu.VMEM((ET_PAD,), jnp.float32),
    pltpu.VMEM((EPT,), jnp.float32),
    pltpu.VMEM((C, DH), jnp.float32),
    pltpu.VMEM((C, DH), jnp.float32),
    pltpu.VMEM((C, DH), jnp.float32),
    pltpu.VMEM((C, DH), jnp.float32),
    pltpu.VMEM_SHARED((NPAD, DH), jnp.float32),
    pltpu.SemaphoreType.DMA,
    pltpu.SemaphoreType.DMA,
    pltpu.SemaphoreType.DMA,
    pltpu.SemaphoreType.DMA,
]


@functools.partial(
    pl.kernel,
    out_type=[
        jax.ShapeDtypeStruct((NC, NPAD, DH), jnp.float32),
        jax.ShapeDtypeStruct((NC, NPAD), jnp.float32),
    ],
    mesh=_mesh,
    compiler_params=_sc_params,
    scratch_types=_msg_scratch + [
        pltpu.VMEM_SHARED((NPAD,), jnp.float32),
        pltpu.SemaphoreType.DMA,
    ],
)
def _sc_msg_a(src_hbm, dstr_hbm, et_hbm, hl_hbm, hr_hbm, re_hbm, h_hbm,
              agg_hbm, psum_hbm,
              src_v, dst_v, et_v, hl_v, hr_v, re_v, ex_v,
              rows0_v, rows1_v, sb0_v, sb1_v, acc_sh,
              sem_g0, sem_g1, sem_s0, sem_s1, psum_sh, sem_p):
    cid = lax.axis_index("c")
    sid = lax.axis_index("s")
    w = sid * NC + cid
    base = pl.multiple_of(w * EPT, 8)

    pltpu.sync_copy(src_hbm.at[pl.ds(base, EPT)], src_v)
    pltpu.sync_copy(dstr_hbm.at[w], dst_v)
    pltpu.sync_copy(et_hbm.at[pl.ds(base, EPT)], et_v)
    pltpu.sync_copy(hl_hbm, hl_v)
    pltpu.sync_copy(hr_hbm, hr_v)
    pltpu.sync_copy(re_hbm, re_v)

    _zero_vmem_rows(sb0_v, C * DH // L)
    rbase = pl.multiple_of(sid * SLC, 8)
    for t in range(SLC // C):
        pltpu.sync_copy(sb0_v, acc_sh.at[pl.ds(rbase + t * C, C), :])

    def zex(i, carry):
        ex_v[pl.ds(i * L, L)] = jnp.zeros((L,), jnp.float32)
        return carry

    lax.fori_loop(0, SLC // L, zex, 0)
    pltpu.sync_copy(ex_v.at[pl.ds(0, SLC)], psum_sh.at[pl.ds(rbase, SLC)])
    plsc.subcore_barrier()

    _msg_pipeline(src_v, dst_v, et_v, hl_v, hr_v, re_v, ex_v,
                  (rows0_v, rows1_v), (sb0_v, sb1_v),
                  (sem_g0, sem_g1), (sem_s0, sem_s1), h_hbm, acc_sh,
                  psum_sh=psum_sh, sem_p=sem_p)

    def drain_p(c, carry):
        pltpu.make_async_copy(
            ex_v.at[pl.ds(0, C)], psum_sh.at[dst_v.at[0]], sem_p).wait()
        return carry

    lax.fori_loop(0, NCHUNK, drain_p, 0)
    plsc.subcore_barrier()

    pltpu.sync_copy(acc_sh.at[pl.ds(rbase, SLC), :],
                    agg_hbm.at[cid, pl.ds(rbase, SLC), :])
    pltpu.sync_copy(psum_sh.at[pl.ds(rbase, SLC)],
                    psum_hbm.at[cid, pl.ds(rbase, SLC)])


@functools.partial(
    pl.kernel,
    out_type=jax.ShapeDtypeStruct((NC, NPAD, DH), jnp.float32),
    mesh=_mesh,
    compiler_params=_sc_params,
    scratch_types=_msg_scratch,
)
def _sc_msg_b(src_hbm, dstr_hbm, et_hbm, hl_hbm, hr_hbm, re_hbm, h_hbm,
              agg_hbm,
              src_v, dst_v, et_v, hl_v, hr_v, re_v, ex_v,
              rows0_v, rows1_v, sb0_v, sb1_v, acc_sh,
              sem_g0, sem_g1, sem_s0, sem_s1):
    cid = lax.axis_index("c")
    sid = lax.axis_index("s")
    w = sid * NC + cid
    base = pl.multiple_of(w * EPT, 8)

    pltpu.sync_copy(src_hbm.at[pl.ds(base, EPT)], src_v)
    pltpu.sync_copy(dstr_hbm.at[w], dst_v)
    pltpu.sync_copy(et_hbm.at[pl.ds(base, EPT)], et_v)
    pltpu.sync_copy(hl_hbm, hl_v)
    pltpu.sync_copy(hr_hbm, hr_v)
    pltpu.sync_copy(re_hbm, re_v)

    _zero_vmem_rows(sb0_v, C * DH // L)
    rbase = pl.multiple_of(sid * SLC, 8)
    for t in range(SLC // C):
        pltpu.sync_copy(sb0_v, acc_sh.at[pl.ds(rbase + t * C, C), :])
    plsc.subcore_barrier()

    _msg_pipeline(src_v, dst_v, et_v, hl_v, hr_v, re_v, ex_v,
                  (rows0_v, rows1_v), (sb0_v, sb1_v),
                  (sem_g0, sem_g1), (sem_s0, sem_s1), h_hbm, acc_sh)

    plsc.subcore_barrier()
    pltpu.sync_copy(acc_sh.at[pl.ds(rbase, SLC), :],
                    agg_hbm.at[cid, pl.ds(rbase, SLC), :])


def _tc_fin_body(a_ref, b_ref, p_ref, o_ref):
    s = p_ref[0] + p_ref[1] + 1e-16
    x = jnp.concatenate([a_ref[0] + a_ref[1], b_ref[0] + b_ref[1]], axis=-1)
    x = x / s[:, None]
    o_ref[...] = _SELU_LAM * jnp.where(
        x > 0.0, x, _SELU_ALPHA * (jnp.exp(x) - 1.0))


_tc_fin = pl.pallas_call(
    _tc_fin_body,
    out_shape=jax.ShapeDtypeStruct((NPAD, D), jnp.float32),
)


def kernel(node_features, edge_index, edge_type, W, W_r, rel_emb,
           a_l, a_r, a_e):
    src = edge_index[0].astype(jnp.int32)
    dst = edge_index[1].astype(jnp.int32)
    et = edge_type.astype(jnp.int32)
    a2 = jnp.pad(jnp.stack([a_l, a_r], axis=1), ((0, 0), (0, 6)))
    ae8 = jnp.pad(a_e[:, None], ((0, 0), (0, 7)))

    ha, hb, s8, re8 = _tc_proj(node_features, W, a2, W_r, rel_emb, ae8)
    hl = jnp.pad(s8[:, 0], (0, NPAD - N))
    hr = jnp.pad(s8[:, 1], (0, NPAD - N))
    re64 = jnp.pad(re8[:, 0], (0, ET_PAD - NUM_ET))

    dst_r = dst.reshape(NW, NCHUNK, C)
    agg_a, psum = _sc_msg_a(src, dst_r, et, hl, hr, re64, ha)
    agg_b = _sc_msg_b(src, dst_r, et, hl, hr, re64, hb)
    out = _tc_fin(agg_a, agg_b, psum)
    return out[:N]

# --- scband reference (transcript-rebuilt; emitter-appended) ---
"""Pipeline reference for scband-layer-g-34926674051409 (READ-ONLY COPY).

The authoritative reference and input builder live on the scoring server;
editing this copy changes nothing except your own understanding.
"""

import jax, jax.numpy as jnp
import numpy as np

N = 10000
E = 320000
D = 128
NUM_EDGE_TYPE = 40
REL_DIM = 100


def setup_inputs(seed: int = 0) -> dict:
    key = jax.random.key(seed)
    ks = jax.random.split(key, 9)
    node_features = jax.random.normal(ks[0], (N, D), dtype=jnp.float32)
    edge_index = jax.random.randint(ks[1], (2, E), 0, N)
    edge_type = jax.random.randint(ks[2], (E,), 0, NUM_EDGE_TYPE)
    W = jax.random.normal(ks[3], (D, D), dtype=jnp.float32) * (1.0 / np.sqrt(D))
    W_r = jax.random.normal(ks[4], (REL_DIM, D), dtype=jnp.float32) * (1.0 / np.sqrt(REL_DIM))
    rel_emb = jax.random.normal(ks[5], (NUM_EDGE_TYPE, REL_DIM), dtype=jnp.float32)
    a_l = jax.random.normal(ks[6], (D,), dtype=jnp.float32) * (1.0 / np.sqrt(D))
    a_r = jax.random.normal(ks[7], (D,), dtype=jnp.float32) * (1.0 / np.sqrt(D))
    a_e = jax.random.normal(ks[8], (D,), dtype=jnp.float32) * (1.0 / np.sqrt(D))
    return {
        'node_features': node_features,
        'edge_index': edge_index,
        'edge_type': edge_type,
        'W': W,
        'W_r': W_r,
        'rel_emb': rel_emb,
        'a_l': a_l,
        'a_r': a_r,
        'a_e': a_e,
    }


def _segment_softmax(scores, seg_ids, num_segments):
    smax = jax.ops.segment_max(scores, seg_ids, num_segments=num_segments)
    smax = jnp.where(jnp.isfinite(smax), smax, 0.0)
    ex = jnp.exp(scores - smax[seg_ids])
    ssum = jax.ops.segment_sum(ex, seg_ids, num_segments=num_segments)
    return ex / (ssum[seg_ids] + 1e-16)


def reference(node_features, edge_index, edge_type, W, W_r, rel_emb, a_l, a_r, a_e):
    # SimpleHGN layer (in_channels == out_channels)
    src = edge_index[0]
    dst = edge_index[1]
    h = node_features @ W                      # [N, D] node projection
    r = rel_emb[edge_type] @ W_r               # [E, D] relation projection (gather + matmul)
    # edge attention logits
    e = jax.nn.leaky_relu(h[src] @ a_l + h[dst] @ a_r + r @ a_e, negative_slope=0.2)
    alpha = _segment_softmax(e, dst, N)        # softmax over incoming edges per dst
    msg = h[src] * alpha[:, None]              # weighted messages
    agg = jax.ops.segment_sum(msg, dst, num_segments=N)  # scatter-add to dst nodes
    # LayerG wrapper: SELU activation; dropout is identity at inference
    out = jax.nn.selu(agg)
    return out

if __name__ == "__main__":
    import jax
    _d = setup_inputs()
    print(jax.jit(kernel)(*tuple(_d.values())))

</pallas_src>

<mosaic_0001>
#map = affine_map<(d0, d1) -> (0)>
#map1 = affine_map<(d0, d1) -> (0, 0, 0)>
#map2 = affine_map<(d0, d1) -> (0, 0)>
module attributes {stable_mosaic.version = 14 : i64} {
  func.func @_sc_msg_a(%arg0: i32, %arg1: i32, %arg2: memref<320000xi32, #tpu.memory_space<hbm>>, %arg3: memref<32x125x80xi32, #tpu.memory_space<hbm>>, %arg4: memref<320000xi32, #tpu.memory_space<hbm>>, %arg5: memref<10240xf32, #tpu.memory_space<hbm>>, %arg6: memref<10240xf32, #tpu.memory_space<hbm>>, %arg7: memref<128xf32, #tpu.memory_space<hbm>>, %arg8: memref<10000x64xf32, #tpu.memory_space<hbm>>, %arg9: memref<2x10240x64xf32, #tpu.memory_space<hbm>>, %arg10: memref<2x10240xf32, #tpu.memory_space<hbm>>, %arg11: memref<10000xi32, #tpu.memory_space<vmem>>, %arg12: memref<125x80xi32, #tpu.memory_space<vmem>>, %arg13: memref<10000xi32, #tpu.memory_space<vmem>>, %arg14: memref<10240xf32, #tpu.memory_space<vmem>>, %arg15: memref<10240xf32, #tpu.memory_space<vmem>>, %arg16: memref<128xf32, #tpu.memory_space<vmem>>, %arg17: memref<10000xf32, #tpu.memory_space<vmem>>, %arg18: memref<80x64xf32, #tpu.memory_space<vmem>>, %arg19: memref<80x64xf32, #tpu.memory_space<vmem>>, %arg20: memref<80x64xf32, #tpu.memory_space<vmem>>, %arg21: memref<80x64xf32, #tpu.memory_space<vmem>>, %arg22: memref<10240x64xf32, #tpu.memory_space<vmem_shared>>, %arg23: memref<!tpu.dma_semaphore, #tpu.memory_space<semaphore_mem>>, %arg24: memref<!tpu.dma_semaphore, #tpu.memory_space<semaphore_mem>>, %arg25: memref<!tpu.dma_semaphore, #tpu.memory_space<semaphore_mem>>, %arg26: memref<!tpu.dma_semaphore, #tpu.memory_space<semaphore_mem>>, %arg27: memref<10240xf32, #tpu.memory_space<vmem_shared>>, %arg28: memref<!tpu.dma_semaphore, #tpu.memory_space<semaphore_mem>>) attributes {dimension_semantics = [#tpu.dimension_semantics<core_parallel>, #tpu.dimension_semantics<subcore_parallel>], iteration_bounds = array<i64: 2, 16>, scalar_prefetch = 0 : i64, scratch_operands = 18 : i64, tpu.core_type = #tpu.core_type<sc_vector_subcore>, window_params = [{transform_indices = #map}, {transform_indices = #map1}, {transform_indices = #map}, {transform_indices = #map}, {transform_indices = #map}, {transform_indices = #map}, {transform_indices = #map2}, {transform_indices = #map1}, {transform_indices = #map2}]} {
    %mul3A = arith.constant 2 : i32
    %mul3A_0 = arith.muli %arg1, %mul3A : i32
    %add3A = arith.addi %mul3A_0, %arg0 : i32
    %mul3A_1 = arith.constant 10000 : i32
    %mul3A_2 = arith.muli %add3A, %mul3A_1 : i32
    %multiple_of3A = tpu.assume_multiple %mul3A_2, 8 : i32
    "tpu.region"() ({
      %run_scoped3A = tpu.sem_alloc : memref<!tpu.dma_semaphore, #tpu.memory_space<semaphore_mem>>
      %dma_start3A_207 = tpu.memref_slice %arg2[%multiple_of3A] : memref<320000xi32, #tpu.memory_space<hbm>> -> memref<10000xi32, #tpu.memory_space<hbm>>
      %dma_start3A_208 = tpu.memref_slice %arg2[%multiple_of3A] : memref<320000xi32, #tpu.memory_space<hbm>> -> memref<10000xi32, #tpu.memory_space<hbm>>
      tpu.enqueue_dma source(%dma_start3A_208 : memref<10000xi32, #tpu.memory_space<hbm>>) target(%arg11 : memref<10000xi32, #tpu.memory_space<vmem>>) target_semaphore(%run_scoped3A : memref<!tpu.dma_semaphore, #tpu.memory_space<semaphore_mem>>)
      %dma_wait3A_209 = tpu.memref_slice %arg2[%multiple_of3A] : memref<320000xi32, #tpu.memory_space<hbm>> -> memref<10000xi32, #tpu.memory_space<hbm>>
      %dma_wait3A_210 = tpu.memref_slice %arg2[%multiple_of3A] : memref<320000xi32, #tpu.memory_space<hbm>> -> memref<10000xi32, #tpu.memory_space<hbm>>
      tpu.wait_dma2 semaphore(%run_scoped3A : memref<!tpu.dma_semaphore, #tpu.memory_space<semaphore_mem>>) src(%dma_wait3A_210 : memref<10000xi32, #tpu.memory_space<hbm>>) dst(%arg11 : memref<10000xi32, #tpu.memory_space<vmem>>)
      tpu.yield
    }) : () -> ()
    "tpu.region"() ({
      %run_scoped3A = tpu.sem_alloc : memref<!tpu.dma_semaphore, #tpu.memory_space<semaphore_mem>>
      %dma_start3A_207 = arith.constant 0 : i32
      %dma_start3A_208 = arith.constant 0 : i32
      %dma_start3A_209 = tpu.memref_slice %arg3[%add3A, %dma_start3A_207, %dma_start3A_208] : memref<32x125x80xi32, #tpu.memory_space<hbm>> -> memref<1x125x80xi32, #tpu.memory_space<hbm>>
      %dma_start3A_210 = tpu.memref_squeeze %dma_start3A_209 : memref<1x125x80xi32, #tpu.memory_space<hbm>> -> memref<125x80xi32, #tpu.memory_space<hbm>>
      %dma_start3A_211 = arith.constant 0 : i32
      %dma_start3A_212 = arith.constant 0 : i32
      %dma_start3A_213 = tpu.memref_slice %arg3[%add3A, %dma_start3A_211, %dma_start3A_212] : memref<32x125x80xi32, #tpu.memory_space<hbm>> -> memref<1x125x80xi32, #tpu.memory_space<hbm>>
      %dma_start3A_214 = tpu.memref_squeeze %dma_start3A_213 : memref<1x125x80xi32, #tpu.memory_space<hbm>> -> memref<125x80xi32, #tpu.memory_space<hbm>>
      tpu.enqueue_dma source(%dma_start3A_214 : memref<125x80xi32, #tpu.memory_space<hbm>>) target(%arg12 : memref<125x80xi32, #tpu.memory_space<vmem>>) target_semaphore(%run_scoped3A : memref<!tpu.dma_semaphore, #tpu.memory_space<semaphore_mem>>)
      %dma_wait3A_215 = arith.constant 0 : i32
      %dma_wait3A_216 = arith.constant 0 : i32
      %dma_wait3A_217 = tpu.memref_slice %arg3[%add3A, %dma_wait3A_215, %dma_wait3A_216] : memref<32x125x80xi32, #tpu.memory_space<hbm>> -> memref<1x125x80xi32, #tpu.memory_space<hbm>>
      %dma_wait3A_218 = tpu.memref_squeeze %dma_wait3A_217 : memref<1x125x80xi32, #tpu.memory_space<hbm>> -> memref<125x80xi32, #tpu.memory_space<hbm>>
      %dma_wait3A_219 = arith.constant 0 : i32
      %dma_wait3A_220 = arith.constant 0 : i32
      %dma_wait3A_221 = tpu.memref_slice %arg3[%add3A, %dma_wait3A_219, %dma_wait3A_220] : memref<32x125x80xi32, #tpu.memory_space<hbm>> -> memref<1x125x80xi32, #tpu.memory_space<hbm>>
      %dma_wait3A_222 = tpu.memref_squeeze %dma_wait3A_221 : memref<1x125x80xi32, #tpu.memory_space<hbm>> -> memref<125x80xi32, #tpu.memory_space<hbm>>
      tpu.wait_dma2 semaphore(%run_scoped3A : memref<!tpu.dma_semaphore, #tpu.memory_space<semaphore_mem>>) src(%dma_wait3A_222 : memref<125x80xi32, #tpu.memory_space<hbm>>) dst(%arg12 : memref<125x80xi32, #tpu.memory_space<vmem>>)
      tpu.yield
    }) : () -> ()
    "tpu.region"() ({
      %run_scoped3A = tpu.sem_alloc : memref<!tpu.dma_semaphore, #tpu.memory_space<semaphore_mem>>
      %dma_start3A_207 = tpu.memref_slice %arg4[%multiple_of3A] : memref<320000xi32, #tpu.memory_space<hbm>> -> memref<10000xi32, #tpu.memory_space<hbm>>
      %dma_start3A_208 = tpu.memref_slice %arg4[%multiple_of3A] : memref<320000xi32, #tpu.memory_space<hbm>> -> memref<10000xi32, #tpu.memory_space<hbm>>
      tpu.enqueue_dma source(%dma_start3A_208 : memref<10000xi32, #tpu.memory_space<hbm>>) target(%arg13 : memref<10000xi32, #tpu.memory_space<vmem>>) target_semaphore(%run_scoped3A : memref<!tpu.dma_semaphore, #tpu.memory_space<semaphore_mem>>)
      %dma_wait3A_209 = tpu.memref_slice %arg4[%multiple_of3A] : memref<320000xi32, #tpu.memory_space<hbm>> -> memref<10000xi32, #tpu.memory_space<hbm>>
      %dma_wait3A_210 = tpu.memref_slice %arg4[%multiple_of3A] : memref<320000xi32, #tpu.memory_space<hbm>> -> memref<10000xi32, #tpu.memory_space<hbm>>
      tpu.wait_dma2 semaphore(%run_scoped3A : memref<!tpu.dma_semaphore, #tpu.memory_space<semaphore_mem>>) src(%dma_wait3A_210 : memref<10000xi32, #tpu.memory_space<hbm>>) dst(%arg13 : memref<10000xi32, #tpu.memory_space<vmem>>)
      tpu.yield
    }) : () -> ()
    "tpu.region"() ({
      %run_scoped3A = tpu.sem_alloc : memref<!tpu.dma_semaphore, #tpu.memory_space<semaphore_mem>>
      tpu.enqueue_dma source(%arg5 : memref<10240xf32, #tpu.memory_space<hbm>>) target(%arg14 : memref<10240xf32, #tpu.memory_space<vmem>>) target_semaphore(%run_scoped3A : memref<!tpu.dma_semaphore, #tpu.memory_space<semaphore_mem>>)
      tpu.wait_dma2 semaphore(%run_scoped3A : memref<!tpu.dma_semaphore, #tpu.memory_space<semaphore_mem>>) src(%arg5 : memref<10240xf32, #tpu.memory_space<hbm>>) dst(%arg14 : memref<10240xf32, #tpu.memory_space<vmem>>)
      tpu.yield
    }) : () -> ()
    "tpu.region"() ({
      %run_scoped3A = tpu.sem_alloc : memref<!tpu.dma_semaphore, #tpu.memory_space<semaphore_mem>>
      tpu.enqueue_dma source(%arg6 : memref<10240xf32, #tpu.memory_space<hbm>>) target(%arg15 : memref<10240xf32, #tpu.memory_space<vmem>>) target_semaphore(%run_scoped3A : memref<!tpu.dma_semaphore, #tpu.memory_space<semaphore_mem>>)
      tpu.wait_dma2 semaphore(%run_scoped3A : memref<!tpu.dma_semaphore, #tpu.memory_space<semaphore_mem>>) src(%arg6 : memref<10240xf32, #tpu.memory_space<hbm>>) dst(%arg15 : memref<10240xf32, #tpu.memory_space<vmem>>)
      tpu.yield
    }) : () -> ()
    "tpu.region"() ({
      %run_scoped3A = tpu.sem_alloc : memref<!tpu.dma_semaphore, #tpu.memory_space<semaphore_mem>>
      tpu.enqueue_dma source(%arg7 : memref<128xf32, #tpu.memory_space<hbm>>) target(%arg16 : memref<128xf32, #tpu.memory_space<vmem>>) target_semaphore(%run_scoped3A : memref<!tpu.dma_semaphore, #tpu.memory_space<semaphore_mem>>)
      tpu.wait_dma2 semaphore(%run_scoped3A : memref<!tpu.dma_semaphore, #tpu.memory_space<semaphore_mem>>) src(%arg7 : memref<128xf32, #tpu.memory_space<hbm>>) dst(%arg16 : memref<128xf32, #tpu.memory_space<vmem>>)
      tpu.yield
    }) : () -> ()
    %scan3A = arith.constant 0 : i32
    %scan3A_3 = arith.constant 0 : i32
    %scan3A_4 = arith.constant 320 : i32
    %scan3A_5 = arith.addi %scan3A_3, %scan3A_4 : i32
    %scan3A_6 = arith.constant 1 : i32
    scf.for %scan3A_207 = %scan3A_3 to %scan3A_5 step %scan3A_6  : i32 {
      %broadcast_in_dim3A = arith.constant 0.000000e+00 : f32
      %broadcast_in_dim3A_208 = vector.broadcast %broadcast_in_dim3A : f32 to vector<16xf32>
      %jit3A = arith.constant 4 : i32
      %div3A = arith.divsi %scan3A_207, %jit3A : i32
      %sign3A = arith.constant 0 : i32
      %sign3A_209 = arith.cmpi sgt, %scan3A_207, %sign3A : i32
      %sign3A_210 = arith.extui %sign3A_209 : i1 to i32
      %sign3A_211 = arith.constant 0 : i32
      %sign3A_212 = arith.cmpi slt, %scan3A_207, %sign3A_211 : i32
      %sign3A_213 = arith.extui %sign3A_212 : i1 to i32
      %sign3A_214 = arith.subi %sign3A_210, %sign3A_213 : i32
      %sign3A_215 = arith.constant 0 : i32
      %sign3A_216 = arith.cmpi sgt, %jit3A, %sign3A_215 : i32
      %sign3A_217 = arith.extui %sign3A_216 : i1 to i32
      %sign3A_218 = arith.constant 0 : i32
      %sign3A_219 = arith.cmpi slt, %jit3A, %sign3A_218 : i32
      %sign3A_220 = arith.extui %sign3A_219 : i1 to i32
      %sign3A_221 = arith.subi %sign3A_217, %sign3A_220 : i32
      %ne3A = arith.cmpi ne, %sign3A_214, %sign3A_221 : i32
      %rem3A = arith.remsi %scan3A_207, %jit3A : i32
      %ne3A_222 = arith.constant 0 : i32
      %ne3A_223 = arith.cmpi ne, %rem3A, %ne3A_222 : i32
      %and3A = arith.andi %ne3A, %ne3A_223 : i1
      %sub3A = arith.constant 1 : i32
      %sub3A_224 = arith.subi %div3A, %sub3A : i32
      %select_n3A_225 = arith.select %and3A, %sub3A_224, %div3A : i32
      %jit3A_226 = arith.constant 4 : i32
      %eq3A = arith.constant 0 : i32
      %eq3A_227 = arith.cmpi eq, %jit3A_226, %eq3A : i32
      %jit3A_228 = arith.constant 1 : i32
      %select_n3A_229 = arith.select %eq3A_227, %jit3A_228, %jit3A_226 : i32
      %rem3A_230 = arith.remsi %scan3A_207, %select_n3A_229 : i32
      %ne3A_231 = arith.constant 0 : i32
      %ne3A_232 = arith.cmpi ne, %rem3A_230, %ne3A_231 : i32
      %lt3A = arith.constant 0 : i32
      %lt3A_233 = arith.cmpi slt, %rem3A_230, %lt3A : i32
      %lt3A_234 = arith.constant 0 : i32
      %lt3A_235 = arith.cmpi slt, %select_n3A_229, %lt3A_234 : i32
      %ne3A_236 = arith.xori %lt3A_233, %lt3A_235 : i1
      %and3A_237 = arith.andi %ne3A_236, %ne3A_232 : i1
      %add3A_238 = arith.addi %rem3A_230, %select_n3A_229 : i32
      %select_n3A_239 = arith.select %and3A_237, %add3A_238, %rem3A_230 : i32
      %mul3A_240 = arith.constant 16 : i32
      %mul3A_241 = arith.muli %select_n3A_239, %mul3A_240 : i32
      %swap3A_242 = arith.index_cast %select_n3A_225 : i32 to index
      %swap3A_243 = arith.index_cast %mul3A_241 : i32 to index
      %swap3A_244 = tpu.vector_load %arg20[%swap3A_242, %swap3A_243] {strides = array<i32>} : memref<80x64xf32, #tpu.memory_space<vmem>>, vector<16xf32>,
      tpu.vector_store %arg20[%swap3A_242, %swap3A_243], %broadcast_in_dim3A_208 {strides = array<i32>} : memref<80x64xf32, #tpu.memory_space<vmem>>, vector<16xf32>,
    }
    %scan3A_7 = arith.constant 320 : i32
    %mul3A_8 = arith.constant 640 : i32
    %mul3A_9 = arith.muli %arg1, %mul3A_8 : i32
    %multiple_of3A_10 = tpu.assume_multiple %mul3A_9, 8 : i32
    %add3A_11 = arith.constant 0 : i32
    %add3A_12 = arith.addi %multiple_of3A_10, %add3A_11 : i32
    "tpu.region"() ({
      %run_scoped3A = tpu.sem_alloc : memref<!tpu.dma_semaphore, #tpu.memory_space<semaphore_mem>>
      %dma_start3A_207 = arith.constant 0 : i32
      %dma_start3A_208 = tpu.memref_slice %arg22[%add3A_12, %dma_start3A_207] : memref<10240x64xf32, #tpu.memory_space<vmem_shared>> -> memref<80x64xf32, #tpu.memory_space<vmem_shared>>
      %dma_start3A_209 = arith.constant 0 : i32
      %dma_start3A_210 = tpu.memref_slice %arg22[%add3A_12, %dma_start3A_209] : memref<10240x64xf32, #tpu.memory_space<vmem_shared>> -> memref<80x64xf32, #tpu.memory_space<vmem_shared>>
      tpu.enqueue_dma source(%arg20 : memref<80x64xf32, #tpu.memory_space<vmem>>) target(%dma_start3A_210 : memref<80x64xf32, #tpu.memory_space<vmem_shared>>) target_semaphore(%run_scoped3A : memref<!tpu.dma_semaphore, #tpu.memory_space<semaphore_mem>>)
      %dma_wait3A_211 = arith.constant 0 : i32
      %dma_wait3A_212 = tpu.memref_slice %arg22[%add3A_12, %dma_wait3A_211] : memref<10240x64xf32, #tpu.memory_space<vmem_shared>> -> memref<80x64xf32, #tpu.memory_space<vmem_shared>>
      %dma_wait3A_213 = arith.constant 0 : i32
      %dma_wait3A_214 = tpu.memref_slice %arg22[%add3A_12, %dma_wait3A_213] : memref<10240x64xf32, #tpu.memory_space<vmem_shared>> -> memref<80x64xf32, #tpu.memory_space<vmem_shared>>
      tpu.wait_dma2 semaphore(%run_scoped3A : memref<!tpu.dma_semaphore, #tpu.memory_space<semaphore_mem>>) src(%arg20 : memref<80x64xf32, #tpu.memory_space<vmem>>) dst(%dma_wait3A_214 : memref<80x64xf32, #tpu.memory_space<vmem_shared>>)
      tpu.yield
    }) : () -> ()
    %add3A_13 = arith.constant 80 : i32
    %add3A_14 = arith.addi %multiple_of3A_10, %add3A_13 : i32
    "tpu.region"() ({
      %run_scoped3A = tpu.sem_alloc : memref<!tpu.dma_semaphore, #tpu.memory_space<semaphore_mem>>
      %dma_start3A_207 = arith.constant 0 : i32
      %dma_start3A_208 = tpu.memref_slice %arg22[%add3A_14, %dma_start3A_207] : memref<10240x64xf32, #tpu.memory_space<vmem_shared>> -> memref<80x64xf32, #tpu.memory_space<vmem_shared>>
      %dma_start3A_209 = arith.constant 0 : i32
      %dma_start3A_210 = tpu.memref_slice %arg22[%add3A_14, %dma_start3A_209] : memref<10240x64xf32, #tpu.memory_space<vmem_shared>> -> memref<80x64xf32, #tpu.memory_space<vmem_shared>>
      tpu.enqueue_dma source(%arg20 : memref<80x64xf32, #tpu.memory_space<vmem>>) target(%dma_start3A_210 : memref<80x64xf32, #tpu.memory_space<vmem_shared>>) target_semaphore(%run_scoped3A : memref<!tpu.dma_semaphore, #tpu.memory_space<semaphore_mem>>)
      %dma_wait3A_211 = arith.constant 0 : i32
      %dma_wait3A_212 = tpu.memref_slice %arg22[%add3A_14, %dma_wait3A_211] : memref<10240x64xf32, #tpu.memory_space<vmem_shared>> -> memref<80x64xf32, #tpu.memory_space<vmem_shared>>
      %dma_wait3A_213 = arith.constant 0 : i32
      %dma_wait3A_214 = tpu.memref_slice %arg22[%add3A_14, %dma_wait3A_213] : memref<10240x64xf32, #tpu.memory_space<vmem_shared>> -> memref<80x64xf32, #tpu.memory_space<vmem_shared>>
      tpu.wait_dma2 semaphore(%run_scoped3A : memref<!tpu.dma_semaphore, #tpu.memory_space<semaphore_mem>>) src(%arg20 : memref<80x64xf32, #tpu.memory_space<vmem>>) dst(%dma_wait3A_214 : memref<80x64xf32, #tpu.memory_space<vmem_shared>>)
      tpu.yield
    }) : () -> ()
    %add3A_15 = arith.constant 160 : i32
    %add3A_16 = arith.addi %multiple_of3A_10, %add3A_15 : i32
    "tpu.region"() ({
      %run_scoped3A = tpu.sem_alloc : memref<!tpu.dma_semaphore, #tpu.memory_space<semaphore_mem>>
      %dma_start3A_207 = arith.constant 0 : i32
      %dma_start3A_208 = tpu.memref_slice %arg22[%add3A_16, %dma_start3A_207] : memref<10240x64xf32, #tpu.memory_space<vmem_shared>> -> memref<80x64xf32, #tpu.memory_space<vmem_shared>>
      %dma_start3A_209 = arith.constant 0 : i32
      %dma_start3A_210 = tpu.memref_slice %arg22[%add3A_16, %dma_start3A_209] : memref<10240x64xf32, #tpu.memory_space<vmem_shared>> -> memref<80x64xf32, #tpu.memory_space<vmem_shared>>
      tpu.enqueue_dma source(%arg20 : memref<80x64xf32, #tpu.memory_space<vmem>>) target(%dma_start3A_210 : memref<80x64xf32, #tpu.memory_space<vmem_shared>>) target_semaphore(%run_scoped3A : memref<!tpu.dma_semaphore, #tpu.memory_space<semaphore_mem>>)
      %dma_wait3A_211 = arith.constant 0 : i32
      %dma_wait3A_212 = tpu.memref_slice %arg22[%add3A_16, %dma_wait3A_211] : memref<10240x64xf32, #tpu.memory_space<vmem_shared>> -> memref<80x64xf32, #tpu.memory_space<vmem_shared>>
      %dma_wait3A_213 = arith.constant 0 : i32
      %dma_wait3A_214 = tpu.memref_slice %arg22[%add3A_16, %dma_wait3A_213] : memref<10240x64xf32, #tpu.memory_space<vmem_shared>> -> memref<80x64xf32, #tpu.memory_space<vmem_shared>>
      tpu.wait_dma2 semaphore(%run_scoped3A : memref<!tpu.dma_semaphore, #tpu.memory_space<semaphore_mem>>) src(%arg20 : memref<80x64xf32, #tpu.memory_space<vmem>>) dst(%dma_wait3A_214 : memref<80x64xf32, #tpu.memory_space<vmem_shared>>)
      tpu.yield
    }) : () -> ()
    %add3A_17 = arith.constant 240 : i32
    %add3A_18 = arith.addi %multiple_of3A_10, %add3A_17 : i32
    "tpu.region"() ({
      %run_scoped3A = tpu.sem_alloc : memref<!tpu.dma_semaphore, #tpu.memory_space<semaphore_mem>>
      %dma_start3A_207 = arith.constant 0 : i32
      %dma_start3A_208 = tpu.memref_slice %arg22[%add3A_18, %dma_start3A_207] : memref<10240x64xf32, #tpu.memory_space<vmem_shared>> -> memref<80x64xf32, #tpu.memory_space<vmem_shared>>
      %dma_start3A_209 = arith.constant 0 : i32
      %dma_start3A_210 = tpu.memref_slice %arg22[%add3A_18, %dma_start3A_209] : memref<10240x64xf32, #tpu.memory_space<vmem_shared>> -> memref<80x64xf32, #tpu.memory_space<vmem_shared>>
      tpu.enqueue_dma source(%arg20 : memref<80x64xf32, #tpu.memory_space<vmem>>) target(%dma_start3A_210 : memref<80x64xf32, #tpu.memory_space<vmem_shared>>) target_semaphore(%run_scoped3A : memref<!tpu.dma_semaphore, #tpu.memory_space<semaphore_mem>>)
      %dma_wait3A_211 = arith.constant 0 : i32
      %dma_wait3A_212 = tpu.memref_slice %arg22[%add3A_18, %dma_wait3A_211] : memref<10240x64xf32, #tpu.memory_space<vmem_shared>> -> memref<80x64xf32, #tpu.memory_space<vmem_shared>>
      %dma_wait3A_213 = arith.constant 0 : i32
      %dma_wait3A_214 = tpu.memref_slice %arg22[%add3A_18, %dma_wait3A_213] : memref<10240x64xf32, #tpu.memory_space<vmem_shared>> -> memref<80x64xf32, #tpu.memory_space<vmem_shared>>
      tpu.wait_dma2 semaphore(%run_scoped3A : memref<!tpu.dma_semaphore, #tpu.memory_space<semaphore_mem>>) src(%arg20 : memref<80x64xf32, #tpu.memory_space<vmem>>) dst(%dma_wait3A_214 : memref<80x64xf32, #tpu.memory_space<vmem_shared>>)
      tpu.yield
    }) : () -> ()
    %add3A_19 = arith.constant 320 : i32
    %add3A_20 = arith.addi %multiple_of3A_10, %add3A_19 : i32
    "tpu.region"() ({
      %run_scoped3A = tpu.sem_alloc : memref<!tpu.dma_semaphore, #tpu.memory_space<semaphore_mem>>
      %dma_start3A_207 = arith.constant 0 : i32
      %dma_start3A_208 = tpu.memref_slice %arg22[%add3A_20, %dma_start3A_207] : memref<10240x64xf32, #tpu.memory_space<vmem_shared>> -> memref<80x64xf32, #tpu.memory_space<vmem_shared>>
      %dma_start3A_209 = arith.constant 0 : i32
      %dma_start3A_210 = tpu.memref_slice %arg22[%add3A_20, %dma_start3A_209] : memref<10240x64xf32, #tpu.memory_space<vmem_shared>> -> memref<80x64xf32, #tpu.memory_space<vmem_shared>>
      tpu.enqueue_dma source(%arg20 : memref<80x64xf32, #tpu.memory_space<vmem>>) target(%dma_start3A_210 : memref<80x64xf32, #tpu.memory_space<vmem_shared>>) target_semaphore(%run_scoped3A : memref<!tpu.dma_semaphore, #tpu.memory_space<semaphore_mem>>)
      %dma_wait3A_211 = arith.constant 0 : i32
      %dma_wait3A_212 = tpu.memref_slice %arg22[%add3A_20, %dma_wait3A_211] : memref<10240x64xf32, #tpu.memory_space<vmem_shared>> -> memref<80x64xf32, #tpu.memory_space<vmem_shared>>
      %dma_wait3A_213 = arith.constant 0 : i32
      %dma_wait3A_214 = tpu.memref_slice %arg22[%add3A_20, %dma_wait3A_213] : memref<10240x64xf32, #tpu.memory_space<vmem_shared>> -> memref<80x64xf32, #tpu.memory_space<vmem_shared>>
      tpu.wait_dma2 semaphore(%run_scoped3A : memref<!tpu.dma_semaphore, #tpu.memory_space<semaphore_mem>>) src(%arg20 : memref<80x64xf32, #tpu.memory_space<vmem>>) dst(%dma_wait3A_214 : memref<80x64xf32, #tpu.memory_space<vmem_shared>>)
      tpu.yield
    }) : () -> ()
    %add3A_21 = arith.constant 400 : i32
    %add3A_22 = arith.addi %multiple_of3A_10, %add3A_21 : i32
    "tpu.region"() ({
      %run_scoped3A = tpu.sem_alloc : memref<!tpu.dma_semaphore, #tpu.memory_space<semaphore_mem>>
      %dma_start3A_207 = arith.constant 0 : i32
      %dma_start3A_208 = tpu.memref_slice %arg22[%add3A_22, %dma_start3A_207] : memref<10240x64xf32, #tpu.memory_space<vmem_shared>> -> memref<80x64xf32, #tpu.memory_space<vmem_shared>>
      %dma_start3A_209 = arith.constant 0 : i32
      %dma_start3A_210 = tpu.memref_slice %arg22[%add3A_22, %dma_start3A_209] : memref<10240x64xf32, #tpu.memory_space<vmem_shared>> -> memref<80x64xf32, #tpu.memory_space<vmem_shared>>
      tpu.enqueue_dma source(%arg20 : memref<80x64xf32, #tpu.memory_space<vmem>>) target(%dma_start3A_210 : memref<80x64xf32, #tpu.memory_space<vmem_shared>>) target_semaphore(%run_scoped3A : memref<!tpu.dma_semaphore, #tpu.memory_space<semaphore_mem>>)
      %dma_wait3A_211 = arith.constant 0 : i32
      %dma_wait3A_212 = tpu.memref_slice %arg22[%add3A_22, %dma_wait3A_211] : memref<10240x64xf32, #tpu.memory_space<vmem_shared>> -> memref<80x64xf32, #tpu.memory_space<vmem_shared>>
      %dma_wait3A_213 = arith.constant 0 : i32
      %dma_wait3A_214 = tpu.memref_slice %arg22[%add3A_22, %dma_wait3A_213] : memref<10240x64xf32, #tpu.memory_space<vmem_shared>> -> memref<80x64xf32, #tpu.memory_space<vmem_shared>>
      tpu.wait_dma2 semaphore(%run_scoped3A : memref<!tpu.dma_semaphore, #tpu.memory_space<semaphore_mem>>) src(%arg20 : memref<80x64xf32, #tpu.memory_space<vmem>>) dst(%dma_wait3A_214 : memref<80x64xf32, #tpu.memory_space<vmem_shared>>)
      tpu.yield
    }) : () -> ()
    %add3A_23 = arith.constant 480 : i32
    %add3A_24 = arith.addi %multiple_of3A_10, %add3A_23 : i32
    "tpu.region"() ({
      %run_scoped3A = tpu.sem_alloc : memref<!tpu.dma_semaphore, #tpu.memory_space<semaphore_mem>>
      %dma_start3A_207 = arith.constant 0 : i32
      %dma_start3A_208 = tpu.memref_slice %arg22[%add3A_24, %dma_start3A_207] : memref<10240x64xf32, #tpu.memory_space<vmem_shared>> -> memref<80x64xf32, #tpu.memory_space<vmem_shared>>
      %dma_start3A_209 = arith.constant 0 : i32
      %dma_start3A_210 = tpu.memref_slice %arg22[%add3A_24, %dma_start3A_209] : memref<10240x64xf32, #tpu.memory_space<vmem_shared>> -> memref<80x64xf32, #tpu.memory_space<vmem_shared>>
      tpu.enqueue_dma source(%arg20 : memref<80x64xf32, #tpu.memory_space<vmem>>) target(%dma_start3A_210 : memref<80x64xf32, #tpu.memory_space<vmem_shared>>) target_semaphore(%run_scoped3A : memref<!tpu.dma_semaphore, #tpu.memory_space<semaphore_mem>>)
      %dma_wait3A_211 = arith.constant 0 : i32
      %dma_wait3A_212 = tpu.memref_slice %arg22[%add3A_24, %dma_wait3A_211] : memref<10240x64xf32, #tpu.memory_space<vmem_shared>> -> memref<80x64xf32, #tpu.memory_space<vmem_shared>>
      %dma_wait3A_213 = arith.constant 0 : i32
      %dma_wait3A_214 = tpu.memref_slice %arg22[%add3A_24, %dma_wait3A_213] : memref<10240x64xf32, #tpu.memory_space<vmem_shared>> -> memref<80x64xf32, #tpu.memory_space<vmem_shared>>
      tpu.wait_dma2 semaphore(%run_scoped3A : memref<!tpu.dma_semaphore, #tpu.memory_space<semaphore_mem>>) src(%arg20 : memref<80x64xf32, #tpu.memory_space<vmem>>) dst(%dma_wait3A_214 : memref<80x64xf32, #tpu.memory_space<vmem_shared>>)
      tpu.yield
    }) : () -> ()
    %add3A_25 = arith.constant 560 : i32
    %add3A_26 = arith.addi %multiple_of3A_10, %add3A_25 : i32
    "tpu.region"() ({
      %run_scoped3A = tpu.sem_alloc : memref<!tpu.dma_semaphore, #tpu.memory_space<semaphore_mem>>
      %dma_start3A_207 = arith.constant 0 : i32
      %dma_start3A_208 = tpu.memref_slice %arg22[%add3A_26, %dma_start3A_207] : memref<10240x64xf32, #tpu.memory_space<vmem_shared>> -> memref<80x64xf32, #tpu.memory_space<vmem_shared>>
      %dma_start3A_209 = arith.constant 0 : i32
      %dma_start3A_210 = tpu.memref_slice %arg22[%add3A_26, %dma_start3A_209] : memref<10240x64xf32, #tpu.memory_space<vmem_shared>> -> memref<80x64xf32, #tpu.memory_space<vmem_shared>>
      tpu.enqueue_dma source(%arg20 : memref<80x64xf32, #tpu.memory_space<vmem>>) target(%dma_start3A_210 : memref<80x64xf32, #tpu.memory_space<vmem_shared>>) target_semaphore(%run_scoped3A : memref<!tpu.dma_semaphore, #tpu.memory_space<semaphore_mem>>)
      %dma_wait3A_211 = arith.constant 0 : i32
      %dma_wait3A_212 = tpu.memref_slice %arg22[%add3A_26, %dma_wait3A_211] : memref<10240x64xf32, #tpu.memory_space<vmem_shared>> -> memref<80x64xf32, #tpu.memory_space<vmem_shared>>
      %dma_wait3A_213 = arith.constant 0 : i32
      %dma_wait3A_214 = tpu.memref_slice %arg22[%add3A_26, %dma_wait3A_213] : memref<10240x64xf32, #tpu.memory_space<vmem_shared>> -> memref<80x64xf32, #tpu.memory_space<vmem_shared>>
      tpu.wait_dma2 semaphore(%run_scoped3A : memref<!tpu.dma_semaphore, #tpu.memory_space<semaphore_mem>>) src(%arg20 : memref<80x64xf32, #tpu.memory_space<vmem>>) dst(%dma_wait3A_214 : memref<80x64xf32, #tpu.memory_space<vmem_shared>>)
      tpu.yield
    }) : () -> ()
    %scan3A_27 = arith.constant 0 : i32
    %scan3A_28 = arith.constant 0 : i32
    %scan3A_29 = arith.constant 40 : i32
    %scan3A_30 = arith.addi %scan3A_28, %scan3A_29 : i32
    %scan3A_31 = arith.constant 1 : i32
    scf.for %scan3A_207 = %scan3A_28 to %scan3A_30 step %scan3A_31  : i32 {
      %broadcast_in_dim3A = arith.constant 0.000000e+00 : f32
      %broadcast_in_dim3A_208 = vector.broadcast %broadcast_in_dim3A : f32 to vector<16xf32>
      %mul3A_209 = arith.constant 16 : i32
      %mul3A_210 = arith.muli %scan3A_207, %mul3A_209 : i32
      %swap3A_211 = arith.index_cast %mul3A_210 : i32 to index
      %swap3A_212 = tpu.vector_load %arg17[%swap3A_211] {strides = array<i32>} : memref<10000xf32, #tpu.memory_space<vmem>>, vector<16xf32>,
      tpu.vector_store %arg17[%swap3A_211], %broadcast_in_dim3A_208 {strides = array<i32>} : memref<10000xf32, #tpu.memory_space<vmem>>, vector<16xf32>,
    }
    %scan3A_32 = arith.constant 40 : i32
    "tpu.region"() ({
      %run_scoped3A = tpu.sem_alloc : memref<!tpu.dma_semaphore, #tpu.memory_space<semaphore_mem>>
      %dma_start3A_207 = arith.constant 0 : i32
      %dma_start3A_208 = tpu.memref_slice %arg17[%dma_start3A_207] : memref<10000xf32, #tpu.memory_space<vmem>> -> memref<640xf32, #tpu.memory_space<vmem>>
      %dma_start3A_209 = tpu.memref_slice %arg27[%multiple_of3A_10] : memref<10240xf32, #tpu.memory_space<vmem_shared>> -> memref<640xf32, #tpu.memory_space<vmem_shared>>
      %dma_start3A_210 = tpu.memref_slice %arg27[%multiple_of3A_10] : memref<10240xf32, #tpu.memory_space<vmem_shared>> -> memref<640xf32, #tpu.memory_space<vmem_shared>>
      %dma_start3A_211 = arith.constant 0 : i32
      %dma_start3A_212 = tpu.memref_slice %arg17[%dma_start3A_211] : memref<10000xf32, #tpu.memory_space<vmem>> -> memref<640xf32, #tpu.memory_space<vmem>>
      tpu.enqueue_dma source(%dma_start3A_212 : memref<640xf32, #tpu.memory_space<vmem>>) target(%dma_start3A_210 : memref<640xf32, #tpu.memory_space<vmem_shared>>) target_semaphore(%run_scoped3A : memref<!tpu.dma_semaphore, #tpu.memory_space<semaphore_mem>>)
      %dma_wait3A_213 = arith.constant 0 : i32
      %dma_wait3A_214 = tpu.memref_slice %arg17[%dma_wait3A_213] : memref<10000xf32, #tpu.memory_space<vmem>> -> memref<640xf32, #tpu.memory_space<vmem>>
      %dma_wait3A_215 = tpu.memref_slice %arg27[%multiple_of3A_10] : memref<10240xf32, #tpu.memory_space<vmem_shared>> -> memref<640xf32, #tpu.memory_space<vmem_shared>>
      %dma_wait3A_216 = tpu.memref_slice %arg27[%multiple_of3A_10] : memref<10240xf32, #tpu.memory_space<vmem_shared>> -> memref<640xf32, #tpu.memory_space<vmem_shared>>
      %dma_wait3A_217 = arith.constant 0 : i32
      %dma_wait3A_218 = tpu.memref_slice %arg17[%dma_wait3A_217] : memref<10000xf32, #tpu.memory_space<vmem>> -> memref<640xf32, #tpu.memory_space<vmem>>
      tpu.wait_dma2 semaphore(%run_scoped3A : memref<!tpu.dma_semaphore, #tpu.memory_space<semaphore_mem>>) src(%dma_wait3A_218 : memref<640xf32, #tpu.memory_space<vmem>>) dst(%dma_wait3A_216 : memref<640xf32, #tpu.memory_space<vmem_shared>>)
      tpu.yield
    }) : () -> ()
    %barrier3A = arith.constant 0 : index
    tpu.barrier barrier_id(%barrier3A)
    %dma_start3A = arith.constant 0 : i32
    %dma_start3A_33 = tpu.memref_slice %arg11[%dma_start3A] : memref<10000xi32, #tpu.memory_space<vmem>> -> memref<80xi32, #tpu.memory_space<vmem>>
    %dma_start3A_34 = arith.constant 0 : i32
    %dma_start3A_35 = arith.constant 0 : i32
    %dma_start3A_36 = tpu.memref_slice %arg8[%dma_start3A_34, %dma_start3A_35] : memref<10000x64xf32, #tpu.memory_space<hbm>> -> memref<10000x64xf32, #tpu.memory_space<hbm>>
    tpu.enqueue_indirect_dma source(%dma_start3A_36 : memref<10000x64xf32, #tpu.memory_space<hbm>>) target(%arg18 : memref<80x64xf32, #tpu.memory_space<vmem>>) offsets(%dma_start3A_33 : memref<80xi32, #tpu.memory_space<vmem>>) semaphore(%arg23 : memref<!tpu.dma_semaphore, #tpu.memory_space<semaphore_mem>>)
    %dma_start3A_37 = arith.constant 80 : i32
    %dma_start3A_38 = tpu.memref_slice %arg11[%dma_start3A_37] : memref<10000xi32, #tpu.memory_space<vmem>> -> memref<80xi32, #tpu.memory_space<vmem>>
    %dma_start3A_39 = arith.constant 0 : i32
    %dma_start3A_40 = arith.constant 0 : i32
    %dma_start3A_41 = tpu.memref_slice %arg8[%dma_start3A_39, %dma_start3A_40] : memref<10000x64xf32, #tpu.memory_space<hbm>> -> memref<10000x64xf32, #tpu.memory_space<hbm>>
    tpu.enqueue_indirect_dma source(%dma_start3A_41 : memref<10000x64xf32, #tpu.memory_space<hbm>>) target(%arg19 : memref<80x64xf32, #tpu.memory_space<vmem>>) offsets(%dma_start3A_38 : memref<80xi32, #tpu.memory_space<vmem>>) semaphore(%arg24 : memref<!tpu.dma_semaphore, #tpu.memory_space<semaphore_mem>>)
    %scan3A_42 = arith.constant 0 : i32
    %scan3A_43 = arith.constant 0 : i32
    %scan3A_44 = arith.constant 62 : i32
    %scan3A_45 = arith.addi %scan3A_43, %scan3A_44 : i32
    %scan3A_46 = arith.constant 1 : i32
    scf.for %scan3A_207 = %scan3A_43 to %scan3A_45 step %scan3A_46  : i32 {
      %mul3A_208 = arith.constant 2 : i32
      %mul3A_209 = arith.muli %mul3A_208, %scan3A_207 : i32
      %add3A_210 = arith.constant 0 : i32
      %add3A_211 = arith.addi %mul3A_209, %add3A_210 : i32
      %dma_wait3A_212 = arith.constant 0 : i32
      %dma_wait3A_213 = tpu.memref_slice %arg11[%dma_wait3A_212] : memref<10000xi32, #tpu.memory_space<vmem>> -> memref<80xi32, #tpu.memory_space<vmem>>
      %dma_wait3A_214 = arith.constant 0 : i32
      %dma_wait3A_215 = arith.constant 0 : i32
      %dma_wait3A_216 = tpu.memref_slice %arg8[%dma_wait3A_214, %dma_wait3A_215] : memref<10000x64xf32, #tpu.memory_space<hbm>> -> memref<10000x64xf32, #tpu.memory_space<hbm>>
      tpu.wait_indirect_dma semaphore(%arg23 : memref<!tpu.dma_semaphore, #tpu.memory_space<semaphore_mem>>) src(%dma_wait3A_216 : memref<10000x64xf32, #tpu.memory_space<hbm>>) dst(%arg18 : memref<80x64xf32, #tpu.memory_space<vmem>>)
      %ge3A_217 = arith.constant 1 : i32
      %ge3A_218 = arith.cmpi sge, %scan3A_207, %ge3A_217 : i32
      %convert_element_type3A = arith.extui %ge3A_218 : i1 to i32
      %cond3A = arith.constant 0 : i32
      %cond3A_219 = arith.cmpi ne, %convert_element_type3A, %cond3A : i32
      scf.if %cond3A_219 {
        %dma_wait3A_543 = arith.constant 0 : i32
        %dma_wait3A_544 = arith.constant 0 : i32
        %dma_wait3A_545 = tpu.memref_slice %arg12[%dma_wait3A_543, %dma_wait3A_544] : memref<125x80xi32, #tpu.memory_space<vmem>> -> memref<1x80xi32, #tpu.memory_space<vmem>>
        %dma_wait3A_546 = tpu.memref_squeeze %dma_wait3A_545 : memref<1x80xi32, #tpu.memory_space<vmem>> -> memref<80xi32, #tpu.memory_space<vmem>>
        %dma_wait3A_547 = arith.constant 0 : i32
        %dma_wait3A_548 = arith.constant 0 : i32
        %dma_wait3A_549 = tpu.memref_slice %arg22[%dma_wait3A_547, %dma_wait3A_548] : memref<10240x64xf32, #tpu.memory_space<vmem_shared>> -> memref<10240x64xf32, #tpu.memory_space<vmem_shared>>
        tpu.wait_indirect_dma semaphore(%arg25 : memref<!tpu.dma_semaphore, #tpu.memory_space<semaphore_mem>>) src(%arg20 : memref<80x64xf32, #tpu.memory_space<vmem>>) dst(%dma_wait3A_549 : memref<10240x64xf32, #tpu.memory_space<vmem_shared>>)
      } else {
      }
      %mul3A_220 = arith.constant 80 : i32
      %mul3A_221 = arith.muli %add3A_211, %mul3A_220 : i32
      %add3A_222 = arith.constant 0 : i32
      %add3A_223 = arith.addi %mul3A_221, %add3A_222 : i32
      %get3A_224 = arith.index_cast %add3A_223 : i32 to index
      %get3A_225 = tpu.vector_load %arg11[%get3A_224] {strides = array<i32>} : memref<10000xi32, #tpu.memory_space<vmem>>, vector<16xi32>,
      %get3A_226 = arith.index_cast %add3A_211 : i32 to index
      %get3A_227 = arith.constant 0 : index
      %get3A_228 = tpu.vector_load %arg12[%get3A_226, %get3A_227] {strides = array<i32>} : memref<125x80xi32, #tpu.memory_space<vmem>>, vector<16xi32>,
      %get3A_229 = arith.index_cast %add3A_223 : i32 to index
      %get3A_230 = tpu.vector_load %arg13[%get3A_229] {strides = array<i32>} : memref<10000xi32, #tpu.memory_space<vmem>>, vector<16xi32>,
      %gather3A_231 = tpu.vector_load_idx %arg14[%get3A_225] : memref<10240xf32, #tpu.memory_space<vmem>>[vector<16xi32>], vector<16xf32>,
      %gather3A_232 = tpu.vector_load_idx %arg15[%get3A_228] : memref<10240xf32, #tpu.memory_space<vmem>>[vector<16xi32>], vector<16xf32>,
      %add3A_233 = arith.addf %gather3A_231, %gather3A_232 : vector<16xf32>
      %gather3A_234 = tpu.vector_load_idx %arg16[%get3A_230] : memref<128xf32, #tpu.memory_space<vmem>>[vector<16xi32>], vector<16xf32>,
      %add3A_235 = arith.addf %add3A_233, %gather3A_234 : vector<16xf32>
      %ge3A_236 = arith.constant 0.000000e+00 : f32
      %ge3A_237 = vector.broadcast %ge3A_236 : f32 to vector<16xf32>
      %ge3A_238 = arith.cmpf oge, %add3A_235, %ge3A_237 : vector<16xf32>
      %mul3A_239 = arith.constant 2.000000e-01 : f32
      %mul3A_240 = vector.broadcast %mul3A_239 : f32 to vector<16xf32>
      %mul3A_241 = arith.mulf %mul3A_240, %add3A_235 : vector<16xf32>
      %select_n3A_242 = arith.select %ge3A_238, %add3A_235, %mul3A_241 : vector<16xi1>, vector<16xf32>
      %exp3A_243 = math.exp %select_n3A_242 : vector<16xf32>
      %swap3A_244 = arith.index_cast %add3A_223 : i32 to index
      %swap3A_245 = tpu.vector_load %arg17[%swap3A_244] {strides = array<i32>} : memref<10000xf32, #tpu.memory_space<vmem>>, vector<16xf32>,
      tpu.vector_store %arg17[%swap3A_244], %exp3A_243 {strides = array<i32>} : memref<10000xf32, #tpu.memory_space<vmem>>, vector<16xf32>,
      %mul3A_246 = arith.constant 80 : i32
      %mul3A_247 = arith.muli %add3A_211, %mul3A_246 : i32
      %add3A_248 = arith.constant 16 : i32
      %add3A_249 = arith.addi %mul3A_247, %add3A_248 : i32
      %get3A_250 = arith.index_cast %add3A_249 : i32 to index
      %get3A_251 = tpu.vector_load %arg11[%get3A_250] {strides = array<i32>} : memref<10000xi32, #tpu.memory_space<vmem>>, vector<16xi32>,
      %get3A_252 = arith.index_cast %add3A_211 : i32 to index
      %get3A_253 = arith.constant 16 : index
      %get3A_254 = tpu.vector_load %arg12[%get3A_252, %get3A_253] {strides = array<i32>} : memref<125x80xi32, #tpu.memory_space<vmem>>, vector<16xi32>,
      %get3A_255 = arith.index_cast %add3A_249 : i32 to index
      %get3A_256 = tpu.vector_load %arg13[%get3A_255] {strides = array<i32>} : memref<10000xi32, #tpu.memory_space<vmem>>, vector<16xi32>,
      %gather3A_257 = tpu.vector_load_idx %arg14[%get3A_251] : memref<10240xf32, #tpu.memory_space<vmem>>[vector<16xi32>], vector<16xf32>,
      %gather3A_258 = tpu.vector_load_idx %arg15[%get3A_254] : memref<10240xf32, #tpu.memory_space<vmem>>[vector<16xi32>], vector<16xf32>,
      %add3A_259 = arith.addf %gather3A_257, %gather3A_258 : vector<16xf32>
      %gather3A_260 = tpu.vector_load_idx %arg16[%get3A_256] : memref<128xf32, #tpu.memory_space<vmem>>[vector<16xi32>], vector<16xf32>,
      %add3A_261 = arith.addf %add3A_259, %gather3A_260 : vector<16xf32>
      %ge3A_262 = arith.constant 0.000000e+00 : f32
      %ge3A_263 = vector.broadcast %ge3A_262 : f32 to vector<16xf32>
      %ge3A_264 = arith.cmpf oge, %add3A_261, %ge3A_263 : vector<16xf32>
      %mul3A_265 = arith.constant 2.000000e-01 : f32
      %mul3A_266 = vector.broadcast %mul3A_265 : f32 to vector<16xf32>
      %mul3A_267 = arith.mulf %mul3A_266, %add3A_261 : vector<16xf32>
      %select_n3A_268 = arith.select %ge3A_264, %add3A_261, %mul3A_267 : vector<16xi1>, vector<16xf32>
      %exp3A_269 = math.exp %select_n3A_268 : vector<16xf32>
      %swap3A_270 = arith.index_cast %add3A_249 : i32 to index
      %swap3A_271 = tpu.vector_load %arg17[%swap3A_270] {strides = array<i32>} : memref<10000xf32, #tpu.memory_space<vmem>>, vector<16xf32>,
      tpu.vector_store %arg17[%swap3A_270], %exp3A_269 {strides = array<i32>} : memref<10000xf32, #tpu.memory_space<vmem>>, vector<16xf32>,
      %mul3A_272 = arith.constant 80 : i32
      %mul3A_273 = arith.muli %add3A_211, %mul3A_272 : i32
      %add3A_274 = arith.constant 32 : i32
      %add3A_275 = arith.addi %mul3A_273, %add3A_274 : i32
      %get3A_276 = arith.index_cast %add3A_275 : i32 to index
      %get3A_277 = tpu.vector_load %arg11[%get3A_276] {strides = array<i32>} : memref<10000xi32, #tpu.memory_space<vmem>>, vector<16xi32>,
      %get3A_278 = arith.index_cast %add3A_211 : i32 to index
      %get3A_279 = arith.constant 32 : index
      %get3A_280 = tpu.vector_load %arg12[%get3A_278, %get3A_279] {strides = array<i32>} : memref<125x80xi32, #tpu.memory_space<vmem>>, vector<16xi32>,
      %get3A_281 = arith.index_cast %add3A_275 : i32 to index
      %get3A_282 = tpu.vector_load %arg13[%get3A_281] {strides = array<i32>} : memref<10000xi32, #tpu.memory_space<vmem>>, vector<16xi32>,
      %gather3A_283 = tpu.vector_load_idx %arg14[%get3A_277] : memref<10240xf32, #tpu.memory_space<vmem>>[vector<16xi32>], vector<16xf32>,
      %gather3A_284 = tpu.vector_load_idx %arg15[%get3A_280] : memref<10240xf32, #tpu.memory_space<vmem>>[vector<16xi32>], vector<16xf32>,
      %add3A_285 = arith.addf %gather3A_283, %gather3A_284 : vector<16xf32>
      %gather3A_286 = tpu.vector_load_idx %arg16[%get3A_282] : memref<128xf32, #tpu.memory_space<vmem>>[vector<16xi32>], vector<16xf32>,
      %add3A_287 = arith.addf %add3A_285, %gather3A_286 : vector<16xf32>
      %ge3A_288 = arith.constant 0.000000e+00 : f32
      %ge3A_289 = vector.broadcast %ge3A_288 : f32 to vector<16xf32>
      %ge3A_290 = arith.cmpf oge, %add3A_287, %ge3A_289 : vector<16xf32>
      %mul3A_291 = arith.constant 2.000000e-01 : f32
      %mul3A_292 = vector.broadcast %mul3A_291 : f32 to vector<16xf32>
      %mul3A_293 = arith.mulf %mul3A_292, %add3A_287 : vector<16xf32>
      %select_n3A_294 = arith.select %ge3A_290, %add3A_287, %mul3A_293 : vector<16xi1>, vector<16xf32>
      %exp3A_295 = math.exp %select_n3A_294 : vector<16xf32>
      %swap3A_296 = arith.index_cast %add3A_275 : i32 to index
      %swap3A_297 = tpu.vector_load %arg17[%swap3A_296] {strides = array<i32>} : memref<10000xf32, #tpu.memory_space<vmem>>, vector<16xf32>,
      tpu.vector_store %arg17[%swap3A_296], %exp3A_295 {strides = array<i32>} : memref<10000xf32, #tpu.memory_space<vmem>>, vector<16xf32>,
      %mul3A_298 = arith.constant 80 : i32
      %mul3A_299 = arith.muli %add3A_211, %mul3A_298 : i32
      %add3A_300 = arith.constant 48 : i32
      %add3A_301 = arith.addi %mul3A_299, %add3A_300 : i32
      %get3A_302 = arith.index_cast %add3A_301 : i32 to index
      %get3A_303 = tpu.vector_load %arg11[%get3A_302] {strides = array<i32>} : memref<10000xi32, #tpu.memory_space<vmem>>, vector<16xi32>,
      %get3A_304 = arith.index_cast %add3A_211 : i32 to index
      %get3A_305 = arith.constant 48 : index
      %get3A_306 = tpu.vector_load %arg12[%get3A_304, %get3A_305] {strides = array<i32>} : memref<125x80xi32, #tpu.memory_space<vmem>>, vector<16xi32>,
      %get3A_307 = arith.index_cast %add3A_301 : i32 to index
      %get3A_308 = tpu.vector_load %arg13[%get3A_307] {strides = array<i32>} : memref<10000xi32, #tpu.memory_space<vmem>>, vector<16xi32>,
      %gather3A_309 = tpu.vector_load_idx %arg14[%get3A_303] : memref<10240xf32, #tpu.memory_space<vmem>>[vector<16xi32>], vector<16xf32>,
      %gather3A_310 = tpu.vector_load_idx %arg15[%get3A_306] : memref<10240xf32, #tpu.memory_space<vmem>>[vector<16xi32>], vector<16xf32>,
      %add3A_311 = arith.addf %gather3A_309, %gather3A_310 : vector<16xf32>
      %gather3A_312 = tpu.vector_load_idx %arg16[%get3A_308] : memref<128xf32, #tpu.memory_space<vmem>>[vector<16xi32>], vector<16xf32>,
      %add3A_313 = arith.addf %add3A_311, %gather3A_312 : vector<16xf32>
      %ge3A_314 = arith.constant 0.000000e+00 : f32
      %ge3A_315 = vector.broadcast %ge3A_314 : f32 to vector<16xf32>
      %ge3A_316 = arith.cmpf oge, %add3A_313, %ge3A_315 : vector<16xf32>
      %mul3A_317 = arith.constant 2.000000e-01 : f32
      %mul3A_318 = vector.broadcast %mul3A_317 : f32 to vector<16xf32>
      %mul3A_319 = arith.mulf %mul3A_318, %add3A_313 : vector<16xf32>
      %select_n3A_320 = arith.select %ge3A_316, %add3A_313, %mul3A_319 : vector<16xi1>, vector<16xf32>
      %exp3A_321 = math.exp %select_n3A_320 : vector<16xf32>
      %swap3A_322 = arith.index_cast %add3A_301 : i32 to index
      %swap3A_323 = tpu.vector_load %arg17[%swap3A_322] {strides = array<i32>} : memref<10000xf32, #tpu.memory_space<vmem>>, vector<16xf32>,
      tpu.vector_store %arg17[%swap3A_322], %exp3A_321 {strides = array<i32>} : memref<10000xf32, #tpu.memory_space<vmem>>, vector<16xf32>,
      %mul3A_324 = arith.constant 80 : i32
      %mul3A_325 = arith.muli %add3A_211, %mul3A_324 : i32
      %add3A_326 = arith.constant 64 : i32
      %add3A_327 = arith.addi %mul3A_325, %add3A_326 : i32
      %get3A_328 = arith.index_cast %add3A_327 : i32 to index
      %get3A_329 = tpu.vector_load %arg11[%get3A_328] {strides = array<i32>} : memref<10000xi32, #tpu.memory_space<vmem>>, vector<16xi32>,
      %get3A_330 = arith.index_cast %add3A_211 : i32 to index
      %get3A_331 = arith.constant 64 : index
      %get3A_332 = tpu.vector_load %arg12[%get3A_330, %get3A_331] {strides = array<i32>} : memref<125x80xi32, #tpu.memory_space<vmem>>, vector<16xi32>,
      %get3A_333 = arith.index_cast %add3A_327 : i32 to index
      %get3A_334 = tpu.vector_load %arg13[%get3A_333] {strides = array<i32>} : memref<10000xi32, #tpu.memory_space<vmem>>, vector<16xi32>,
      %gather3A_335 = tpu.vector_load_idx %arg14[%get3A_329] : memref<10240xf32, #tpu.memory_space<vmem>>[vector<16xi32>], vector<16xf32>,
      %gather3A_336 = tpu.vector_load_idx %arg15[%get3A_332] : memref<10240xf32, #tpu.memory_space<vmem>>[vector<16xi32>], vector<16xf32>,
      %add3A_337 = arith.addf %gather3A_335, %gather3A_336 : vector<16xf32>
      %gather3A_338 = tpu.vector_load_idx %arg16[%get3A_334] : memref<128xf32, #tpu.memory_space<vmem>>[vector<16xi32>], vector<16xf32>,
      %add3A_339 = arith.addf %add3A_337, %gather3A_338 : vector<16xf32>
      %ge3A_340 = arith.constant 0.000000e+00 : f32
      %ge3A_341 = vector.broadcast %ge3A_340 : f32 to vector<16xf32>
      %ge3A_342 = arith.cmpf oge, %add3A_339, %ge3A_341 : vector<16xf32>
      %mul3A_343 = arith.constant 2.000000e-01 : f32
      %mul3A_344 = vector.broadcast %mul3A_343 : f32 to vector<16xf32>
      %mul3A_345 = arith.mulf %mul3A_344, %add3A_339 : vector<16xf32>
      %select_n3A_346 = arith.select %ge3A_342, %add3A_339, %mul3A_345 : vector<16xi1>, vector<16xf32>
      %exp3A_347 = math.exp %select_n3A_346 : vector<16xf32>
      %swap3A_348 = arith.index_cast %add3A_327 : i32 to index
      %swap3A_349 = tpu.vector_load %arg17[%swap3A_348] {strides = array<i32>} : memref<10000xf32, #tpu.memory_space<vmem>>, vector<16xf32>,
      tpu.vector_store %arg17[%swap3A_348], %exp3A_347 {strides = array<i32>} : memref<10000xf32, #tpu.memory_space<vmem>>, vector<16xf32>,
      %mul3A_350 = arith.constant 80 : i32
      %mul3A_351 = arith.muli %add3A_211, %mul3A_350 : i32
      %multiple_of3A_352 = tpu.assume_multiple %mul3A_351, 8 : i32
      %dma_start3A_353 = tpu.memref_slice %arg17[%multiple_of3A_352] : memref<10000xf32, #tpu.memory_space<vmem>> -> memref<80xf32, #tpu.memory_space<vmem>>
      %dma_start3A_354 = arith.constant 0 : i32
      %dma_start3A_355 = tpu.memref_slice %arg12[%add3A_211, %dma_start3A_354] : memref<125x80xi32, #tpu.memory_space<vmem>> -> memref<1x80xi32, #tpu.memory_space<vmem>>
      %dma_start3A_356 = tpu.memref_squeeze %dma_start3A_355 : memref<1x80xi32, #tpu.memory_space<vmem>> -> memref<80xi32, #tpu.memory_space<vmem>>
      %dma_start3A_357 = arith.constant 0 : i32
      %dma_start3A_358 = tpu.memref_slice %arg27[%dma_start3A_357] : memref<10240xf32, #tpu.memory_space<vmem_shared>> -> memref<10240xf32, #tpu.memory_space<vmem_shared>>
      tpu.enqueue_indirect_dma source(%dma_start3A_353 : memref<80xf32, #tpu.memory_space<vmem>>) target(%dma_start3A_358 : memref<10240xf32, #tpu.memory_space<vmem_shared>>) offsets(%dma_start3A_356 : memref<80xi32, #tpu.memory_space<vmem>>) semaphore(%arg28 : memref<!tpu.dma_semaphore, #tpu.memory_space<semaphore_mem>>) {add = true}
      %parallel_loop3A_359 = arith.constant 0 : i32
      %parallel_loop3A_360 = arith.constant 80 : i32
      %parallel_loop3A_361 = arith.constant 1 : i32
      scf.for %parallel_loop3A_543 = %parallel_loop3A_359 to %parallel_loop3A_360 step %parallel_loop3A_361  : i32 {
        %parallel_loop3A_544 = arith.constant 80 : i32
        %parallel_loop3A_545 = arith.muli %add3A_211, %parallel_loop3A_544 : i32
        %parallel_loop3A_546 = arith.addi %parallel_loop3A_545, %parallel_loop3A_543 : i32
        %parallel_loop3A_547 = vector.broadcast %parallel_loop3A_546 : i32 to vector<16xi32>
        %parallel_loop3A_548 = tpu.vector_load_idx %arg17[%parallel_loop3A_547] : memref<10000xf32, #tpu.memory_space<vmem>>[vector<16xi32>], vector<16xf32>,
        %parallel_loop3A_549 = arith.index_cast %parallel_loop3A_543 : i32 to index
        %parallel_loop3A_550 = arith.constant 0 : index
        %parallel_loop3A_551 = tpu.vector_load %arg18[%parallel_loop3A_549, %parallel_loop3A_550] {strides = array<i32>} : memref<80x64xf32, #tpu.memory_space<vmem>>, vector<16xf32>,
        %parallel_loop3A_552 = arith.mulf %parallel_loop3A_551, %parallel_loop3A_548 : vector<16xf32>
        %parallel_loop3A_553 = arith.index_cast %parallel_loop3A_543 : i32 to index
        %parallel_loop3A_554 = arith.constant 0 : index
        %parallel_loop3A_555 = tpu.vector_load %arg20[%parallel_loop3A_553, %parallel_loop3A_554] {strides = array<i32>} : memref<80x64xf32, #tpu.memory_space<vmem>>, vector<16xf32>,
        tpu.vector_store %arg20[%parallel_loop3A_553, %parallel_loop3A_554], %parallel_loop3A_552 {strides = array<i32>} : memref<80x64xf32, #tpu.memory_space<vmem>>, vector<16xf32>,
        %parallel_loop3A_556 = arith.index_cast %parallel_loop3A_543 : i32 to index
        %parallel_loop3A_557 = arith.constant 16 : index
        %parallel_loop3A_558 = tpu.vector_load %arg18[%parallel_loop3A_556, %parallel_loop3A_557] {strides = array<i32>} : memref<80x64xf32, #tpu.memory_space<vmem>>, vector<16xf32>,
        %parallel_loop3A_559 = arith.mulf %parallel_loop3A_558, %parallel_loop3A_548 : vector<16xf32>
        %parallel_loop3A_560 = arith.index_cast %parallel_loop3A_543 : i32 to index
        %parallel_loop3A_561 = arith.constant 16 : index
        %parallel_loop3A_562 = tpu.vector_load %arg20[%parallel_loop3A_560, %parallel_loop3A_561] {strides = array<i32>} : memref<80x64xf32, #tpu.memory_space<vmem>>, vector<16xf32>,
        tpu.vector_store %arg20[%parallel_loop3A_560, %parallel_loop3A_561], %parallel_loop3A_559 {strides = array<i32>} : memref<80x64xf32, #tpu.memory_space<vmem>>, vector<16xf32>,
        %parallel_loop3A_563 = arith.index_cast %parallel_loop3A_543 : i32 to index
        %parallel_loop3A_564 = arith.constant 32 : index
        %parallel_loop3A_565 = tpu.vector_load %arg18[%parallel_loop3A_563, %parallel_loop3A_564] {strides = array<i32>} : memref<80x64xf32, #tpu.memory_space<vmem>>, vector<16xf32>,
        %parallel_loop3A_566 = arith.mulf %parallel_loop3A_565, %parallel_loop3A_548 : vector<16xf32>
        %parallel_loop3A_567 = arith.index_cast %parallel_loop3A_543 : i32 to index
        %parallel_loop3A_568 = arith.constant 32 : index
        %parallel_loop3A_569 = tpu.vector_load %arg20[%parallel_loop3A_567, %parallel_loop3A_568] {strides = array<i32>} : memref<80x64xf32, #tpu.memory_space<vmem>>, vector<16xf32>,
        tpu.vector_store %arg20[%parallel_loop3A_567, %parallel_loop3A_568], %parallel_loop3A_566 {strides = array<i32>} : memref<80x64xf32, #tpu.memory_space<vmem>>, vector<16xf32>,
        %parallel_loop3A_570 = arith.index_cast %parallel_loop3A_543 : i32 to index
        %parallel_loop3A_571 = arith.constant 48 : index
        %parallel_loop3A_572 = tpu.vector_load %arg18[%parallel_loop3A_570, %parallel_loop3A_571] {strides = array<i32>} : memref<80x64xf32, #tpu.memory_space<vmem>>, vector<16xf32>,
        %parallel_loop3A_573 = arith.mulf %parallel_loop3A_572, %parallel_loop3A_548 : vector<16xf32>
        %parallel_loop3A_574 = arith.index_cast %parallel_loop3A_543 : i32 to index
        %parallel_loop3A_575 = arith.constant 48 : index
        %parallel_loop3A_576 = tpu.vector_load %arg20[%parallel_loop3A_574, %parallel_loop3A_575] {strides = array<i32>} : memref<80x64xf32, #tpu.memory_space<vmem>>, vector<16xf32>,
        tpu.vector_store %arg20[%parallel_loop3A_574, %parallel_loop3A_575], %parallel_loop3A_573 {strides = array<i32>} : memref<80x64xf32, #tpu.memory_space<vmem>>, vector<16xf32>,
      } {sc.loop_unroll_factor = 4 : i64, sc.parallel_access}
      %add3A_362 = arith.constant 2 : i32
      %add3A_363 = arith.addi %add3A_211, %add3A_362 : i32
      %lt3A = arith.constant 125 : i32
      %lt3A_364 = arith.cmpi slt, %add3A_363, %lt3A : i32
      %convert_element_type3A_365 = arith.extui %lt3A_364 : i1 to i32
      %cond3A_366 = arith.constant 0 : i32
      %cond3A_367 = arith.cmpi ne, %convert_element_type3A_365, %cond3A_366 : i32
      scf.if %cond3A_367 {
        %add3A_543 = arith.constant 2 : i32
        %add3A_544 = arith.addi %add3A_211, %add3A_543 : i32
        %mul3A_545 = arith.constant 80 : i32
        %mul3A_546 = arith.muli %add3A_544, %mul3A_545 : i32
        %dma_start3A_547 = tpu.memref_slice %arg11[%mul3A_546] : memref<10000xi32, #tpu.memory_space<vmem>> -> memref<80xi32, #tpu.memory_space<vmem>>
        %dma_start3A_548 = arith.constant 0 : i32
        %dma_start3A_549 = arith.constant 0 : i32
        %dma_start3A_550 = tpu.memref_slice %arg8[%dma_start3A_548, %dma_start3A_549] : memref<10000x64xf32, #tpu.memory_space<hbm>> -> memref<10000x64xf32, #tpu.memory_space<hbm>>
        tpu.enqueue_indirect_dma source(%dma_start3A_550 : memref<10000x64xf32, #tpu.memory_space<hbm>>) target(%arg18 : memref<80x64xf32, #tpu.memory_space<vmem>>) offsets(%dma_start3A_547 : memref<80xi32, #tpu.memory_space<vmem>>) semaphore(%arg23 : memref<!tpu.dma_semaphore, #tpu.memory_space<semaphore_mem>>)
      } else {
      }
      %dma_start3A_368 = arith.constant 0 : i32
      %dma_start3A_369 = tpu.memref_slice %arg12[%add3A_211, %dma_start3A_368] : memref<125x80xi32, #tpu.memory_space<vmem>> -> memref<1x80xi32, #tpu.memory_space<vmem>>
      %dma_start3A_370 = tpu.memref_squeeze %dma_start3A_369 : memref<1x80xi32, #tpu.memory_space<vmem>> -> memref<80xi32, #tpu.memory_space<vmem>>
      %dma_start3A_371 = arith.constant 0 : i32
      %dma_start3A_372 = arith.constant 0 : i32
      %dma_start3A_373 = tpu.memref_slice %arg22[%dma_start3A_371, %dma_start3A_372] : memref<10240x64xf32, #tpu.memory_space<vmem_shared>> -> memref<10240x64xf32, #tpu.memory_space<vmem_shared>>
      tpu.enqueue_indirect_dma source(%arg20 : memref<80x64xf32, #tpu.memory_space<vmem>>) target(%dma_start3A_373 : memref<10240x64xf32, #tpu.memory_space<vmem_shared>>) offsets(%dma_start3A_370 : memref<80xi32, #tpu.memory_space<vmem>>) semaphore(%arg25 : memref<!tpu.dma_semaphore, #tpu.memory_space<semaphore_mem>>) {add = true}
      %mul3A_374 = arith.constant 2 : i32
      %mul3A_375 = arith.muli %mul3A_374, %scan3A_207 : i32
      %add3A_376 = arith.constant 1 : i32
      %add3A_377 = arith.addi %mul3A_375, %add3A_376 : i32
      %dma_wait3A_378 = arith.constant 0 : i32
      %dma_wait3A_379 = tpu.memref_slice %arg11[%dma_wait3A_378] : memref<10000xi32, #tpu.memory_space<vmem>> -> memref<80xi32, #tpu.memory_space<vmem>>
      %dma_wait3A_380 = arith.constant 0 : i32
      %dma_wait3A_381 = arith.constant 0 : i32
      %dma_wait3A_382 = tpu.memref_slice %arg8[%dma_wait3A_380, %dma_wait3A_381] : memref<10000x64xf32, #tpu.memory_space<hbm>> -> memref<10000x64xf32, #tpu.memory_space<hbm>>
      tpu.wait_indirect_dma semaphore(%arg24 : memref<!tpu.dma_semaphore, #tpu.memory_space<semaphore_mem>>) src(%dma_wait3A_382 : memref<10000x64xf32, #tpu.memory_space<hbm>>) dst(%arg19 : memref<80x64xf32, #tpu.memory_space<vmem>>)
      %ge3A_383 = arith.constant 1 : i32
      %ge3A_384 = arith.cmpi sge, %scan3A_207, %ge3A_383 : i32
      %convert_element_type3A_385 = arith.extui %ge3A_384 : i1 to i32
      %cond3A_386 = arith.constant 0 : i32
      %cond3A_387 = arith.cmpi ne, %convert_element_type3A_385, %cond3A_386 : i32
      scf.if %cond3A_387 {
        %dma_wait3A_543 = arith.constant 0 : i32
        %dma_wait3A_544 = arith.constant 0 : i32
        %dma_wait3A_545 = tpu.memref_slice %arg12[%dma_wait3A_543, %dma_wait3A_544] : memref<125x80xi32, #tpu.memory_space<vmem>> -> memref<1x80xi32, #tpu.memory_space<vmem>>
        %dma_wait3A_546 = tpu.memref_squeeze %dma_wait3A_545 : memref<1x80xi32, #tpu.memory_space<vmem>> -> memref<80xi32, #tpu.memory_space<vmem>>
        %dma_wait3A_547 = arith.constant 0 : i32
        %dma_wait3A_548 = arith.constant 0 : i32
        %dma_wait3A_549 = tpu.memref_slice %arg22[%dma_wait3A_547, %dma_wait3A_548] : memref<10240x64xf32, #tpu.memory_space<vmem_shared>> -> memref<10240x64xf32, #tpu.memory_space<vmem_shared>>
        tpu.wait_indirect_dma semaphore(%arg26 : memref<!tpu.dma_semaphore, #tpu.memory_space<semaphore_mem>>) src(%arg21 : memref<80x64xf32, #tpu.memory_space<vmem>>) dst(%dma_wait3A_549 : memref<10240x64xf32, #tpu.memory_space<vmem_shared>>)
      } else {
      }
      %mul3A_388 = arith.constant 80 : i32
      %mul3A_389 = arith.muli %add3A_377, %mul3A_388 : i32
      %add3A_390 = arith.constant 0 : i32
      %add3A_391 = arith.addi %mul3A_389, %add3A_390 : i32
      %get3A_392 = arith.index_cast %add3A_391 : i32 to index
      %get3A_393 = tpu.vector_load %arg11[%get3A_392] {strides = array<i32>} : memref<10000xi32, #tpu.memory_space<vmem>>, vector<16xi32>,
      %get3A_394 = arith.index_cast %add3A_377 : i32 to index
      %get3A_395 = arith.constant 0 : index
      %get3A_396 = tpu.vector_load %arg12[%get3A_394, %get3A_395] {strides = array<i32>} : memref<125x80xi32, #tpu.memory_space<vmem>>, vector<16xi32>,
      %get3A_397 = arith.index_cast %add3A_391 : i32 to index
      %get3A_398 = tpu.vector_load %arg13[%get3A_397] {strides = array<i32>} : memref<10000xi32, #tpu.memory_space<vmem>>, vector<16xi32>,
      %gather3A_399 = tpu.vector_load_idx %arg14[%get3A_393] : memref<10240xf32, #tpu.memory_space<vmem>>[vector<16xi32>], vector<16xf32>,
      %gather3A_400 = tpu.vector_load_idx %arg15[%get3A_396] : memref<10240xf32, #tpu.memory_space<vmem>>[vector<16xi32>], vector<16xf32>,
      %add3A_401 = arith.addf %gather3A_399, %gather3A_400 : vector<16xf32>
      %gather3A_402 = tpu.vector_load_idx %arg16[%get3A_398] : memref<128xf32, #tpu.memory_space<vmem>>[vector<16xi32>], vector<16xf32>,
      %add3A_403 = arith.addf %add3A_401, %gather3A_402 : vector<16xf32>
      %ge3A_404 = arith.constant 0.000000e+00 : f32
      %ge3A_405 = vector.broadcast %ge3A_404 : f32 to vector<16xf32>
      %ge3A_406 = arith.cmpf oge, %add3A_403, %ge3A_405 : vector<16xf32>
      %mul3A_407 = arith.constant 2.000000e-01 : f32
      %mul3A_408 = vector.broadcast %mul3A_407 : f32 to vector<16xf32>
      %mul3A_409 = arith.mulf %mul3A_408, %add3A_403 : vector<16xf32>
      %select_n3A_410 = arith.select %ge3A_406, %add3A_403, %mul3A_409 : vector<16xi1>, vector<16xf32>
      %exp3A_411 = math.exp %select_n3A_410 : vector<16xf32>
      %swap3A_412 = arith.index_cast %add3A_391 : i32 to index
      %swap3A_413 = tpu.vector_load %arg17[%swap3A_412] {strides = array<i32>} : memref<10000xf32, #tpu.memory_space<vmem>>, vector<16xf32>,
      tpu.vector_store %arg17[%swap3A_412], %exp3A_411 {strides = array<i32>} : memref<10000xf32, #tpu.memory_space<vmem>>, vector<16xf32>,
      %mul3A_414 = arith.constant 80 : i32
      %mul3A_415 = arith.muli %add3A_377, %mul3A_414 : i32
      %add3A_416 = arith.constant 16 : i32
      %add3A_417 = arith.addi %mul3A_415, %add3A_416 : i32
      %get3A_418 = arith.index_cast %add3A_417 : i32 to index
      %get3A_419 = tpu.vector_load %arg11[%get3A_418] {strides = array<i32>} : memref<10000xi32, #tpu.memory_space<vmem>>, vector<16xi32>,
      %get3A_420 = arith.index_cast %add3A_377 : i32 to index
      %get3A_421 = arith.constant 16 : index
      %get3A_422 = tpu.vector_load %arg12[%get3A_420, %get3A_421] {strides = array<i32>} : memref<125x80xi32, #tpu.memory_space<vmem>>, vector<16xi32>,
      %get3A_423 = arith.index_cast %add3A_417 : i32 to index
      %get3A_424 = tpu.vector_load %arg13[%get3A_423] {strides = array<i32>} : memref<10000xi32, #tpu.memory_space<vmem>>, vector<16xi32>,
      %gather3A_425 = tpu.vector_load_idx %arg14[%get3A_419] : memref<10240xf32, #tpu.memory_space<vmem>>[vector<16xi32>], vector<16xf32>,
      %gather3A_426 = tpu.vector_load_idx %arg15[%get3A_422] : memref<10240xf32, #tpu.memory_space<vmem>>[vector<16xi32>], vector<16xf32>,
      %add3A_427 = arith.addf %gather3A_425, %gather3A_426 : vector<16xf32>
      %gather3A_428 = tpu.vector_load_idx %arg16[%get3A_424] : memref<128xf32, #tpu.memory_space<vmem>>[vector<16xi32>], vector<16xf32>,
      %add3A_429 = arith.addf %add3A_427, %gather3A_428 : vector<16xf32>
      %ge3A_430 = arith.constant 0.000000e+00 : f32
      %ge3A_431 = vector.broadcast %ge3A_430 : f32 to vector<16xf32>
      %ge3A_432 = arith.cmpf oge, %add3A_429, %ge3A_431 : vector<16xf32>
      %mul3A_433 = arith.constant 2.000000e-01 : f32
      %mul3A_434 = vector.broadcast %mul3A_433 : f32 to vector<16xf32>
      %mul3A_435 = arith.mulf %mul3A_434, %add3A_429 : vector<16xf32>
      %select_n3A_436 = arith.select %ge3A_432, %add3A_429, %mul3A_435 : vector<16xi1>, vector<16xf32>
      %exp3A_437 = math.exp %select_n3A_436 : vector<16xf32>
      %swap3A_438 = arith.index_cast %add3A_417 : i32 to index
      %swap3A_439 = tpu.vector_load %arg17[%swap3A_438] {strides = array<i32>} : memref<10000xf32, #tpu.memory_space<vmem>>, vector<16xf32>,
      tpu.vector_store %arg17[%swap3A_438], %exp3A_437 {strides = array<i32>} : memref<10000xf32, #tpu.memory_space<vmem>>, vector<16xf32>,
      %mul3A_440 = arith.constant 80 : i32
      %mul3A_441 = arith.muli %add3A_377, %mul3A_440 : i32
      %add3A_442 = arith.constant 32 : i32
      %add3A_443 = arith.addi %mul3A_441, %add3A_442 : i32
      %get3A_444 = arith.index_cast %add3A_443 : i32 to index
      %get3A_445 = tpu.vector_load %arg11[%get3A_444] {strides = array<i32>} : memref<10000xi32, #tpu.memory_space<vmem>>, vector<16xi32>,
      %get3A_446 = arith.index_cast %add3A_377 : i32 to index
      %get3A_447 = arith.constant 32 : index
      %get3A_448 = tpu.vector_load %arg12[%get3A_446, %get3A_447] {strides = array<i32>} : memref<125x80xi32, #tpu.memory_space<vmem>>, vector<16xi32>,
      %get3A_449 = arith.index_cast %add3A_443 : i32 to index
      %get3A_450 = tpu.vector_load %arg13[%get3A_449] {strides = array<i32>} : memref<10000xi32, #tpu.memory_space<vmem>>, vector<16xi32>,
      %gather3A_451 = tpu.vector_load_idx %arg14[%get3A_445] : memref<10240xf32, #tpu.memory_space<vmem>>[vector<16xi32>], vector<16xf32>,
      %gather3A_452 = tpu.vector_load_idx %arg15[%get3A_448] : memref<10240xf32, #tpu.memory_space<vmem>>[vector<16xi32>], vector<16xf32>,
      %add3A_453 = arith.addf %gather3A_451, %gather3A_452 : vector<16xf32>
      %gather3A_454 = tpu.vector_load_idx %arg16[%get3A_450] : memref<128xf32, #tpu.memory_space<vmem>>[vector<16xi32>], vector<16xf32>,
      %add3A_455 = arith.addf %add3A_453, %gather3A_454 : vector<16xf32>
      %ge3A_456 = arith.constant 0.000000e+00 : f32
      %ge3A_457 = vector.broadcast %ge3A_456 : f32 to vector<16xf32>
      %ge3A_458 = arith.cmpf oge, %add3A_455, %ge3A_457 : vector<16xf32>
      %mul3A_459 = arith.constant 2.000000e-01 : f32
      %mul3A_460 = vector.broadcast %mul3A_459 : f32 to vector<16xf32>
      %mul3A_461 = arith.mulf %mul3A_460, %add3A_455 : vector<16xf32>
      %select_n3A_462 = arith.select %ge3A_458, %add3A_455, %mul3A_461 : vector<16xi1>, vector<16xf32>
      %exp3A_463 = math.exp %select_n3A_462 : vector<16xf32>
      %swap3A_464 = arith.index_cast %add3A_443 : i32 to index
      %swap3A_465 = tpu.vector_load %arg17[%swap3A_464] {strides = array<i32>} : memref<10000xf32, #tpu.memory_space<vmem>>, vector<16xf32>,
      tpu.vector_store %arg17[%swap3A_464], %exp3A_463 {strides = array<i32>} : memref<10000xf32, #tpu.memory_space<vmem>>, vector<16xf32>,
      %mul3A_466 = arith.constant 80 : i32
      %mul3A_467 = arith.muli %add3A_377, %mul3A_466 : i32
      %add3A_468 = arith.constant 48 : i32
      %add3A_469 = arith.addi %mul3A_467, %add3A_468 : i32
      %get3A_470 = arith.index_cast %add3A_469 : i32 to index
      %get3A_471 = tpu.vector_load %arg11[%get3A_470] {strides = array<i32>} : memref<10000xi32, #tpu.memory_space<vmem>>, vector<16xi32>,
      %get3A_472 = arith.index_cast %add3A_377 : i32 to index
      %get3A_473 = arith.constant 48 : index
      %get3A_474 = tpu.vector_load %arg12[%get3A_472, %get3A_473] {strides = array<i32>} : memref<125x80xi32, #tpu.memory_space<vmem>>, vector<16xi32>,
      %get3A_475 = arith.index_cast %add3A_469 : i32 to index
      %get3A_476 = tpu.vector_load %arg13[%get3A_475] {strides = array<i32>} : memref<10000xi32, #tpu.memory_space<vmem>>, vector<16xi32>,
      %gather3A_477 = tpu.vector_load_idx %arg14[%get3A_471] : memref<10240xf32, #tpu.memory_space<vmem>>[vector<16xi32>], vector<16xf32>,
      %gather3A_478 = tpu.vector_load_idx %arg15[%get3A_474] : memref<10240xf32, #tpu.memory_space<vmem>>[vector<16xi32>], vector<16xf32>,
      %add3A_479 = arith.addf %gather3A_477, %gather3A_478 : vector<16xf32>
      %gather3A_480 = tpu.vector_load_idx %arg16[%get3A_476] : memref<128xf32, #tpu.memory_space<vmem>>[vector<16xi32>], vector<16xf32>,
      %add3A_481 = arith.addf %add3A_479, %gather3A_480 : vector<16xf32>
      %ge3A_482 = arith.constant 0.000000e+00 : f32
      %ge3A_483 = vector.broadcast %ge3A_482 : f32 to vector<16xf32>
      %ge3A_484 = arith.cmpf oge, %add3A_481, %ge3A_483 : vector<16xf32>
      %mul3A_485 = arith.constant 2.000000e-01 : f32
      %mul3A_486 = vector.broadcast %mul3A_485 : f32 to vector<16xf32>
      %mul3A_487 = arith.mulf %mul3A_486, %add3A_481 : vector<16xf32>
      %select_n3A_488 = arith.select %ge3A_484, %add3A_481, %mul3A_487 : vector<16xi1>, vector<16xf32>
      %exp3A_489 = math.exp %select_n3A_488 : vector<16xf32>
      %swap3A_490 = arith.index_cast %add3A_469 : i32 to index
      %swap3A_491 = tpu.vector_load %arg17[%swap3A_490] {strides = array<i32>} : memref<10000xf32, #tpu.memory_space<vmem>>, vector<16xf32>,
      tpu.vector_store %arg17[%swap3A_490], %exp3A_489 {strides = array<i32>} : memref<10000xf32, #tpu.memory_space<vmem>>, vector<16xf32>,
      %mul3A_492 = arith.constant 80 : i32
      %mul3A_493 = arith.muli %add3A_377, %mul3A_492 : i32
      %add3A_494 = arith.constant 64 : i32
      %add3A_495 = arith.addi %mul3A_493, %add3A_494 : i32
      %get3A_496 = arith.index_cast %add3A_495 : i32 to index
      %get3A_497 = tpu.vector_load %arg11[%get3A_496] {strides = array<i32>} : memref<10000xi32, #tpu.memory_space<vmem>>, vector<16xi32>,
      %get3A_498 = arith.index_cast %add3A_377 : i32 to index
      %get3A_499 = arith.constant 64 : index
      %get3A_500 = tpu.vector_load %arg12[%get3A_498, %get3A_499] {strides = array<i32>} : memref<125x80xi32, #tpu.memory_space<vmem>>, vector<16xi32>,
      %get3A_501 = arith.index_cast %add3A_495 : i32 to index
      %get3A_502 = tpu.vector_load %arg13[%get3A_501] {strides = array<i32>} : memref<10000xi32, #tpu.memory_space<vmem>>, vector<16xi32>,
      %gather3A_503 = tpu.vector_load_idx %arg14[%get3A_497] : memref<10240xf32, #tpu.memory_space<vmem>>[vector<16xi32>], vector<16xf32>,
      %gather3A_504 = tpu.vector_load_idx %arg15[%get3A_500] : memref<10240xf32, #tpu.memory_space<vmem>>[vector<16xi32>], vector<16xf32>,
      %add3A_505 = arith.addf %gather3A_503, %gather3A_504 : vector<16xf32>
      %gather3A_506 = tpu.vector_load_idx %arg16[%get3A_502] : memref<128xf32, #tpu.memory_space<vmem>>[vector<16xi32>], vector<16xf32>,
      %add3A_507 = arith.addf %add3A_505, %gather3A_506 : vector<16xf32>
      %ge3A_508 = arith.constant 0.000000e+00 : f32
      %ge3A_509 = vector.broadcast %ge3A_508 : f32 to vector<16xf32>
      %ge3A_510 = arith.cmpf oge, %add3A_507, %ge3A_509 : vector<16xf32>
      %mul3A_511 = arith.constant 2.000000e-01 : f32
      %mul3A_512 = vector.broadcast %mul3A_511 : f32 to vector<16xf32>
      %mul3A_513 = arith.mulf %mul3A_512, %add3A_507 : vector<16xf32>
      %select_n3A_514 = arith.select %ge3A_510, %add3A_507, %mul3A_513 : vector<16xi1>, vector<16xf32>
      %exp3A_515 = math.exp %select_n3A_514 : vector<16xf32>
      %swap3A_516 = arith.index_cast %add3A_495 : i32 to index
      %swap3A_517 = tpu.vector_load %arg17[%swap3A_516] {strides = array<i32>} : memref<10000xf32, #tpu.memory_space<vmem>>, vector<16xf32>,
      tpu.vector_store %arg17[%swap3A_516], %exp3A_515 {strides = array<i32>} : memref<10000xf32, #tpu.memory_space<vmem>>, vector<16xf32>,
      %mul3A_518 = arith.constant 80 : i32
      %mul3A_519 = arith.muli %add3A_377, %mul3A_518 : i32
      %multiple_of3A_520 = tpu.assume_multiple %mul3A_519, 8 : i32
      %dma_start3A_521 = tpu.memref_slice %arg17[%multiple_of3A_520] : memref<10000xf32, #tpu.memory_space<vmem>> -> memref<80xf32, #tpu.memory_space<vmem>>
      %dma_start3A_522 = arith.constant 0 : i32
      %dma_start3A_523 = tpu.memref_slice %arg12[%add3A_377, %dma_start3A_522] : memref<125x80xi32, #tpu.memory_space<vmem>> -> memref<1x80xi32, #tpu.memory_space<vmem>>
      %dma_start3A_524 = tpu.memref_squeeze %dma_start3A_523 : memref<1x80xi32, #tpu.memory_space<vmem>> -> memref<80xi32, #tpu.memory_space<vmem>>
      %dma_start3A_525 = arith.constant 0 : i32
      %dma_start3A_526 = tpu.memref_slice %arg27[%dma_start3A_525] : memref<10240xf32, #tpu.memory_space<vmem_shared>> -> memref<10240xf32, #tpu.memory_space<vmem_shared>>
      tpu.enqueue_indirect_dma source(%dma_start3A_521 : memref<80xf32, #tpu.memory_space<vmem>>) target(%dma_start3A_526 : memref<10240xf32, #tpu.memory_space<vmem_shared>>) offsets(%dma_start3A_524 : memref<80xi32, #tpu.memory_space<vmem>>) semaphore(%arg28 : memref<!tpu.dma_semaphore, #tpu.memory_space<semaphore_mem>>) {add = true}
      %parallel_loop3A_527 = arith.constant 0 : i32
      %parallel_loop3A_528 = arith.constant 80 : i32
      %parallel_loop3A_529 = arith.constant 1 : i32
      scf.for %parallel_loop3A_543 = %parallel_loop3A_527 to %parallel_loop3A_528 step %parallel_loop3A_529  : i32 {
        %parallel_loop3A_544 = arith.constant 80 : i32
        %parallel_loop3A_545 = arith.muli %add3A_377, %parallel_loop3A_544 : i32
        %parallel_loop3A_546 = arith.addi %parallel_loop3A_545, %parallel_loop3A_543 : i32
        %parallel_loop3A_547 = vector.broadcast %parallel_loop3A_546 : i32 to vector<16xi32>
        %parallel_loop3A_548 = tpu.vector_load_idx %arg17[%parallel_loop3A_547] : memref<10000xf32, #tpu.memory_space<vmem>>[vector<16xi32>], vector<16xf32>,
        %parallel_loop3A_549 = arith.index_cast %parallel_loop3A_543 : i32 to index
        %parallel_loop3A_550 = arith.constant 0 : index
        %parallel_loop3A_551 = tpu.vector_load %arg19[%parallel_loop3A_549, %parallel_loop3A_550] {strides = array<i32>} : memref<80x64xf32, #tpu.memory_space<vmem>>, vector<16xf32>,
        %parallel_loop3A_552 = arith.mulf %parallel_loop3A_551, %parallel_loop3A_548 : vector<16xf32>
        %parallel_loop3A_553 = arith.index_cast %parallel_loop3A_543 : i32 to index
        %parallel_loop3A_554 = arith.constant 0 : index
        %parallel_loop3A_555 = tpu.vector_load %arg21[%parallel_loop3A_553, %parallel_loop3A_554] {strides = array<i32>} : memref<80x64xf32, #tpu.memory_space<vmem>>, vector<16xf32>,
        tpu.vector_store %arg21[%parallel_loop3A_553, %parallel_loop3A_554], %parallel_loop3A_552 {strides = array<i32>} : memref<80x64xf32, #tpu.memory_space<vmem>>, vector<16xf32>,
        %parallel_loop3A_556 = arith.index_cast %parallel_loop3A_543 : i32 to index
        %parallel_loop3A_557 = arith.constant 16 : index
        %parallel_loop3A_558 = tpu.vector_load %arg19[%parallel_loop3A_556, %parallel_loop3A_557] {strides = array<i32>} : memref<80x64xf32, #tpu.memory_space<vmem>>, vector<16xf32>,
        %parallel_loop3A_559 = arith.mulf %parallel_loop3A_558, %parallel_loop3A_548 : vector<16xf32>
        %parallel_loop3A_560 = arith.index_cast %parallel_loop3A_543 : i32 to index
        %parallel_loop3A_561 = arith.constant 16 : index
        %parallel_loop3A_562 = tpu.vector_load %arg21[%parallel_loop3A_560, %parallel_loop3A_561] {strides = array<i32>} : memref<80x64xf32, #tpu.memory_space<vmem>>, vector<16xf32>,
        tpu.vector_store %arg21[%parallel_loop3A_560, %parallel_loop3A_561], %parallel_loop3A_559 {strides = array<i32>} : memref<80x64xf32, #tpu.memory_space<vmem>>, vector<16xf32>,
        %parallel_loop3A_563 = arith.index_cast %parallel_loop3A_543 : i32 to index
        %parallel_loop3A_564 = arith.constant 32 : index
        %parallel_loop3A_565 = tpu.vector_load %arg19[%parallel_loop3A_563, %parallel_loop3A_564] {strides = array<i32>} : memref<80x64xf32, #tpu.memory_space<vmem>>, vector<16xf32>,
        %parallel_loop3A_566 = arith.mulf %parallel_loop3A_565, %parallel_loop3A_548 : vector<16xf32>
        %parallel_loop3A_567 = arith.index_cast %parallel_loop3A_543 : i32 to index
        %parallel_loop3A_568 = arith.constant 32 : index
        %parallel_loop3A_569 = tpu.vector_load %arg21[%parallel_loop3A_567, %parallel_loop3A_568] {strides = array<i32>} : memref<80x64xf32, #tpu.memory_space<vmem>>, vector<16xf32>,
        tpu.vector_store %arg21[%parallel_loop3A_567, %parallel_loop3A_568], %parallel_loop3A_566 {strides = array<i32>} : memref<80x64xf32, #tpu.memory_space<vmem>>, vector<16xf32>,
        %parallel_loop3A_570 = arith.index_cast %parallel_loop3A_543 : i32 to index
        %parallel_loop3A_571 = arith.constant 48 : index
        %parallel_loop3A_572 = tpu.vector_load %arg19[%parallel_loop3A_570, %parallel_loop3A_571] {strides = array<i32>} : memref<80x64xf32, #tpu.memory_space<vmem>>, vector<16xf32>,
        %parallel_loop3A_573 = arith.mulf %parallel_loop3A_572, %parallel_loop3A_548 : vector<16xf32>
        %parallel_loop3A_574 = arith.index_cast %parallel_loop3A_543 : i32 to index
        %parallel_loop3A_575 = arith.constant 48 : index
        %parallel_loop3A_576 = tpu.vector_load %arg21[%parallel_loop3A_574, %parallel_loop3A_575] {strides = array<i32>} : memref<80x64xf32, #tpu.memory_space<vmem>>, vector<16xf32>,
        tpu.vector_store %arg21[%parallel_loop3A_574, %parallel_loop3A_575], %parallel_loop3A_573 {strides = array<i32>} : memref<80x64xf32, #tpu.memory_space<vmem>>, vector<16xf32>,
      } {sc.loop_unroll_factor = 4 : i64, sc.parallel_access}
      %add3A_530 = arith.constant 2 : i32
      %add3A_531 = arith.addi %add3A_377, %add3A_530 : i32
      %lt3A_532 = arith.constant 125 : i32
      %lt3A_533 = arith.cmpi slt, %add3A_531, %lt3A_532 : i32
      %convert_element_type3A_534 = arith.extui %lt3A_533 : i1 to i32
      %cond3A_535 = arith.constant 0 : i32
      %cond3A_536 = arith.cmpi ne, %convert_element_type3A_534, %cond3A_535 : i32
      scf.if %cond3A_536 {
        %add3A_543 = arith.constant 2 : i32
        %add3A_544 = arith.addi %add3A_377, %add3A_543 : i32
        %mul3A_545 = arith.constant 80 : i32
        %mul3A_546 = arith.muli %add3A_544, %mul3A_545 : i32
        %dma_start3A_547 = tpu.memref_slice %arg11[%mul3A_546] : memref<10000xi32, #tpu.memory_space<vmem>> -> memref<80xi32, #tpu.memory_space<vmem>>
        %dma_start3A_548 = arith.constant 0 : i32
        %dma_start3A_549 = arith.constant 0 : i32
        %dma_start3A_550 = tpu.memref_slice %arg8[%dma_start3A_548, %dma_start3A_549] : memref<10000x64xf32, #tpu.memory_space<hbm>> -> memref<10000x64xf32, #tpu.memory_space<hbm>>
        tpu.enqueue_indirect_dma source(%dma_start3A_550 : memref<10000x64xf32, #tpu.memory_space<hbm>>) target(%arg19 : memref<80x64xf32, #tpu.memory_space<vmem>>) offsets(%dma_start3A_547 : memref<80xi32, #tpu.memory_space<vmem>>) semaphore(%arg24 : memref<!tpu.dma_semaphore, #tpu.memory_space<semaphore_mem>>)
      } else {
      }
      %dma_start3A_537 = arith.constant 0 : i32
      %dma_start3A_538 = tpu.memref_slice %arg12[%add3A_377, %dma_start3A_537] : memref<125x80xi32, #tpu.memory_space<vmem>> -> memref<1x80xi32, #tpu.memory_space<vmem>>
      %dma_start3A_539 = tpu.memref_squeeze %dma_start3A_538 : memref<1x80xi32, #tpu.memory_space<vmem>> -> memref<80xi32, #tpu.memory_space<vmem>>
      %dma_start3A_540 = arith.constant 0 : i32
      %dma_start3A_541 = arith.constant 0 : i32
      %dma_start3A_542 = tpu.memref_slice %arg22[%dma_start3A_540, %dma_start3A_541] : memref<10240x64xf32, #tpu.memory_space<vmem_shared>> -> memref<10240x64xf32, #tpu.memory_space<vmem_shared>>
      tpu.enqueue_indirect_dma source(%arg21 : memref<80x64xf32, #tpu.memory_space<vmem>>) target(%dma_start3A_542 : memref<10240x64xf32, #tpu.memory_space<vmem_shared>>) offsets(%dma_start3A_539 : memref<80xi32, #tpu.memory_space<vmem>>) semaphore(%arg26 : memref<!tpu.dma_semaphore, #tpu.memory_space<semaphore_mem>>) {add = true}
    }
    %scan3A_47 = arith.constant 62 : i32
    %dma_wait3A = arith.constant 0 : i32
    %dma_wait3A_48 = tpu.memref_slice %arg11[%dma_wait3A] : memref<10000xi32, #tpu.memory_space<vmem>> -> memref<80xi32, #tpu.memory_space<vmem>>
    %dma_wait3A_49 = arith.constant 0 : i32
    %dma_wait3A_50 = arith.constant 0 : i32
    %dma_wait3A_51 = tpu.memref_slice %arg8[%dma_wait3A_49, %dma_wait3A_50] : memref<10000x64xf32, #tpu.memory_space<hbm>> -> memref<10000x64xf32, #tpu.memory_space<hbm>>
    tpu.wait_indirect_dma semaphore(%arg23 : memref<!tpu.dma_semaphore, #tpu.memory_space<semaphore_mem>>) src(%dma_wait3A_51 : memref<10000x64xf32, #tpu.memory_space<hbm>>) dst(%arg18 : memref<80x64xf32, #tpu.memory_space<vmem>>)
    %dma_wait3A_52 = arith.constant 0 : i32
    %dma_wait3A_53 = arith.constant 0 : i32
    %dma_wait3A_54 = tpu.memref_slice %arg12[%dma_wait3A_52, %dma_wait3A_53] : memref<125x80xi32, #tpu.memory_space<vmem>> -> memref<1x80xi32, #tpu.memory_space<vmem>>
    %dma_wait3A_55 = tpu.memref_squeeze %dma_wait3A_54 : memref<1x80xi32, #tpu.memory_space<vmem>> -> memref<80xi32, #tpu.memory_space<vmem>>
    %dma_wait3A_56 = arith.constant 0 : i32
    %dma_wait3A_57 = arith.constant 0 : i32
    %dma_wait3A_58 = tpu.memref_slice %arg22[%dma_wait3A_56, %dma_wait3A_57] : memref<10240x64xf32, #tpu.memory_space<vmem_shared>> -> memref<10240x64xf32, #tpu.memory_space<vmem_shared>>
    tpu.wait_indirect_dma semaphore(%arg25 : memref<!tpu.dma_semaphore, #tpu.memory_space<semaphore_mem>>) src(%arg20 : memref<80x64xf32, #tpu.memory_space<vmem>>) dst(%dma_wait3A_58 : memref<10240x64xf32, #tpu.memory_space<vmem_shared>>)
    %get3A = arith.constant 9920 : index
    %get3A_59 = tpu.vector_load %arg11[%get3A] {strides = array<i32>} : memref<10000xi32, #tpu.memory_space<vmem>>, vector<16xi32>,
    %get3A_60 = arith.constant 124 : i32
    %get3A_61 = arith.index_cast %get3A_60 : i32 to index
    %get3A_62 = arith.constant 0 : index
    %get3A_63 = tpu.vector_load %arg12[%get3A_61, %get3A_62] {strides = array<i32>} : memref<125x80xi32, #tpu.memory_space<vmem>>, vector<16xi32>,
    %get3A_64 = arith.constant 9920 : index
    %get3A_65 = tpu.vector_load %arg13[%get3A_64] {strides = array<i32>} : memref<10000xi32, #tpu.memory_space<vmem>>, vector<16xi32>,
    %gather3A = tpu.vector_load_idx %arg14[%get3A_59] : memref<10240xf32, #tpu.memory_space<vmem>>[vector<16xi32>], vector<16xf32>,
    %gather3A_66 = tpu.vector_load_idx %arg15[%get3A_63] : memref<10240xf32, #tpu.memory_space<vmem>>[vector<16xi32>], vector<16xf32>,
    %add3A_67 = arith.addf %gather3A, %gather3A_66 : vector<16xf32>
    %gather3A_68 = tpu.vector_load_idx %arg16[%get3A_65] : memref<128xf32, #tpu.memory_space<vmem>>[vector<16xi32>], vector<16xf32>,
    %add3A_69 = arith.addf %add3A_67, %gather3A_68 : vector<16xf32>
    %ge3A = arith.constant 0.000000e+00 : f32
    %ge3A_70 = vector.broadcast %ge3A : f32 to vector<16xf32>
    %ge3A_71 = arith.cmpf oge, %add3A_69, %ge3A_70 : vector<16xf32>
    %mul3A_72 = arith.constant 2.000000e-01 : f32
    %mul3A_73 = vector.broadcast %mul3A_72 : f32 to vector<16xf32>
    %mul3A_74 = arith.mulf %mul3A_73, %add3A_69 : vector<16xf32>
    %select_n3A = arith.select %ge3A_71, %add3A_69, %mul3A_74 : vector<16xi1>, vector<16xf32>
    %exp3A = math.exp %select_n3A : vector<16xf32>
    %swap3A = arith.constant 9920 : index
    %swap3A_75 = tpu.vector_load %arg17[%swap3A] {strides = array<i32>} : memref<10000xf32, #tpu.memory_space<vmem>>, vector<16xf32>,
    tpu.vector_store %arg17[%swap3A], %exp3A {strides = array<i32>} : memref<10000xf32, #tpu.memory_space<vmem>>, vector<16xf32>,
    %get3A_76 = arith.constant 9936 : index
    %get3A_77 = tpu.vector_load %arg11[%get3A_76] {strides = array<i32>} : memref<10000xi32, #tpu.memory_space<vmem>>, vector<16xi32>,
    %get3A_78 = arith.constant 124 : i32
    %get3A_79 = arith.index_cast %get3A_78 : i32 to index
    %get3A_80 = arith.constant 16 : index
    %get3A_81 = tpu.vector_load %arg12[%get3A_79, %get3A_80] {strides = array<i32>} : memref<125x80xi32, #tpu.memory_space<vmem>>, vector<16xi32>,
    %get3A_82 = arith.constant 9936 : index
    %get3A_83 = tpu.vector_load %arg13[%get3A_82] {strides = array<i32>} : memref<10000xi32, #tpu.memory_space<vmem>>, vector<16xi32>,
    %gather3A_84 = tpu.vector_load_idx %arg14[%get3A_77] : memref<10240xf32, #tpu.memory_space<vmem>>[vector<16xi32>], vector<16xf32>,
    %gather3A_85 = tpu.vector_load_idx %arg15[%get3A_81] : memref<10240xf32, #tpu.memory_space<vmem>>[vector<16xi32>], vector<16xf32>,
    %add3A_86 = arith.addf %gather3A_84, %gather3A_85 : vector<16xf32>
    %gather3A_87 = tpu.vector_load_idx %arg16[%get3A_83] : memref<128xf32, #tpu.memory_space<vmem>>[vector<16xi32>], vector<16xf32>,
    %add3A_88 = arith.addf %add3A_86, %gather3A_87 : vector<16xf32>
    %ge3A_89 = arith.constant 0.000000e+00 : f32
    %ge3A_90 = vector.broadcast %ge3A_89 : f32 to vector<16xf32>
    %ge3A_91 = arith.cmpf oge, %add3A_88, %ge3A_90 : vector<16xf32>
    %mul3A_92 = arith.constant 2.000000e-01 : f32
    %mul3A_93 = vector.broadcast %mul3A_92 : f32 to vector<16xf32>
    %mul3A_94 = arith.mulf %mul3A_93, %add3A_88 : vector<16xf32>
    %select_n3A_95 = arith.select %ge3A_91, %add3A_88, %mul3A_94 : vector<16xi1>, vector<16xf32>
    %exp3A_96 = math.exp %select_n3A_95 : vector<16xf32>
    %swap3A_97 = arith.constant 9936 : index
    %swap3A_98 = tpu.vector_load %arg17[%swap3A_97] {strides = array<i32>} : memref<10000xf32, #tpu.memory_space<vmem>>, vector<16xf32>,
    tpu.vector_store %arg17[%swap3A_97], %exp3A_96 {strides = array<i32>} : memref<10000xf32, #tpu.memory_space<vmem>>, vector<16xf32>,
    %get3A_99 = arith.constant 9952 : index
    %get3A_100 = tpu.vector_load %arg11[%get3A_99] {strides = array<i32>} : memref<10000xi32, #tpu.memory_space<vmem>>, vector<16xi32>,
    %get3A_101 = arith.constant 124 : i32
    %get3A_102 = arith.index_cast %get3A_101 : i32 to index
    %get3A_103 = arith.constant 32 : index
    %get3A_104 = tpu.vector_load %arg12[%get3A_102, %get3A_103] {strides = array<i32>} : memref<125x80xi32, #tpu.memory_space<vmem>>, vector<16xi32>,
    %get3A_105 = arith.constant 9952 : index
    %get3A_106 = tpu.vector_load %arg13[%get3A_105] {strides = array<i32>} : memref<10000xi32, #tpu.memory_space<vmem>>, vector<16xi32>,
    %gather3A_107 = tpu.vector_load_idx %arg14[%get3A_100] : memref<10240xf32, #tpu.memory_space<vmem>>[vector<16xi32>], vector<16xf32>,
    %gather3A_108 = tpu.vector_load_idx %arg15[%get3A_104] : memref<10240xf32, #tpu.memory_space<vmem>>[vector<16xi32>], vector<16xf32>,
    %add3A_109 = arith.addf %gather3A_107, %gather3A_108 : vector<16xf32>
    %gather3A_110 = tpu.vector_load_idx %arg16[%get3A_106] : memref<128xf32, #tpu.memory_space<vmem>>[vector<16xi32>], vector<16xf32>,
    %add3A_111 = arith.addf %add3A_109, %gather3A_110 : vector<16xf32>
    %ge3A_112 = arith.constant 0.000000e+00 : f32
    %ge3A_113 = vector.broadcast %ge3A_112 : f32 to vector<16xf32>
    %ge3A_114 = arith.cmpf oge, %add3A_111, %ge3A_113 : vector<16xf32>
    %mul3A_115 = arith.constant 2.000000e-01 : f32
    %mul3A_116 = vector.broadcast %mul3A_115 : f32 to vector<16xf32>
    %mul3A_117 = arith.mulf %mul3A_116, %add3A_111 : vector<16xf32>
    %select_n3A_118 = arith.select %ge3A_114, %add3A_111, %mul3A_117 : vector<16xi1>, vector<16xf32>
    %exp3A_119 = math.exp %select_n3A_118 : vector<16xf32>
    %swap3A_120 = arith.constant 9952 : index
    %swap3A_121 = tpu.vector_load %arg17[%swap3A_120] {strides = array<i32>} : memref<10000xf32, #tpu.memory_space<vmem>>, vector<16xf32>,
    tpu.vector_store %arg17[%swap3A_120], %exp3A_119 {strides = array<i32>} : memref<10000xf32, #tpu.memory_space<vmem>>, vector<16xf32>,
    %get3A_122 = arith.constant 9968 : index
    %get3A_123 = tpu.vector_load %arg11[%get3A_122] {strides = array<i32>} : memref<10000xi32, #tpu.memory_space<vmem>>, vector<16xi32>,
    %get3A_124 = arith.constant 124 : i32
    %get3A_125 = arith.index_cast %get3A_124 : i32 to index
    %get3A_126 = arith.constant 48 : index
    %get3A_127 = tpu.vector_load %arg12[%get3A_125, %get3A_126] {strides = array<i32>} : memref<125x80xi32, #tpu.memory_space<vmem>>, vector<16xi32>,
    %get3A_128 = arith.constant 9968 : index
    %get3A_129 = tpu.vector_load %arg13[%get3A_128] {strides = array<i32>} : memref<10000xi32, #tpu.memory_space<vmem>>, vector<16xi32>,
    %gather3A_130 = tpu.vector_load_idx %arg14[%get3A_123] : memref<10240xf32, #tpu.memory_space<vmem>>[vector<16xi32>], vector<16xf32>,
    %gather3A_131 = tpu.vector_load_idx %arg15[%get3A_127] : memref<10240xf32, #tpu.memory_space<vmem>>[vector<16xi32>], vector<16xf32>,
    %add3A_132 = arith.addf %gather3A_130, %gather3A_131 : vector<16xf32>
    %gather3A_133 = tpu.vector_load_idx %arg16[%get3A_129] : memref<128xf32, #tpu.memory_space<vmem>>[vector<16xi32>], vector<16xf32>,
    %add3A_134 = arith.addf %add3A_132, %gather3A_133 : vector<16xf32>
    %ge3A_135 = arith.constant 0.000000e+00 : f32
    %ge3A_136 = vector.broadcast %ge3A_135 : f32 to vector<16xf32>
    %ge3A_137 = arith.cmpf oge, %add3A_134, %ge3A_136 : vector<16xf32>
    %mul3A_138 = arith.constant 2.000000e-01 : f32
    %mul3A_139 = vector.broadcast %mul3A_138 : f32 to vector<16xf32>
    %mul3A_140 = arith.mulf %mul3A_139, %add3A_134 : vector<16xf32>
    %select_n3A_141 = arith.select %ge3A_137, %add3A_134, %mul3A_140 : vector<16xi1>, vector<16xf32>
    %exp3A_142 = math.exp %select_n3A_141 : vector<16xf32>
    %swap3A_143 = arith.constant 9968 : index
    %swap3A_144 = tpu.vector_load %arg17[%swap3A_143] {strides = array<i32>} : memref<10000xf32, #tpu.memory_space<vmem>>, vector<16xf32>,
    tpu.vector_store %arg17[%swap3A_143], %exp3A_142 {strides = array<i32>} : memref<10000xf32, #tpu.memory_space<vmem>>, vector<16xf32>,
    %get3A_145 = arith.constant 9984 : index
    %get3A_146 = tpu.vector_load %arg11[%get3A_145] {strides = array<i32>} : memref<10000xi32, #tpu.memory_space<vmem>>, vector<16xi32>,
    %get3A_147 = arith.constant 124 : i32
    %get3A_148 = arith.index_cast %get3A_147 : i32 to index
    %get3A_149 = arith.constant 64 : index
    %get3A_150 = tpu.vector_load %arg12[%get3A_148, %get3A_149] {strides = array<i32>} : memref<125x80xi32, #tpu.memory_space<vmem>>, vector<16xi32>,
    %get3A_151 = arith.constant 9984 : index
    %get3A_152 = tpu.vector_load %arg13[%get3A_151] {strides = array<i32>} : memref<10000xi32, #tpu.memory_space<vmem>>, vector<16xi32>,
    %gather3A_153 = tpu.vector_load_idx %arg14[%get3A_146] : memref<10240xf32, #tpu.memory_space<vmem>>[vector<16xi32>], vector<16xf32>,
    %gather3A_154 = tpu.vector_load_idx %arg15[%get3A_150] : memref<10240xf32, #tpu.memory_space<vmem>>[vector<16xi32>], vector<16xf32>,
    %add3A_155 = arith.addf %gather3A_153, %gather3A_154 : vector<16xf32>
    %gather3A_156 = tpu.vector_load_idx %arg16[%get3A_152] : memref<128xf32, #tpu.memory_space<vmem>>[vector<16xi32>], vector<16xf32>,
    %add3A_157 = arith.addf %add3A_155, %gather3A_156 : vector<16xf32>
    %ge3A_158 = arith.constant 0.000000e+00 : f32
    %ge3A_159 = vector.broadcast %ge3A_158 : f32 to vector<16xf32>
    %ge3A_160 = arith.cmpf oge, %add3A_157, %ge3A_159 : vector<16xf32>
    %mul3A_161 = arith.constant 2.000000e-01 : f32
    %mul3A_162 = vector.broadcast %mul3A_161 : f32 to vector<16xf32>
    %mul3A_163 = arith.mulf %mul3A_162, %add3A_157 : vector<16xf32>
    %select_n3A_164 = arith.select %ge3A_160, %add3A_157, %mul3A_163 : vector<16xi1>, vector<16xf32>
    %exp3A_165 = math.exp %select_n3A_164 : vector<16xf32>
    %swap3A_166 = arith.constant 9984 : index
    %swap3A_167 = tpu.vector_load %arg17[%swap3A_166] {strides = array<i32>} : memref<10000xf32, #tpu.memory_space<vmem>>, vector<16xf32>,
    tpu.vector_store %arg17[%swap3A_166], %exp3A_165 {strides = array<i32>} : memref<10000xf32, #tpu.memory_space<vmem>>, vector<16xf32>,
    %multiple_of3A_168 = arith.constant 9920 : i32
    %multiple_of3A_169 = tpu.assume_multiple %multiple_of3A_168, 8 : i32
    %dma_start3A_170 = arith.constant 124 : i32
    %dma_start3A_171 = tpu.memref_slice %arg17[%multiple_of3A_169] : memref<10000xf32, #tpu.memory_space<vmem>> -> memref<80xf32, #tpu.memory_space<vmem>>
    %dma_start3A_172 = arith.constant 0 : i32
    %dma_start3A_173 = tpu.memref_slice %arg12[%dma_start3A_170, %dma_start3A_172] : memref<125x80xi32, #tpu.memory_space<vmem>> -> memref<1x80xi32, #tpu.memory_space<vmem>>
    %dma_start3A_174 = tpu.memref_squeeze %dma_start3A_173 : memref<1x80xi32, #tpu.memory_space<vmem>> -> memref<80xi32, #tpu.memory_space<vmem>>
    %dma_start3A_175 = arith.constant 0 : i32
    %dma_start3A_176 = tpu.memref_slice %arg27[%dma_start3A_175] : memref<10240xf32, #tpu.memory_space<vmem_shared>> -> memref<10240xf32, #tpu.memory_space<vmem_shared>>
    tpu.enqueue_indirect_dma source(%dma_start3A_171 : memref<80xf32, #tpu.memory_space<vmem>>) target(%dma_start3A_176 : memref<10240xf32, #tpu.memory_space<vmem_shared>>) offsets(%dma_start3A_174 : memref<80xi32, #tpu.memory_space<vmem>>) semaphore(%arg28 : memref<!tpu.dma_semaphore, #tpu.memory_space<semaphore_mem>>) {add = true}
    %parallel_loop3A = arith.constant 0 : i32
    %parallel_loop3A_177 = arith.constant 80 : i32
    %parallel_loop3A_178 = arith.constant 1 : i32
    scf.for %parallel_loop3A_207 = %parallel_loop3A to %parallel_loop3A_177 step %parallel_loop3A_178  : i32 {
      %parallel_loop3A_208 = arith.constant 9920 : i32
      %parallel_loop3A_209 = arith.addi %parallel_loop3A_208, %parallel_loop3A_207 : i32
      %parallel_loop3A_210 = vector.broadcast %parallel_loop3A_209 : i32 to vector<16xi32>
      %parallel_loop3A_211 = tpu.vector_load_idx %arg17[%parallel_loop3A_210] : memref<10000xf32, #tpu.memory_space<vmem>>[vector<16xi32>], vector<16xf32>,
      %parallel_loop3A_212 = arith.index_cast %parallel_loop3A_207 : i32 to index
      %parallel_loop3A_213 = arith.constant 0 : index
      %parallel_loop3A_214 = tpu.vector_load %arg18[%parallel_loop3A_212, %parallel_loop3A_213] {strides = array<i32>} : memref<80x64xf32, #tpu.memory_space<vmem>>, vector<16xf32>,
      %parallel_loop3A_215 = arith.mulf %parallel_loop3A_214, %parallel_loop3A_211 : vector<16xf32>
      %parallel_loop3A_216 = arith.index_cast %parallel_loop3A_207 : i32 to index
      %parallel_loop3A_217 = arith.constant 0 : index
      %parallel_loop3A_218 = tpu.vector_load %arg20[%parallel_loop3A_216, %parallel_loop3A_217] {strides = array<i32>} : memref<80x64xf32, #tpu.memory_space<vmem>>, vector<16xf32>,
      tpu.vector_store %arg20[%parallel_loop3A_216, %parallel_loop3A_217], %parallel_loop3A_215 {strides = array<i32>} : memref<80x64xf32, #tpu.memory_space<vmem>>, vector<16xf32>,
      %parallel_loop3A_219 = arith.index_cast %parallel_loop3A_207 : i32 to index
      %parallel_loop3A_220 = arith.constant 16 : index
      %parallel_loop3A_221 = tpu.vector_load %arg18[%parallel_loop3A_219, %parallel_loop3A_220] {strides = array<i32>} : memref<80x64xf32, #tpu.memory_space<vmem>>, vector<16xf32>,
      %parallel_loop3A_222 = arith.mulf %parallel_loop3A_221, %parallel_loop3A_211 : vector<16xf32>
      %parallel_loop3A_223 = arith.index_cast %parallel_loop3A_207 : i32 to index
      %parallel_loop3A_224 = arith.constant 16 : index
      %parallel_loop3A_225 = tpu.vector_load %arg20[%parallel_loop3A_223, %parallel_loop3A_224] {strides = array<i32>} : memref<80x64xf32, #tpu.memory_space<vmem>>, vector<16xf32>,
      tpu.vector_store %arg20[%parallel_loop3A_223, %parallel_loop3A_224], %parallel_loop3A_222 {strides = array<i32>} : memref<80x64xf32, #tpu.memory_space<vmem>>, vector<16xf32>,
      %parallel_loop3A_226 = arith.index_cast %parallel_loop3A_207 : i32 to index
      %parallel_loop3A_227 = arith.constant 32 : index
      %parallel_loop3A_228 = tpu.vector_load %arg18[%parallel_loop3A_226, %parallel_loop3A_227] {strides = array<i32>} : memref<80x64xf32, #tpu.memory_space<vmem>>, vector<16xf32>,
      %parallel_loop3A_229 = arith.mulf %parallel_loop3A_228, %parallel_loop3A_211 : vector<16xf32>
      %parallel_loop3A_230 = arith.index_cast %parallel_loop3A_207 : i32 to index
      %parallel_loop3A_231 = arith.constant 32 : index
      %parallel_loop3A_232 = tpu.vector_load %arg20[%parallel_loop3A_230, %parallel_loop3A_231] {strides = array<i32>} : memref<80x64xf32, #tpu.memory_space<vmem>>, vector<16xf32>,
      tpu.vector_store %arg20[%parallel_loop3A_230, %parallel_loop3A_231], %parallel_loop3A_229 {strides = array<i32>} : memref<80x64xf32, #tpu.memory_space<vmem>>, vector<16xf32>,
      %parallel_loop3A_233 = arith.index_cast %parallel_loop3A_207 : i32 to index
      %parallel_loop3A_234 = arith.constant 48 : index
      %parallel_loop3A_235 = tpu.vector_load %arg18[%parallel_loop3A_233, %parallel_loop3A_234] {strides = array<i32>} : memref<80x64xf32, #tpu.memory_space<vmem>>, vector<16xf32>,
      %parallel_loop3A_236 = arith.mulf %parallel_loop3A_235, %parallel_loop3A_211 : vector<16xf32>
      %parallel_loop3A_237 = arith.index_cast %parallel_loop3A_207 : i32 to index
      %parallel_loop3A_238 = arith.constant 48 : index
      %parallel_loop3A_239 = tpu.vector_load %arg20[%parallel_loop3A_237, %parallel_loop3A_238] {strides = array<i32>} : memref<80x64xf32, #tpu.memory_space<vmem>>, vector<16xf32>,
      tpu.vector_store %arg20[%parallel_loop3A_237, %parallel_loop3A_238], %parallel_loop3A_236 {strides = array<i32>} : memref<80x64xf32, #tpu.memory_space<vmem>>, vector<16xf32>,
    } {sc.loop_unroll_factor = 4 : i64, sc.parallel_access}
    %dma_start3A_179 = arith.constant 124 : i32
    %dma_start3A_180 = arith.constant 0 : i32
    %dma_start3A_181 = tpu.memref_slice %arg12[%dma_start3A_179, %dma_start3A_180] : memref<125x80xi32, #tpu.memory_space<vmem>> -> memref<1x80xi32, #tpu.memory_space<vmem>>
    %dma_start3A_182 = tpu.memref_squeeze %dma_start3A_181 : memref<1x80xi32, #tpu.memory_space<vmem>> -> memref<80xi32, #tpu.memory_space<vmem>>
    %dma_start3A_183 = arith.constant 0 : i32
    %dma_start3A_184 = arith.constant 0 : i32
    %dma_start3A_185 = tpu.memref_slice %arg22[%dma_start3A_183, %dma_start3A_184] : memref<10240x64xf32, #tpu.memory_space<vmem_shared>> -> memref<10240x64xf32, #tpu.memory_space<vmem_shared>>
    tpu.enqueue_indirect_dma source(%arg20 : memref<80x64xf32, #tpu.memory_space<vmem>>) target(%dma_start3A_185 : memref<10240x64xf32, #tpu.memory_space<vmem_shared>>) offsets(%dma_start3A_182 : memref<80xi32, #tpu.memory_space<vmem>>) semaphore(%arg25 : memref<!tpu.dma_semaphore, #tpu.memory_space<semaphore_mem>>) {add = true}
    %dma_wait3A_186 = arith.constant 0 : i32
    %dma_wait3A_187 = arith.constant 0 : i32
    %dma_wait3A_188 = tpu.memref_slice %arg12[%dma_wait3A_186, %dma_wait3A_187] : memref<125x80xi32, #tpu.memory_space<vmem>> -> memref<1x80xi32, #tpu.memory_space<vmem>>
    %dma_wait3A_189 = tpu.memref_squeeze %dma_wait3A_188 : memref<1x80xi32, #tpu.memory_space<vmem>> -> memref<80xi32, #tpu.memory_space<vmem>>
    %dma_wait3A_190 = arith.constant 0 : i32
    %dma_wait3A_191 = arith.constant 0 : i32
    %dma_wait3A_192 = tpu.memref_slice %arg22[%dma_wait3A_190, %dma_wait3A_191] : memref<10240x64xf32, #tpu.memory_space<vmem_shared>> -> memref<10240x64xf32, #tpu.memory_space<vmem_shared>>
    tpu.wait_indirect_dma semaphore(%arg26 : memref<!tpu.dma_semaphore, #tpu.memory_space<semaphore_mem>>) src(%arg21 : memref<80x64xf32, #tpu.memory_space<vmem>>) dst(%dma_wait3A_192 : memref<10240x64xf32, #tpu.memory_space<vmem_shared>>)
    %dma_wait3A_193 = arith.constant 0 : i32
    %dma_wait3A_194 = arith.constant 0 : i32
    %dma_wait3A_195 = tpu.memref_slice %arg12[%dma_wait3A_193, %dma_wait3A_194] : memref<125x80xi32, #tpu.memory_space<vmem>> -> memref<1x80xi32, #tpu.memory_space<vmem>>
    %dma_wait3A_196 = tpu.memref_squeeze %dma_wait3A_195 : memref<1x80xi32, #tpu.memory_space<vmem>> -> memref<80xi32, #tpu.memory_space<vmem>>
    %dma_wait3A_197 = arith.constant 0 : i32
    %dma_wait3A_198 = arith.constant 0 : i32
    %dma_wait3A_199 = tpu.memref_slice %arg22[%dma_wait3A_197, %dma_wait3A_198] : memref<10240x64xf32, #tpu.memory_space<vmem_shared>> -> memref<10240x64xf32, #tpu.memory_space<vmem_shared>>
    tpu.wait_indirect_dma semaphore(%arg25 : memref<!tpu.dma_semaphore, #tpu.memory_space<semaphore_mem>>) src(%arg20 : memref<80x64xf32, #tpu.memory_space<vmem>>) dst(%dma_wait3A_199 : memref<10240x64xf32, #tpu.memory_space<vmem_shared>>)
    %scan3A_200 = arith.constant 0 : i32
    %scan3A_201 = arith.constant 0 : i32
    %scan3A_202 = arith.constant 125 : i32
    %scan3A_203 = arith.addi %scan3A_201, %scan3A_202 : i32
    %scan3A_204 = arith.constant 1 : i32
    scf.for %scan3A_207 = %scan3A_201 to %scan3A_203 step %scan3A_204  : i32 {
      %dma_wait3A_208 = arith.constant 0 : i32
      %dma_wait3A_209 = arith.constant 0 : i32
      %dma_wait3A_210 = tpu.memref_slice %arg17[%dma_wait3A_209] : memref<10000xf32, #tpu.memory_space<vmem>> -> memref<80xf32, #tpu.memory_space<vmem>>
      %dma_wait3A_211 = arith.constant 0 : i32
      %dma_wait3A_212 = tpu.memref_slice %arg12[%dma_wait3A_208, %dma_wait3A_211] : memref<125x80xi32, #tpu.memory_space<vmem>> -> memref<1x80xi32, #tpu.memory_space<vmem>>
      %dma_wait3A_213 = tpu.memref_squeeze %dma_wait3A_212 : memref<1x80xi32, #tpu.memory_space<vmem>> -> memref<80xi32, #tpu.memory_space<vmem>>
      %dma_wait3A_214 = arith.constant 0 : i32
      %dma_wait3A_215 = tpu.memref_slice %arg27[%dma_wait3A_214] : memref<10240xf32, #tpu.memory_space<vmem_shared>> -> memref<10240xf32, #tpu.memory_space<vmem_shared>>
      tpu.wait_indirect_dma semaphore(%arg28 : memref<!tpu.dma_semaphore, #tpu.memory_space<semaphore_mem>>) src(%dma_wait3A_210 : memref<80xf32, #tpu.memory_space<vmem>>) dst(%dma_wait3A_215 : memref<10240xf32, #tpu.memory_space<vmem_shared>>)
    }
    %scan3A_205 = arith.constant 125 : i32
    %barrier3A_206 = arith.constant 0 : index
    tpu.barrier barrier_id(%barrier3A_206)
    "tpu.region"() ({
      %run_scoped3A = tpu.sem_alloc : memref<!tpu.dma_semaphore, #tpu.memory_space<semaphore_mem>>
      %dma_start3A_207 = arith.constant 0 : i32
      %dma_start3A_208 = tpu.memref_slice %arg9[%arg0, %multiple_of3A_10, %dma_start3A_207] : memref<2x10240x64xf32, #tpu.memory_space<hbm>> -> memref<1x640x64xf32, #tpu.memory_space<hbm>>
      %dma_start3A_209 = tpu.memref_squeeze %dma_start3A_208 : memref<1x640x64xf32, #tpu.memory_space<hbm>> -> memref<640x64xf32, #tpu.memory_space<hbm>>
      %dma_start3A_210 = arith.constant 0 : i32
      %dma_start3A_211 = tpu.memref_slice %arg22[%multiple_of3A_10, %dma_start3A_210] : memref<10240x64xf32, #tpu.memory_space<vmem_shared>> -> memref<640x64xf32, #tpu.memory_space<vmem_shared>>
      tpu.enqueue_dma source(%dma_start3A_211 : memref<640x64xf32, #tpu.memory_space<vmem_shared>>) target(%dma_start3A_209 : memref<640x64xf32, #tpu.memory_space<hbm>>) target_semaphore(%run_scoped3A : memref<!tpu.dma_semaphore, #tpu.memory_space<semaphore_mem>>)
      %dma_wait3A_212 = arith.constant 0 : i32
      %dma_wait3A_213 = tpu.memref_slice %arg9[%arg0, %multiple_of3A_10, %dma_wait3A_212] : memref<2x10240x64xf32, #tpu.memory_space<hbm>> -> memref<1x640x64xf32, #tpu.memory_space<hbm>>
      %dma_wait3A_214 = tpu.memref_squeeze %dma_wait3A_213 : memref<1x640x64xf32, #tpu.memory_space<hbm>> -> memref<640x64xf32, #tpu.memory_space<hbm>>
      %dma_wait3A_215 = arith.constant 0 : i32
      %dma_wait3A_216 = tpu.memref_slice %arg22[%multiple_of3A_10, %dma_wait3A_215] : memref<10240x64xf32, #tpu.memory_space<vmem_shared>> -> memref<640x64xf32, #tpu.memory_space<vmem_shared>>
      tpu.wait_dma2 semaphore(%run_scoped3A : memref<!tpu.dma_semaphore, #tpu.memory_space<semaphore_mem>>) src(%dma_wait3A_216 : memref<640x64xf32, #tpu.memory_space<vmem_shared>>) dst(%dma_wait3A_214 : memref<640x64xf32, #tpu.memory_space<hbm>>)
      tpu.yield
    }) : () -> ()
    "tpu.region"() ({
      %run_scoped3A = tpu.sem_alloc : memref<!tpu.dma_semaphore, #tpu.memory_space<semaphore_mem>>
      %dma_start3A_207 = tpu.memref_slice %arg10[%arg0, %multiple_of3A_10] : memref<2x10240xf32, #tpu.memory_space<hbm>> -> memref<1x640xf32, #tpu.memory_space<hbm>>
      %dma_start3A_208 = tpu.memref_squeeze %dma_start3A_207 : memref<1x640xf32, #tpu.memory_space<hbm>> -> memref<640xf32, #tpu.memory_space<hbm>>
      %dma_start3A_209 = tpu.memref_slice %arg27[%multiple_of3A_10] : memref<10240xf32, #tpu.memory_space<vmem_shared>> -> memref<640xf32, #tpu.memory_space<vmem_shared>>
      tpu.enqueue_dma source(%dma_start3A_209 : memref<640xf32, #tpu.memory_space<vmem_shared>>) target(%dma_start3A_208 : memref<640xf32, #tpu.memory_space<hbm>>) target_semaphore(%run_scoped3A : memref<!tpu.dma_semaphore, #tpu.memory_space<semaphore_mem>>)
      %dma_wait3A_210 = tpu.memref_slice %arg10[%arg0, %multiple_of3A_10] : memref<2x10240xf32, #tpu.memory_space<hbm>> -> memref<1x640xf32, #tpu.memory_space<hbm>>
      %dma_wait3A_211 = tpu.memref_squeeze %dma_wait3A_210 : memref<1x640xf32, #tpu.memory_space<hbm>> -> memref<640xf32, #tpu.memory_space<hbm>>
      %dma_wait3A_212 = tpu.memref_slice %arg27[%multiple_of3A_10] : memref<10240xf32, #tpu.memory_space<vmem_shared>> -> memref<640xf32, #tpu.memory_space<vmem_shared>>
      tpu.wait_dma2 semaphore(%run_scoped3A : memref<!tpu.dma_semaphore, #tpu.memory_space<semaphore_mem>>) src(%dma_wait3A_212 : memref<640xf32, #tpu.memory_space<vmem_shared>>) dst(%dma_wait3A_211 : memref<640xf32, #tpu.memory_space<hbm>>)
      tpu.yield
    }) : () -> ()
    return
  }
}

#map = affine_map<(d0, d1) -> (0)>
#map1 = affine_map<(d0, d1) -> (0, 0, 0)>
#map2 = affine_map<(d0, d1) -> (0, 0)>
module attributes {stable_mosaic.version = 14 : i64} {
  func.func @_sc_msg_b(%arg0: i32, %arg1: i32, %arg2: memref<320000xi32, #tpu.memory_space<hbm>>, %arg3: memref<32x125x80xi32, #tpu.memory_space<hbm>>, %arg4: memref<320000xi32, #tpu.memory_space<hbm>>, %arg5: memref<10240xf32, #tpu.memory_space<hbm>>, %arg6: memref<10240xf32, #tpu.memory_space<hbm>>, %arg7: memref<128xf32, #tpu.memory_space<hbm>>, %arg8: memref<10000x64xf32, #tpu.memory_space<hbm>>, %arg9: memref<2x10240x64xf32, #tpu.memory_space<hbm>>, %arg10: memref<10000xi32, #tpu.memory_space<vmem>>, %arg11: memref<125x80xi32, #tpu.memory_space<vmem>>, %arg12: memref<10000xi32, #tpu.memory_space<vmem>>, %arg13: memref<10240xf32, #tpu.memory_space<vmem>>, %arg14: memref<10240xf32, #tpu.memory_space<vmem>>, %arg15: memref<128xf32, #tpu.memory_space<vmem>>, %arg16: memref<10000xf32, #tpu.memory_space<vmem>>, %arg17: memref<80x64xf32, #tpu.memory_space<vmem>>, %arg18: memref<80x64xf32, #tpu.memory_space<vmem>>, %arg19: memref<80x64xf32, #tpu.memory_space<vmem>>, %arg20: memref<80x64xf32, #tpu.memory_space<vmem>>, %arg21: memref<10240x64xf32, #tpu.memory_space<vmem_shared>>, %arg22: memref<!tpu.dma_semaphore, #tpu.memory_space<semaphore_mem>>, %arg23: memref<!tpu.dma_semaphore, #tpu.memory_space<semaphore_mem>>, %arg24: memref<!tpu.dma_semaphore, #tpu.memory_space<semaphore_mem>>, %arg25: memref<!tpu.dma_semaphore, #tpu.memory_space<semaphore_mem>>) attributes {dimension_semantics = [#tpu.dimension_semantics<core_parallel>, #tpu.dimension_semantics<subcore_parallel>], iteration_bounds = array<i64: 2, 16>, scalar_prefetch = 0 : i64, scratch_operands = 16 : i64, tpu.core_type = #tpu.core_type<sc_vector_subcore>, window_params = [{transform_indices = #map}, {transform_indices = #map1}, {transform_indices = #map}, {transform_indices = #map}, {transform_indices = #map}, {transform_indices = #map}, {transform_indices = #map2}, {transform_indices = #map1}]} {
    %mul3A = arith.constant 2 : i32
    %mul3A_0 = arith.muli %arg1, %mul3A : i32
    %add3A = arith.addi %mul3A_0, %arg0 : i32
    %mul3A_1 = arith.constant 10000 : i32
    %mul3A_2 = arith.muli %add3A, %mul3A_1 : i32
    %multiple_of3A = tpu.assume_multiple %mul3A_2, 8 : i32
    "tpu.region"() ({
      %run_scoped3A = tpu.sem_alloc : memref<!tpu.dma_semaphore, #tpu.memory_space<semaphore_mem>>
      %dma_start3A_186 = tpu.memref_slice %arg2[%multiple_of3A] : memref<320000xi32, #tpu.memory_space<hbm>> -> memref<10000xi32, #tpu.memory_space<hbm>>
      %dma_start3A_187 = tpu.memref_slice %arg2[%multiple_of3A] : memref<320000xi32, #tpu.memory_space<hbm>> -> memref<10000xi32, #tpu.memory_space<hbm>>
      tpu.enqueue_dma source(%dma_start3A_187 : memref<10000xi32, #tpu.memory_space<hbm>>) target(%arg10 : memref<10000xi32, #tpu.memory_space<vmem>>) target_semaphore(%run_scoped3A : memref<!tpu.dma_semaphore, #tpu.memory_space<semaphore_mem>>)
      %dma_wait3A_188 = tpu.memref_slice %arg2[%multiple_of3A] : memref<320000xi32, #tpu.memory_space<hbm>> -> memref<10000xi32, #tpu.memory_space<hbm>>
      %dma_wait3A_189 = tpu.memref_slice %arg2[%multiple_of3A] : memref<320000xi32, #tpu.memory_space<hbm>> -> memref<10000xi32, #tpu.memory_space<hbm>>
      tpu.wait_dma2 semaphore(%run_scoped3A : memref<!tpu.dma_semaphore, #tpu.memory_space<semaphore_mem>>) src(%dma_wait3A_189 : memref<10000xi32, #tpu.memory_space<hbm>>) dst(%arg10 : memref<10000xi32, #tpu.memory_space<vmem>>)
      tpu.yield
    }) : () -> ()
    "tpu.region"() ({
      %run_scoped3A = tpu.sem_alloc : memref<!tpu.dma_semaphore, #tpu.memory_space<semaphore_mem>>
      %dma_start3A_186 = arith.constant 0 : i32
      %dma_start3A_187 = arith.constant 0 : i32
      %dma_start3A_188 = tpu.memref_slice %arg3[%add3A, %dma_start3A_186, %dma_start3A_187] : memref<32x125x80xi32, #tpu.memory_space<hbm>> -> memref<1x125x80xi32, #tpu.memory_space<hbm>>
      %dma_start3A_189 = tpu.memref_squeeze %dma_start3A_188 : memref<1x125x80xi32, #tpu.memory_space<hbm>> -> memref<125x80xi32, #tpu.memory_space<hbm>>
      %dma_start3A_190 = arith.constant 0 : i32
      %dma_start3A_191 = arith.constant 0 : i32
      %dma_start3A_192 = tpu.memref_slice %arg3[%add3A, %dma_start3A_190, %dma_start3A_191] : memref<32x125x80xi32, #tpu.memory_space<hbm>> -> memref<1x125x80xi32, #tpu.memory_space<hbm>>
      %dma_start3A_193 = tpu.memref_squeeze %dma_start3A_192 : memref<1x125x80xi32, #tpu.memory_space<hbm>> -> memref<125x80xi32, #tpu.memory_space<hbm>>
      tpu.enqueue_dma source(%dma_start3A_193 : memref<125x80xi32, #tpu.memory_space<hbm>>) target(%arg11 : memref<125x80xi32, #tpu.memory_space<vmem>>) target_semaphore(%run_scoped3A : memref<!tpu.dma_semaphore, #tpu.memory_space<semaphore_mem>>)
      %dma_wait3A_194 = arith.constant 0 : i32
      %dma_wait3A_195 = arith.constant 0 : i32
      %dma_wait3A_196 = tpu.memref_slice %arg3[%add3A, %dma_wait3A_194, %dma_wait3A_195] : memref<32x125x80xi32, #tpu.memory_space<hbm>> -> memref<1x125x80xi32, #tpu.memory_space<hbm>>
      %dma_wait3A_197 = tpu.memref_squeeze %dma_wait3A_196 : memref<1x125x80xi32, #tpu.memory_space<hbm>> -> memref<125x80xi32, #tpu.memory_space<hbm>>
      %dma_wait3A_198 = arith.constant 0 : i32
      %dma_wait3A_199 = arith.constant 0 : i32
      %dma_wait3A_200 = tpu.memref_slice %arg3[%add3A, %dma_wait3A_198, %dma_wait3A_199] : memref<32x125x80xi32, #tpu.memory_space<hbm>> -> memref<1x125x80xi32, #tpu.memory_space<hbm>>
      %dma_wait3A_201 = tpu.memref_squeeze %dma_wait3A_200 : memref<1x125x80xi32, #tpu.memory_space<hbm>> -> memref<125x80xi32, #tpu.memory_space<hbm>>
      tpu.wait_dma2 semaphore(%run_scoped3A : memref<!tpu.dma_semaphore, #tpu.memory_space<semaphore_mem>>) src(%dma_wait3A_201 : memref<125x80xi32, #tpu.memory_space<hbm>>) dst(%arg11 : memref<125x80xi32, #tpu.memory_space<vmem>>)
      tpu.yield
    }) : () -> ()
    "tpu.region"() ({
      %run_scoped3A = tpu.sem_alloc : memref<!tpu.dma_semaphore, #tpu.memory_space<semaphore_mem>>
      %dma_start3A_186 = tpu.memref_slice %arg4[%multiple_of3A] : memref<320000xi32, #tpu.memory_space<hbm>> -> memref<10000xi32, #tpu.memory_space<hbm>>
      %dma_start3A_187 = tpu.memref_slice %arg4[%multiple_of3A] : memref<320000xi32, #tpu.memory_space<hbm>> -> memref<10000xi32, #tpu.memory_space<hbm>>
      tpu.enqueue_dma source(%dma_start3A_187 : memref<10000xi32, #tpu.memory_space<hbm>>) target(%arg12 : memref<10000xi32, #tpu.memory_space<vmem>>) target_semaphore(%run_scoped3A : memref<!tpu.dma_semaphore, #tpu.memory_space<semaphore_mem>>)
      %dma_wait3A_188 = tpu.memref_slice %arg4[%multiple_of3A] : memref<320000xi32, #tpu.memory_space<hbm>> -> memref<10000xi32, #tpu.memory_space<hbm>>
      %dma_wait3A_189 = tpu.memref_slice %arg4[%multiple_of3A] : memref<320000xi32, #tpu.memory_space<hbm>> -> memref<10000xi32, #tpu.memory_space<hbm>>
      tpu.wait_dma2 semaphore(%run_scoped3A : memref<!tpu.dma_semaphore, #tpu.memory_space<semaphore_mem>>) src(%dma_wait3A_189 : memref<10000xi32, #tpu.memory_space<hbm>>) dst(%arg12 : memref<10000xi32, #tpu.memory_space<vmem>>)
      tpu.yield
    }) : () -> ()
    "tpu.region"() ({
      %run_scoped3A = tpu.sem_alloc : memref<!tpu.dma_semaphore, #tpu.memory_space<semaphore_mem>>
      tpu.enqueue_dma source(%arg5 : memref<10240xf32, #tpu.memory_space<hbm>>) target(%arg13 : memref<10240xf32, #tpu.memory_space<vmem>>) target_semaphore(%run_scoped3A : memref<!tpu.dma_semaphore, #tpu.memory_space<semaphore_mem>>)
      tpu.wait_dma2 semaphore(%run_scoped3A : memref<!tpu.dma_semaphore, #tpu.memory_space<semaphore_mem>>) src(%arg5 : memref<10240xf32, #tpu.memory_space<hbm>>) dst(%arg13 : memref<10240xf32, #tpu.memory_space<vmem>>)
      tpu.yield
    }) : () -> ()
    "tpu.region"() ({
      %run_scoped3A = tpu.sem_alloc : memref<!tpu.dma_semaphore, #tpu.memory_space<semaphore_mem>>
      tpu.enqueue_dma source(%arg6 : memref<10240xf32, #tpu.memory_space<hbm>>) target(%arg14 : memref<10240xf32, #tpu.memory_space<vmem>>) target_semaphore(%run_scoped3A : memref<!tpu.dma_semaphore, #tpu.memory_space<semaphore_mem>>)
      tpu.wait_dma2 semaphore(%run_scoped3A : memref<!tpu.dma_semaphore, #tpu.memory_space<semaphore_mem>>) src(%arg6 : memref<10240xf32, #tpu.memory_space<hbm>>) dst(%arg14 : memref<10240xf32, #tpu.memory_space<vmem>>)
      tpu.yield
    }) : () -> ()
    "tpu.region"() ({
      %run_scoped3A = tpu.sem_alloc : memref<!tpu.dma_semaphore, #tpu.memory_space<semaphore_mem>>
      tpu.enqueue_dma source(%arg7 : memref<128xf32, #tpu.memory_space<hbm>>) target(%arg15 : memref<128xf32, #tpu.memory_space<vmem>>) target_semaphore(%run_scoped3A : memref<!tpu.dma_semaphore, #tpu.memory_space<semaphore_mem>>)
      tpu.wait_dma2 semaphore(%run_scoped3A : memref<!tpu.dma_semaphore, #tpu.memory_space<semaphore_mem>>) src(%arg7 : memref<128xf32, #tpu.memory_space<hbm>>) dst(%arg15 : memref<128xf32, #tpu.memory_space<vmem>>)
      tpu.yield
    }) : () -> ()
    %scan3A = arith.constant 0 : i32
    %scan3A_3 = arith.constant 0 : i32
    %scan3A_4 = arith.constant 320 : i32
    %scan3A_5 = arith.addi %scan3A_3, %scan3A_4 : i32
    %scan3A_6 = arith.constant 1 : i32
    scf.for %scan3A_186 = %scan3A_3 to %scan3A_5 step %scan3A_6  : i32 {
      %broadcast_in_dim3A = arith.constant 0.000000e+00 : f32
      %broadcast_in_dim3A_187 = vector.broadcast %broadcast_in_dim3A : f32 to vector<16xf32>
      %jit3A = arith.constant 4 : i32
      %div3A = arith.divsi %scan3A_186, %jit3A : i32
      %sign3A = arith.constant 0 : i32
      %sign3A_188 = arith.cmpi sgt, %scan3A_186, %sign3A : i32
      %sign3A_189 = arith.extui %sign3A_188 : i1 to i32
      %sign3A_190 = arith.constant 0 : i32
      %sign3A_191 = arith.cmpi slt, %scan3A_186, %sign3A_190 : i32
      %sign3A_192 = arith.extui %sign3A_191 : i1 to i32
      %sign3A_193 = arith.subi %sign3A_189, %sign3A_192 : i32
      %sign3A_194 = arith.constant 0 : i32
      %sign3A_195 = arith.cmpi sgt, %jit3A, %sign3A_194 : i32
      %sign3A_196 = arith.extui %sign3A_195 : i1 to i32
      %sign3A_197 = arith.constant 0 : i32
      %sign3A_198 = arith.cmpi slt, %jit3A, %sign3A_197 : i32
      %sign3A_199 = arith.extui %sign3A_198 : i1 to i32
      %sign3A_200 = arith.subi %sign3A_196, %sign3A_199 : i32
      %ne3A = arith.cmpi ne, %sign3A_193, %sign3A_200 : i32
      %rem3A = arith.remsi %scan3A_186, %jit3A : i32
      %ne3A_201 = arith.constant 0 : i32
      %ne3A_202 = arith.cmpi ne, %rem3A, %ne3A_201 : i32
      %and3A = arith.andi %ne3A, %ne3A_202 : i1
      %sub3A = arith.constant 1 : i32
      %sub3A_203 = arith.subi %div3A, %sub3A : i32
      %select_n3A_204 = arith.select %and3A, %sub3A_203, %div3A : i32
      %jit3A_205 = arith.constant 4 : i32
      %eq3A = arith.constant 0 : i32
      %eq3A_206 = arith.cmpi eq, %jit3A_205, %eq3A : i32
      %jit3A_207 = arith.constant 1 : i32
      %select_n3A_208 = arith.select %eq3A_206, %jit3A_207, %jit3A_205 : i32
      %rem3A_209 = arith.remsi %scan3A_186, %select_n3A_208 : i32
      %ne3A_210 = arith.constant 0 : i32
      %ne3A_211 = arith.cmpi ne, %rem3A_209, %ne3A_210 : i32
      %lt3A = arith.constant 0 : i32
      %lt3A_212 = arith.cmpi slt, %rem3A_209, %lt3A : i32
      %lt3A_213 = arith.constant 0 : i32
      %lt3A_214 = arith.cmpi slt, %select_n3A_208, %lt3A_213 : i32
      %ne3A_215 = arith.xori %lt3A_212, %lt3A_214 : i1
      %and3A_216 = arith.andi %ne3A_215, %ne3A_211 : i1
      %add3A_217 = arith.addi %rem3A_209, %select_n3A_208 : i32
      %select_n3A_218 = arith.select %and3A_216, %add3A_217, %rem3A_209 : i32
      %mul3A_219 = arith.constant 16 : i32
      %mul3A_220 = arith.muli %select_n3A_218, %mul3A_219 : i32
      %swap3A_221 = arith.index_cast %select_n3A_204 : i32 to index
      %swap3A_222 = arith.index_cast %mul3A_220 : i32 to index
      %swap3A_223 = tpu.vector_load %arg19[%swap3A_221, %swap3A_222] {strides = array<i32>} : memref<80x64xf32, #tpu.memory_space<vmem>>, vector<16xf32>,
      tpu.vector_store %arg19[%swap3A_221, %swap3A_222], %broadcast_in_dim3A_187 {strides = array<i32>} : memref<80x64xf32, #tpu.memory_space<vmem>>, vector<16xf32>,
    }
    %scan3A_7 = arith.constant 320 : i32
    %mul3A_8 = arith.constant 640 : i32
    %mul3A_9 = arith.muli %arg1, %mul3A_8 : i32
    %multiple_of3A_10 = tpu.assume_multiple %mul3A_9, 8 : i32
    %add3A_11 = arith.constant 0 : i32
    %add3A_12 = arith.addi %multiple_of3A_10, %add3A_11 : i32
    "tpu.region"() ({
      %run_scoped3A = tpu.sem_alloc : memref<!tpu.dma_semaphore, #tpu.memory_space<semaphore_mem>>
      %dma_start3A_186 = arith.constant 0 : i32
      %dma_start3A_187 = tpu.memref_slice %arg21[%add3A_12, %dma_start3A_186] : memref<10240x64xf32, #tpu.memory_space<vmem_shared>> -> memref<80x64xf32, #tpu.memory_space<vmem_shared>>
      %dma_start3A_188 = arith.constant 0 : i32
      %dma_start3A_189 = tpu.memref_slice %arg21[%add3A_12, %dma_start3A_188] : memref<10240x64xf32, #tpu.memory_space<vmem_shared>> -> memref<80x64xf32, #tpu.memory_space<vmem_shared>>
      tpu.enqueue_dma source(%arg19 : memref<80x64xf32, #tpu.memory_space<vmem>>) target(%dma_start3A_189 : memref<80x64xf32, #tpu.memory_space<vmem_shared>>) target_semaphore(%run_scoped3A : memref<!tpu.dma_semaphore, #tpu.memory_space<semaphore_mem>>)
      %dma_wait3A_190 = arith.constant 0 : i32
      %dma_wait3A_191 = tpu.memref_slice %arg21[%add3A_12, %dma_wait3A_190] : memref<10240x64xf32, #tpu.memory_space<vmem_shared>> -> memref<80x64xf32, #tpu.memory_space<vmem_shared>>
      %dma_wait3A_192 = arith.constant 0 : i32
      %dma_wait3A_193 = tpu.memref_slice %arg21[%add3A_12, %dma_wait3A_192] : memref<10240x64xf32, #tpu.memory_space<vmem_shared>> -> memref<80x64xf32, #tpu.memory_space<vmem_shared>>
      tpu.wait_dma2 semaphore(%run_scoped3A : memref<!tpu.dma_semaphore, #tpu.memory_space<semaphore_mem>>) src(%arg19 : memref<80x64xf32, #tpu.memory_space<vmem>>) dst(%dma_wait3A_193 : memref<80x64xf32, #tpu.memory_space<vmem_shared>>)
      tpu.yield
    }) : () -> ()
    %add3A_13 = arith.constant 80 : i32
    %add3A_14 = arith.addi %multiple_of3A_10, %add3A_13 : i32
    "tpu.region"() ({
      %run_scoped3A = tpu.sem_alloc : memref<!tpu.dma_semaphore, #tpu.memory_space<semaphore_mem>>
      %dma_start3A_186 = arith.constant 0 : i32
      %dma_start3A_187 = tpu.memref_slice %arg21[%add3A_14, %dma_start3A_186] : memref<10240x64xf32, #tpu.memory_space<vmem_shared>> -> memref<80x64xf32, #tpu.memory_space<vmem_shared>>
      %dma_start3A_188 = arith.constant 0 : i32
      %dma_start3A_189 = tpu.memref_slice %arg21[%add3A_14, %dma_start3A_188] : memref<10240x64xf32, #tpu.memory_space<vmem_shared>> -> memref<80x64xf32, #tpu.memory_space<vmem_shared>>
      tpu.enqueue_dma source(%arg19 : memref<80x64xf32, #tpu.memory_space<vmem>>) target(%dma_start3A_189 : memref<80x64xf32, #tpu.memory_space<vmem_shared>>) target_semaphore(%run_scoped3A : memref<!tpu.dma_semaphore, #tpu.memory_space<semaphore_mem>>)
      %dma_wait3A_190 = arith.constant 0 : i32
      %dma_wait3A_191 = tpu.memref_slice %arg21[%add3A_14, %dma_wait3A_190] : memref<10240x64xf32, #tpu.memory_space<vmem_shared>> -> memref<80x64xf32, #tpu.memory_space<vmem_shared>>
      %dma_wait3A_192 = arith.constant 0 : i32
      %dma_wait3A_193 = tpu.memref_slice %arg21[%add3A_14, %dma_wait3A_192] : memref<10240x64xf32, #tpu.memory_space<vmem_shared>> -> memref<80x64xf32, #tpu.memory_space<vmem_shared>>
      tpu.wait_dma2 semaphore(%run_scoped3A : memref<!tpu.dma_semaphore, #tpu.memory_space<semaphore_mem>>) src(%arg19 : memref<80x64xf32, #tpu.memory_space<vmem>>) dst(%dma_wait3A_193 : memref<80x64xf32, #tpu.memory_space<vmem_shared>>)
      tpu.yield
    }) : () -> ()
    %add3A_15 = arith.constant 160 : i32
    %add3A_16 = arith.addi %multiple_of3A_10, %add3A_15 : i32
    "tpu.region"() ({
      %run_scoped3A = tpu.sem_alloc : memref<!tpu.dma_semaphore, #tpu.memory_space<semaphore_mem>>
      %dma_start3A_186 = arith.constant 0 : i32
      %dma_start3A_187 = tpu.memref_slice %arg21[%add3A_16, %dma_start3A_186] : memref<10240x64xf32, #tpu.memory_space<vmem_shared>> -> memref<80x64xf32, #tpu.memory_space<vmem_shared>>
      %dma_start3A_188 = arith.constant 0 : i32
      %dma_start3A_189 = tpu.memref_slice %arg21[%add3A_16, %dma_start3A_188] : memref<10240x64xf32, #tpu.memory_space<vmem_shared>> -> memref<80x64xf32, #tpu.memory_space<vmem_shared>>
      tpu.enqueue_dma source(%arg19 : memref<80x64xf32, #tpu.memory_space<vmem>>) target(%dma_start3A_189 : memref<80x64xf32, #tpu.memory_space<vmem_shared>>) target_semaphore(%run_scoped3A : memref<!tpu.dma_semaphore, #tpu.memory_space<semaphore_mem>>)
      %dma_wait3A_190 = arith.constant 0 : i32
      %dma_wait3A_191 = tpu.memref_slice %arg21[%add3A_16, %dma_wait3A_190] : memref<10240x64xf32, #tpu.memory_space<vmem_shared>> -> memref<80x64xf32, #tpu.memory_space<vmem_shared>>
      %dma_wait3A_192 = arith.constant 0 : i32
      %dma_wait3A_193 = tpu.memref_slice %arg21[%add3A_16, %dma_wait3A_192] : memref<10240x64xf32, #tpu.memory_space<vmem_shared>> -> memref<80x64xf32, #tpu.memory_space<vmem_shared>>
      tpu.wait_dma2 semaphore(%run_scoped3A : memref<!tpu.dma_semaphore, #tpu.memory_space<semaphore_mem>>) src(%arg19 : memref<80x64xf32, #tpu.memory_space<vmem>>) dst(%dma_wait3A_193 : memref<80x64xf32, #tpu.memory_space<vmem_shared>>)
      tpu.yield
    }) : () -> ()
    %add3A_17 = arith.constant 240 : i32
    %add3A_18 = arith.addi %multiple_of3A_10, %add3A_17 : i32
    "tpu.region"() ({
      %run_scoped3A = tpu.sem_alloc : memref<!tpu.dma_semaphore, #tpu.memory_space<semaphore_mem>>
      %dma_start3A_186 = arith.constant 0 : i32
      %dma_start3A_187 = tpu.memref_slice %arg21[%add3A_18, %dma_start3A_186] : memref<10240x64xf32, #tpu.memory_space<vmem_shared>> -> memref<80x64xf32, #tpu.memory_space<vmem_shared>>
      %dma_start3A_188 = arith.constant 0 : i32
      %dma_start3A_189 = tpu.memref_slice %arg21[%add3A_18, %dma_start3A_188] : memref<10240x64xf32, #tpu.memory_space<vmem_shared>> -> memref<80x64xf32, #tpu.memory_space<vmem_shared>>
      tpu.enqueue_dma source(%arg19 : memref<80x64xf32, #tpu.memory_space<vmem>>) target(%dma_start3A_189 : memref<80x64xf32, #tpu.memory_space<vmem_shared>>) target_semaphore(%run_scoped3A : memref<!tpu.dma_semaphore, #tpu.memory_space<semaphore_mem>>)
      %dma_wait3A_190 = arith.constant 0 : i32
      %dma_wait3A_191 = tpu.memref_slice %arg21[%add3A_18, %dma_wait3A_190] : memref<10240x64xf32, #tpu.memory_space<vmem_shared>> -> memref<80x64xf32, #tpu.memory_space<vmem_shared>>
      %dma_wait3A_192 = arith.constant 0 : i32
      %dma_wait3A_193 = tpu.memref_slice %arg21[%add3A_18, %dma_wait3A_192] : memref<10240x64xf32, #tpu.memory_space<vmem_shared>> -> memref<80x64xf32, #tpu.memory_space<vmem_shared>>
      tpu.wait_dma2 semaphore(%run_scoped3A : memref<!tpu.dma_semaphore, #tpu.memory_space<semaphore_mem>>) src(%arg19 : memref<80x64xf32, #tpu.memory_space<vmem>>) dst(%dma_wait3A_193 : memref<80x64xf32, #tpu.memory_space<vmem_shared>>)
      tpu.yield
    }) : () -> ()
    %add3A_19 = arith.constant 320 : i32
    %add3A_20 = arith.addi %multiple_of3A_10, %add3A_19 : i32
    "tpu.region"() ({
      %run_scoped3A = tpu.sem_alloc : memref<!tpu.dma_semaphore, #tpu.memory_space<semaphore_mem>>
      %dma_start3A_186 = arith.constant 0 : i32
      %dma_start3A_187 = tpu.memref_slice %arg21[%add3A_20, %dma_start3A_186] : memref<10240x64xf32, #tpu.memory_space<vmem_shared>> -> memref<80x64xf32, #tpu.memory_space<vmem_shared>>
      %dma_start3A_188 = arith.constant 0 : i32
      %dma_start3A_189 = tpu.memref_slice %arg21[%add3A_20, %dma_start3A_188] : memref<10240x64xf32, #tpu.memory_space<vmem_shared>> -> memref<80x64xf32, #tpu.memory_space<vmem_shared>>
      tpu.enqueue_dma source(%arg19 : memref<80x64xf32, #tpu.memory_space<vmem>>) target(%dma_start3A_189 : memref<80x64xf32, #tpu.memory_space<vmem_shared>>) target_semaphore(%run_scoped3A : memref<!tpu.dma_semaphore, #tpu.memory_space<semaphore_mem>>)
      %dma_wait3A_190 = arith.constant 0 : i32
      %dma_wait3A_191 = tpu.memref_slice %arg21[%add3A_20, %dma_wait3A_190] : memref<10240x64xf32, #tpu.memory_space<vmem_shared>> -> memref<80x64xf32, #tpu.memory_space<vmem_shared>>
      %dma_wait3A_192 = arith.constant 0 : i32
      %dma_wait3A_193 = tpu.memref_slice %arg21[%add3A_20, %dma_wait3A_192] : memref<10240x64xf32, #tpu.memory_space<vmem_shared>> -> memref<80x64xf32, #tpu.memory_space<vmem_shared>>
      tpu.wait_dma2 semaphore(%run_scoped3A : memref<!tpu.dma_semaphore, #tpu.memory_space<semaphore_mem>>) src(%arg19 : memref<80x64xf32, #tpu.memory_space<vmem>>) dst(%dma_wait3A_193 : memref<80x64xf32, #tpu.memory_space<vmem_shared>>)
      tpu.yield
    }) : () -> ()
    %add3A_21 = arith.constant 400 : i32
    %add3A_22 = arith.addi %multiple_of3A_10, %add3A_21 : i32
    "tpu.region"() ({
      %run_scoped3A = tpu.sem_alloc : memref<!tpu.dma_semaphore, #tpu.memory_space<semaphore_mem>>
      %dma_start3A_186 = arith.constant 0 : i32
      %dma_start3A_187 = tpu.memref_slice %arg21[%add3A_22, %dma_start3A_186] : memref<10240x64xf32, #tpu.memory_space<vmem_shared>> -> memref<80x64xf32, #tpu.memory_space<vmem_shared>>
      %dma_start3A_188 = arith.constant 0 : i32
      %dma_start3A_189 = tpu.memref_slice %arg21[%add3A_22, %dma_start3A_188] : memref<10240x64xf32, #tpu.memory_space<vmem_shared>> -> memref<80x64xf32, #tpu.memory_space<vmem_shared>>
      tpu.enqueue_dma source(%arg19 : memref<80x64xf32, #tpu.memory_space<vmem>>) target(%dma_start3A_189 : memref<80x64xf32, #tpu.memory_space<vmem_shared>>) target_semaphore(%run_scoped3A : memref<!tpu.dma_semaphore, #tpu.memory_space<semaphore_mem>>)
      %dma_wait3A_190 = arith.constant 0 : i32
      %dma_wait3A_191 = tpu.memref_slice %arg21[%add3A_22, %dma_wait3A_190] : memref<10240x64xf32, #tpu.memory_space<vmem_shared>> -> memref<80x64xf32, #tpu.memory_space<vmem_shared>>
      %dma_wait3A_192 = arith.constant 0 : i32
      %dma_wait3A_193 = tpu.memref_slice %arg21[%add3A_22, %dma_wait3A_192] : memref<10240x64xf32, #tpu.memory_space<vmem_shared>> -> memref<80x64xf32, #tpu.memory_space<vmem_shared>>
      tpu.wait_dma2 semaphore(%run_scoped3A : memref<!tpu.dma_semaphore, #tpu.memory_space<semaphore_mem>>) src(%arg19 : memref<80x64xf32, #tpu.memory_space<vmem>>) dst(%dma_wait3A_193 : memref<80x64xf32, #tpu.memory_space<vmem_shared>>)
      tpu.yield
    }) : () -> ()
    %add3A_23 = arith.constant 480 : i32
    %add3A_24 = arith.addi %multiple_of3A_10, %add3A_23 : i32
    "tpu.region"() ({
      %run_scoped3A = tpu.sem_alloc : memref<!tpu.dma_semaphore, #tpu.memory_space<semaphore_mem>>
      %dma_start3A_186 = arith.constant 0 : i32
      %dma_start3A_187 = tpu.memref_slice %arg21[%add3A_24, %dma_start3A_186] : memref<10240x64xf32, #tpu.memory_space<vmem_shared>> -> memref<80x64xf32, #tpu.memory_space<vmem_shared>>
      %dma_start3A_188 = arith.constant 0 : i32
      %dma_start3A_189 = tpu.memref_slice %arg21[%add3A_24, %dma_start3A_188] : memref<10240x64xf32, #tpu.memory_space<vmem_shared>> -> memref<80x64xf32, #tpu.memory_space<vmem_shared>>
      tpu.enqueue_dma source(%arg19 : memref<80x64xf32, #tpu.memory_space<vmem>>) target(%dma_start3A_189 : memref<80x64xf32, #tpu.memory_space<vmem_shared>>) target_semaphore(%run_scoped3A : memref<!tpu.dma_semaphore, #tpu.memory_space<semaphore_mem>>)
      %dma_wait3A_190 = arith.constant 0 : i32
      %dma_wait3A_191 = tpu.memref_slice %arg21[%add3A_24, %dma_wait3A_190] : memref<10240x64xf32, #tpu.memory_space<vmem_shared>> -> memref<80x64xf32, #tpu.memory_space<vmem_shared>>
      %dma_wait3A_192 = arith.constant 0 : i32
      %dma_wait3A_193 = tpu.memref_slice %arg21[%add3A_24, %dma_wait3A_192] : memref<10240x64xf32, #tpu.memory_space<vmem_shared>> -> memref<80x64xf32, #tpu.memory_space<vmem_shared>>
      tpu.wait_dma2 semaphore(%run_scoped3A : memref<!tpu.dma_semaphore, #tpu.memory_space<semaphore_mem>>) src(%arg19 : memref<80x64xf32, #tpu.memory_space<vmem>>) dst(%dma_wait3A_193 : memref<80x64xf32, #tpu.memory_space<vmem_shared>>)
      tpu.yield
    }) : () -> ()
    %add3A_25 = arith.constant 560 : i32
    %add3A_26 = arith.addi %multiple_of3A_10, %add3A_25 : i32
    "tpu.region"() ({
      %run_scoped3A = tpu.sem_alloc : memref<!tpu.dma_semaphore, #tpu.memory_space<semaphore_mem>>
      %dma_start3A_186 = arith.constant 0 : i32
      %dma_start3A_187 = tpu.memref_slice %arg21[%add3A_26, %dma_start3A_186] : memref<10240x64xf32, #tpu.memory_space<vmem_shared>> -> memref<80x64xf32, #tpu.memory_space<vmem_shared>>
      %dma_start3A_188 = arith.constant 0 : i32
      %dma_start3A_189 = tpu.memref_slice %arg21[%add3A_26, %dma_start3A_188] : memref<10240x64xf32, #tpu.memory_space<vmem_shared>> -> memref<80x64xf32, #tpu.memory_space<vmem_shared>>
      tpu.enqueue_dma source(%arg19 : memref<80x64xf32, #tpu.memory_space<vmem>>) target(%dma_start3A_189 : memref<80x64xf32, #tpu.memory_space<vmem_shared>>) target_semaphore(%run_scoped3A : memref<!tpu.dma_semaphore, #tpu.memory_space<semaphore_mem>>)
      %dma_wait3A_190 = arith.constant 0 : i32
      %dma_wait3A_191 = tpu.memref_slice %arg21[%add3A_26, %dma_wait3A_190] : memref<10240x64xf32, #tpu.memory_space<vmem_shared>> -> memref<80x64xf32, #tpu.memory_space<vmem_shared>>
      %dma_wait3A_192 = arith.constant 0 : i32
      %dma_wait3A_193 = tpu.memref_slice %arg21[%add3A_26, %dma_wait3A_192] : memref<10240x64xf32, #tpu.memory_space<vmem_shared>> -> memref<80x64xf32, #tpu.memory_space<vmem_shared>>
      tpu.wait_dma2 semaphore(%run_scoped3A : memref<!tpu.dma_semaphore, #tpu.memory_space<semaphore_mem>>) src(%arg19 : memref<80x64xf32, #tpu.memory_space<vmem>>) dst(%dma_wait3A_193 : memref<80x64xf32, #tpu.memory_space<vmem_shared>>)
      tpu.yield
    }) : () -> ()
    %barrier3A = arith.constant 0 : index
    tpu.barrier barrier_id(%barrier3A)
    %dma_start3A = arith.constant 0 : i32
    %dma_start3A_27 = tpu.memref_slice %arg10[%dma_start3A] : memref<10000xi32, #tpu.memory_space<vmem>> -> memref<80xi32, #tpu.memory_space<vmem>>
    %dma_start3A_28 = arith.constant 0 : i32
    %dma_start3A_29 = arith.constant 0 : i32
    %dma_start3A_30 = tpu.memref_slice %arg8[%dma_start3A_28, %dma_start3A_29] : memref<10000x64xf32, #tpu.memory_space<hbm>> -> memref<10000x64xf32, #tpu.memory_space<hbm>>
    tpu.enqueue_indirect_dma source(%dma_start3A_30 : memref<10000x64xf32, #tpu.memory_space<hbm>>) target(%arg17 : memref<80x64xf32, #tpu.memory_space<vmem>>) offsets(%dma_start3A_27 : memref<80xi32, #tpu.memory_space<vmem>>) semaphore(%arg22 : memref<!tpu.dma_semaphore, #tpu.memory_space<semaphore_mem>>)
    %dma_start3A_31 = arith.constant 80 : i32
    %dma_start3A_32 = tpu.memref_slice %arg10[%dma_start3A_31] : memref<10000xi32, #tpu.memory_space<vmem>> -> memref<80xi32, #tpu.memory_space<vmem>>
    %dma_start3A_33 = arith.constant 0 : i32
    %dma_start3A_34 = arith.constant 0 : i32
    %dma_start3A_35 = tpu.memref_slice %arg8[%dma_start3A_33, %dma_start3A_34] : memref<10000x64xf32, #tpu.memory_space<hbm>> -> memref<10000x64xf32, #tpu.memory_space<hbm>>
    tpu.enqueue_indirect_dma source(%dma_start3A_35 : memref<10000x64xf32, #tpu.memory_space<hbm>>) target(%arg18 : memref<80x64xf32, #tpu.memory_space<vmem>>) offsets(%dma_start3A_32 : memref<80xi32, #tpu.memory_space<vmem>>) semaphore(%arg23 : memref<!tpu.dma_semaphore, #tpu.memory_space<semaphore_mem>>)
    %scan3A_36 = arith.constant 0 : i32
    %scan3A_37 = arith.constant 0 : i32
    %scan3A_38 = arith.constant 62 : i32
    %scan3A_39 = arith.addi %scan3A_37, %scan3A_38 : i32
    %scan3A_40 = arith.constant 1 : i32
    scf.for %scan3A_186 = %scan3A_37 to %scan3A_39 step %scan3A_40  : i32 {
      %mul3A_187 = arith.constant 2 : i32
      %mul3A_188 = arith.muli %mul3A_187, %scan3A_186 : i32
      %add3A_189 = arith.constant 0 : i32
      %add3A_190 = arith.addi %mul3A_188, %add3A_189 : i32
      %dma_wait3A_191 = arith.constant 0 : i32
      %dma_wait3A_192 = tpu.memref_slice %arg10[%dma_wait3A_191] : memref<10000xi32, #tpu.memory_space<vmem>> -> memref<80xi32, #tpu.memory_space<vmem>>
      %dma_wait3A_193 = arith.constant 0 : i32
      %dma_wait3A_194 = arith.constant 0 : i32
      %dma_wait3A_195 = tpu.memref_slice %arg8[%dma_wait3A_193, %dma_wait3A_194] : memref<10000x64xf32, #tpu.memory_space<hbm>> -> memref<10000x64xf32, #tpu.memory_space<hbm>>
      tpu.wait_indirect_dma semaphore(%arg22 : memref<!tpu.dma_semaphore, #tpu.memory_space<semaphore_mem>>) src(%dma_wait3A_195 : memref<10000x64xf32, #tpu.memory_space<hbm>>) dst(%arg17 : memref<80x64xf32, #tpu.memory_space<vmem>>)
      %ge3A_196 = arith.constant 1 : i32
      %ge3A_197 = arith.cmpi sge, %scan3A_186, %ge3A_196 : i32
      %convert_element_type3A = arith.extui %ge3A_197 : i1 to i32
      %cond3A = arith.constant 0 : i32
      %cond3A_198 = arith.cmpi ne, %convert_element_type3A, %cond3A : i32
      scf.if %cond3A_198 {
        %dma_wait3A_504 = arith.constant 0 : i32
        %dma_wait3A_505 = arith.constant 0 : i32
        %dma_wait3A_506 = tpu.memref_slice %arg11[%dma_wait3A_504, %dma_wait3A_505] : memref<125x80xi32, #tpu.memory_space<vmem>> -> memref<1x80xi32, #tpu.memory_space<vmem>>
        %dma_wait3A_507 = tpu.memref_squeeze %dma_wait3A_506 : memref<1x80xi32, #tpu.memory_space<vmem>> -> memref<80xi32, #tpu.memory_space<vmem>>
        %dma_wait3A_508 = arith.constant 0 : i32
        %dma_wait3A_509 = arith.constant 0 : i32
        %dma_wait3A_510 = tpu.memref_slice %arg21[%dma_wait3A_508, %dma_wait3A_509] : memref<10240x64xf32, #tpu.memory_space<vmem_shared>> -> memref<10240x64xf32, #tpu.memory_space<vmem_shared>>
        tpu.wait_indirect_dma semaphore(%arg24 : memref<!tpu.dma_semaphore, #tpu.memory_space<semaphore_mem>>) src(%arg19 : memref<80x64xf32, #tpu.memory_space<vmem>>) dst(%dma_wait3A_510 : memref<10240x64xf32, #tpu.memory_space<vmem_shared>>)
      } else {
      }
      %mul3A_199 = arith.constant 80 : i32
      %mul3A_200 = arith.muli %add3A_190, %mul3A_199 : i32
      %add3A_201 = arith.constant 0 : i32
      %add3A_202 = arith.addi %mul3A_200, %add3A_201 : i32
      %get3A_203 = arith.index_cast %add3A_202 : i32 to index
      %get3A_204 = tpu.vector_load %arg10[%get3A_203] {strides = array<i32>} : memref<10000xi32, #tpu.memory_space<vmem>>, vector<16xi32>,
      %get3A_205 = arith.index_cast %add3A_190 : i32 to index
      %get3A_206 = arith.constant 0 : index
      %get3A_207 = tpu.vector_load %arg11[%get3A_205, %get3A_206] {strides = array<i32>} : memref<125x80xi32, #tpu.memory_space<vmem>>, vector<16xi32>,
      %get3A_208 = arith.index_cast %add3A_202 : i32 to index
      %get3A_209 = tpu.vector_load %arg12[%get3A_208] {strides = array<i32>} : memref<10000xi32, #tpu.memory_space<vmem>>, vector<16xi32>,
      %gather3A_210 = tpu.vector_load_idx %arg13[%get3A_204] : memref<10240xf32, #tpu.memory_space<vmem>>[vector<16xi32>], vector<16xf32>,
      %gather3A_211 = tpu.vector_load_idx %arg14[%get3A_207] : memref<10240xf32, #tpu.memory_space<vmem>>[vector<16xi32>], vector<16xf32>,
      %add3A_212 = arith.addf %gather3A_210, %gather3A_211 : vector<16xf32>
      %gather3A_213 = tpu.vector_load_idx %arg15[%get3A_209] : memref<128xf32, #tpu.memory_space<vmem>>[vector<16xi32>], vector<16xf32>,
      %add3A_214 = arith.addf %add3A_212, %gather3A_213 : vector<16xf32>
      %ge3A_215 = arith.constant 0.000000e+00 : f32
      %ge3A_216 = vector.broadcast %ge3A_215 : f32 to vector<16xf32>
      %ge3A_217 = arith.cmpf oge, %add3A_214, %ge3A_216 : vector<16xf32>
      %mul3A_218 = arith.constant 2.000000e-01 : f32
      %mul3A_219 = vector.broadcast %mul3A_218 : f32 to vector<16xf32>
      %mul3A_220 = arith.mulf %mul3A_219, %add3A_214 : vector<16xf32>
      %select_n3A_221 = arith.select %ge3A_217, %add3A_214, %mul3A_220 : vector<16xi1>, vector<16xf32>
      %exp3A_222 = math.exp %select_n3A_221 : vector<16xf32>
      %swap3A_223 = arith.index_cast %add3A_202 : i32 to index
      %swap3A_224 = tpu.vector_load %arg16[%swap3A_223] {strides = array<i32>} : memref<10000xf32, #tpu.memory_space<vmem>>, vector<16xf32>,
      tpu.vector_store %arg16[%swap3A_223], %exp3A_222 {strides = array<i32>} : memref<10000xf32, #tpu.memory_space<vmem>>, vector<16xf32>,
      %mul3A_225 = arith.constant 80 : i32
      %mul3A_226 = arith.muli %add3A_190, %mul3A_225 : i32
      %add3A_227 = arith.constant 16 : i32
      %add3A_228 = arith.addi %mul3A_226, %add3A_227 : i32
      %get3A_229 = arith.index_cast %add3A_228 : i32 to index
      %get3A_230 = tpu.vector_load %arg10[%get3A_229] {strides = array<i32>} : memref<10000xi32, #tpu.memory_space<vmem>>, vector<16xi32>,
      %get3A_231 = arith.index_cast %add3A_190 : i32 to index
      %get3A_232 = arith.constant 16 : index
      %get3A_233 = tpu.vector_load %arg11[%get3A_231, %get3A_232] {strides = array<i32>} : memref<125x80xi32, #tpu.memory_space<vmem>>, vector<16xi32>,
      %get3A_234 = arith.index_cast %add3A_228 : i32 to index
      %get3A_235 = tpu.vector_load %arg12[%get3A_234] {strides = array<i32>} : memref<10000xi32, #tpu.memory_space<vmem>>, vector<16xi32>,
      %gather3A_236 = tpu.vector_load_idx %arg13[%get3A_230] : memref<10240xf32, #tpu.memory_space<vmem>>[vector<16xi32>], vector<16xf32>,
      %gather3A_237 = tpu.vector_load_idx %arg14[%get3A_233] : memref<10240xf32, #tpu.memory_space<vmem>>[vector<16xi32>], vector<16xf32>,
      %add3A_238 = arith.addf %gather3A_236, %gather3A_237 : vector<16xf32>
      %gather3A_239 = tpu.vector_load_idx %arg15[%get3A_235] : memref<128xf32, #tpu.memory_space<vmem>>[vector<16xi32>], vector<16xf32>,
      %add3A_240 = arith.addf %add3A_238, %gather3A_239 : vector<16xf32>
      %ge3A_241 = arith.constant 0.000000e+00 : f32
      %ge3A_242 = vector.broadcast %ge3A_241 : f32 to vector<16xf32>
      %ge3A_243 = arith.cmpf oge, %add3A_240, %ge3A_242 : vector<16xf32>
      %mul3A_244 = arith.constant 2.000000e-01 : f32
      %mul3A_245 = vector.broadcast %mul3A_244 : f32 to vector<16xf32>
      %mul3A_246 = arith.mulf %mul3A_245, %add3A_240 : vector<16xf32>
      %select_n3A_247 = arith.select %ge3A_243, %add3A_240, %mul3A_246 : vector<16xi1>, vector<16xf32>
      %exp3A_248 = math.exp %select_n3A_247 : vector<16xf32>
      %swap3A_249 = arith.index_cast %add3A_228 : i32 to index
      %swap3A_250 = tpu.vector_load %arg16[%swap3A_249] {strides = array<i32>} : memref<10000xf32, #tpu.memory_space<vmem>>, vector<16xf32>,
      tpu.vector_store %arg16[%swap3A_249], %exp3A_248 {strides = array<i32>} : memref<10000xf32, #tpu.memory_space<vmem>>, vector<16xf32>,
      %mul3A_251 = arith.constant 80 : i32
      %mul3A_252 = arith.muli %add3A_190, %mul3A_251 : i32
      %add3A_253 = arith.constant 32 : i32
      %add3A_254 = arith.addi %mul3A_252, %add3A_253 : i32
      %get3A_255 = arith.index_cast %add3A_254 : i32 to index
      %get3A_256 = tpu.vector_load %arg10[%get3A_255] {strides = array<i32>} : memref<10000xi32, #tpu.memory_space<vmem>>, vector<16xi32>,
      %get3A_257 = arith.index_cast %add3A_190 : i32 to index
      %get3A_258 = arith.constant 32 : index
      %get3A_259 = tpu.vector_load %arg11[%get3A_257, %get3A_258] {strides = array<i32>} : memref<125x80xi32, #tpu.memory_space<vmem>>, vector<16xi32>,
      %get3A_260 = arith.index_cast %add3A_254 : i32 to index
      %get3A_261 = tpu.vector_load %arg12[%get3A_260] {strides = array<i32>} : memref<10000xi32, #tpu.memory_space<vmem>>, vector<16xi32>,
      %gather3A_262 = tpu.vector_load_idx %arg13[%get3A_256] : memref<10240xf32, #tpu.memory_space<vmem>>[vector<16xi32>], vector<16xf32>,
      %gather3A_263 = tpu.vector_load_idx %arg14[%get3A_259] : memref<10240xf32, #tpu.memory_space<vmem>>[vector<16xi32>], vector<16xf32>,
      %add3A_264 = arith.addf %gather3A_262, %gather3A_263 : vector<16xf32>
      %gather3A_265 = tpu.vector_load_idx %arg15[%get3A_261] : memref<128xf32, #tpu.memory_space<vmem>>[vector<16xi32>], vector<16xf32>,
      %add3A_266 = arith.addf %add3A_264, %gather3A_265 : vector<16xf32>
      %ge3A_267 = arith.constant 0.000000e+00 : f32
      %ge3A_268 = vector.broadcast %ge3A_267 : f32 to vector<16xf32>
      %ge3A_269 = arith.cmpf oge, %add3A_266, %ge3A_268 : vector<16xf32>
      %mul3A_270 = arith.constant 2.000000e-01 : f32
      %mul3A_271 = vector.broadcast %mul3A_270 : f32 to vector<16xf32>
      %mul3A_272 = arith.mulf %mul3A_271, %add3A_266 : vector<16xf32>
      %select_n3A_273 = arith.select %ge3A_269, %add3A_266, %mul3A_272 : vector<16xi1>, vector<16xf32>
      %exp3A_274 = math.exp %select_n3A_273 : vector<16xf32>
      %swap3A_275 = arith.index_cast %add3A_254 : i32 to index
      %swap3A_276 = tpu.vector_load %arg16[%swap3A_275] {strides = array<i32>} : memref<10000xf32, #tpu.memory_space<vmem>>, vector<16xf32>,
      tpu.vector_store %arg16[%swap3A_275], %exp3A_274 {strides = array<i32>} : memref<10000xf32, #tpu.memory_space<vmem>>, vector<16xf32>,
      %mul3A_277 = arith.constant 80 : i32
      %mul3A_278 = arith.muli %add3A_190, %mul3A_277 : i32
      %add3A_279 = arith.constant 48 : i32
      %add3A_280 = arith.addi %mul3A_278, %add3A_279 : i32
      %get3A_281 = arith.index_cast %add3A_280 : i32 to index
      %get3A_282 = tpu.vector_load %arg10[%get3A_281] {strides = array<i32>} : memref<10000xi32, #tpu.memory_space<vmem>>, vector<16xi32>,
      %get3A_283 = arith.index_cast %add3A_190 : i32 to index
      %get3A_284 = arith.constant 48 : index
      %get3A_285 = tpu.vector_load %arg11[%get3A_283, %get3A_284] {strides = array<i32>} : memref<125x80xi32, #tpu.memory_space<vmem>>, vector<16xi32>,
      %get3A_286 = arith.index_cast %add3A_280 : i32 to index
      %get3A_287 = tpu.vector_load %arg12[%get3A_286] {strides = array<i32>} : memref<10000xi32, #tpu.memory_space<vmem>>, vector<16xi32>,
      %gather3A_288 = tpu.vector_load_idx %arg13[%get3A_282] : memref<10240xf32, #tpu.memory_space<vmem>>[vector<16xi32>], vector<16xf32>,
      %gather3A_289 = tpu.vector_load_idx %arg14[%get3A_285] : memref<10240xf32, #tpu.memory_space<vmem>>[vector<16xi32>], vector<16xf32>,
      %add3A_290 = arith.addf %gather3A_288, %gather3A_289 : vector<16xf32>
      %gather3A_291 = tpu.vector_load_idx %arg15[%get3A_287] : memref<128xf32, #tpu.memory_space<vmem>>[vector<16xi32>], vector<16xf32>,
      %add3A_292 = arith.addf %add3A_290, %gather3A_291 : vector<16xf32>
      %ge3A_293 = arith.constant 0.000000e+00 : f32
      %ge3A_294 = vector.broadcast %ge3A_293 : f32 to vector<16xf32>
      %ge3A_295 = arith.cmpf oge, %add3A_292, %ge3A_294 : vector<16xf32>
      %mul3A_296 = arith.constant 2.000000e-01 : f32
      %mul3A_297 = vector.broadcast %mul3A_296 : f32 to vector<16xf32>
      %mul3A_298 = arith.mulf %mul3A_297, %add3A_292 : vector<16xf32>
      %select_n3A_299 = arith.select %ge3A_295, %add3A_292, %mul3A_298 : vector<16xi1>, vector<16xf32>
      %exp3A_300 = math.exp %select_n3A_299 : vector<16xf32>
      %swap3A_301 = arith.index_cast %add3A_280 : i32 to index
      %swap3A_302 = tpu.vector_load %arg16[%swap3A_301] {strides = array<i32>} : memref<10000xf32, #tpu.memory_space<vmem>>, vector<16xf32>,
      tpu.vector_store %arg16[%swap3A_301], %exp3A_300 {strides = array<i32>} : memref<10000xf32, #tpu.memory_space<vmem>>, vector<16xf32>,
      %mul3A_303 = arith.constant 80 : i32
      %mul3A_304 = arith.muli %add3A_190, %mul3A_303 : i32
      %add3A_305 = arith.constant 64 : i32
      %add3A_306 = arith.addi %mul3A_304, %add3A_305 : i32
      %get3A_307 = arith.index_cast %add3A_306 : i32 to index
      %get3A_308 = tpu.vector_load %arg10[%get3A_307] {strides = array<i32>} : memref<10000xi32, #tpu.memory_space<vmem>>, vector<16xi32>,
      %get3A_309 = arith.index_cast %add3A_190 : i32 to index
      %get3A_310 = arith.constant 64 : index
      %get3A_311 = tpu.vector_load %arg11[%get3A_309, %get3A_310] {strides = array<i32>} : memref<125x80xi32, #tpu.memory_space<vmem>>, vector<16xi32>,
      %get3A_312 = arith.index_cast %add3A_306 : i32 to index
      %get3A_313 = tpu.vector_load %arg12[%get3A_312] {strides = array<i32>} : memref<10000xi32, #tpu.memory_space<vmem>>, vector<16xi32>,
      %gather3A_314 = tpu.vector_load_idx %arg13[%get3A_308] : memref<10240xf32, #tpu.memory_space<vmem>>[vector<16xi32>], vector<16xf32>,
      %gather3A_315 = tpu.vector_load_idx %arg14[%get3A_311] : memref<10240xf32, #tpu.memory_space<vmem>>[vector<16xi32>], vector<16xf32>,
      %add3A_316 = arith.addf %gather3A_314, %gather3A_315 : vector<16xf32>
      %gather3A_317 = tpu.vector_load_idx %arg15[%get3A_313] : memref<128xf32, #tpu.memory_space<vmem>>[vector<16xi32>], vector<16xf32>,
      %add3A_318 = arith.addf %add3A_316, %gather3A_317 : vector<16xf32>
      %ge3A_319 = arith.constant 0.000000e+00 : f32
      %ge3A_320 = vector.broadcast %ge3A_319 : f32 to vector<16xf32>
      %ge3A_321 = arith.cmpf oge, %add3A_318, %ge3A_320 : vector<16xf32>
      %mul3A_322 = arith.constant 2.000000e-01 : f32
      %mul3A_323 = vector.broadcast %mul3A_322 : f32 to vector<16xf32>
      %mul3A_324 = arith.mulf %mul3A_323, %add3A_318 : vector<16xf32>
      %select_n3A_325 = arith.select %ge3A_321, %add3A_318, %mul3A_324 : vector<16xi1>, vector<16xf32>
      %exp3A_326 = math.exp %select_n3A_325 : vector<16xf32>
      %swap3A_327 = arith.index_cast %add3A_306 : i32 to index
      %swap3A_328 = tpu.vector_load %arg16[%swap3A_327] {strides = array<i32>} : memref<10000xf32, #tpu.memory_space<vmem>>, vector<16xf32>,
      tpu.vector_store %arg16[%swap3A_327], %exp3A_326 {strides = array<i32>} : memref<10000xf32, #tpu.memory_space<vmem>>, vector<16xf32>,
      %parallel_loop3A_329 = arith.constant 0 : i32
      %parallel_loop3A_330 = arith.constant 80 : i32
      %parallel_loop3A_331 = arith.constant 1 : i32
      scf.for %parallel_loop3A_504 = %parallel_loop3A_329 to %parallel_loop3A_330 step %parallel_loop3A_331  : i32 {
        %parallel_loop3A_505 = arith.constant 80 : i32
        %parallel_loop3A_506 = arith.muli %add3A_190, %parallel_loop3A_505 : i32
        %parallel_loop3A_507 = arith.addi %parallel_loop3A_506, %parallel_loop3A_504 : i32
        %parallel_loop3A_508 = vector.broadcast %parallel_loop3A_507 : i32 to vector<16xi32>
        %parallel_loop3A_509 = tpu.vector_load_idx %arg16[%parallel_loop3A_508] : memref<10000xf32, #tpu.memory_space<vmem>>[vector<16xi32>], vector<16xf32>,
        %parallel_loop3A_510 = arith.index_cast %parallel_loop3A_504 : i32 to index
        %parallel_loop3A_511 = arith.constant 0 : index
        %parallel_loop3A_512 = tpu.vector_load %arg17[%parallel_loop3A_510, %parallel_loop3A_511] {strides = array<i32>} : memref<80x64xf32, #tpu.memory_space<vmem>>, vector<16xf32>,
        %parallel_loop3A_513 = arith.mulf %parallel_loop3A_512, %parallel_loop3A_509 : vector<16xf32>
        %parallel_loop3A_514 = arith.index_cast %parallel_loop3A_504 : i32 to index
        %parallel_loop3A_515 = arith.constant 0 : index
        %parallel_loop3A_516 = tpu.vector_load %arg19[%parallel_loop3A_514, %parallel_loop3A_515] {strides = array<i32>} : memref<80x64xf32, #tpu.memory_space<vmem>>, vector<16xf32>,
        tpu.vector_store %arg19[%parallel_loop3A_514, %parallel_loop3A_515], %parallel_loop3A_513 {strides = array<i32>} : memref<80x64xf32, #tpu.memory_space<vmem>>, vector<16xf32>,
        %parallel_loop3A_517 = arith.index_cast %parallel_loop3A_504 : i32 to index
        %parallel_loop3A_518 = arith.constant 16 : index
        %parallel_loop3A_519 = tpu.vector_load %arg17[%parallel_loop3A_517, %parallel_loop3A_518] {strides = array<i32>} : memref<80x64xf32, #tpu.memory_space<vmem>>, vector<16xf32>,
        %parallel_loop3A_520 = arith.mulf %parallel_loop3A_519, %parallel_loop3A_509 : vector<16xf32>
        %parallel_loop3A_521 = arith.index_cast %parallel_loop3A_504 : i32 to index
        %parallel_loop3A_522 = arith.constant 16 : index
        %parallel_loop3A_523 = tpu.vector_load %arg19[%parallel_loop3A_521, %parallel_loop3A_522] {strides = array<i32>} : memref<80x64xf32, #tpu.memory_space<vmem>>, vector<16xf32>,
        tpu.vector_store %arg19[%parallel_loop3A_521, %parallel_loop3A_522], %parallel_loop3A_520 {strides = array<i32>} : memref<80x64xf32, #tpu.memory_space<vmem>>, vector<16xf32>,
        %parallel_loop3A_524 = arith.index_cast %parallel_loop3A_504 : i32 to index
        %parallel_loop3A_525 = arith.constant 32 : index
        %parallel_loop3A_526 = tpu.vector_load %arg17[%parallel_loop3A_524, %parallel_loop3A_525] {strides = array<i32>} : memref<80x64xf32, #tpu.memory_space<vmem>>, vector<16xf32>,
        %parallel_loop3A_527 = arith.mulf %parallel_loop3A_526, %parallel_loop3A_509 : vector<16xf32>
        %parallel_loop3A_528 = arith.index_cast %parallel_loop3A_504 : i32 to index
        %parallel_loop3A_529 = arith.constant 32 : index
        %parallel_loop3A_530 = tpu.vector_load %arg19[%parallel_loop3A_528, %parallel_loop3A_529] {strides = array<i32>} : memref<80x64xf32, #tpu.memory_space<vmem>>, vector<16xf32>,
        tpu.vector_store %arg19[%parallel_loop3A_528, %parallel_loop3A_529], %parallel_loop3A_527 {strides = array<i32>} : memref<80x64xf32, #tpu.memory_space<vmem>>, vector<16xf32>,
        %parallel_loop3A_531 = arith.index_cast %parallel_loop3A_504 : i32 to index
        %parallel_loop3A_532 = arith.constant 48 : index
        %parallel_loop3A_533 = tpu.vector_load %arg17[%parallel_loop3A_531, %parallel_loop3A_532] {strides = array<i32>} : memref<80x64xf32, #tpu.memory_space<vmem>>, vector<16xf32>,
        %parallel_loop3A_534 = arith.mulf %parallel_loop3A_533, %parallel_loop3A_509 : vector<16xf32>
        %parallel_loop3A_535 = arith.index_cast %parallel_loop3A_504 : i32 to index
        %parallel_loop3A_536 = arith.constant 48 : index
        %parallel_loop3A_537 = tpu.vector_load %arg19[%parallel_loop3A_535, %parallel_loop3A_536] {strides = array<i32>} : memref<80x64xf32, #tpu.memory_space<vmem>>, vector<16xf32>,
        tpu.vector_store %arg19[%parallel_loop3A_535, %parallel_loop3A_536], %parallel_loop3A_534 {strides = array<i32>} : memref<80x64xf32, #tpu.memory_space<vmem>>, vector<16xf32>,
      } {sc.loop_unroll_factor = 4 : i64, sc.parallel_access}
      %add3A_332 = arith.constant 2 : i32
      %add3A_333 = arith.addi %add3A_190, %add3A_332 : i32
      %lt3A = arith.constant 125 : i32
      %lt3A_334 = arith.cmpi slt, %add3A_333, %lt3A : i32
      %convert_element_type3A_335 = arith.extui %lt3A_334 : i1 to i32
      %cond3A_336 = arith.constant 0 : i32
      %cond3A_337 = arith.cmpi ne, %convert_element_type3A_335, %cond3A_336 : i32
      scf.if %cond3A_337 {
        %add3A_504 = arith.constant 2 : i32
        %add3A_505 = arith.addi %add3A_190, %add3A_504 : i32
        %mul3A_506 = arith.constant 80 : i32
        %mul3A_507 = arith.muli %add3A_505, %mul3A_506 : i32
        %dma_start3A_508 = tpu.memref_slice %arg10[%mul3A_507] : memref<10000xi32, #tpu.memory_space<vmem>> -> memref<80xi32, #tpu.memory_space<vmem>>
        %dma_start3A_509 = arith.constant 0 : i32
        %dma_start3A_510 = arith.constant 0 : i32
        %dma_start3A_511 = tpu.memref_slice %arg8[%dma_start3A_509, %dma_start3A_510] : memref<10000x64xf32, #tpu.memory_space<hbm>> -> memref<10000x64xf32, #tpu.memory_space<hbm>>
        tpu.enqueue_indirect_dma source(%dma_start3A_511 : memref<10000x64xf32, #tpu.memory_space<hbm>>) target(%arg17 : memref<80x64xf32, #tpu.memory_space<vmem>>) offsets(%dma_start3A_508 : memref<80xi32, #tpu.memory_space<vmem>>) semaphore(%arg22 : memref<!tpu.dma_semaphore, #tpu.memory_space<semaphore_mem>>)
      } else {
      }
      %dma_start3A_338 = arith.constant 0 : i32
      %dma_start3A_339 = tpu.memref_slice %arg11[%add3A_190, %dma_start3A_338] : memref<125x80xi32, #tpu.memory_space<vmem>> -> memref<1x80xi32, #tpu.memory_space<vmem>>
      %dma_start3A_340 = tpu.memref_squeeze %dma_start3A_339 : memref<1x80xi32, #tpu.memory_space<vmem>> -> memref<80xi32, #tpu.memory_space<vmem>>
      %dma_start3A_341 = arith.constant 0 : i32
      %dma_start3A_342 = arith.constant 0 : i32
      %dma_start3A_343 = tpu.memref_slice %arg21[%dma_start3A_341, %dma_start3A_342] : memref<10240x64xf32, #tpu.memory_space<vmem_shared>> -> memref<10240x64xf32, #tpu.memory_space<vmem_shared>>
      tpu.enqueue_indirect_dma source(%arg19 : memref<80x64xf32, #tpu.memory_space<vmem>>) target(%dma_start3A_343 : memref<10240x64xf32, #tpu.memory_space<vmem_shared>>) offsets(%dma_start3A_340 : memref<80xi32, #tpu.memory_space<vmem>>) semaphore(%arg24 : memref<!tpu.dma_semaphore, #tpu.memory_space<semaphore_mem>>) {add = true}
      %mul3A_344 = arith.constant 2 : i32
      %mul3A_345 = arith.muli %mul3A_344, %scan3A_186 : i32
      %add3A_346 = arith.constant 1 : i32
      %add3A_347 = arith.addi %mul3A_345, %add3A_346 : i32
      %dma_wait3A_348 = arith.constant 0 : i32
      %dma_wait3A_349 = tpu.memref_slice %arg10[%dma_wait3A_348] : memref<10000xi32, #tpu.memory_space<vmem>> -> memref<80xi32, #tpu.memory_space<vmem>>
      %dma_wait3A_350 = arith.constant 0 : i32
      %dma_wait3A_351 = arith.constant 0 : i32
      %dma_wait3A_352 = tpu.memref_slice %arg8[%dma_wait3A_350, %dma_wait3A_351] : memref<10000x64xf32, #tpu.memory_space<hbm>> -> memref<10000x64xf32, #tpu.memory_space<hbm>>
      tpu.wait_indirect_dma semaphore(%arg23 : memref<!tpu.dma_semaphore, #tpu.memory_space<semaphore_mem>>) src(%dma_wait3A_352 : memref<10000x64xf32, #tpu.memory_space<hbm>>) dst(%arg18 : memref<80x64xf32, #tpu.memory_space<vmem>>)
      %ge3A_353 = arith.constant 1 : i32
      %ge3A_354 = arith.cmpi sge, %scan3A_186, %ge3A_353 : i32
      %convert_element_type3A_355 = arith.extui %ge3A_354 : i1 to i32
      %cond3A_356 = arith.constant 0 : i32
      %cond3A_357 = arith.cmpi ne, %convert_element_type3A_355, %cond3A_356 : i32
      scf.if %cond3A_357 {
        %dma_wait3A_504 = arith.constant 0 : i32
        %dma_wait3A_505 = arith.constant 0 : i32
        %dma_wait3A_506 = tpu.memref_slice %arg11[%dma_wait3A_504, %dma_wait3A_505] : memref<125x80xi32, #tpu.memory_space<vmem>> -> memref<1x80xi32, #tpu.memory_space<vmem>>
        %dma_wait3A_507 = tpu.memref_squeeze %dma_wait3A_506 : memref<1x80xi32, #tpu.memory_space<vmem>> -> memref<80xi32, #tpu.memory_space<vmem>>
        %dma_wait3A_508 = arith.constant 0 : i32
        %dma_wait3A_509 = arith.constant 0 : i32
        %dma_wait3A_510 = tpu.memref_slice %arg21[%dma_wait3A_508, %dma_wait3A_509] : memref<10240x64xf32, #tpu.memory_space<vmem_shared>> -> memref<10240x64xf32, #tpu.memory_space<vmem_shared>>
        tpu.wait_indirect_dma semaphore(%arg25 : memref<!tpu.dma_semaphore, #tpu.memory_space<semaphore_mem>>) src(%arg20 : memref<80x64xf32, #tpu.memory_space<vmem>>) dst(%dma_wait3A_510 : memref<10240x64xf32, #tpu.memory_space<vmem_shared>>)
      } else {
      }
      %mul3A_358 = arith.constant 80 : i32
      %mul3A_359 = arith.muli %add3A_347, %mul3A_358 : i32
      %add3A_360 = arith.constant 0 : i32
      %add3A_361 = arith.addi %mul3A_359, %add3A_360 : i32
      %get3A_362 = arith.index_cast %add3A_361 : i32 to index
      %get3A_363 = tpu.vector_load %arg10[%get3A_362] {strides = array<i32>} : memref<10000xi32, #tpu.memory_space<vmem>>, vector<16xi32>,
      %get3A_364 = arith.index_cast %add3A_347 : i32 to index
      %get3A_365 = arith.constant 0 : index
      %get3A_366 = tpu.vector_load %arg11[%get3A_364, %get3A_365] {strides = array<i32>} : memref<125x80xi32, #tpu.memory_space<vmem>>, vector<16xi32>,
      %get3A_367 = arith.index_cast %add3A_361 : i32 to index
      %get3A_368 = tpu.vector_load %arg12[%get3A_367] {strides = array<i32>} : memref<10000xi32, #tpu.memory_space<vmem>>, vector<16xi32>,
      %gather3A_369 = tpu.vector_load_idx %arg13[%get3A_363] : memref<10240xf32, #tpu.memory_space<vmem>>[vector<16xi32>], vector<16xf32>,
      %gather3A_370 = tpu.vector_load_idx %arg14[%get3A_366] : memref<10240xf32, #tpu.memory_space<vmem>>[vector<16xi32>], vector<16xf32>,
      %add3A_371 = arith.addf %gather3A_369, %gather3A_370 : vector<16xf32>
      %gather3A_372 = tpu.vector_load_idx %arg15[%get3A_368] : memref<128xf32, #tpu.memory_space<vmem>>[vector<16xi32>], vector<16xf32>,
      %add3A_373 = arith.addf %add3A_371, %gather3A_372 : vector<16xf32>
      %ge3A_374 = arith.constant 0.000000e+00 : f32
      %ge3A_375 = vector.broadcast %ge3A_374 : f32 to vector<16xf32>
      %ge3A_376 = arith.cmpf oge, %add3A_373, %ge3A_375 : vector<16xf32>
      %mul3A_377 = arith.constant 2.000000e-01 : f32
      %mul3A_378 = vector.broadcast %mul3A_377 : f32 to vector<16xf32>
      %mul3A_379 = arith.mulf %mul3A_378, %add3A_373 : vector<16xf32>
      %select_n3A_380 = arith.select %ge3A_376, %add3A_373, %mul3A_379 : vector<16xi1>, vector<16xf32>
      %exp3A_381 = math.exp %select_n3A_380 : vector<16xf32>
      %swap3A_382 = arith.index_cast %add3A_361 : i32 to index
      %swap3A_383 = tpu.vector_load %arg16[%swap3A_382] {strides = array<i32>} : memref<10000xf32, #tpu.memory_space<vmem>>, vector<16xf32>,
      tpu.vector_store %arg16[%swap3A_382], %exp3A_381 {strides = array<i32>} : memref<10000xf32, #tpu.memory_space<vmem>>, vector<16xf32>,
      %mul3A_384 = arith.constant 80 : i32
      %mul3A_385 = arith.muli %add3A_347, %mul3A_384 : i32
      %add3A_386 = arith.constant 16 : i32
      %add3A_387 = arith.addi %mul3A_385, %add3A_386 : i32
      %get3A_388 = arith.index_cast %add3A_387 : i32 to index
      %get3A_389 = tpu.vector_load %arg10[%get3A_388] {strides = array<i32>} : memref<10000xi32, #tpu.memory_space<vmem>>, vector<16xi32>,
      %get3A_390 = arith.index_cast %add3A_347 : i32 to index
      %get3A_391 = arith.constant 16 : index
      %get3A_392 = tpu.vector_load %arg11[%get3A_390, %get3A_391] {strides = array<i32>} : memref<125x80xi32, #tpu.memory_space<vmem>>, vector<16xi32>,
      %get3A_393 = arith.index_cast %add3A_387 : i32 to index
      %get3A_394 = tpu.vector_load %arg12[%get3A_393] {strides = array<i32>} : memref<10000xi32, #tpu.memory_space<vmem>>, vector<16xi32>,
      %gather3A_395 = tpu.vector_load_idx %arg13[%get3A_389] : memref<10240xf32, #tpu.memory_space<vmem>>[vector<16xi32>], vector<16xf32>,
      %gather3A_396 = tpu.vector_load_idx %arg14[%get3A_392] : memref<10240xf32, #tpu.memory_space<vmem>>[vector<16xi32>], vector<16xf32>,
      %add3A_397 = arith.addf %gather3A_395, %gather3A_396 : vector<16xf32>
      %gather3A_398 = tpu.vector_load_idx %arg15[%get3A_394] : memref<128xf32, #tpu.memory_space<vmem>>[vector<16xi32>], vector<16xf32>,
      %add3A_399 = arith.addf %add3A_397, %gather3A_398 : vector<16xf32>
      %ge3A_400 = arith.constant 0.000000e+00 : f32
      %ge3A_401 = vector.broadcast %ge3A_400 : f32 to vector<16xf32>
      %ge3A_402 = arith.cmpf oge, %add3A_399, %ge3A_401 : vector<16xf32>
      %mul3A_403 = arith.constant 2.000000e-01 : f32
      %mul3A_404 = vector.broadcast %mul3A_403 : f32 to vector<16xf32>
      %mul3A_405 = arith.mulf %mul3A_404, %add3A_399 : vector<16xf32>
      %select_n3A_406 = arith.select %ge3A_402, %add3A_399, %mul3A_405 : vector<16xi1>, vector<16xf32>
      %exp3A_407 = math.exp %select_n3A_406 : vector<16xf32>
      %swap3A_408 = arith.index_cast %add3A_387 : i32 to index
      %swap3A_409 = tpu.vector_load %arg16[%swap3A_408] {strides = array<i32>} : memref<10000xf32, #tpu.memory_space<vmem>>, vector<16xf32>,
      tpu.vector_store %arg16[%swap3A_408], %exp3A_407 {strides = array<i32>} : memref<10000xf32, #tpu.memory_space<vmem>>, vector<16xf32>,
      %mul3A_410 = arith.constant 80 : i32
      %mul3A_411 = arith.muli %add3A_347, %mul3A_410 : i32
      %add3A_412 = arith.constant 32 : i32
      %add3A_413 = arith.addi %mul3A_411, %add3A_412 : i32
      %get3A_414 = arith.index_cast %add3A_413 : i32 to index
      %get3A_415 = tpu.vector_load %arg10[%get3A_414] {strides = array<i32>} : memref<10000xi32, #tpu.memory_space<vmem>>, vector<16xi32>,
      %get3A_416 = arith.index_cast %add3A_347 : i32 to index
      %get3A_417 = arith.constant 32 : index
      %get3A_418 = tpu.vector_load %arg11[%get3A_416, %get3A_417] {strides = array<i32>} : memref<125x80xi32, #tpu.memory_space<vmem>>, vector<16xi32>,
      %get3A_419 = arith.index_cast %add3A_413 : i32 to index
      %get3A_420 = tpu.vector_load %arg12[%get3A_419] {strides = array<i32>} : memref<10000xi32, #tpu.memory_space<vmem>>, vector<16xi32>,
      %gather3A_421 = tpu.vector_load_idx %arg13[%get3A_415] : memref<10240xf32, #tpu.memory_space<vmem>>[vector<16xi32>], vector<16xf32>,
      %gather3A_422 = tpu.vector_load_idx %arg14[%get3A_418] : memref<10240xf32, #tpu.memory_space<vmem>>[vector<16xi32>], vector<16xf32>,
      %add3A_423 = arith.addf %gather3A_421, %gather3A_422 : vector<16xf32>
      %gather3A_424 = tpu.vector_load_idx %arg15[%get3A_420] : memref<128xf32, #tpu.memory_space<vmem>>[vector<16xi32>], vector<16xf32>,
      %add3A_425 = arith.addf %add3A_423, %gather3A_424 : vector<16xf32>
      %ge3A_426 = arith.constant 0.000000e+00 : f32
      %ge3A_427 = vector.broadcast %ge3A_426 : f32 to vector<16xf32>
      %ge3A_428 = arith.cmpf oge, %add3A_425, %ge3A_427 : vector<16xf32>
      %mul3A_429 = arith.constant 2.000000e-01 : f32
      %mul3A_430 = vector.broadcast %mul3A_429 : f32 to vector<16xf32>
      %mul3A_431 = arith.mulf %mul3A_430, %add3A_425 : vector<16xf32>
      %select_n3A_432 = arith.select %ge3A_428, %add3A_425, %mul3A_431 : vector<16xi1>, vector<16xf32>
      %exp3A_433 = math.exp %select_n3A_432 : vector<16xf32>
      %swap3A_434 = arith.index_cast %add3A_413 : i32 to index
      %swap3A_435 = tpu.vector_load %arg16[%swap3A_434] {strides = array<i32>} : memref<10000xf32, #tpu.memory_space<vmem>>, vector<16xf32>,
      tpu.vector_store %arg16[%swap3A_434], %exp3A_433 {strides = array<i32>} : memref<10000xf32, #tpu.memory_space<vmem>>, vector<16xf32>,
      %mul3A_436 = arith.constant 80 : i32
      %mul3A_437 = arith.muli %add3A_347, %mul3A_436 : i32
      %add3A_438 = arith.constant 48 : i32
      %add3A_439 = arith.addi %mul3A_437, %add3A_438 : i32
      %get3A_440 = arith.index_cast %add3A_439 : i32 to index
      %get3A_441 = tpu.vector_load %arg10[%get3A_440] {strides = array<i32>} : memref<10000xi32, #tpu.memory_space<vmem>>, vector<16xi32>,
      %get3A_442 = arith.index_cast %add3A_347 : i32 to index
      %get3A_443 = arith.constant 48 : index
      %get3A_444 = tpu.vector_load %arg11[%get3A_442, %get3A_443] {strides = array<i32>} : memref<125x80xi32, #tpu.memory_space<vmem>>, vector<16xi32>,
      %get3A_445 = arith.index_cast %add3A_439 : i32 to index
      %get3A_446 = tpu.vector_load %arg12[%get3A_445] {strides = array<i32>} : memref<10000xi32, #tpu.memory_space<vmem>>, vector<16xi32>,
      %gather3A_447 = tpu.vector_load_idx %arg13[%get3A_441] : memref<10240xf32, #tpu.memory_space<vmem>>[vector<16xi32>], vector<16xf32>,
      %gather3A_448 = tpu.vector_load_idx %arg14[%get3A_444] : memref<10240xf32, #tpu.memory_space<vmem>>[vector<16xi32>], vector<16xf32>,
      %add3A_449 = arith.addf %gather3A_447, %gather3A_448 : vector<16xf32>
      %gather3A_450 = tpu.vector_load_idx %arg15[%get3A_446] : memref<128xf32, #tpu.memory_space<vmem>>[vector<16xi32>], vector<16xf32>,
      %add3A_451 = arith.addf %add3A_449, %gather3A_450 : vector<16xf32>
      %ge3A_452 = arith.constant 0.000000e+00 : f32
      %ge3A_453 = vector.broadcast %ge3A_452 : f32 to vector<16xf32>
      %ge3A_454 = arith.cmpf oge, %add3A_451, %ge3A_453 : vector<16xf32>
      %mul3A_455 = arith.constant 2.000000e-01 : f32
      %mul3A_456 = vector.broadcast %mul3A_455 : f32 to vector<16xf32>
      %mul3A_457 = arith.mulf %mul3A_456, %add3A_451 : vector<16xf32>
      %select_n3A_458 = arith.select %ge3A_454, %add3A_451, %mul3A_457 : vector<16xi1>, vector<16xf32>
      %exp3A_459 = math.exp %select_n3A_458 : vector<16xf32>
      %swap3A_460 = arith.index_cast %add3A_439 : i32 to index
      %swap3A_461 = tpu.vector_load %arg16[%swap3A_460] {strides = array<i32>} : memref<10000xf32, #tpu.memory_space<vmem>>, vector<16xf32>,
      tpu.vector_store %arg16[%swap3A_460], %exp3A_459 {strides = array<i32>} : memref<10000xf32, #tpu.memory_space<vmem>>, vector<16xf32>,
      %mul3A_462 = arith.constant 80 : i32
      %mul3A_463 = arith.muli %add3A_347, %mul3A_462 : i32
      %add3A_464 = arith.constant 64 : i32
      %add3A_465 = arith.addi %mul3A_463, %add3A_464 : i32
      %get3A_466 = arith.index_cast %add3A_465 : i32 to index
      %get3A_467 = tpu.vector_load %arg10[%get3A_466] {strides = array<i32>} : memref<10000xi32, #tpu.memory_space<vmem>>, vector<16xi32>,
      %get3A_468 = arith.index_cast %add3A_347 : i32 to index
      %get3A_469 = arith.constant 64 : index
      %get3A_470 = tpu.vector_load %arg11[%get3A_468, %get3A_469] {strides = array<i32>} : memref<125x80xi32, #tpu.memory_space<vmem>>, vector<16xi32>,
      %get3A_471 = arith.index_cast %add3A_465 : i32 to index
      %get3A_472 = tpu.vector_load %arg12[%get3A_471] {strides = array<i32>} : memref<10000xi32, #tpu.memory_space<vmem>>, vector<16xi32>,
      %gather3A_473 = tpu.vector_load_idx %arg13[%get3A_467] : memref<10240xf32, #tpu.memory_space<vmem>>[vector<16xi32>], vector<16xf32>,
      %gather3A_474 = tpu.vector_load_idx %arg14[%get3A_470] : memref<10240xf32, #tpu.memory_space<vmem>>[vector<16xi32>], vector<16xf32>,
      %add3A_475 = arith.addf %gather3A_473, %gather3A_474 : vector<16xf32>
      %gather3A_476 = tpu.vector_load_idx %arg15[%get3A_472] : memref<128xf32, #tpu.memory_space<vmem>>[vector<16xi32>], vector<16xf32>,
      %add3A_477 = arith.addf %add3A_475, %gather3A_476 : vector<16xf32>
      %ge3A_478 = arith.constant 0.000000e+00 : f32
      %ge3A_479 = vector.broadcast %ge3A_478 : f32 to vector<16xf32>
      %ge3A_480 = arith.cmpf oge, %add3A_477, %ge3A_479 : vector<16xf32>
      %mul3A_481 = arith.constant 2.000000e-01 : f32
      %mul3A_482 = vector.broadcast %mul3A_481 : f32 to vector<16xf32>
      %mul3A_483 = arith.mulf %mul3A_482, %add3A_477 : vector<16xf32>
      %select_n3A_484 = arith.select %ge3A_480, %add3A_477, %mul3A_483 : vector<16xi1>, vector<16xf32>
      %exp3A_485 = math.exp %select_n3A_484 : vector<16xf32>
      %swap3A_486 = arith.index_cast %add3A_465 : i32 to index
      %swap3A_487 = tpu.vector_load %arg16[%swap3A_486] {strides = array<i32>} : memref<10000xf32, #tpu.memory_space<vmem>>, vector<16xf32>,
      tpu.vector_store %arg16[%swap3A_486], %exp3A_485 {strides = array<i32>} : memref<10000xf32, #tpu.memory_space<vmem>>, vector<16xf32>,
      %parallel_loop3A_488 = arith.constant 0 : i32
      %parallel_loop3A_489 = arith.constant 80 : i32
      %parallel_loop3A_490 = arith.constant 1 : i32
      scf.for %parallel_loop3A_504 = %parallel_loop3A_488 to %parallel_loop3A_489 step %parallel_loop3A_490  : i32 {
        %parallel_loop3A_505 = arith.constant 80 : i32
        %parallel_loop3A_506 = arith.muli %add3A_347, %parallel_loop3A_505 : i32
        %parallel_loop3A_507 = arith.addi %parallel_loop3A_506, %parallel_loop3A_504 : i32
        %parallel_loop3A_508 = vector.broadcast %parallel_loop3A_507 : i32 to vector<16xi32>
        %parallel_loop3A_509 = tpu.vector_load_idx %arg16[%parallel_loop3A_508] : memref<10000xf32, #tpu.memory_space<vmem>>[vector<16xi32>], vector<16xf32>,
        %parallel_loop3A_510 = arith.index_cast %parallel_loop3A_504 : i32 to index
        %parallel_loop3A_511 = arith.constant 0 : index
        %parallel_loop3A_512 = tpu.vector_load %arg18[%parallel_loop3A_510, %parallel_loop3A_511] {strides = array<i32>} : memref<80x64xf32, #tpu.memory_space<vmem>>, vector<16xf32>,
        %parallel_loop3A_513 = arith.mulf %parallel_loop3A_512, %parallel_loop3A_509 : vector<16xf32>
        %parallel_loop3A_514 = arith.index_cast %parallel_loop3A_504 : i32 to index
        %parallel_loop3A_515 = arith.constant 0 : index
        %parallel_loop3A_516 = tpu.vector_load %arg20[%parallel_loop3A_514, %parallel_loop3A_515] {strides = array<i32>} : memref<80x64xf32, #tpu.memory_space<vmem>>, vector<16xf32>,
        tpu.vector_store %arg20[%parallel_loop3A_514, %parallel_loop3A_515], %parallel_loop3A_513 {strides = array<i32>} : memref<80x64xf32, #tpu.memory_space<vmem>>, vector<16xf32>,
        %parallel_loop3A_517 = arith.index_cast %parallel_loop3A_504 : i32 to index
        %parallel_loop3A_518 = arith.constant 16 : index
        %parallel_loop3A_519 = tpu.vector_load %arg18[%parallel_loop3A_517, %parallel_loop3A_518] {strides = array<i32>} : memref<80x64xf32, #tpu.memory_space<vmem>>, vector<16xf32>,
        %parallel_loop3A_520 = arith.mulf %parallel_loop3A_519, %parallel_loop3A_509 : vector<16xf32>
        %parallel_loop3A_521 = arith.index_cast %parallel_loop3A_504 : i32 to index
        %parallel_loop3A_522 = arith.constant 16 : index
        %parallel_loop3A_523 = tpu.vector_load %arg20[%parallel_loop3A_521, %parallel_loop3A_522] {strides = array<i32>} : memref<80x64xf32, #tpu.memory_space<vmem>>, vector<16xf32>,
        tpu.vector_store %arg20[%parallel_loop3A_521, %parallel_loop3A_522], %parallel_loop3A_520 {strides = array<i32>} : memref<80x64xf32, #tpu.memory_space<vmem>>, vector<16xf32>,
        %parallel_loop3A_524 = arith.index_cast %parallel_loop3A_504 : i32 to index
        %parallel_loop3A_525 = arith.constant 32 : index
        %parallel_loop3A_526 = tpu.vector_load %arg18[%parallel_loop3A_524, %parallel_loop3A_525] {strides = array<i32>} : memref<80x64xf32, #tpu.memory_space<vmem>>, vector<16xf32>,
        %parallel_loop3A_527 = arith.mulf %parallel_loop3A_526, %parallel_loop3A_509 : vector<16xf32>
        %parallel_loop3A_528 = arith.index_cast %parallel_loop3A_504 : i32 to index
        %parallel_loop3A_529 = arith.constant 32 : index
        %parallel_loop3A_530 = tpu.vector_load %arg20[%parallel_loop3A_528, %parallel_loop3A_529] {strides = array<i32>} : memref<80x64xf32, #tpu.memory_space<vmem>>, vector<16xf32>,
        tpu.vector_store %arg20[%parallel_loop3A_528, %parallel_loop3A_529], %parallel_loop3A_527 {strides = array<i32>} : memref<80x64xf32, #tpu.memory_space<vmem>>, vector<16xf32>,
        %parallel_loop3A_531 = arith.index_cast %parallel_loop3A_504 : i32 to index
        %parallel_loop3A_532 = arith.constant 48 : index
        %parallel_loop3A_533 = tpu.vector_load %arg18[%parallel_loop3A_531, %parallel_loop3A_532] {strides = array<i32>} : memref<80x64xf32, #tpu.memory_space<vmem>>, vector<16xf32>,
        %parallel_loop3A_534 = arith.mulf %parallel_loop3A_533, %parallel_loop3A_509 : vector<16xf32>
        %parallel_loop3A_535 = arith.index_cast %parallel_loop3A_504 : i32 to index
        %parallel_loop3A_536 = arith.constant 48 : index
        %parallel_loop3A_537 = tpu.vector_load %arg20[%parallel_loop3A_535, %parallel_loop3A_536] {strides = array<i32>} : memref<80x64xf32, #tpu.memory_space<vmem>>, vector<16xf32>,
        tpu.vector_store %arg20[%parallel_loop3A_535, %parallel_loop3A_536], %parallel_loop3A_534 {strides = array<i32>} : memref<80x64xf32, #tpu.memory_space<vmem>>, vector<16xf32>,
      } {sc.loop_unroll_factor = 4 : i64, sc.parallel_access}
      %add3A_491 = arith.constant 2 : i32
      %add3A_492 = arith.addi %add3A_347, %add3A_491 : i32
      %lt3A_493 = arith.constant 125 : i32
      %lt3A_494 = arith.cmpi slt, %add3A_492, %lt3A_493 : i32
      %convert_element_type3A_495 = arith.extui %lt3A_494 : i1 to i32
      %cond3A_496 = arith.constant 0 : i32
      %cond3A_497 = arith.cmpi ne, %convert_element_type3A_495, %cond3A_496 : i32
      scf.if %cond3A_497 {
        %add3A_504 = arith.constant 2 : i32
        %add3A_505 = arith.addi %add3A_347, %add3A_504 : i32
        %mul3A_506 = arith.constant 80 : i32
        %mul3A_507 = arith.muli %add3A_505, %mul3A_506 : i32
        %dma_start3A_508 = tpu.memref_slice %arg10[%mul3A_507] : memref<10000xi32, #tpu.memory_space<vmem>> -> memref<80xi32, #tpu.memory_space<vmem>>
        %dma_start3A_509 = arith.constant 0 : i32
        %dma_start3A_510 = arith.constant 0 : i32
        %dma_start3A_511 = tpu.memref_slice %arg8[%dma_start3A_509, %dma_start3A_510] : memref<10000x64xf32, #tpu.memory_space<hbm>> -> memref<10000x64xf32, #tpu.memory_space<hbm>>
        tpu.enqueue_indirect_dma source(%dma_start3A_511 : memref<10000x64xf32, #tpu.memory_space<hbm>>) target(%arg18 : memref<80x64xf32, #tpu.memory_space<vmem>>) offsets(%dma_start3A_508 : memref<80xi32, #tpu.memory_space<vmem>>) semaphore(%arg23 : memref<!tpu.dma_semaphore, #tpu.memory_space<semaphore_mem>>)
      } else {
      }
      %dma_start3A_498 = arith.constant 0 : i32
      %dma_start3A_499 = tpu.memref_slice %arg11[%add3A_347, %dma_start3A_498] : memref<125x80xi32, #tpu.memory_space<vmem>> -> memref<1x80xi32, #tpu.memory_space<vmem>>
      %dma_start3A_500 = tpu.memref_squeeze %dma_start3A_499 : memref<1x80xi32, #tpu.memory_space<vmem>> -> memref<80xi32, #tpu.memory_space<vmem>>
      %dma_start3A_501 = arith.constant 0 : i32
      %dma_start3A_502 = arith.constant 0 : i32
      %dma_start3A_503 = tpu.memref_slice %arg21[%dma_start3A_501, %dma_start3A_502] : memref<10240x64xf32, #tpu.memory_space<vmem_shared>> -> memref<10240x64xf32, #tpu.memory_space<vmem_shared>>
      tpu.enqueue_indirect_dma source(%arg20 : memref<80x64xf32, #tpu.memory_space<vmem>>) target(%dma_start3A_503 : memref<10240x64xf32, #tpu.memory_space<vmem_shared>>) offsets(%dma_start3A_500 : memref<80xi32, #tpu.memory_space<vmem>>) semaphore(%arg25 : memref<!tpu.dma_semaphore, #tpu.memory_space<semaphore_mem>>) {add = true}
    }
    %scan3A_41 = arith.constant 62 : i32
    %dma_wait3A = arith.constant 0 : i32
    %dma_wait3A_42 = tpu.memref_slice %arg10[%dma_wait3A] : memref<10000xi32, #tpu.memory_space<vmem>> -> memref<80xi32, #tpu.memory_space<vmem>>
    %dma_wait3A_43 = arith.constant 0 : i32
    %dma_wait3A_44 = arith.constant 0 : i32
    %dma_wait3A_45 = tpu.memref_slice %arg8[%dma_wait3A_43, %dma_wait3A_44] : memref<10000x64xf32, #tpu.memory_space<hbm>> -> memref<10000x64xf32, #tpu.memory_space<hbm>>
    tpu.wait_indirect_dma semaphore(%arg22 : memref<!tpu.dma_semaphore, #tpu.memory_space<semaphore_mem>>) src(%dma_wait3A_45 : memref<10000x64xf32, #tpu.memory_space<hbm>>) dst(%arg17 : memref<80x64xf32, #tpu.memory_space<vmem>>)
    %dma_wait3A_46 = arith.constant 0 : i32
    %dma_wait3A_47 = arith.constant 0 : i32
    %dma_wait3A_48 = tpu.memref_slice %arg11[%dma_wait3A_46, %dma_wait3A_47] : memref<125x80xi32, #tpu.memory_space<vmem>> -> memref<1x80xi32, #tpu.memory_space<vmem>>
    %dma_wait3A_49 = tpu.memref_squeeze %dma_wait3A_48 : memref<1x80xi32, #tpu.memory_space<vmem>> -> memref<80xi32, #tpu.memory_space<vmem>>
    %dma_wait3A_50 = arith.constant 0 : i32
    %dma_wait3A_51 = arith.constant 0 : i32
    %dma_wait3A_52 = tpu.memref_slice %arg21[%dma_wait3A_50, %dma_wait3A_51] : memref<10240x64xf32, #tpu.memory_space<vmem_shared>> -> memref<10240x64xf32, #tpu.memory_space<vmem_shared>>
    tpu.wait_indirect_dma semaphore(%arg24 : memref<!tpu.dma_semaphore, #tpu.memory_space<semaphore_mem>>) src(%arg19 : memref<80x64xf32, #tpu.memory_space<vmem>>) dst(%dma_wait3A_52 : memref<10240x64xf32, #tpu.memory_space<vmem_shared>>)
    %get3A = arith.constant 9920 : index
    %get3A_53 = tpu.vector_load %arg10[%get3A] {strides = array<i32>} : memref<10000xi32, #tpu.memory_space<vmem>>, vector<16xi32>,
    %get3A_54 = arith.constant 124 : i32
    %get3A_55 = arith.index_cast %get3A_54 : i32 to index
    %get3A_56 = arith.constant 0 : index
    %get3A_57 = tpu.vector_load %arg11[%get3A_55, %get3A_56] {strides = array<i32>} : memref<125x80xi32, #tpu.memory_space<vmem>>, vector<16xi32>,
    %get3A_58 = arith.constant 9920 : index
    %get3A_59 = tpu.vector_load %arg12[%get3A_58] {strides = array<i32>} : memref<10000xi32, #tpu.memory_space<vmem>>, vector<16xi32>,
    %gather3A = tpu.vector_load_idx %arg13[%get3A_53] : memref<10240xf32, #tpu.memory_space<vmem>>[vector<16xi32>], vector<16xf32>,
    %gather3A_60 = tpu.vector_load_idx %arg14[%get3A_57] : memref<10240xf32, #tpu.memory_space<vmem>>[vector<16xi32>], vector<16xf32>,
    %add3A_61 = arith.addf %gather3A, %gather3A_60 : vector<16xf32>
    %gather3A_62 = tpu.vector_load_idx %arg15[%get3A_59] : memref<128xf32, #tpu.memory_space<vmem>>[vector<16xi32>], vector<16xf32>,
    %add3A_63 = arith.addf %add3A_61, %gather3A_62 : vector<16xf32>
    %ge3A = arith.constant 0.000000e+00 : f32
    %ge3A_64 = vector.broadcast %ge3A : f32 to vector<16xf32>
    %ge3A_65 = arith.cmpf oge, %add3A_63, %ge3A_64 : vector<16xf32>
    %mul3A_66 = arith.constant 2.000000e-01 : f32
    %mul3A_67 = vector.broadcast %mul3A_66 : f32 to vector<16xf32>
    %mul3A_68 = arith.mulf %mul3A_67, %add3A_63 : vector<16xf32>
    %select_n3A = arith.select %ge3A_65, %add3A_63, %mul3A_68 : vector<16xi1>, vector<16xf32>
    %exp3A = math.exp %select_n3A : vector<16xf32>
    %swap3A = arith.constant 9920 : index
    %swap3A_69 = tpu.vector_load %arg16[%swap3A] {strides = array<i32>} : memref<10000xf32, #tpu.memory_space<vmem>>, vector<16xf32>,
    tpu.vector_store %arg16[%swap3A], %exp3A {strides = array<i32>} : memref<10000xf32, #tpu.memory_space<vmem>>, vector<16xf32>,
    %get3A_70 = arith.constant 9936 : index
    %get3A_71 = tpu.vector_load %arg10[%get3A_70] {strides = array<i32>} : memref<10000xi32, #tpu.memory_space<vmem>>, vector<16xi32>,
    %get3A_72 = arith.constant 124 : i32
    %get3A_73 = arith.index_cast %get3A_72 : i32 to index
    %get3A_74 = arith.constant 16 : index
    %get3A_75 = tpu.vector_load %arg11[%get3A_73, %get3A_74] {strides = array<i32>} : memref<125x80xi32, #tpu.memory_space<vmem>>, vector<16xi32>,
    %get3A_76 = arith.constant 9936 : index
    %get3A_77 = tpu.vector_load %arg12[%get3A_76] {strides = array<i32>} : memref<10000xi32, #tpu.memory_space<vmem>>, vector<16xi32>,
    %gather3A_78 = tpu.vector_load_idx %arg13[%get3A_71] : memref<10240xf32, #tpu.memory_space<vmem>>[vector<16xi32>], vector<16xf32>,
    %gather3A_79 = tpu.vector_load_idx %arg14[%get3A_75] : memref<10240xf32, #tpu.memory_space<vmem>>[vector<16xi32>], vector<16xf32>,
    %add3A_80 = arith.addf %gather3A_78, %gather3A_79 : vector<16xf32>
    %gather3A_81 = tpu.vector_load_idx %arg15[%get3A_77] : memref<128xf32, #tpu.memory_space<vmem>>[vector<16xi32>], vector<16xf32>,
    %add3A_82 = arith.addf %add3A_80, %gather3A_81 : vector<16xf32>
    %ge3A_83 = arith.constant 0.000000e+00 : f32
    %ge3A_84 = vector.broadcast %ge3A_83 : f32 to vector<16xf32>
    %ge3A_85 = arith.cmpf oge, %add3A_82, %ge3A_84 : vector<16xf32>
    %mul3A_86 = arith.constant 2.000000e-01 : f32
    %mul3A_87 = vector.broadcast %mul3A_86 : f32 to vector<16xf32>
    %mul3A_88 = arith.mulf %mul3A_87, %add3A_82 : vector<16xf32>
    %select_n3A_89 = arith.select %ge3A_85, %add3A_82, %mul3A_88 : vector<16xi1>, vector<16xf32>
    %exp3A_90 = math.exp %select_n3A_89 : vector<16xf32>
    %swap3A_91 = arith.constant 9936 : index
    %swap3A_92 = tpu.vector_load %arg16[%swap3A_91] {strides = array<i32>} : memref<10000xf32, #tpu.memory_space<vmem>>, vector<16xf32>,
    tpu.vector_store %arg16[%swap3A_91], %exp3A_90 {strides = array<i32>} : memref<10000xf32, #tpu.memory_space<vmem>>, vector<16xf32>,
    %get3A_93 = arith.constant 9952 : index
    %get3A_94 = tpu.vector_load %arg10[%get3A_93] {strides = array<i32>} : memref<10000xi32, #tpu.memory_space<vmem>>, vector<16xi32>,
    %get3A_95 = arith.constant 124 : i32
    %get3A_96 = arith.index_cast %get3A_95 : i32 to index
    %get3A_97 = arith.constant 32 : index
    %get3A_98 = tpu.vector_load %arg11[%get3A_96, %get3A_97] {strides = array<i32>} : memref<125x80xi32, #tpu.memory_space<vmem>>, vector<16xi32>,
    %get3A_99 = arith.constant 9952 : index
    %get3A_100 = tpu.vector_load %arg12[%get3A_99] {strides = array<i32>} : memref<10000xi32, #tpu.memory_space<vmem>>, vector<16xi32>,
    %gather3A_101 = tpu.vector_load_idx %arg13[%get3A_94] : memref<10240xf32, #tpu.memory_space<vmem>>[vector<16xi32>], vector<16xf32>,
    %gather3A_102 = tpu.vector_load_idx %arg14[%get3A_98] : memref<10240xf32, #tpu.memory_space<vmem>>[vector<16xi32>], vector<16xf32>,
    %add3A_103 = arith.addf %gather3A_101, %gather3A_102 : vector<16xf32>
    %gather3A_104 = tpu.vector_load_idx %arg15[%get3A_100] : memref<128xf32, #tpu.memory_space<vmem>>[vector<16xi32>], vector<16xf32>,
    %add3A_105 = arith.addf %add3A_103, %gather3A_104 : vector<16xf32>
    %ge3A_106 = arith.constant 0.000000e+00 : f32
    %ge3A_107 = vector.broadcast %ge3A_106 : f32 to vector<16xf32>
    %ge3A_108 = arith.cmpf oge, %add3A_105, %ge3A_107 : vector<16xf32>
    %mul3A_109 = arith.constant 2.000000e-01 : f32
    %mul3A_110 = vector.broadcast %mul3A_109 : f32 to vector<16xf32>
    %mul3A_111 = arith.mulf %mul3A_110, %add3A_105 : vector<16xf32>
    %select_n3A_112 = arith.select %ge3A_108, %add3A_105, %mul3A_111 : vector<16xi1>, vector<16xf32>
    %exp3A_113 = math.exp %select_n3A_112 : vector<16xf32>
    %swap3A_114 = arith.constant 9952 : index
    %swap3A_115 = tpu.vector_load %arg16[%swap3A_114] {strides = array<i32>} : memref<10000xf32, #tpu.memory_space<vmem>>, vector<16xf32>,
    tpu.vector_store %arg16[%swap3A_114], %exp3A_113 {strides = array<i32>} : memref<10000xf32, #tpu.memory_space<vmem>>, vector<16xf32>,
    %get3A_116 = arith.constant 9968 : index
    %get3A_117 = tpu.vector_load %arg10[%get3A_116] {strides = array<i32>} : memref<10000xi32, #tpu.memory_space<vmem>>, vector<16xi32>,
    %get3A_118 = arith.constant 124 : i32
    %get3A_119 = arith.index_cast %get3A_118 : i32 to index
    %get3A_120 = arith.constant 48 : index
    %get3A_121 = tpu.vector_load %arg11[%get3A_119, %get3A_120] {strides = array<i32>} : memref<125x80xi32, #tpu.memory_space<vmem>>, vector<16xi32>,
    %get3A_122 = arith.constant 9968 : index
    %get3A_123 = tpu.vector_load %arg12[%get3A_122] {strides = array<i32>} : memref<10000xi32, #tpu.memory_space<vmem>>, vector<16xi32>,
    %gather3A_124 = tpu.vector_load_idx %arg13[%get3A_117] : memref<10240xf32, #tpu.memory_space<vmem>>[vector<16xi32>], vector<16xf32>,
    %gather3A_125 = tpu.vector_load_idx %arg14[%get3A_121] : memref<10240xf32, #tpu.memory_space<vmem>>[vector<16xi32>], vector<16xf32>,
    %add3A_126 = arith.addf %gather3A_124, %gather3A_125 : vector<16xf32>
    %gather3A_127 = tpu.vector_load_idx %arg15[%get3A_123] : memref<128xf32, #tpu.memory_space<vmem>>[vector<16xi32>], vector<16xf32>,
    %add3A_128 = arith.addf %add3A_126, %gather3A_127 : vector<16xf32>
    %ge3A_129 = arith.constant 0.000000e+00 : f32
    %ge3A_130 = vector.broadcast %ge3A_129 : f32 to vector<16xf32>
    %ge3A_131 = arith.cmpf oge, %add3A_128, %ge3A_130 : vector<16xf32>
    %mul3A_132 = arith.constant 2.000000e-01 : f32
    %mul3A_133 = vector.broadcast %mul3A_132 : f32 to vector<16xf32>
    %mul3A_134 = arith.mulf %mul3A_133, %add3A_128 : vector<16xf32>
    %select_n3A_135 = arith.select %ge3A_131, %add3A_128, %mul3A_134 : vector<16xi1>, vector<16xf32>
    %exp3A_136 = math.exp %select_n3A_135 : vector<16xf32>
    %swap3A_137 = arith.constant 9968 : index
    %swap3A_138 = tpu.vector_load %arg16[%swap3A_137] {strides = array<i32>} : memref<10000xf32, #tpu.memory_space<vmem>>, vector<16xf32>,
    tpu.vector_store %arg16[%swap3A_137], %exp3A_136 {strides = array<i32>} : memref<10000xf32, #tpu.memory_space<vmem>>, vector<16xf32>,
    %get3A_139 = arith.constant 9984 : index
    %get3A_140 = tpu.vector_load %arg10[%get3A_139] {strides = array<i32>} : memref<10000xi32, #tpu.memory_space<vmem>>, vector<16xi32>,
    %get3A_141 = arith.constant 124 : i32
    %get3A_142 = arith.index_cast %get3A_141 : i32 to index
    %get3A_143 = arith.constant 64 : index
    %get3A_144 = tpu.vector_load %arg11[%get3A_142, %get3A_143] {strides = array<i32>} : memref<125x80xi32, #tpu.memory_space<vmem>>, vector<16xi32>,
    %get3A_145 = arith.constant 9984 : index
    %get3A_146 = tpu.vector_load %arg12[%get3A_145] {strides = array<i32>} : memref<10000xi32, #tpu.memory_space<vmem>>, vector<16xi32>,
    %gather3A_147 = tpu.vector_load_idx %arg13[%get3A_140] : memref<10240xf32, #tpu.memory_space<vmem>>[vector<16xi32>], vector<16xf32>,
    %gather3A_148 = tpu.vector_load_idx %arg14[%get3A_144] : memref<10240xf32, #tpu.memory_space<vmem>>[vector<16xi32>], vector<16xf32>,
    %add3A_149 = arith.addf %gather3A_147, %gather3A_148 : vector<16xf32>
    %gather3A_150 = tpu.vector_load_idx %arg15[%get3A_146] : memref<128xf32, #tpu.memory_space<vmem>>[vector<16xi32>], vector<16xf32>,
    %add3A_151 = arith.addf %add3A_149, %gather3A_150 : vector<16xf32>
    %ge3A_152 = arith.constant 0.000000e+00 : f32
    %ge3A_153 = vector.broadcast %ge3A_152 : f32 to vector<16xf32>
    %ge3A_154 = arith.cmpf oge, %add3A_151, %ge3A_153 : vector<16xf32>
    %mul3A_155 = arith.constant 2.000000e-01 : f32
    %mul3A_156 = vector.broadcast %mul3A_155 : f32 to vector<16xf32>
    %mul3A_157 = arith.mulf %mul3A_156, %add3A_151 : vector<16xf32>
    %select_n3A_158 = arith.select %ge3A_154, %add3A_151, %mul3A_157 : vector<16xi1>, vector<16xf32>
    %exp3A_159 = math.exp %select_n3A_158 : vector<16xf32>
    %swap3A_160 = arith.constant 9984 : index
    %swap3A_161 = tpu.vector_load %arg16[%swap3A_160] {strides = array<i32>} : memref<10000xf32, #tpu.memory_space<vmem>>, vector<16xf32>,
    tpu.vector_store %arg16[%swap3A_160], %exp3A_159 {strides = array<i32>} : memref<10000xf32, #tpu.memory_space<vmem>>, vector<16xf32>,
    %parallel_loop3A = arith.constant 0 : i32
    %parallel_loop3A_162 = arith.constant 80 : i32
    %parallel_loop3A_163 = arith.constant 1 : i32
    scf.for %parallel_loop3A_186 = %parallel_loop3A to %parallel_loop3A_162 step %parallel_loop3A_163  : i32 {
      %parallel_loop3A_187 = arith.constant 9920 : i32
      %parallel_loop3A_188 = arith.addi %parallel_loop3A_187, %parallel_loop3A_186 : i32
      %parallel_loop3A_189 = vector.broadcast %parallel_loop3A_188 : i32 to vector<16xi32>
      %parallel_loop3A_190 = tpu.vector_load_idx %arg16[%parallel_loop3A_189] : memref<10000xf32, #tpu.memory_space<vmem>>[vector<16xi32>], vector<16xf32>,
      %parallel_loop3A_191 = arith.index_cast %parallel_loop3A_186 : i32 to index
      %parallel_loop3A_192 = arith.constant 0 : index
      %parallel_loop3A_193 = tpu.vector_load %arg17[%parallel_loop3A_191, %parallel_loop3A_192] {strides = array<i32>} : memref<80x64xf32, #tpu.memory_space<vmem>>, vector<16xf32>,
      %parallel_loop3A_194 = arith.mulf %parallel_loop3A_193, %parallel_loop3A_190 : vector<16xf32>
      %parallel_loop3A_195 = arith.index_cast %parallel_loop3A_186 : i32 to index
      %parallel_loop3A_196 = arith.constant 0 : index
      %parallel_loop3A_197 = tpu.vector_load %arg19[%parallel_loop3A_195, %parallel_loop3A_196] {strides = array<i32>} : memref<80x64xf32, #tpu.memory_space<vmem>>, vector<16xf32>,
      tpu.vector_store %arg19[%parallel_loop3A_195, %parallel_loop3A_196], %parallel_loop3A_194 {strides = array<i32>} : memref<80x64xf32, #tpu.memory_space<vmem>>, vector<16xf32>,
      %parallel_loop3A_198 = arith.index_cast %parallel_loop3A_186 : i32 to index
      %parallel_loop3A_199 = arith.constant 16 : index
      %parallel_loop3A_200 = tpu.vector_load %arg17[%parallel_loop3A_198, %parallel_loop3A_199] {strides = array<i32>} : memref<80x64xf32, #tpu.memory_space<vmem>>, vector<16xf32>,
      %parallel_loop3A_201 = arith.mulf %parallel_loop3A_200, %parallel_loop3A_190 : vector<16xf32>
      %parallel_loop3A_202 = arith.index_cast %parallel_loop3A_186 : i32 to index
      %parallel_loop3A_203 = arith.constant 16 : index
      %parallel_loop3A_204 = tpu.vector_load %arg19[%parallel_loop3A_202, %parallel_loop3A_203] {strides = array<i32>} : memref<80x64xf32, #tpu.memory_space<vmem>>, vector<16xf32>,
      tpu.vector_store %arg19[%parallel_loop3A_202, %parallel_loop3A_203], %parallel_loop3A_201 {strides = array<i32>} : memref<80x64xf32, #tpu.memory_space<vmem>>, vector<16xf32>,
      %parallel_loop3A_205 = arith.index_cast %parallel_loop3A_186 : i32 to index
      %parallel_loop3A_206 = arith.constant 32 : index
      %parallel_loop3A_207 = tpu.vector_load %arg17[%parallel_loop3A_205, %parallel_loop3A_206] {strides = array<i32>} : memref<80x64xf32, #tpu.memory_space<vmem>>, vector<16xf32>,
      %parallel_loop3A_208 = arith.mulf %parallel_loop3A_207, %parallel_loop3A_190 : vector<16xf32>
      %parallel_loop3A_209 = arith.index_cast %parallel_loop3A_186 : i32 to index
      %parallel_loop3A_210 = arith.constant 32 : index
      %parallel_loop3A_211 = tpu.vector_load %arg19[%parallel_loop3A_209, %parallel_loop3A_210] {strides = array<i32>} : memref<80x64xf32, #tpu.memory_space<vmem>>, vector<16xf32>,
      tpu.vector_store %arg19[%parallel_loop3A_209, %parallel_loop3A_210], %parallel_loop3A_208 {strides = array<i32>} : memref<80x64xf32, #tpu.memory_space<vmem>>, vector<16xf32>,
      %parallel_loop3A_212 = arith.index_cast %parallel_loop3A_186 : i32 to index
      %parallel_loop3A_213 = arith.constant 48 : index
      %parallel_loop3A_214 = tpu.vector_load %arg17[%parallel_loop3A_212, %parallel_loop3A_213] {strides = array<i32>} : memref<80x64xf32, #tpu.memory_space<vmem>>, vector<16xf32>,
      %parallel_loop3A_215 = arith.mulf %parallel_loop3A_214, %parallel_loop3A_190 : vector<16xf32>
      %parallel_loop3A_216 = arith.index_cast %parallel_loop3A_186 : i32 to index
      %parallel_loop3A_217 = arith.constant 48 : index
      %parallel_loop3A_218 = tpu.vector_load %arg19[%parallel_loop3A_216, %parallel_loop3A_217] {strides = array<i32>} : memref<80x64xf32, #tpu.memory_space<vmem>>, vector<16xf32>,
      tpu.vector_store %arg19[%parallel_loop3A_216, %parallel_loop3A_217], %parallel_loop3A_215 {strides = array<i32>} : memref<80x64xf32, #tpu.memory_space<vmem>>, vector<16xf32>,
    } {sc.loop_unroll_factor = 4 : i64, sc.parallel_access}
    %dma_start3A_164 = arith.constant 124 : i32
    %dma_start3A_165 = arith.constant 0 : i32
    %dma_start3A_166 = tpu.memref_slice %arg11[%dma_start3A_164, %dma_start3A_165] : memref<125x80xi32, #tpu.memory_space<vmem>> -> memref<1x80xi32, #tpu.memory_space<vmem>>
    %dma_start3A_167 = tpu.memref_squeeze %dma_start3A_166 : memref<1x80xi32, #tpu.memory_space<vmem>> -> memref<80xi32, #tpu.memory_space<vmem>>
    %dma_start3A_168 = arith.constant 0 : i32
    %dma_start3A_169 = arith.constant 0 : i32
    %dma_start3A_170 = tpu.memref_slice %arg21[%dma_start3A_168, %dma_start3A_169] : memref<10240x64xf32, #tpu.memory_space<vmem_shared>> -> memref<10240x64xf32, #tpu.memory_space<vmem_shared>>
    tpu.enqueue_indirect_dma source(%arg19 : memref<80x64xf32, #tpu.memory_space<vmem>>) target(%dma_start3A_170 : memref<10240x64xf32, #tpu.memory_space<vmem_shared>>) offsets(%dma_start3A_167 : memref<80xi32, #tpu.memory_space<vmem>>) semaphore(%arg24 : memref<!tpu.dma_semaphore, #tpu.memory_space<semaphore_mem>>) {add = true}
    %dma_wait3A_171 = arith.constant 0 : i32
    %dma_wait3A_172 = arith.constant 0 : i32
    %dma_wait3A_173 = tpu.memref_slice %arg11[%dma_wait3A_171, %dma_wait3A_172] : memref<125x80xi32, #tpu.memory_space<vmem>> -> memref<1x80xi32, #tpu.memory_space<vmem>>
    %dma_wait3A_174 = tpu.memref_squeeze %dma_wait3A_173 : memref<1x80xi32, #tpu.memory_space<vmem>> -> memref<80xi32, #tpu.memory_space<vmem>>
    %dma_wait3A_175 = arith.constant 0 : i32
    %dma_wait3A_176 = arith.constant 0 : i32
    %dma_wait3A_177 = tpu.memref_slice %arg21[%dma_wait3A_175, %dma_wait3A_176] : memref<10240x64xf32, #tpu.memory_space<vmem_shared>> -> memref<10240x64xf32, #tpu.memory_space<vmem_shared>>
    tpu.wait_indirect_dma semaphore(%arg25 : memref<!tpu.dma_semaphore, #tpu.memory_space<semaphore_mem>>) src(%arg20 : memref<80x64xf32, #tpu.memory_space<vmem>>) dst(%dma_wait3A_177 : memref<10240x64xf32, #tpu.memory_space<vmem_shared>>)
    %dma_wait3A_178 = arith.constant 0 : i32
    %dma_wait3A_179 = arith.constant 0 : i32
    %dma_wait3A_180 = tpu.memref_slice %arg11[%dma_wait3A_178, %dma_wait3A_179] : memref<125x80xi32, #tpu.memory_space<vmem>> -> memref<1x80xi32, #tpu.memory_space<vmem>>
    %dma_wait3A_181 = tpu.memref_squeeze %dma_wait3A_180 : memref<1x80xi32, #tpu.memory_space<vmem>> -> memref<80xi32, #tpu.memory_space<vmem>>
    %dma_wait3A_182 = arith.constant 0 : i32
    %dma_wait3A_183 = arith.constant 0 : i32
    %dma_wait3A_184 = tpu.memref_slice %arg21[%dma_wait3A_182, %dma_wait3A_183] : memref<10240x64xf32, #tpu.memory_space<vmem_shared>> -> memref<10240x64xf32, #tpu.memory_space<vmem_shared>>
    tpu.wait_indirect_dma semaphore(%arg24 : memref<!tpu.dma_semaphore, #tpu.memory_space<semaphore_mem>>) src(%arg19 : memref<80x64xf32, #tpu.memory_space<vmem>>) dst(%dma_wait3A_184 : memref<10240x64xf32, #tpu.memory_space<vmem_shared>>)
    %barrier3A_185 = arith.constant 0 : index
    tpu.barrier barrier_id(%barrier3A_185)
    "tpu.region"() ({
      %run_scoped3A = tpu.sem_alloc : memref<!tpu.dma_semaphore, #tpu.memory_space<semaphore_mem>>
      %dma_start3A_186 = arith.constant 0 : i32
      %dma_start3A_187 = tpu.memref_slice %arg9[%arg0, %multiple_of3A_10, %dma_start3A_186] : memref<2x10240x64xf32, #tpu.memory_space<hbm>> -> memref<1x640x64xf32, #tpu.memory_space<hbm>>
      %dma_start3A_188 = tpu.memref_squeeze %dma_start3A_187 : memref<1x640x64xf32, #tpu.memory_space<hbm>> -> memref<640x64xf32, #tpu.memory_space<hbm>>
      %dma_start3A_189 = arith.constant 0 : i32
      %dma_start3A_190 = tpu.memref_slice %arg21[%multiple_of3A_10, %dma_start3A_189] : memref<10240x64xf32, #tpu.memory_space<vmem_shared>> -> memref<640x64xf32, #tpu.memory_space<vmem_shared>>
      tpu.enqueue_dma source(%dma_start3A_190 : memref<640x64xf32, #tpu.memory_space<vmem_shared>>) target(%dma_start3A_188 : memref<640x64xf32, #tpu.memory_space<hbm>>) target_semaphore(%run_scoped3A : memref<!tpu.dma_semaphore, #tpu.memory_space<semaphore_mem>>)
      %dma_wait3A_191 = arith.constant 0 : i32
      %dma_wait3A_192 = tpu.memref_slice %arg9[%arg0, %multiple_of3A_10, %dma_wait3A_191] : memref<2x10240x64xf32, #tpu.memory_space<hbm>> -> memref<1x640x64xf32, #tpu.memory_space<hbm>>
      %dma_wait3A_193 = tpu.memref_squeeze %dma_wait3A_192 : memref<1x640x64xf32, #tpu.memory_space<hbm>> -> memref<640x64xf32, #tpu.memory_space<hbm>>
      %dma_wait3A_194 = arith.constant 0 : i32
      %dma_wait3A_195 = tpu.memref_slice %arg21[%multiple_of3A_10, %dma_wait3A_194] : memref<10240x64xf32, #tpu.memory_space<vmem_shared>> -> memref<640x64xf32, #tpu.memory_space<vmem_shared>>
      tpu.wait_dma2 semaphore(%run_scoped3A : memref<!tpu.dma_semaphore, #tpu.memory_space<semaphore_mem>>) src(%dma_wait3A_195 : memref<640x64xf32, #tpu.memory_space<vmem_shared>>) dst(%dma_wait3A_193 : memref<640x64xf32, #tpu.memory_space<hbm>>)
      tpu.yield
    }) : () -> ()
    return
  }
}

module attributes {stable_mosaic.version = 14 : i64} {
  func.func @_tc_proj_body(%arg0: memref<10000x128xf32, #tpu.memory_space<vmem>>, %arg1: memref<128x128xf32, #tpu.memory_space<vmem>>, %arg2: memref<128x8xf32, #tpu.memory_space<vmem>>, %arg3: memref<100x128xf32, #tpu.memory_space<vmem>>, %arg4: memref<40x100xf32, #tpu.memory_space<vmem>>, %arg5: memref<128x8xf32, #tpu.memory_space<vmem>>, %arg6: memref<10000x64xf32, #tpu.memory_space<vmem>>, %arg7: memref<10000x64xf32, #tpu.memory_space<vmem>>, %arg8: memref<10000x8xf32, #tpu.memory_space<vmem>>, %arg9: memref<40x8xf32, #tpu.memory_space<vmem>>) attributes {dimension_semantics = [], scalar_prefetch = 0 : i64, scratch_operands = 0 : i64, tpu.core_type = #tpu.core_type<tc>} {
    %get3A = arith.constant 0 : index
    %get3A_0 = arith.constant 0 : index
    %get3A_1 = vector.load %arg0[%get3A, %get3A_0] : memref<10000x128xf32, #tpu.memory_space<vmem>>, vector<10000x128xf32>
    %get3A_2 = arith.constant 0 : index
    %get3A_3 = arith.constant 0 : index
    %get3A_4 = vector.load %arg1[%get3A_2, %get3A_3] : memref<128x128xf32, #tpu.memory_space<vmem>>, vector<128x128xf32>
    %dot_general3A = arith.constant dense<0.000000e+00> : vector<10000x128xf32>
    %dot_general3A_5 = tpu.matmul %get3A_1, %get3A_4, %dot_general3A {dimension_numbers = #tpu.dot_dimension_numbers<[1], [0], [0], [1], [0, 0, 1, 1], [], []>, transpose_lhs_hint = false} : vector<10000x128xf32>, vector<128x128xf32>, vector<10000x128xf32> -> vector<10000x128xf32>
    %slice3A = vector.extract_strided_slice %dot_general3A_5 {offsets = [0, 0], sizes = [10000, 64], strides = [1, 1]} : vector<10000x128xf32> to vector<10000x64xf32>
    %swap3A = arith.constant 0 : index
    %swap3A_6 = arith.constant 0 : index
    %swap3A_7 = vector.load %arg6[%swap3A, %swap3A_6] : memref<10000x64xf32, #tpu.memory_space<vmem>>, vector<10000x64xf32>
    tpu.vector_store %arg6[%swap3A, %swap3A_6], %slice3A {strides = array<i32>} : memref<10000x64xf32, #tpu.memory_space<vmem>>, vector<10000x64xf32>,
    %slice3A_8 = vector.extract_strided_slice %dot_general3A_5 {offsets = [0, 64], sizes = [10000, 64], strides = [1, 1]} : vector<10000x128xf32> to vector<10000x64xf32>
    %swap3A_9 = arith.constant 0 : index
    %swap3A_10 = arith.constant 0 : index
    %swap3A_11 = vector.load %arg7[%swap3A_9, %swap3A_10] : memref<10000x64xf32, #tpu.memory_space<vmem>>, vector<10000x64xf32>
    tpu.vector_store %arg7[%swap3A_9, %swap3A_10], %slice3A_8 {strides = array<i32>} : memref<10000x64xf32, #tpu.memory_space<vmem>>, vector<10000x64xf32>,
    %get3A_12 = arith.constant 0 : index
    %get3A_13 = arith.constant 0 : index
    %get3A_14 = vector.load %arg2[%get3A_12, %get3A_13] : memref<128x8xf32, #tpu.memory_space<vmem>>, vector<128x8xf32>
    %dot_general3A_15 = arith.constant dense<0.000000e+00> : vector<10000x8xf32>
    %dot_general3A_16 = tpu.matmul %dot_general3A_5, %get3A_14, %dot_general3A_15 {dimension_numbers = #tpu.dot_dimension_numbers<[1], [0], [0], [1], [0, 0, 1, 1], [], []>, transpose_lhs_hint = false} : vector<10000x128xf32>, vector<128x8xf32>, vector<10000x8xf32> -> vector<10000x8xf32>
    %swap3A_17 = arith.constant 0 : index
    %swap3A_18 = arith.constant 0 : index
    %swap3A_19 = vector.load %arg8[%swap3A_17, %swap3A_18] : memref<10000x8xf32, #tpu.memory_space<vmem>>, vector<10000x8xf32>
    tpu.vector_store %arg8[%swap3A_17, %swap3A_18], %dot_general3A_16 {strides = array<i32>} : memref<10000x8xf32, #tpu.memory_space<vmem>>, vector<10000x8xf32>,
    %get3A_20 = arith.constant 0 : index
    %get3A_21 = arith.constant 0 : index
    %get3A_22 = vector.load %arg4[%get3A_20, %get3A_21] : memref<40x100xf32, #tpu.memory_space<vmem>>, vector<40x100xf32>
    %get3A_23 = arith.constant 0 : index
    %get3A_24 = arith.constant 0 : index
    %get3A_25 = vector.load %arg3[%get3A_23, %get3A_24] : memref<100x128xf32, #tpu.memory_space<vmem>>, vector<100x128xf32>
    %dot_general3A_26 = arith.constant dense<0.000000e+00> : vector<40x128xf32>
    %dot_general3A_27 = tpu.matmul %get3A_22, %get3A_25, %dot_general3A_26 {dimension_numbers = #tpu.dot_dimension_numbers<[1], [0], [0], [1], [0, 0, 1, 1], [], []>, transpose_lhs_hint = false} : vector<40x100xf32>, vector<100x128xf32>, vector<40x128xf32> -> vector<40x128xf32>
    %get3A_28 = arith.constant 0 : index
    %get3A_29 = arith.constant 0 : index
    %get3A_30 = vector.load %arg5[%get3A_28, %get3A_29] : memref<128x8xf32, #tpu.memory_space<vmem>>, vector<128x8xf32>
    %dot_general3A_31 = arith.constant dense<0.000000e+00> : vector<40x8xf32>
    %dot_general3A_32 = tpu.matmul %dot_general3A_27, %get3A_30, %dot_general3A_31 {dimension_numbers = #tpu.dot_dimension_numbers<[1], [0], [0], [1], [0, 0, 1, 1], [], []>, transpose_lhs_hint = false} : vector<40x128xf32>, vector<128x8xf32>, vector<40x8xf32> -> vector<40x8xf32>
    %swap3A_33 = arith.constant 0 : index
    %swap3A_34 = arith.constant 0 : index
    %swap3A_35 = vector.load %arg9[%swap3A_33, %swap3A_34] : memref<40x8xf32, #tpu.memory_space<vmem>>, vector<40x8xf32>
    tpu.vector_store %arg9[%swap3A_33, %swap3A_34], %dot_general3A_32 {strides = array<i32>} : memref<40x8xf32, #tpu.memory_space<vmem>>, vector<40x8xf32>,
    return
  }
}

module attributes {stable_mosaic.version = 14 : i64} {
  func.func @_tc_fin_body(%arg0: memref<2x10240x64xf32, #tpu.memory_space<vmem>>, %arg1: memref<2x10240x64xf32, #tpu.memory_space<vmem>>, %arg2: memref<2x10240xf32, #tpu.memory_space<vmem>>, %arg3: memref<10240x128xf32, #tpu.memory_space<vmem>>) attributes {dimension_semantics = [], scalar_prefetch = 0 : i64, scratch_operands = 0 : i64, tpu.core_type = #tpu.core_type<tc>} {
    %get3A = arith.constant 0 : index
    %get3A_0 = arith.constant 0 : index
    %get3A_1 = vector.load %arg2[%get3A, %get3A_0] : memref<2x10240xf32, #tpu.memory_space<vmem>>, vector<1x10240xf32>
    %get3A_2 = vector.shape_cast %get3A_1 : vector<1x10240xf32> to vector<10240xf32>
    %get3A_3 = arith.constant 1 : index
    %get3A_4 = arith.constant 0 : index
    %get3A_5 = vector.load %arg2[%get3A_3, %get3A_4] : memref<2x10240xf32, #tpu.memory_space<vmem>>, vector<1x10240xf32>
    %get3A_6 = vector.shape_cast %get3A_5 : vector<1x10240xf32> to vector<10240xf32>
    %add3A = arith.addf %get3A_2, %get3A_6 : vector<10240xf32>
    %add3A_7 = arith.constant 1.000000e-16 : f32
    %add3A_8 = vector.broadcast %add3A_7 : f32 to vector<10240xf32>
    %add3A_9 = arith.addf %add3A, %add3A_8 : vector<10240xf32>
    %get3A_10 = arith.constant 0 : index
    %get3A_11 = arith.constant 0 : index
    %get3A_12 = arith.constant 0 : index
    %get3A_13 = vector.load %arg0[%get3A_10, %get3A_11, %get3A_12] : memref<2x10240x64xf32, #tpu.memory_space<vmem>>, vector<1x10240x64xf32>
    %get3A_14 = vector.shape_cast %get3A_13 : vector<1x10240x64xf32> to vector<10240x64xf32>
    %get3A_15 = arith.constant 1 : index
    %get3A_16 = arith.constant 0 : index
    %get3A_17 = arith.constant 0 : index
    %get3A_18 = vector.load %arg0[%get3A_15, %get3A_16, %get3A_17] : memref<2x10240x64xf32, #tpu.memory_space<vmem>>, vector<1x10240x64xf32>
    %get3A_19 = vector.shape_cast %get3A_18 : vector<1x10240x64xf32> to vector<10240x64xf32>
    %add3A_20 = arith.addf %get3A_14, %get3A_19 : vector<10240x64xf32>
    %get3A_21 = arith.constant 0 : index
    %get3A_22 = arith.constant 0 : index
    %get3A_23 = arith.constant 0 : index
    %get3A_24 = vector.load %arg1[%get3A_21, %get3A_22, %get3A_23] : memref<2x10240x64xf32, #tpu.memory_space<vmem>>, vector<1x10240x64xf32>
    %get3A_25 = vector.shape_cast %get3A_24 : vector<1x10240x64xf32> to vector<10240x64xf32>
    %get3A_26 = arith.constant 1 : index
    %get3A_27 = arith.constant 0 : index
    %get3A_28 = arith.constant 0 : index
    %get3A_29 = vector.load %arg1[%get3A_26, %get3A_27, %get3A_28] : memref<2x10240x64xf32, #tpu.memory_space<vmem>>, vector<1x10240x64xf32>
    %get3A_30 = vector.shape_cast %get3A_29 : vector<1x10240x64xf32> to vector<10240x64xf32>
    %add3A_31 = arith.addf %get3A_25, %get3A_30 : vector<10240x64xf32>
    %concatenate3A = tpu.concatenate %add3A_20, %add3A_31 in 1 : vector<10240x64xf32>, vector<10240x64xf32> -> vector<10240x128xf32>
    %broadcast_in_dim3A = vector.shape_cast %add3A_9 : vector<10240xf32> to vector<10240x1xf32>
    %div3A = vector.broadcast %broadcast_in_dim3A : vector<10240x1xf32> to vector<10240x128xf32>
    %div3A_32 = arith.divf %concatenate3A, %div3A : vector<10240x128xf32>
    %gt3A = arith.constant 0.000000e+00 : f32
    %gt3A_33 = vector.broadcast %gt3A : f32 to vector<10240x128xf32>
    %gt3A_34 = arith.cmpf ogt, %div3A_32, %gt3A_33 : vector<10240x128xf32>
    %exp3A = math.exp %div3A_32 : vector<10240x128xf32>
    %sub3A = arith.constant 1.000000e+00 : f32
    %sub3A_35 = vector.broadcast %sub3A : f32 to vector<10240x128xf32>
    %sub3A_36 = arith.subf %exp3A, %sub3A_35 : vector<10240x128xf32>
    %mul3A = arith.constant 1.67326319 : f32
    %mul3A_37 = vector.broadcast %mul3A : f32 to vector<10240x128xf32>
    %mul3A_38 = arith.mulf %mul3A_37, %sub3A_36 : vector<10240x128xf32>
    %select_n3A = arith.select %gt3A_34, %div3A_32, %mul3A_38 : vector<10240x128xi1>, vector<10240x128xf32>
    %mul3A_39 = arith.constant 1.05070102 : f32
    %mul3A_40 = vector.broadcast %mul3A_39 : f32 to vector<10240x128xf32>
    %mul3A_41 = arith.mulf %mul3A_40, %select_n3A : vector<10240x128xf32>
    %swap3A = arith.constant 0 : index
    %swap3A_42 = arith.constant 0 : index
    %swap3A_43 = vector.load %arg3[%swap3A, %swap3A_42] : memref<10240x128xf32, #tpu.memory_space<vmem>>, vector<10240x128xf32>
    tpu.vector_store %arg3[%swap3A, %swap3A_42], %mul3A_41 {strides = array<i32>} : memref<10240x128xf32, #tpu.memory_space<vmem>>, vector<10240x128xf32>,
    return
  }
}

</mosaic_0001>

<sc_bundles>
// kernel: kernel.6.cloned.1.call-start
scs
__scs_entry_jumppad:
0x0: {  	(pc) =	sbr.rel $0x88, $3  }
0x1: {  	(tag) =	ssettag $0x0;
	lr =	simm.s32 $0x1  }
0x2: {  	[smem:$0x3F98] =	sst lr;
	_ =	strace $0xD0000000  }
0x3: {  	_ = 	snop  }
0x4: {  	_ = 	snop  }
0x5: {  	_ = 	snop  }
0x6: {  	_ = 	snop  }
0x7: {  	_ = 	snop  }
__scs_overlays_trampoline_lowered:
0x8: {  	[smem:$0x3FA7] =	sst s0  }
0x9: {  	[smem:$0x3FA8] =	sst s1  }
0xa: {  	[smem:$0x3FA9] =	sst s2  }
0xb: {  	[smem:$0x3FAA] =	sst s3  }
0xc: {  	[smem:$0x3FAB] =	sst s4  }
0xd: {  	[smem:$0x3FAC] =	sst s5  }
0xe: {  	[smem:$0x3FAD] =	sst s6  }
0xf: {  	[smem:$0x3FAE] =	sst s7  }
0x10: {  	[smem:$0x3FAF] =	sst s8  }
0x11: {  	[smem:$0x3FB0] =	sst s9;
	s0 =	simm.s32 @!p0 $0x0  }
0x12: {  	s1 =	sld [smem:$0x3F96];
	s0 =	simm.s32 @p0 $0x1  }
0x13: {  	[smem:$0x3FB1] =	sst s0;
	s0 =	simm.s32 @!p1 $0x0  }
0x14: {  	s2 =	sld [smem:$0x3F95];
	s0 =	simm.s32 @p1 $0x1  }
0x15: {  	[smem:$0x3FB2] =	sst s0;
	s0 =	simm.s32 @!p2 $0x0  }
0x16: {  	s3 =	sld [smem:$0x3FDB];
	s0 =	simm.s32 @p2 $0x1  }
0x17: {  	s4 =	simm.s32 $0x1BF5;
	[smem:$0x3FB4] =	sst s0  }
0x18: {  	s0 =	sld [smem:$0x3F97];
	_ =	swait.ge [sflag:s4], $0x0  }
0x19: {  	s7 =	sld [smem:$0x3F98]  }
0x1a: {  	s8 =	sadd.s32 $0xFFFFE003, lr  }
0x1b: {  	s9 =	sadd.s32 $0xFFFFFEF7, lr;
	s5 =	simm.s32 $0xFFFFFFFF;
	p2 =	slt.u32 s8, $0xFFFFF086  }
0x1c: {  	p1 =	slt.u32 s9, $0xF7A;
	s5 =	simm.s32 @!p2 $0x0  }
0x1d: {  	s5 =	simm.s32 @p1 $0x1;
	p0 =	seq.s32 s7, s2  }
0x1e: {  	s7 =	smul.u32 @!p0 $0xF7A, s2;
	p2 =	seq.s32 @!p0 s5, $0x0  }
0x1f: {  	s9 =	smul.u32 $0xF7A, s1;
	s8 =	simm.s32 @!p0 $0x1BF5;
	p2 =	por !p2, p0  }
0x20: {  	[sflag:s8] =	ssyncset.s32 @!p0 $0xFFFFF086;
	s6 =	sadd.s32 @!p0 s3, s7;
	s7 =	simm.s32 @!p0 $0x108  }
0x21: {  	s3 =	sadd.s32 s3, s9;
	s6 =	sadd.s32 @!p0 $0x88, s6;
	s7 =	simm.s32 @p2 $0x1082  }
0x22: {  	[simem:s7], [sflag:s8] =	dma.local @!p0 [hbm:s6], $0xF7A  }
0x23: {  	s9 =	sor.u32 $0xD0000000, s2;
	s6 =	simm.s32 $0x108;
	_ =	swait.ge @!p0 [sflag:s8], $0x0  }
0x24: {  	s3 =	sadd.s32 $0x88, s3;
	s6 =	simm.s32 @!p1 $0x1082;
	[sflag:s4] =	ssyncset.s32 $0xFFFFF086  }
0x25: {  	[simem:s6], [sflag:s4] =	dma.local [hbm:s3], $0xF7A  }
0x26: {  	[smem:$0x3F98] =	sst s1;
	(tag) =	ssettag s2;
	_ =	strace s9  }
0x27: {  	s1 =	sld [smem:$0x3FA8]  }
0x28: {  	s2 =	sld [smem:$0x3FA9]  }
0x29: {  	s4 =	sld [smem:$0x3FAB]  }
0x2a: {  	p0 =	seq.s32 s5, $0x0;
	s5 =	sld [smem:$0x3FAC]  }
0x2b: {  	s6 =	sld [smem:$0x3FAD]  }
0x2c: {  	s7 =	sld [smem:$0x3FAE]  }
0x2d: {  	s3 =	simm.s32 $0x108;
	s8 =	sld [smem:$0x3FAF]  }
0x2e: {  	s3 =	simm.s32 @!p0 $0x1082;
	s9 =	sld [smem:$0x3FB0]  }
0x2f: {  	lr =	sadd.s32 s0, s3;
	s0 =	sld [smem:$0x3FA7]  }
0x30: {  	s3 =	sld [smem:$0x3FAA]  }
0x31: {  	[smem:$0x3FB3] =	sst s10  }
0x32: {  	s10 =	sld [smem:$0x3FB1];
	_ =	sdelay $0x3  }
0x33: {  	p0 =	seq.s32 s10, $0x1;
	s10 =	sld [smem:$0x3FB3];
	_ =	sdelay $0x3  }
0x34: {  	[smem:$0x3FB3] =	sst s10  }
0x35: {  	s10 =	sld [smem:$0x3FB2];
	_ =	sdelay $0x3  }
0x36: {  	p1 =	seq.s32 s10, $0x1;
	s10 =	sld [smem:$0x3FB3];
	_ =	sdelay $0x3  }
0x37: {  	[smem:$0x3FB3] =	sst s10  }
0x38: {  	s10 =	sld [smem:$0x3FB4]  }
0x39: {  	_ = 	snop;
	(pc) =	sbr.ind lr, $3  }
0x3a: {  	_ = 	snop  }
0x3b: {  	_ = 	snop  }
0x3c: {  	p2 =	seq.s32 s10, $0x1;
	s10 =	sld [smem:$0x3FB3]  }
0x3d: {  	_ =	shalt  }
0x3e: {  	_ =	shalt  }
0x3f: {  	_ =	shalt  }
0x40: {  	_ =	shalt  }
0x41: {  	_ =	shalt  }
0x42: {  	_ =	shalt  }
0x43: {  	_ =	shalt  }
0x44: {  	_ =	shalt  }
0x45: {  	_ =	shalt  }
0x46: {  	_ =	shalt  }
0x47: {  	_ =	shalt  }
0x48: {  	_ =	shalt  }
0x49: {  	_ =	shalt  }
0x4a: {  	_ =	shalt  }
0x4b: {  	_ =	shalt  }
0x4c: {  	_ =	shalt  }
0x4d: {  	_ =	shalt  }
0x4e: {  	_ =	shalt  }
0x4f: {  	_ =	shalt  }
0x50: {  	_ =	shalt  }
0x51: {  	_ =	shalt  }
0x52: {  	_ =	shalt  }
0x53: {  	_ =	shalt  }
0x54: {  	_ =	shalt  }
0x55: {  	_ =	shalt  }
0x56: {  	_ =	shalt  }
0x57: {  	_ =	shalt  }
0x58: {  	_ =	shalt  }
0x59: {  	_ =	shalt  }
0x5a: {  	_ =	shalt  }
0x5b: {  	_ =	shalt  }
0x5c: {  	_ =	shalt  }
0x5d: {  	_ =	shalt  }
0x5e: {  	_ =	shalt  }
0x5f: {  	_ =	shalt  }
0x60: {  	_ =	shalt  }
0x61: {  	_ =	shalt  }
0x62: {  	_ =	shalt  }
0x63: {  	_ =	shalt  }
0x64: {  	_ =	shalt  }
0x65: {  	_ =	shalt  }
0x66: {  	_ =	shalt  }
0x67: {  	_ =	shalt  }
0x68: {  	_ =	shalt  }
0x69: {  	_ =	shalt  }
0x6a: {  	_ =	shalt  }
0x6b: {  	_ =	shalt  }
0x6c: {  	_ =	shalt  }
0x6d: {  	_ =	shalt  }
0x6e: {  	_ =	shalt  }
0x6f: {  	_ =	shalt  }
0x70: {  	_ =	shalt  }
0x71: {  	_ =	shalt  }
0x72: {  	_ =	shalt  }
0x73: {  	_ =	shalt  }
0x74: {  	_ =	shalt  }
0x75: {  	_ =	shalt  }
0x76: {  	_ =	shalt  }
0x77: {  	_ =	shalt  }
0x78: {  	_ =	shalt  }
0x79: {  	_ =	shalt  }
0x7a: {  	_ =	shalt  }
0x7b: {  	_ =	shalt  }
0x7c: {  	_ =	shalt  }
0x7d: {  	_ =	shalt  }
0x7e: {  	_ =	shalt  }
0x7f: {  	_ =	shalt  }
0x80: {  	_ =	shalt  }
0x81: {  	_ =	shalt  }
0x82: {  	_ =	shalt  }
0x83: {  	_ =	shalt  }
0x84: {  	_ =	shalt  }
0x85: {  	_ =	shalt  }
0x86: {  	_ =	shalt  }
0x87: {  	_ =	shalt  }
.Lfunc_end0:
.L_simem_size_0:
called_computation_lowered:
.L_overlay_start_0:
0x88: {  	s2 =	sld [smem:$0x3FD9]  }
0x89: {  	s3 =	sld [smem:$0x3FFE];
	_ =	sdelay $0x1  }
0x8a: {  	s1 =	srdreg.scid  }
0x8b: {  	s0 =	sand.u32 $0x1, s1  }
0x8c: {  	s17 =	sshll.u32 s0, $0xA;
	s2 =	sadd.s32 s3, s2  }
0x8d: {  	s2 =	sadd.s32 s2, s17  }
0x8e: {  	[smem:$0x3FBF] =	sst s2  }
0x8f: {  	_ = 	snop  }
0x90: {  	s18 =	sld [smem:$0x3FC7]  }
0x91: {  	s4 =	sld [smem:$0x3FD0];
	(tm) =	ssettm $0x1  }
0x92: {  	s19 =	sld [smem:$0x3FFB];
	_ =	sdelay $0x3  }
0x93: {  	_ =	strace s19  }
0x94: {  	s2 =	sld [smem:$0x3FFC];
	_ =	sdelay $0x3  }
0x95: {  	_ =	strace s2  }
0x96: {  	s2 =	sld [smem:$0x3FFD];
	_ =	sdelay $0x3  }
0x97: {  	_ =	strace s2  }
0x98: {  	_ =	strace $0x8FFFFFFF  }
0x99: {  	s20 =	sld [smem:$0x3FDB];
	_ =	sdelay $0x1  }
0x9a: {  	s5 =	simm.s32 $_scs_section_size  }
0x9b: {  	s6 =	simm.s32 $_size__tile_overlayer_lowered;
	s7 =	simm.s32 $_tile_overlayer_lowered  }
0x9c: {  	s8 =	simm.s32 $0x1BFF;
	s21 =	sshll.u32 s7, $0x1;
	s5 =	sadd.s32 s5, s20  }
0x9d: {  	s22 =	simm.s32 $0x0;
	s6 =	sshll.u32 s6, $0x1;
	s7 =	sadd.s32 s21, s5  }
0x9e: {  	[timem:s22], [sflag:s8] =	dma.local [hbm:s7], s6  }
0x9f: {  	_ =	swait.ge [sflag:s8], s6  }
0xa0: {  	s6 =	ssub.s32 $0x0, s6;
	[sflag:s8] =	ssyncset.done $0x0  }
0xa1: {  	[sflag:s8] =	ssyncadd.s32 s6;
	_ =	sdelay $0x1  }
0xa2: {  	s23 =	simm.s32 $0x1B8B  }
0xa3: {  	_ =	swait.ge [sflag:s23], $0x1  }
0xa4: {  	[sflag:s23] =	ssyncset.done $0x0  }
0xa5: {  	[sflag:s23] =	ssyncadd.s32 $0xFFFFFFFF  }
0xa6: {  	s6 =	sld [smem:$0x0]  }
0xa7: {  	s7 =	sand.u32 $0xFFFFFFFE, s1  }
0xa8: {  	p0 =	sne.s32 s1, s7  }
0xa9: {  	s7 =	sshll.u32 @p0 s7, $0xE  }
0xaa: {  	s7 =	sadd.s32 @p0 $0x11B8D, s7;
	s8 =	sshll.u32 @p0 s6, $0x11  }
0xab: {  	s7 =	sor.u32 @p0 s8, s7  }
0xac: {  	[sflag:s7] =	ssyncadd.remote.s32 @p0 $0x1;
	_ =	sdelay $0x1  }
0xad: {  	s7 =	simm.s32 @p0 $0x1B8D  }
0xae: {  	_ =	swait.eq @p0 [sflag:s7], $0x1  }
0xaf: {  	[sflag:s7] =	ssyncadd.s32 @p0 $0xFFFFFFFF  }
0xb0: {  	s8 =	sshll.u32 @!p0 s1, $0xE  }
0xb1: {  	s8 =	sor.u32 @!p0 $0x4000, s8;
	s7 =	simm.s32 @!p0 $0x1B8D  }
0xb2: {  	s6 =	sshll.u32 @!p0 s6, $0x11;
	s8 =	sadd.s32 @!p0 $0x11B8D, s8;
	_ =	swait.eq @!p0 [sflag:s7], $0x1  }
0xb3: {  	s6 =	sor.u32 @!p0 s6, s8;
	[sflag:s7] =	ssyncadd.s32 @!p0 $0xFFFFFFFF  }
0xb4: {  	s25 =	simm.s32 $0x1B8E;
	s24 =	sld [smem:$0x3FFE];
	[sflag:s6] =	ssyncadd.remote.s32 @!p0 $0x1  }
0xb5: {  	s26 =	simm.s32 $execute0_lowered;
	[smem:$0x3FD2] =	sst s25  }
0xb6: {  	s7 =	sshll.u32 s26, $0x1;
	_ =	strace $0x80000049;
	[dreg:$0x1] =	wrdreg $0xFFFFFFFF  }
0xb7: {  	s28 =	simm.s32 $_size_execute0_lowered;
	s5 =	sadd.s32 s5, s7;
	[dreg:$0x0] =	wrdreg $0x0  }
0xb8: {  	s7 =	sshll.u32 s28, $0x1;
	[dreg:$0x2] =	wrdreg s5  }
0xb9: {  	[dreg:$0x3] =	wrdreg s7  }
0xba: {  	[dreg:$0x4] =	wrdreg $0xC0  }
0xbb: {  	_ =	task [dreg:s22], $0x5FFFF  }
0xbc: {  	[dreg:$0x1] =	wrdreg $0xFFFFFFFF  }
0xbd: {  	[dreg:$0x0] =	wrdreg $0x60  }
0xbe: {  	[dreg:$0x2] =	wrdreg s24  }
0xbf: {  	[dreg:$0x3] =	wrdreg s18  }
0xc0: {  	[dreg:$0x4] =	wrdreg s4  }
0xc1: {  	[dreg:$0x5] =	wrdreg $0x13CC00  }
0xc2: {  	[dreg:$0x6] =	wrdreg $0x1DCC00  }
0xc3: {  	[dreg:$0x7] =	wrdreg $0x9  }
0xc4: {  	_ =	task.clear_ibuf [dreg:s22], $0x8FFFF;
	_ =	strace $0x90000049  }
0xc5: {  	s29 =	simm.s32 $0x9;
	_ =	strace $0x8000004B  }
0xc6: {  	_ =	swait.ge [sflag:s29], $0x1  }
0xc7: {  	[sflag:s29] =	ssyncadd.s32 $0xFFFFFFFF  }
0xc8: {  	_ =	strace $0x9000004B  }
0xc9: {  	_ =	sfence  }
0xca: {  	s30 =	sld [smem:$0x0];
	_ =	sdelay $0x2  }
0xcb: {  	s31 =	sshll.u32 s1, $0xD;
	s1 =	sshrl.u32 s1, $0x2  }
0xcc: {  	s4 =	sand.u32 $0x4000, s31;
	s1 =	sadd.s32 s1, s30  }
0xcd: {  	s0 =	sor.u32 s4, s0;
	s1 =	sshll.u32 s1, $0x11  }
0xce: {  	s0 =	sor.u32 s1, s0  }
0xcf: {  	s0 =	sadd.s32 $0x8F2B, s0  }
0xd0: {  	[sflag:s0] =	ssyncadd.remote.s32 $0x1  }
0xd1: {  	_ =	sfence.sel $0xFFFF  }
0xd2: {  	[dreg:$0x0] =	wrdreg $0xFFFFFFFF;
	(pc) =	sbr.abs _section_cstart, $3  }
0xd3: {  	[dreg:$0x1] =	wrdreg $0xFFFFFFFF  }
0xd4: {  	_ =	task.clear_ibuf [dreg:s22], $0x2FFFF;
	_ =	strace $0x9FFFFFFF  }
0xd5: {  	(tm) =	ssettm $0x7FFFFFFF  }
tec
execute0_lowered:
.L_overlay_start_1:
0x0: {  	(tag) =	ssettag $0x1  }
0x1: {  	s0 =	rddreg [dreg:$0x0]  }
0x2: {  	s2 =	rddreg [dreg:$0x1]  }
0x3: {  	s1 =	rddreg [dreg:$0x2]  }
0x4: {  	s3 =	rddreg [dreg:$0x3]  }
0x5: {  	s4 =	rddreg [dreg:$0x4]  }
0x6: {  	s6 =	srdreg.scid;
	s5 =	stileid.u32;
	s8 =	simm.s32 $0x0  }
0x7: {  	s6 =	sand.u32 $0x1, s6;
	s7 =	smul.u32 $0xA000, s5;
	[smem:$0x7FF] =	sst s8  }
0x8: {  	s9 =	smul.u32 $0x280, s5;
	s10 =	sadd.s32 $0x14400, s0;
	s11 =	sshll.u32 s5, $0x1  }
0x9: {  	s12 =	sadd.s32 $0x13C00, s0;
	s14 =	sadd.s32 $0x14200, s0;
	s15 =	smul.u32 $0x28000, s5  }
0xa: {  	s26 =	smul.u32 $0xA0000, s6;
	_ =	strace $0x8000004A;
	[dreg:$0x6] =	wrdreg s10  }
0xb: {  	s13 =	smul.u32 $0x2800, s6;
	[dreg:$0x7] =	wrdreg s12;
	s11 =	sor.u32 s6, s11  }
0xc: {  	[dreg:$0x8] =	wrdreg s14;
	s6 =	ssub.s32 $0x2, s6;
	s11 =	smul.u32 $0x4E2, s11  }
0xd: {  	s17 =	sshrl.u32 s15, $0x2;
	s15 =	sadd.s32 s7, s3;
	s8 =	sadd.s32 s7, s26  }
0xe: {  	s10 =	sadd.s32 s9, s13;
	s13 =	sshrl.u32 s6, $0x1;
	[dreg:$0xc] =	wrdreg s15  }
0xf: {  	s8 =	sshrl.u32 s8, $0x3;
	s10 =	sshrl.u32 s10, $0x3;
	s16 =	sadd.s32 s0, s11  }
0x10: {  	s6 =	ssub.s32 s6, s13;
	s2 =	sadd.s32 s2, s11;
	[dreg:$0x9] =	wrdreg s16  }
0x11: {  	s8 =	sadd.s32 s8, s0;
	s5 =	sadd.s32 $0x9E00, s16;
	[dreg:$0xb] =	wrdreg s2  }
0x12: {  	s10 =	sadd.s32 s10, s0;
	s26 =	smax.u32 s6, $0x1;
	[dreg:$0xa] =	wrdreg s5  }
0x13: {  	s0 =	sadd.s32 s17, s3;
	s16 =	sadd.s32 s9, s4;
	[dreg:$0x17] =	wrdreg s26  }
0x14: {  	s28 =	simm.s32 $0x7530;
	s18 =	sadd.s32 $0x1400, s0;
	[dreg:$0x14] =	wrdreg s16  }
0x15: {  	s29 =	simm.s32 $0x9D30;
	s19 =	sadd.s32 $0x2800, s0;
	[dreg:$0xd] =	wrdreg s18  }
0x16: {  	s30 =	simm.s32 $0xC530;
	s20 =	sadd.s32 $0x3C00, s0;
	[dreg:$0xe] =	wrdreg s19  }
0x17: {  	s31 =	simm.s32 $0x114C0;
	s21 =	sadd.s32 $0x5000, s0;
	[dreg:$0xf] =	wrdreg s20  }
0x18: {  	s14 =	simm.s32 $0x5;
	s22 =	sadd.s32 $0x6400, s0;
	[dreg:$0x10] =	wrdreg s21  }
0x19: {  	s7 =	simm.s32 $0x2;
	s23 =	sadd.s32 $0x7800, s0;
	[dreg:$0x11] =	wrdreg s22  }
0x1a: {  	s2 =	simm.s32 $0x100C0;
	s0 =	sadd.s32 $0x8C00, s0;
	[dreg:$0x12] =	wrdreg s23  }
0x1b: {  	s6 =	simm.s32 $0x1;
	s24 =	sadd.s32 $0x50E00, s8;
	[dreg:$0x13] =	wrdreg s0  }
0x1c: {  	s9 =	simm.s32 $0x0;
	s25 =	sadd.s32 $0x50400, s10;
	[dreg:$0x15] =	wrdreg s24  }
0x1d: {  	s26 =	simm.s32 $0xECC0;
	s8 =	simm.s32 $0x128C0;
	[dreg:$0x16] =	wrdreg s25  }
0x1e: {  	v0 =	vimm.f32 $0.0e+00;
	s24 =	simm.s32 $0x6;
	s0 =	simm.s32 $0xC5B0;
	s25 =	simm.s32 $0x50  }
.LBB2_1:
0x1f: {  	[dreg:$0x18] =	wrdreg s9  }
0x20: {  	s5 =	simm.s32 $0x0;
	s13 =	rddreg [dreg:$0xa]  }
0x21: {  	[tilespmem:s5], [sflag:$0x6] =	stream.linear.gather [hbm4b:s13+s5], $0x2710, $0x38;
	[tilespmem:$0x1DF40] =	vst v63  }
0x22: {  	_ =	swait.ge [sflag:s24], $0x2710  }
0x23: {  	[sflag:s24] =	ssyncset.done $0x0  }
0x24: {  	s10 =	simm.s32 $0x2710;
	s17 =	rddreg [dreg:$0x9];
	[sflag:s24] =	ssyncadd.s32 $0xFFFFD8F0  }
0x25: {  	[tilespmem:s10], [sflag:$0x6] =	stream.linear.gather [hbm4b:s17+s5], $0x2710, $0x38;
	[tilespmem:$0x1DF40] =	vst v63  }
0x26: {  	_ =	swait.ge [sflag:s24], $0x2710  }
0x27: {  	[sflag:s24] =	ssyncset.done $0x0  }
0x28: {  	s19 =	simm.s32 $0x4E20;
	s18 =	rddreg [dreg:$0xb];
	[sflag:s24] =	ssyncadd.s32 $0xFFFFD8F0  }
0x29: {  	[tilespmem:s19], [sflag:$0x6] =	stream.linear.gather [hbm4b:s18+s5], $0x2710, $0x38;
	[tilespmem:$0x1DF40] =	vst v63  }
0x2a: {  	_ =	swait.ge [sflag:s24], $0x2710  }
0x2b: {  	[sflag:s24] =	ssyncset.done $0x0  }
0x2c: {  	s20 =	rddreg [dreg:$0x6];
	[sflag:s24] =	ssyncadd.s32 $0xFFFFD8F0  }
0x2d: {  	[tilespmem:s28], [sflag:$0x6] =	stream.linear.gather [hbm4b:s20+s5], $0x2800, $0x38;
	[tilespmem:$0x1DF40] =	vst v63  }
0x2e: {  	_ =	swait.ge [sflag:s24], $0x2800  }
0x2f: {  	[sflag:s24] =	ssyncset.done $0x0  }
0x30: {  	s21 =	rddreg [dreg:$0x7];
	[sflag:s24] =	ssyncadd.s32 $0xFFFFD800  }
0x31: {  	[tilespmem:s29], [sflag:$0x6] =	stream.linear.gather [hbm4b:s21+s5], $0x2800, $0x38;
	[tilespmem:$0x1DF40] =	vst v63  }
0x32: {  	_ =	swait.ge [sflag:s24], $0x2800  }
0x33: {  	[sflag:s24] =	ssyncset.done $0x0  }
0x34: {  	s22 =	rddreg [dreg:$0x8];
	[sflag:s24] =	ssyncadd.s32 $0xFFFFD800  }
0x35: {  	[tilespmem:s30], [sflag:$0x6] =	stream.linear.gather [hbm4b:s22+s5], $0x80, $0x38;
	[tilespmem:$0x1DF40] =	vst v63  }
0x36: {  	s9 =	simm.s32 $0x40;
	s23 =	sand.u32 $0x7F00, s5;
	_ =	swait.ge [sflag:s24], $0x80  }
0x37: {  	s11 =	sand.u32 $0x30, s5;
	s12 =	sshrl.u32 s23, $0x2;
	[sflag:s24] =	ssyncset.done $0x0  }
0x38: {  	s12 =	sor.u32 s11, s12;
	s11 =	simm.s32 $0x0;
	[sflag:s24] =	ssyncadd.s32 $0xFFFFFF80  }
.LBB2_2:
0x39: {  	p0 =	sne.s32 s9, $0x4FC0  }
0x3a: {  	[tilespmem:s12+$0x114C0] =	vst v0;
	s11 =	sadd.s32 $0x10, s11;
	s12 =	smov.u32 s9;
	s9 =	sadd.s32 $0x40, s9  }
.Ltmp0:
0x3b: {  	(pc) =	sbr.rel @p0 .LBB2_2-.Ltmp0, $4  }
0x3c: {  	_ = 	snop  }
0x3d: {  	s12 =	sand.u32 $0x7F00, s12  }
0x3e: {  	s13 =	sand.u32 $0x30, s11;
	s12 =	sshrl.u32 s12, $0x2  }
0x3f: {  	s12 =	sor.u32 s13, s12  }
0x40: {  	[tilespmem:s12+$0x114C0] =	vst v0  }
0x41: {  	[spmem:s15] =	stream.linear.scatter [tilespmem:s31], [sflag:$0x6], $0x1400, $0x38;
	[tilespmem:$0x1DF40] =	vst v63  }
0x42: {  	_ =	swait.ge [sflag:s24], $0x1400  }
0x43: {  	[sflag:s24] =	ssyncset.done $0x0  }
0x44: {  	s5 =	rddreg [dreg:$0xd];
	[sflag:s24] =	ssyncadd.s32 $0xFFFFEC00  }
0x45: {  	[spmem:s5] =	stream.linear.scatter [tilespmem:s31], [sflag:$0x6], $0x1400, $0x38;
	[tilespmem:$0x1DF40] =	vst v63  }
0x46: {  	_ =	swait.ge [sflag:s24], $0x1400  }
0x47: {  	[sflag:s24] =	ssyncset.done $0x0  }
0x48: {  	s18 =	rddreg [dreg:$0xe];
	[sflag:s24] =	ssyncadd.s32 $0xFFFFEC00  }
0x49: {  	[spmem:s18] =	stream.linear.scatter [tilespmem:s31], [sflag:$0x6], $0x1400, $0x38;
	[tilespmem:$0x1DF40] =	vst v63  }
0x4a: {  	_ =	swait.ge [sflag:s24], $0x1400  }
0x4b: {  	[sflag:s24] =	ssyncset.done $0x0  }
0x4c: {  	s19 =	rddreg [dreg:$0xf];
	[sflag:s24] =	ssyncadd.s32 $0xFFFFEC00  }
0x4d: {  	[spmem:s19] =	stream.linear.scatter [tilespmem:s31], [sflag:$0x6], $0x1400, $0x38;
	[tilespmem:$0x1DF40] =	vst v63  }
0x4e: {  	_ =	swait.ge [sflag:s24], $0x1400  }
0x4f: {  	[sflag:s24] =	ssyncset.done $0x0  }
0x50: {  	s20 =	rddreg [dreg:$0x10];
	[sflag:s24] =	ssyncadd.s32 $0xFFFFEC00  }
0x51: {  	[spmem:s20] =	stream.linear.scatter [tilespmem:s31], [sflag:$0x6], $0x1400, $0x38;
	[tilespmem:$0x1DF40] =	vst v63  }
0x52: {  	_ =	swait.ge [sflag:s24], $0x1400  }
0x53: {  	[sflag:s24] =	ssyncset.done $0x0  }
0x54: {  	s21 =	rddreg [dreg:$0x11];
	[sflag:s24] =	ssyncadd.s32 $0xFFFFEC00  }
0x55: {  	[spmem:s21] =	stream.linear.scatter [tilespmem:s31], [sflag:$0x6], $0x1400, $0x38;
	[tilespmem:$0x1DF40] =	vst v63  }
0x56: {  	_ =	swait.ge [sflag:s24], $0x1400  }
0x57: {  	[sflag:s24] =	ssyncset.done $0x0  }
0x58: {  	s22 =	rddreg [dreg:$0x12];
	[sflag:s24] =	ssyncadd.s32 $0xFFFFEC00  }
0x59: {  	[spmem:s22] =	stream.linear.scatter [tilespmem:s31], [sflag:$0x6], $0x1400, $0x38;
	[tilespmem:$0x1DF40] =	vst v63  }
0x5a: {  	_ =	swait.ge [sflag:s24], $0x1400  }
0x5b: {  	[sflag:s24] =	ssyncset.done $0x0  }
0x5c: {  	s23 =	rddreg [dreg:$0x13];
	[sflag:s24] =	ssyncadd.s32 $0xFFFFEC00  }
0x5d: {  	[spmem:s23] =	stream.linear.scatter [tilespmem:s31], [sflag:$0x6], $0x1400, $0x38;
	[tilespmem:$0x1DF40] =	vst v63  }
0x5e: {  	_ =	swait.ge [sflag:s24], $0x1400  }
0x5f: {  	[sflag:s24] =	ssyncset.done $0x0  }
0x60: {  	[sflag:s24] =	ssyncadd.s32 $0xFFFFEC00  }
0x61: {  	[tilespmem:$0xC5B0] =	vst v0  }
0x62: {  	[tilespmem:$0xC5C0] =	vst v0  }
0x63: {  	[tilespmem:$0xC5D0] =	vst v0  }
0x64: {  	[tilespmem:$0xC5E0] =	vst v0  }
0x65: {  	[tilespmem:$0xC5F0] =	vst v0  }
0x66: {  	[tilespmem:$0xC600] =	vst v0  }
0x67: {  	[tilespmem:$0xC610] =	vst v0  }
0x68: {  	[tilespmem:$0xC620] =	vst v0  }
0x69: {  	[tilespmem:$0xC630] =	vst v0  }
0x6a: {  	[tilespmem:$0xC640] =	vst v0  }
0x6b: {  	[tilespmem:$0xC650] =	vst v0  }
0x6c: {  	[tilespmem:$0xC660] =	vst v0  }
0x6d: {  	[tilespmem:$0xC670] =	vst v0  }
0x6e: {  	[tilespmem:$0xC680] =	vst v0  }
0x6f: {  	[tilespmem:$0xC690] =	vst v0  }
0x70: {  	[tilespmem:$0xC6A0] =	vst v0  }
0x71: {  	[tilespmem:$0xC6B0] =	vst v0  }
0x72: {  	[tilespmem:$0xC6C0] =	vst v0  }
0x73: {  	[tilespmem:$0xC6D0] =	vst v0  }
0x74: {  	[tilespmem:$0xC6E0] =	vst v0  }
0x75: {  	[tilespmem:$0xC6F0] =	vst v0  }
0x76: {  	[tilespmem:$0xC700] =	vst v0  }
0x77: {  	[tilespmem:$0xC710] =	vst v0  }
0x78: {  	[tilespmem:$0xC720] =	vst v0  }
0x79: {  	[tilespmem:$0xC730] =	vst v0  }
0x7a: {  	[tilespmem:$0xC740] =	vst v0  }
0x7b: {  	[tilespmem:$0xC750] =	vst v0  }
0x7c: {  	[tilespmem:$0xC760] =	vst v0  }
0x7d: {  	[tilespmem:$0xC770] =	vst v0  }
0x7e: {  	[tilespmem:$0xC780] =	vst v0  }
0x7f: {  	[tilespmem:$0xC790] =	vst v0  }
0x80: {  	[tilespmem:$0xC7A0] =	vst v0  }
0x81: {  	[tilespmem:$0xC7B0] =	vst v0  }
0x82: {  	[tilespmem:$0xC7C0] =	vst v0  }
0x83: {  	[tilespmem:$0xC7D0] =	vst v0  }
0x84: {  	[tilespmem:$0xC7E0] =	vst v0  }
0x85: {  	[tilespmem:$0xC7F0] =	vst v0  }
0x86: {  	[tilespmem:$0xC800] =	vst v0  }
0x87: {  	[tilespmem:$0xC810] =	vst v0  }
0x88: {  	[tilespmem:$0xC820] =	vst v0  }
0x89: {  	[spmem:s16] =	stream.linear.scatter [tilespmem:s0], [sflag:$0x6], $0x280, $0x38;
	[tilespmem:$0x1DF40] =	vst v63  }
0x8a: {  	_ =	swait.ge [sflag:s24], $0x280  }
0x8b: {  	[sflag:s24] =	ssyncset.done $0x0  }
0x8c: {  	[sflag:s24] =	ssyncadd.s32 $0xFFFFFD80  }
0x8d: {  	s16 =	simm.s32 $0x0;
	[bflag:$0x0] =	sbarrier.arrive $0xFFFF  }
0x8e: {  	[tilespmem:s26], [sflag:$0x1] =	stream.indirect.gather [hbm4b:s1+s25], $0x40, s16, s25, $0xb8;
	[tilespmem:$0x1DF40] =	vst v63  }
0x8f: {  	s17 =	simm.s32 $0x0  }
0x90: {  	[tilespmem:s2], [sflag:$0x2] =	stream.indirect.gather [hbm4b:s1+s25], $0x40, s25, s25, $0xb8;
	[tilespmem:$0x1DF40] =	vst v63  }
.LBB2_4:
0x91: {  	_ =	swait.ge [sflag:s6], $0x1400  }
0x92: {  	p0 =	seq.s32 s17, $0x0;
	[sflag:s6] =	ssyncset.done $0x0  }
0x93: {  	s9 =	simm.s32 @!p0 $0x3;
	[sflag:s6] =	ssyncadd.s32 $0xFFFFEC00  }
0x94: {  	_ =	swait.ge @!p0 [sflag:s9], $0x1400  }
0x95: {  	s18 =	smul.u32 $0xA0, s17;
	[sflag:s9] =	ssyncset.done @!p0 $0x0  }
0x96: {  	[sflag:s9] =	ssyncadd.s32 @!p0 $0xFFFFEC00  }
0x97: {  	v1 =	vld [tilespmem:s18+$0x0]  }
0x98: {  	v2 =	vld [tilespmem:s18+$0x2710];
	_ =	sdelay $0x1  }
0x99: {  	v3 =	vld [tilespmem:s18+$0x4E20];
	_ =	sdelay $0x4  }
0x9a: {  	v1 =	vld.idx.msk [tilespmem:v1+s28+$0x0], $0xffff  }
0x9b: {  	v2 =	vld.idx.msk [tilespmem:v2+s29+$0x0], $0xffff;
	_ =	sdelay $0x1  }
0x9c: {  	v3 =	vld.idx.msk [tilespmem:v3+s30+$0x0], $0xffff;
	_ =	sdelay $0x2  }
0x9d: {  	v1 =	vadd.f32 v2, v1;
	_ =	sdelay $0x1  }
0x9e: {  	v1 =	vadd.f32 v3, v1;
	_ =	sdelay $0x1  }
0x9f: {  	v2 =	vmul.f32 $2.000000030e-01, v1  }
0xa0: {  	vm0 =	vge.f32 v1, $0.0e+00  }
0xa1: {  	v1 =	vsel vm0, v1, v2  }
0xa2: {  	v1 =	vmul.f32 $1.442695020e+00, v1;
	_ =	sdelay $0x1  }
0xa3: {  	(erf) = vpow2.f32 v1;
	_ =	sdelay $0x2  }
0xa4: {  	v1 =	vld [tilespmem:s18+$0x10]  }
0xa5: {  	v2 =	vld [tilespmem:s18+$0x2720];
	_ =	sdelay $0x1  }
0xa6: {  	v3 =	vld [tilespmem:s18+$0x4E30];
	_ =	sdelay $0x2  }
0xa7: {  	v4 =	vpop (erf)  }
0xa8: {  	[tilespmem:s18+$0xC5B0] =	vst v4  }
0xa9: {  	v1 =	vld.idx.msk [tilespmem:v1+s28+$0x0], $0xffff  }
0xaa: {  	v2 =	vld.idx.msk [tilespmem:v2+s29+$0x0], $0xffff;
	_ =	sdelay $0x1  }
0xab: {  	v3 =	vld.idx.msk [tilespmem:v3+s30+$0x0], $0xffff;
	_ =	sdelay $0x2  }
0xac: {  	v1 =	vadd.f32 v2, v1;
	_ =	sdelay $0x1  }
0xad: {  	v1 =	vadd.f32 v3, v1;
	_ =	sdelay $0x1  }
0xae: {  	v2 =	vmul.f32 $2.000000030e-01, v1  }
0xaf: {  	vm12 =	vge.f32 v1, $0.0e+00  }
0xb0: {  	v1 =	vsel vm12, v1, v2  }
0xb1: {  	v1 =	vmul.f32 $1.442695020e+00, v1;
	_ =	sdelay $0x1  }
0xb2: {  	(erf) = vpow2.f32 v1;
	_ =	sdelay $0x2  }
0xb3: {  	v1 =	vld [tilespmem:s18+$0x20]  }
0xb4: {  	v2 =	vld [tilespmem:s18+$0x2730];
	_ =	sdelay $0x1  }
0xb5: {  	v3 =	vld [tilespmem:s18+$0x4E40];
	_ =	sdelay $0x2  }
0xb6: {  	v4 =	vpop (erf)  }
0xb7: {  	[tilespmem:s18+$0xC5C0] =	vst v4  }
0xb8: {  	v1 =	vld.idx.msk [tilespmem:v1+s28+$0x0], $0xffff  }
0xb9: {  	v2 =	vld.idx.msk [tilespmem:v2+s29+$0x0], $0xffff;
	_ =	sdelay $0x1  }
0xba: {  	v3 =	vld.idx.msk [tilespmem:v3+s30+$0x0], $0xffff;
	_ =	sdelay $0x2  }
0xbb: {  	v1 =	vadd.f32 v2, v1;
	_ =	sdelay $0x1  }
0xbc: {  	v1 =	vadd.f32 v3, v1;
	_ =	sdelay $0x1  }
0xbd: {  	v2 =	vmul.f32 $2.000000030e-01, v1  }
0xbe: {  	vm13 =	vge.f32 v1, $0.0e+00  }
0xbf: {  	v1 =	vsel vm13, v1, v2  }
0xc0: {  	v1 =	vmul.f32 $1.442695020e+00, v1;
	_ =	sdelay $0x1  }
0xc1: {  	(erf) = vpow2.f32 v1;
	_ =	sdelay $0x2  }
0xc2: {  	v1 =	vld [tilespmem:s18+$0x30]  }
0xc3: {  	v2 =	vld [tilespmem:s18+$0x2740];
	_ =	sdelay $0x1  }
0xc4: {  	v3 =	vld [tilespmem:s18+$0x4E50];
	_ =	sdelay $0x2  }
0xc5: {  	v4 =	vpop (erf)  }
0xc6: {  	[tilespmem:s18+$0xC5D0] =	vst v4  }
0xc7: {  	v1 =	vld.idx.msk [tilespmem:v1+s28+$0x0], $0xffff  }
0xc8: {  	v2 =	vld.idx.msk [tilespmem:v2+s29+$0x0], $0xffff;
	_ =	sdelay $0x1  }
0xc9: {  	v3 =	vld.idx.msk [tilespmem:v3+s30+$0x0], $0xffff;
	_ =	sdelay $0x2  }
0xca: {  	v1 =	vadd.f32 v2, v1;
	_ =	sdelay $0x1  }
0xcb: {  	v1 =	vadd.f32 v3, v1;
	_ =	sdelay $0x1  }
0xcc: {  	v2 =	vmul.f32 $2.000000030e-01, v1  }
0xcd: {  	vm14 =	vge.f32 v1, $0.0e+00  }
0xce: {  	v1 =	vsel vm14, v1, v2  }
0xcf: {  	v1 =	vmul.f32 $1.442695020e+00, v1;
	_ =	sdelay $0x1  }
0xd0: {  	(erf) = vpow2.f32 v1;
	_ =	sdelay $0x2  }
0xd1: {  	v1 =	vld [tilespmem:s18+$0x40]  }
0xd2: {  	v2 =	vld [tilespmem:s18+$0x2750];
	_ =	sdelay $0x1  }
0xd3: {  	v3 =	vld [tilespmem:s18+$0x4E60];
	_ =	sdelay $0x2  }
0xd4: {  	v4 =	vpop (erf)  }
0xd5: {  	[tilespmem:s18+$0xC5E0] =	vst v4  }
0xd6: {  	v1 =	vld.idx.msk [tilespmem:v1+s28+$0x0], $0xffff  }
0xd7: {  	v2 =	vld.idx.msk [tilespmem:v2+s29+$0x0], $0xffff;
	_ =	sdelay $0x1  }
0xd8: {  	v3 =	vld.idx.msk [tilespmem:v3+s30+$0x0], $0xffff;
	_ =	sdelay $0x2  }
0xd9: {  	v1 =	vadd.f32 v2, v1;
	_ =	sdelay $0x1  }
0xda: {  	v1 =	vadd.f32 v3, v1;
	_ =	sdelay $0x1  }
0xdb: {  	v2 =	vmul.f32 $2.000000030e-01, v1  }
0xdc: {  	vm15 =	vge.f32 v1, $0.0e+00  }
0xdd: {  	v1 =	vsel vm15, v1, v2  }
0xde: {  	v1 =	vmul.f32 $1.442695020e+00, v1;
	_ =	sdelay $0x1  }
0xdf: {  	(erf) = vpow2.f32 v1;
	_ =	sdelay $0x1  }
0xe0: {  	s10 =	sadd.s32 $0xFFFFFFFC, s16  }
0xe1: {  	s11 =	sadd.s32 $0x6, s10  }
0xe2: {  	v1 =	vmov s11  }
0xe3: {  	v1 =	vand.u32 $0xFFFFFFFE, v1  }
0xe4: {  	v1 =	vbroadcast v1, $0x0  }
0xe5: {  	s13 =	sadd.s32 $0x4, s10  }
0xe6: {  	v2 =	vmov s13  }
0xe7: {  	v2 =	vand.u32 $0xFFFFFFFC, v2;
	v3 =	vpop (erf)  }
0xe8: {  	s15 =	sadd.s32 $0x5, s10;
	s19 =	sadd.s32 $0x2710, s18;
	s12 =	sadd.s32 $0xC5B0, s18;
	v2 =	vbroadcast v2, $0x0;
	[tilespmem:s18+$0xC5F0] =	vst v3  }
0xe9: {  	[spmem:s4] =	stream.indirect.scatter.add.f32 [tilespmem:s12], [sflag:$0x5], $0x1, s19, s25, $0xb8;
	[tilespmem:$0x1DF40] =	vst v63  }
0xea: {  	s21 =	simm.s32 $0xED40;
	s9 =	sadd.s32 $0x7, s10;
	v3 =	vmov s15;
	v8 =	vld.idx.msk [tilespmem:v1+s0+$0x0], $0xffff  }
0xeb: {  	v4 =	vmov s9;
	v3 =	vand.u32 $0xFFFFFFFD, v3;
	v1 =	vld [tilespmem:s21+$0x0]  }
0xec: {  	v3 =	vbroadcast v3, $0x0;
	_ =	sdelay $0x1  }
0xed: {  	s20 =	sadd.s32 $0x0, s16;
	v2 =	vld.idx.msk [tilespmem:v2+s0+$0x0], $0xffff  }
0xee: {  	s22 =	sadd.s32 $0x6, s20;
	v5 =	vld [tilespmem:s21+$0xFFFFFF80]  }
0xef: {  	v7 =	vmov s22;
	v6 =	vmul.f32 v1, v8;
	v1 =	vld.idx.msk [tilespmem:v4+s0+$0x0], $0xffff  }
0xf0: {  	v4 =	vand.u32 $0xFFFFFFFE, v7;
	v7 =	vld [tilespmem:s21+$0xFFFFFFC0]  }
0xf1: {  	v3 =	vld.idx.msk [tilespmem:v3+s0+$0x0], $0xffff;
	v4 =	vbroadcast v4, $0x0  }
0xf2: {  	s23 =	sadd.s32 $0x4, s20;
	s11 =	simm.s32 $0x11540;
	v9 =	vld [tilespmem:s21+$0x40]  }
0xf3: {  	v10 =	vmov s23;
	v5 =	vmul.f32 v5, v2;
	[tilespmem:s11+$0x0] =	vst v6  }
0xf4: {  	s5 =	sadd.s32 $0x5, s20;
	v10 =	vand.u32 $0xFFFFFFFC, v10;
	v6 =	vld [tilespmem:s21+$0x10]  }
0xf5: {  	v11 =	vmov s5;
	v10 =	vbroadcast v10, $0x0;
	[tilespmem:s11+$0xFFFFFF80] =	vst v5  }
0xf6: {  	v5 =	vmul.f32 v7, v3;
	v7 =	vand.u32 $0xFFFFFFFD, v11;
	v11 =	vld [tilespmem:s21+$0xFFFFFF90]  }
0xf7: {  	s23 =	simm.s32 $0xEE40;
	v12 =	vbroadcast v7, $0x0;
	v7 =	vld.idx.msk [tilespmem:v4+s0+$0x0], $0xffff;
	v4 =	vmul.f32 v9, v1  }
0xf8: {  	s9 =	sadd.s32 $0x7, s20;
	[tilespmem:s11+$0xFFFFFFC0] =	vst v5;
	v5 =	vld [tilespmem:s23+$0x0]  }
0xf9: {  	v9 =	vmov s9;
	v6 =	vmul.f32 v6, v8;
	v13 =	vld [tilespmem:s21+$0xFFFFFFD0];
	[tilespmem:s11+$0x40] =	vst v4  }
0xfa: {  	v15 =	vld [tilespmem:s21+$0x50]  }
0xfb: {  	[tilespmem:s11+$0x10] =	vst v6;
	v6 =	vld.idx.msk [tilespmem:v10+s0+$0x0], $0xffff  }
0xfc: {  	v14 =	vld [tilespmem:s21+$0x20]  }
0xfd: {  	s10 =	sadd.s32 $0x4, s16;
	v4 =	vld.idx.msk [tilespmem:v12+s0+$0x0], $0xffff;
	v10 =	vmul.f32 v5, v7  }
0xfe: {  	s22 =	simm.s32 $0x11640;
	s13 =	sadd.s32 $0x6, s10;
	v5 =	vld.idx.msk [tilespmem:v9+s0+$0x0], $0xffff  }
0xff: {  	v16 =	vmov s13;
	v11 =	vmul.f32 v11, v2;
	v9 =	vld [tilespmem:s23+$0xFFFFFF80];
	[tilespmem:s22+$0x0] =	vst v10  }
0x100: {  	v16 =	vand.u32 $0xFFFFFFFE, v16;
	v13 =	vmul.f32 v13, v3;
	v12 =	vld [tilespmem:s23+$0x10]  }
0x101: {  	v16 =	vbroadcast v16, $0x0;
	[tilespmem:s11+$0xFFFFFF90] =	vst v11;
	v10 =	vmul.f32 v14, v8;
	v14 =	vld [tilespmem:s23+$0xFFFFFFC0]  }
0x102: {  	[tilespmem:s11+$0xFFFFFFD0] =	vst v13;
	v13 =	vld [tilespmem:s21+$0xFFFFFFA0]  }
0x103: {  	v11 =	vmul.f32 v15, v1;
	v17 =	vld [tilespmem:s21+$0xFFFFFFE0]  }
0x104: {  	s15 =	sadd.s32 $0x4, s10;
	[tilespmem:s11+$0x20] =	vst v10;
	v10 =	vld [tilespmem:s23+$0x40];
	v9 =	vmul.f32 v9, v6  }
0x105: {  	s20 =	sadd.s32 $0x5, s10;
	[tilespmem:s11+$0x50] =	vst v11;
	v11 =	vmov s15;
	v15 =	vld [tilespmem:s21+$0x30];
	v12 =	vmul.f32 v12, v7  }
0x106: {  	v19 =	vmov s20;
	v18 =	vld [tilespmem:s21+$0x60];
	v11 =	vand.u32 $0xFFFFFFFC, v11;
	[tilespmem:s22+$0xFFFFFF80] =	vst v9  }
0x107: {  	v20 =	vbroadcast v11, $0x0;
	v11 =	vld.idx.msk [tilespmem:v16+s0+$0x0], $0xffff;
	v9 =	vand.u32 $0xFFFFFFFD, v19;
	v14 =	vmul.f32 v14, v4;
	[tilespmem:s22+$0x10] =	vst v12  }
0x108: {  	v9 =	vbroadcast v9, $0x0;
	v12 =	vld [tilespmem:s23+$0x20]  }
0x109: {  	s9 =	sadd.s32 $0x7, s10;
	v19 =	vld [tilespmem:s23+$0xFFFFFF90];
	v10 =	vmul.f32 v10, v5;
	[tilespmem:s22+$0xFFFFFFC0] =	vst v14  }
0x10a: {  	v14 =	vld [tilespmem:s23+$0xFFFFFFD0];
	v8 =	vmul.f32 v15, v8;
	v15 =	vmov s9;
	s9 =	simm.s32 $0xEF40  }
0x10b: {  	[tilespmem:s22+$0x40] =	vst v10;
	v10 =	vmul.f32 v13, v2;
	v16 =	vld [tilespmem:s9+$0x0]  }
0x10c: {  	v21 =	vld [tilespmem:s23+$0x50];
	[tilespmem:s11+$0x30] =	vst v8;
	v8 =	vmul.f32 v17, v3  }
0x10d: {  	[tilespmem:s11+$0xFFFFFFA0] =	vst v10;
	v10 =	vld.idx.msk [tilespmem:v20+s0+$0x0], $0xffff;
	v12 =	vmul.f32 v12, v7  }
0x10e: {  	v13 =	vmul.f32 v19, v6;
	v9 =	vld.idx.msk [tilespmem:v9+s0+$0x0], $0xffff;
	[tilespmem:s11+$0xFFFFFFE0] =	vst v8  }
0x10f: {  	v14 =	vmul.f32 v14, v4;
	v8 =	vld.idx.msk [tilespmem:v15+s0+$0x0], $0xffff;
	[tilespmem:s22+$0x20] =	vst v12  }
0x110: {  	[tilespmem:s22+$0xFFFFFF90] =	vst v13;
	v12 =	vmul.f32 v18, v1;
	v13 =	vld [tilespmem:s23+$0x30]  }
0x111: {  	v15 =	vld [tilespmem:s9+$0xFFFFFF80];
	[tilespmem:s22+$0xFFFFFFD0] =	vst v14;
	v14 =	vmul.f32 v16, v11  }
0x112: {  	s12 =	simm.s32 $0x11740;
	v17 =	vmul.f32 v21, v5;
	v16 =	vld [tilespmem:s9+$0xFFFFFFC0];
	[tilespmem:s11+$0x60] =	vst v12  }
0x113: {  	[tilespmem:s12+$0x0] =	vst v14;
	v12 =	vld [tilespmem:s9+$0x40]  }
0x114: {  	s20 =	simm.s32 $0x8;
	s13 =	simm.s32 $0x11740;
	[tilespmem:s22+$0x50] =	vst v17;
	v14 =	vld [tilespmem:s9+$0x10]  }
.LBB2_5:
0x115: {  	s10 =	sadd.s32 s20, s16;
	s20 =	sadd.s32 $0x4, s20;
	v17 =	vld [tilespmem:s23+$0xFFFFFFA0];
	v13 =	vmul.f32 v13, v7;
	v7 =	vmov v11  }
0x116: {  	s5 =	sadd.s32 $0x4, s10;
	s15 =	sadd.s32 $0x6, s10;
	p1 =	slt.u32 s20, $0x4C;
	v11 =	vmul.f32 v15, v10;
	v15 =	vld [tilespmem:s23+$0xFFFFFFE0]  }
0x117: {  	v18 =	vmov s5;
	s5 =	sadd.s32 $0x5, s10;
	v19 =	vmov s15;
	s10 =	sadd.s32 $0x7, s10;
	v16 =	vmul.f32 v16, v9;
	[tilespmem:s22+$0x30] =	vst v13;
	v13 =	vld [tilespmem:s23+$0x60]  }
0x118: {  	v18 =	vand.u32 $0xFFFFFFFC, v18;
	v20 =	vmov s5;
	v19 =	vand.u32 $0xFFFFFFFE, v19;
	[tilespmem:s12+$0xFFFFFF80] =	vst v11;
	v11 =	vld [tilespmem:s21+$0xFFFFFFB0]  }
0x119: {  	v20 =	vand.u32 $0xFFFFFFFD, v20;
	v19 =	vbroadcast v19, $0x0;
	v21 =	vld [tilespmem:s9+$0xFFFFFF90];
	[tilespmem:s12+$0xFFFFFFC0] =	vst v16;
	v14 =	vmul.f32 v14, v7  }
0x11a: {  	v16 =	vbroadcast v18, $0x0;
	v18 =	vbroadcast v20, $0x0;
	v20 =	vmov s10;
	v22 =	vld [tilespmem:s9+$0xFFFFFFD0]  }
0x11b: {  	v12 =	vmul.f32 v12, v8;
	[tilespmem:s12+$0x10] =	vst v14;
	v14 =	vmul.f32 v17, v6;
	v17 =	vld [tilespmem:s21+$0xFFFFFFF0]  }
0x11c: {  	v15 =	vmul.f32 v15, v4;
	v23 =	vld [tilespmem:s9+$0x20];
	v13 =	vmul.f32 v13, v5  }
0x11d: {  	[tilespmem:s12+$0x40] =	vst v12;
	v12 =	vmul.f32 v11, v2;
	v24 =	vld [tilespmem:s21+$0x70];
	v2 =	vmov v6;
	v6 =	vmov v10;
	s21 =	smov.u32 s23;
	s23 =	smov.u32 s9  }
0x11e: {  	v10 =	vmul.f32 v21, v6;
	v21 =	vld [tilespmem:s9+$0x50];
	[tilespmem:s22+$0xFFFFFFA0] =	vst v14  }
0x11f: {  	s9 =	sadd.s32 $0x100, s9;
	v11 =	vld.idx.msk [tilespmem:v19+s0+$0x0], $0xffff;
	v14 =	vmul.f32 v22, v9;
	[tilespmem:s22+$0xFFFFFFE0] =	vst v15  }
0x120: {  	v19 =	vld [tilespmem:s9+$0x0];
	[tilespmem:s12+$0xFFFFFF90] =	vst v10;
	v17 =	vmul.f32 v17, v3;
	v3 =	vmov v4;
	v4 =	vmov v9  }
0x121: {  	v10 =	vld.idx.msk [tilespmem:v16+s0+$0x0], $0xffff;
	[tilespmem:s12+$0xFFFFFFD0] =	vst v14;
	v14 =	vmul.f32 v23, v7  }
0x122: {  	v9 =	vld.idx.msk [tilespmem:v18+s0+$0x0], $0xffff;
	[tilespmem:s22+$0x60] =	vst v13;
	v18 =	vmul.f32 v24, v1;
	v1 =	vmov v5;
	v5 =	vmov v8  }
0x123: {  	v8 =	vld.idx.msk [tilespmem:v20+s0+$0x0], $0xffff;
	[tilespmem:s12+$0x20] =	vst v14;
	v14 =	vmul.f32 v21, v5  }
.Ltmp1:
0x124: {  	v13 =	vld [tilespmem:s23+$0x30];
	[tilespmem:s11+$0xFFFFFFB0] =	vst v12;
	(pc) =	sbr.rel @p1 .LBB2_5-.Ltmp1, $4  }
0x125: {  	v15 =	vld [tilespmem:s9+$0xFFFFFF80];
	v12 =	vmul.f32 v19, v11;
	[tilespmem:s12+$0x50] =	vst v14  }
0x126: {  	s12 =	sadd.s32 $0x100, s12;
	v16 =	vld [tilespmem:s9+$0xFFFFFFC0];
	[tilespmem:s11+$0xFFFFFFF0] =	vst v17  }
0x127: {  	[tilespmem:s12+$0x0] =	vst v12;
	v12 =	vld [tilespmem:s9+$0x40]  }
0x128: {  	v14 =	vld [tilespmem:s9+$0x10];
	[tilespmem:s11+$0x70] =	vst v18;
	s11 =	smov.u32 s22;
	s22 =	smov.u32 s13;
	s13 =	smov.u32 s12  }
0x129: {  	_ = 	snop  }
0x12a: {  	v15 =	vmul.f32 v15, v10  }
0x12b: {  	v17 =	vld [tilespmem:s23+$0xFFFFFFA0];
	v16 =	vmul.f32 v16, v9  }
0x12c: {  	v7 =	vmul.f32 v13, v7;
	v13 =	vld [tilespmem:s23+$0xFFFFFFE0];
	[tilespmem:s12+$0xFFFFFF80] =	vst v15  }
0x12d: {  	v12 =	vmul.f32 v12, v8;
	v15 =	vld [tilespmem:s9+$0xFFFFFF90];
	[tilespmem:s12+$0xFFFFFFC0] =	vst v16  }
0x12e: {  	v14 =	vmul.f32 v14, v11;
	v16 =	vld [tilespmem:s9+$0xFFFFFFD0]  }
0x12f: {  	v18 =	vld [tilespmem:s21+$0xFFFFFFB0];
	[tilespmem:s12+$0x40] =	vst v12  }
0x130: {  	v12 =	vld [tilespmem:s9+$0x50];
	[tilespmem:s12+$0x10] =	vst v14  }
0x131: {  	v14 =	vmul.f32 v17, v6;
	v17 =	vld [tilespmem:s9+$0x20]  }
0x132: {  	[tilespmem:s22+$0x30] =	vst v7;
	v15 =	vmul.f32 v15, v10  }
0x133: {  	v7 =	vld [tilespmem:s23+$0x60];
	[tilespmem:s22+$0xFFFFFFA0] =	vst v14;
	v14 =	vmul.f32 v16, v9  }
0x134: {  	v13 =	vmul.f32 v13, v4;
	v16 =	vld [tilespmem:s21+$0xFFFFFFF0];
	[tilespmem:s12+$0xFFFFFF90] =	vst v15  }
0x135: {  	v12 =	vmul.f32 v12, v8;
	[tilespmem:s12+$0xFFFFFFD0] =	vst v14;
	v14 =	vld [tilespmem:s9+$0xFFFFFFA0]  }
0x136: {  	v2 =	vmul.f32 v18, v2;
	[tilespmem:s22+$0xFFFFFFE0] =	vst v13;
	v15 =	vmul.f32 v17, v11;
	v17 =	vld [tilespmem:s21+$0x70]  }
0x137: {  	[tilespmem:s12+$0x50] =	vst v12;
	v12 =	vld [tilespmem:s9+$0xFFFFFFE0]  }
0x138: {  	v7 =	vmul.f32 v7, v5;
	[tilespmem:s11+$0xFFFFFFB0] =	vst v2;
	v13 =	vld [tilespmem:s9+$0x60]  }
0x139: {  	v2 =	vld [tilespmem:s23+$0xFFFFFFB0];
	[tilespmem:s12+$0x20] =	vst v15;
	v3 =	vmul.f32 v16, v3  }
0x13a: {  	[tilespmem:s22+$0x60] =	vst v7;
	v7 =	vld [tilespmem:s9+$0x30];
	v14 =	vmul.f32 v14, v10  }
0x13b: {  	[tilespmem:s11+$0xFFFFFFF0] =	vst v3;
	v1 =	vmul.f32 v17, v1  }
0x13c: {  	v3 =	vld [tilespmem:s23+$0xFFFFFFF0];
	v12 =	vmul.f32 v12, v9;
	[tilespmem:s13+$0xFFFFFFA0] =	vst v14  }
0x13d: {  	v15 =	vld [tilespmem:s23+$0x70];
	v13 =	vmul.f32 v13, v8;
	[tilespmem:s11+$0x70] =	vst v1  }
0x13e: {  	[tilespmem:s13+$0xFFFFFFE0] =	vst v12;
	v12 =	vld [tilespmem:s9+$0xFFFFFFB0]  }
0x13f: {  	v1 =	vmul.f32 v2, v6;
	v7 =	vmul.f32 v7, v11;
	[tilespmem:s13+$0x60] =	vst v13;
	v11 =	vld [tilespmem:s9+$0xFFFFFFF0]  }
0x140: {  	v2 =	vld [tilespmem:s9+$0x70]  }
0x141: {  	[tilespmem:s22+$0xFFFFFFB0] =	vst v1;
	v3 =	vmul.f32 v3, v4  }
0x142: {  	[tilespmem:s13+$0x30] =	vst v7;
	v4 =	vmul.f32 v15, v5  }
0x143: {  	[tilespmem:s22+$0xFFFFFFF0] =	vst v3;
	v1 =	vmul.f32 v12, v10  }
0x144: {  	s5 =	smul.u32 $0x280, s17;
	[tilespmem:s22+$0x70] =	vst v4;
	v3 =	vmul.f32 v11, v9  }
0x145: {  	v2 =	vmul.f32 v2, v8;
	[tilespmem:s13+$0xFFFFFFB0] =	vst v1  }
0x146: {  	s11 =	sshra.s32 s5, $0x2;
	[tilespmem:s13+$0xFFFFFFF0] =	vst v3  }
0x147: {  	s5 =	sadd.s32 $0xA0, s11;
	[tilespmem:s13+$0x70] =	vst v2  }
0x148: {  	[tilespmem:s26], [sflag:$0x1] =	stream.indirect.gather [hbm4b:s1+s25], $0x40, s5, s25, $0xb8;
	[tilespmem:$0x1DF40] =	vst v63  }
0x149: {  	_ = 	snop  }
0x14a: {  	[spmem:s3] =	stream.indirect.scatter.add.f32 [tilespmem:s31], [sflag:$0x3], $0x40, s19, s25, $0xb8;
	[tilespmem:$0x1DF40] =	vst v63  }
0x14b: {  	_ =	swait.ge [sflag:s7], $0x1400  }
0x14c: {  	[sflag:s7] =	ssyncset.done $0x0  }
0x14d: {  	s5 =	simm.s32 @!p0 $0x4;
	[sflag:s7] =	ssyncadd.s32 $0xFFFFEC00  }
0x14e: {  	_ =	swait.ge @!p0 [sflag:s5], $0x1400  }
0x14f: {  	[sflag:s5] =	ssyncset.done @!p0 $0x0  }
0x150: {  	[sflag:s5] =	ssyncadd.s32 @!p0 $0xFFFFEC00  }
0x151: {  	v1 =	vld [tilespmem:s18+$0x50]  }
0x152: {  	v2 =	vld [tilespmem:s18+$0x2760];
	_ =	sdelay $0x1  }
0x153: {  	v3 =	vld [tilespmem:s18+$0x4E70];
	_ =	sdelay $0x4  }
0x154: {  	v1 =	vld.idx.msk [tilespmem:v1+s28+$0x0], $0xffff  }
0x155: {  	v2 =	vld.idx.msk [tilespmem:v2+s29+$0x0], $0xffff;
	_ =	sdelay $0x1  }
0x156: {  	v3 =	vld.idx.msk [tilespmem:v3+s30+$0x0], $0xffff;
	_ =	sdelay $0x2  }
0x157: {  	v1 =	vadd.f32 v2, v1;
	_ =	sdelay $0x1  }
0x158: {  	v1 =	vadd.f32 v3, v1;
	_ =	sdelay $0x1  }
0x159: {  	v2 =	vmul.f32 $2.000000030e-01, v1  }
0x15a: {  	vm0 =	vge.f32 v1, $0.0e+00  }
0x15b: {  	v1 =	vsel vm0, v1, v2  }
0x15c: {  	v1 =	vmul.f32 $1.442695020e+00, v1;
	_ =	sdelay $0x1  }
0x15d: {  	(erf) = vpow2.f32 v1;
	_ =	sdelay $0x2  }
0x15e: {  	v1 =	vld [tilespmem:s18+$0x60]  }
0x15f: {  	v2 =	vld [tilespmem:s18+$0x2770];
	_ =	sdelay $0x1  }
0x160: {  	v3 =	vld [tilespmem:s18+$0x4E80];
	_ =	sdelay $0x2  }
0x161: {  	v4 =	vpop (erf)  }
0x162: {  	[tilespmem:s18+$0xC600] =	vst v4  }
0x163: {  	v1 =	vld.idx.msk [tilespmem:v1+s28+$0x0], $0xffff  }
0x164: {  	v2 =	vld.idx.msk [tilespmem:v2+s29+$0x0], $0xffff;
	_ =	sdelay $0x1  }
0x165: {  	v3 =	vld.idx.msk [tilespmem:v3+s30+$0x0], $0xffff;
	_ =	sdelay $0x2  }
0x166: {  	v1 =	vadd.f32 v2, v1;
	_ =	sdelay $0x1  }
0x167: {  	v1 =	vadd.f32 v3, v1;
	_ =	sdelay $0x1  }
0x168: {  	v2 =	vmul.f32 $2.000000030e-01, v1  }
0x169: {  	vm12 =	vge.f32 v1, $0.0e+00  }
0x16a: {  	v1 =	vsel vm12, v1, v2  }
0x16b: {  	v1 =	vmul.f32 $1.442695020e+00, v1;
	_ =	sdelay $0x1  }
0x16c: {  	(erf) = vpow2.f32 v1;
	_ =	sdelay $0x2  }
0x16d: {  	v1 =	vld [tilespmem:s18+$0x70]  }
0x16e: {  	v2 =	vld [tilespmem:s18+$0x2780];
	_ =	sdelay $0x1  }
0x16f: {  	v3 =	vld [tilespmem:s18+$0x4E90];
	_ =	sdelay $0x2  }
0x170: {  	v4 =	vpop (erf)  }
0x171: {  	[tilespmem:s18+$0xC610] =	vst v4  }
0x172: {  	v1 =	vld.idx.msk [tilespmem:v1+s28+$0x0], $0xffff  }
0x173: {  	v2 =	vld.idx.msk [tilespmem:v2+s29+$0x0], $0xffff;
	_ =	sdelay $0x1  }
0x174: {  	v3 =	vld.idx.msk [tilespmem:v3+s30+$0x0], $0xffff;
	_ =	sdelay $0x2  }
0x175: {  	v1 =	vadd.f32 v2, v1;
	_ =	sdelay $0x1  }
0x176: {  	v1 =	vadd.f32 v3, v1;
	_ =	sdelay $0x1  }
0x177: {  	v2 =	vmul.f32 $2.000000030e-01, v1  }
0x178: {  	vm13 =	vge.f32 v1, $0.0e+00  }
0x179: {  	v1 =	vsel vm13, v1, v2  }
0x17a: {  	v1 =	vmul.f32 $1.442695020e+00, v1;
	_ =	sdelay $0x1  }
0x17b: {  	(erf) = vpow2.f32 v1;
	_ =	sdelay $0x2  }
0x17c: {  	v1 =	vld [tilespmem:s18+$0x80]  }
0x17d: {  	v2 =	vld [tilespmem:s18+$0x2790];
	_ =	sdelay $0x1  }
0x17e: {  	v3 =	vld [tilespmem:s18+$0x4EA0];
	_ =	sdelay $0x2  }
0x17f: {  	v4 =	vpop (erf)  }
0x180: {  	[tilespmem:s18+$0xC620] =	vst v4  }
0x181: {  	v1 =	vld.idx.msk [tilespmem:v1+s28+$0x0], $0xffff  }
0x182: {  	v2 =	vld.idx.msk [tilespmem:v2+s29+$0x0], $0xffff;
	_ =	sdelay $0x1  }
0x183: {  	v3 =	vld.idx.msk [tilespmem:v3+s30+$0x0], $0xffff;
	_ =	sdelay $0x2  }
0x184: {  	v1 =	vadd.f32 v2, v1;
	_ =	sdelay $0x1  }
0x185: {  	v1 =	vadd.f32 v3, v1;
	_ =	sdelay $0x1  }
0x186: {  	v2 =	vmul.f32 $2.000000030e-01, v1  }
0x187: {  	vm14 =	vge.f32 v1, $0.0e+00  }
0x188: {  	v1 =	vsel vm14, v1, v2  }
0x189: {  	v1 =	vmul.f32 $1.442695020e+00, v1;
	_ =	sdelay $0x1  }
0x18a: {  	(erf) = vpow2.f32 v1;
	_ =	sdelay $0x2  }
0x18b: {  	v1 =	vld [tilespmem:s18+$0x90]  }
0x18c: {  	v2 =	vld [tilespmem:s18+$0x27A0];
	_ =	sdelay $0x1  }
0x18d: {  	v3 =	vld [tilespmem:s18+$0x4EB0];
	_ =	sdelay $0x2  }
0x18e: {  	v4 =	vpop (erf)  }
0x18f: {  	[tilespmem:s18+$0xC630] =	vst v4  }
0x190: {  	v1 =	vld.idx.msk [tilespmem:v1+s28+$0x0], $0xffff  }
0x191: {  	v2 =	vld.idx.msk [tilespmem:v2+s29+$0x0], $0xffff;
	_ =	sdelay $0x1  }
0x192: {  	v3 =	vld.idx.msk [tilespmem:v3+s30+$0x0], $0xffff;
	_ =	sdelay $0x2  }
0x193: {  	v1 =	vadd.f32 v2, v1;
	_ =	sdelay $0x1  }
0x194: {  	v1 =	vadd.f32 v3, v1;
	_ =	sdelay $0x1  }
0x195: {  	v2 =	vmul.f32 $2.000000030e-01, v1  }
0x196: {  	vm15 =	vge.f32 v1, $0.0e+00  }
0x197: {  	v1 =	vsel vm15, v1, v2  }
0x198: {  	v1 =	vmul.f32 $1.442695020e+00, v1;
	_ =	sdelay $0x1  }
0x199: {  	(erf) = vpow2.f32 v1;
	_ =	sdelay $0x1  }
0x19a: {  	s23 =	sadd.s32 $0xFFFFFFFC, s16  }
0x19b: {  	s12 =	sadd.s32 $0x56, s23  }
0x19c: {  	v1 =	vmov s12  }
0x19d: {  	v1 =	vand.u32 $0xFFFFFFFE, v1  }
0x19e: {  	v1 =	vbroadcast v1, $0x0  }
0x19f: {  	s13 =	sadd.s32 $0x54, s23  }
0x1a0: {  	v2 =	vmov s13  }
0x1a1: {  	v2 =	vand.u32 $0xFFFFFFFC, v2;
	v3 =	vpop (erf)  }
0x1a2: {  	s10 =	sadd.s32 $0xC600, s18;
	s15 =	sadd.s32 $0x55, s23;
	s19 =	sadd.s32 $0x2760, s18;
	v2 =	vbroadcast v2, $0x0;
	[tilespmem:s18+$0xC640] =	vst v3  }
0x1a3: {  	[spmem:s4] =	stream.indirect.scatter.add.f32 [tilespmem:s10], [sflag:$0x5], $0x1, s19, s25, $0xb8;
	[tilespmem:$0x1DF40] =	vst v63  }
0x1a4: {  	s21 =	simm.s32 $0x10140;
	s5 =	sadd.s32 $0x57, s23;
	v3 =	vmov s15;
	v8 =	vld.idx.msk [tilespmem:v1+s0+$0x0], $0xffff  }
0x1a5: {  	v4 =	vmov s5;
	v3 =	vand.u32 $0xFFFFFFFD, v3;
	v1 =	vld [tilespmem:s21+$0x0]  }
0x1a6: {  	v3 =	vbroadcast v3, $0x0;
	_ =	sdelay $0x1  }
0x1a7: {  	s20 =	sadd.s32 $0x0, s16;
	v2 =	vld.idx.msk [tilespmem:v2+s0+$0x0], $0xffff  }
0x1a8: {  	s22 =	sadd.s32 $0x56, s20;
	v5 =	vld [tilespmem:s21+$0xFFFFFF80]  }
0x1a9: {  	v7 =	vmov s22;
	v6 =	vmul.f32 v1, v8;
	v1 =	vld.idx.msk [tilespmem:v4+s0+$0x0], $0xffff  }
0x1aa: {  	v4 =	vand.u32 $0xFFFFFFFE, v7;
	v7 =	vld [tilespmem:s21+$0xFFFFFFC0]  }
0x1ab: {  	v3 =	vld.idx.msk [tilespmem:v3+s0+$0x0], $0xffff;
	v4 =	vbroadcast v4, $0x0  }
0x1ac: {  	s23 =	sadd.s32 $0x54, s20;
	s18 =	simm.s32 $0x12940;
	v9 =	vld [tilespmem:s21+$0x40]  }
0x1ad: {  	v10 =	vmov s23;
	v5 =	vmul.f32 v5, v2;
	[tilespmem:s18+$0x0] =	vst v6  }
0x1ae: {  	v10 =	vand.u32 $0xFFFFFFFC, v10;
	s10 =	sadd.s32 $0x55, s20;
	v6 =	vld [tilespmem:s21+$0x10]  }
0x1af: {  	v10 =	vbroadcast v10, $0x0;
	v11 =	vmov s10;
	[tilespmem:s18+$0xFFFFFF80] =	vst v5  }
0x1b0: {  	v5 =	vmul.f32 v7, v3;
	v7 =	vand.u32 $0xFFFFFFFD, v11;
	v11 =	vld [tilespmem:s21+$0xFFFFFF90]  }
0x1b1: {  	s23 =	simm.s32 $0x10240;
	v12 =	vbroadcast v7, $0x0;
	v7 =	vld.idx.msk [tilespmem:v4+s0+$0x0], $0xffff;
	v4 =	vmul.f32 v9, v1  }
0x1b2: {  	s5 =	sadd.s32 $0x57, s20;
	[tilespmem:s18+$0xFFFFFFC0] =	vst v5;
	v5 =	vld [tilespmem:s23+$0x0]  }
0x1b3: {  	v9 =	vmov s5;
	v6 =	vmul.f32 v6, v8;
	v13 =	vld [tilespmem:s21+$0xFFFFFFD0];
	[tilespmem:s18+$0x40] =	vst v4  }
0x1b4: {  	v15 =	vld [tilespmem:s21+$0x50]  }
0x1b5: {  	[tilespmem:s18+$0x10] =	vst v6;
	v6 =	vld.idx.msk [tilespmem:v10+s0+$0x0], $0xffff  }
0x1b6: {  	v14 =	vld [tilespmem:s21+$0x20]  }
0x1b7: {  	s12 =	sadd.s32 $0x4, s16;
	v4 =	vld.idx.msk [tilespmem:v12+s0+$0x0], $0xffff;
	v10 =	vmul.f32 v5, v7  }
0x1b8: {  	s22 =	simm.s32 $0x12A40;
	s13 =	sadd.s32 $0x56, s12;
	v5 =	vld.idx.msk [tilespmem:v9+s0+$0x0], $0xffff  }
0x1b9: {  	v16 =	vmov s13;
	v11 =	vmul.f32 v11, v2;
	v9 =	vld [tilespmem:s23+$0xFFFFFF80];
	[tilespmem:s22+$0x0] =	vst v10  }
0x1ba: {  	v16 =	vand.u32 $0xFFFFFFFE, v16;
	v13 =	vmul.f32 v13, v3;
	v12 =	vld [tilespmem:s23+$0x10]  }
0x1bb: {  	v16 =	vbroadcast v16, $0x0;
	[tilespmem:s18+$0xFFFFFF90] =	vst v11;
	v10 =	vmul.f32 v14, v8;
	v14 =	vld [tilespmem:s23+$0xFFFFFFC0]  }
0x1bc: {  	[tilespmem:s18+$0xFFFFFFD0] =	vst v13;
	v13 =	vld [tilespmem:s21+$0xFFFFFFA0]  }
0x1bd: {  	v11 =	vmul.f32 v15, v1;
	v17 =	vld [tilespmem:s21+$0xFFFFFFE0]  }
0x1be: {  	s15 =	sadd.s32 $0x54, s12;
	[tilespmem:s18+$0x20] =	vst v10;
	v10 =	vld [tilespmem:s23+$0x40];
	v9 =	vmul.f32 v9, v6  }
0x1bf: {  	s20 =	sadd.s32 $0x55, s12;
	[tilespmem:s18+$0x50] =	vst v11;
	v11 =	vmov s15;
	v15 =	vld [tilespmem:s21+$0x30];
	v12 =	vmul.f32 v12, v7  }
0x1c0: {  	v19 =	vmov s20;
	v18 =	vld [tilespmem:s21+$0x60];
	v11 =	vand.u32 $0xFFFFFFFC, v11;
	[tilespmem:s22+$0xFFFFFF80] =	vst v9  }
0x1c1: {  	v20 =	vbroadcast v11, $0x0;
	v11 =	vld.idx.msk [tilespmem:v16+s0+$0x0], $0xffff;
	v9 =	vand.u32 $0xFFFFFFFD, v19;
	v14 =	vmul.f32 v14, v4;
	[tilespmem:s22+$0x10] =	vst v12  }
0x1c2: {  	v9 =	vbroadcast v9, $0x0;
	v12 =	vld [tilespmem:s23+$0x20]  }
0x1c3: {  	s5 =	sadd.s32 $0x57, s12;
	v19 =	vld [tilespmem:s23+$0xFFFFFF90];
	v10 =	vmul.f32 v10, v5;
	[tilespmem:s22+$0xFFFFFFC0] =	vst v14  }
0x1c4: {  	s9 =	simm.s32 $0x10340;
	v14 =	vld [tilespmem:s23+$0xFFFFFFD0];
	v8 =	vmul.f32 v15, v8;
	v15 =	vmov s5  }
0x1c5: {  	v16 =	vld [tilespmem:s9+$0x0];
	[tilespmem:s22+$0x40] =	vst v10;
	v10 =	vmul.f32 v13, v2  }
0x1c6: {  	v21 =	vld [tilespmem:s23+$0x50];
	[tilespmem:s18+$0x30] =	vst v8;
	v8 =	vmul.f32 v17, v3  }
0x1c7: {  	[tilespmem:s18+$0xFFFFFFA0] =	vst v10;
	v10 =	vld.idx.msk [tilespmem:v20+s0+$0x0], $0xffff;
	v12 =	vmul.f32 v12, v7  }
0x1c8: {  	v13 =	vmul.f32 v19, v6;
	v9 =	vld.idx.msk [tilespmem:v9+s0+$0x0], $0xffff;
	[tilespmem:s18+$0xFFFFFFE0] =	vst v8  }
0x1c9: {  	v14 =	vmul.f32 v14, v4;
	v8 =	vld.idx.msk [tilespmem:v15+s0+$0x0], $0xffff;
	[tilespmem:s22+$0x20] =	vst v12  }
0x1ca: {  	[tilespmem:s22+$0xFFFFFF90] =	vst v13;
	v12 =	vmul.f32 v18, v1;
	v13 =	vld [tilespmem:s23+$0x30]  }
0x1cb: {  	v15 =	vld [tilespmem:s9+$0xFFFFFF80];
	[tilespmem:s22+$0xFFFFFFD0] =	vst v14;
	v14 =	vmul.f32 v16, v11  }
0x1cc: {  	s12 =	simm.s32 $0x12B40;
	v17 =	vmul.f32 v21, v5;
	v16 =	vld [tilespmem:s9+$0xFFFFFFC0];
	[tilespmem:s18+$0x60] =	vst v12  }
0x1cd: {  	[tilespmem:s12+$0x0] =	vst v14;
	v12 =	vld [tilespmem:s9+$0x40]  }
0x1ce: {  	s13 =	simm.s32 $0x12B40;
	s20 =	simm.s32 $0x8;
	[tilespmem:s22+$0x50] =	vst v17;
	v14 =	vld [tilespmem:s9+$0x10]  }
.LBB2_7:
0x1cf: {  	s5 =	sadd.s32 s20, s16;
	s20 =	sadd.s32 $0x4, s20;
	v17 =	vld [tilespmem:s23+$0xFFFFFFA0];
	v13 =	vmul.f32 v13, v7;
	v7 =	vmov v11  }
0x1d0: {  	s10 =	sadd.s32 $0x54, s5;
	s15 =	sadd.s32 $0x56, s5;
	p0 =	slt.u32 s20, $0x4C;
	v11 =	vmul.f32 v15, v10;
	v15 =	vld [tilespmem:s23+$0xFFFFFFE0]  }
0x1d1: {  	v18 =	vmov s10;
	s10 =	sadd.s32 $0x55, s5;
	v19 =	vmov s15;
	s5 =	sadd.s32 $0x57, s5;
	v16 =	vmul.f32 v16, v9;
	[tilespmem:s22+$0x30] =	vst v13;
	v13 =	vld [tilespmem:s23+$0x60]  }
0x1d2: {  	v18 =	vand.u32 $0xFFFFFFFC, v18;
	v20 =	vmov s10;
	v19 =	vand.u32 $0xFFFFFFFE, v19;
	[tilespmem:s12+$0xFFFFFF80] =	vst v11;
	v11 =	vld [tilespmem:s21+$0xFFFFFFB0]  }
0x1d3: {  	v20 =	vand.u32 $0xFFFFFFFD, v20;
	v19 =	vbroadcast v19, $0x0;
	v21 =	vld [tilespmem:s9+$0xFFFFFF90];
	[tilespmem:s12+$0xFFFFFFC0] =	vst v16;
	v14 =	vmul.f32 v14, v7  }
0x1d4: {  	v16 =	vbroadcast v18, $0x0;
	v18 =	vbroadcast v20, $0x0;
	v20 =	vmov s5;
	v22 =	vld [tilespmem:s9+$0xFFFFFFD0]  }
0x1d5: {  	v12 =	vmul.f32 v12, v8;
	[tilespmem:s12+$0x10] =	vst v14;
	v14 =	vmul.f32 v17, v6;
	v17 =	vld [tilespmem:s21+$0xFFFFFFF0]  }
0x1d6: {  	v15 =	vmul.f32 v15, v4;
	v23 =	vld [tilespmem:s9+$0x20];
	v13 =	vmul.f32 v13, v5  }
0x1d7: {  	[tilespmem:s12+$0x40] =	vst v12;
	v12 =	vmul.f32 v11, v2;
	v24 =	vld [tilespmem:s21+$0x70];
	v2 =	vmov v6;
	v6 =	vmov v10;
	s21 =	smov.u32 s23;
	s23 =	smov.u32 s9  }
0x1d8: {  	v10 =	vmul.f32 v21, v6;
	v21 =	vld [tilespmem:s9+$0x50];
	[tilespmem:s22+$0xFFFFFFA0] =	vst v14  }
0x1d9: {  	s9 =	sadd.s32 $0x100, s9;
	v11 =	vld.idx.msk [tilespmem:v19+s0+$0x0], $0xffff;
	v14 =	vmul.f32 v22, v9;
	[tilespmem:s22+$0xFFFFFFE0] =	vst v15  }
0x1da: {  	v19 =	vld [tilespmem:s9+$0x0];
	[tilespmem:s12+$0xFFFFFF90] =	vst v10;
	v17 =	vmul.f32 v17, v3;
	v3 =	vmov v4;
	v4 =	vmov v9  }
0x1db: {  	v10 =	vld.idx.msk [tilespmem:v16+s0+$0x0], $0xffff;
	[tilespmem:s12+$0xFFFFFFD0] =	vst v14;
	v14 =	vmul.f32 v23, v7  }
0x1dc: {  	v9 =	vld.idx.msk [tilespmem:v18+s0+$0x0], $0xffff;
	[tilespmem:s22+$0x60] =	vst v13;
	v18 =	vmul.f32 v24, v1;
	v1 =	vmov v5;
	v5 =	vmov v8  }
0x1dd: {  	v8 =	vld.idx.msk [tilespmem:v20+s0+$0x0], $0xffff;
	[tilespmem:s12+$0x20] =	vst v14;
	v14 =	vmul.f32 v21, v5  }
.Ltmp2:
0x1de: {  	v13 =	vld [tilespmem:s23+$0x30];
	[tilespmem:s18+$0xFFFFFFB0] =	vst v12;
	(pc) =	sbr.rel @p0 .LBB2_7-.Ltmp2, $4  }
0x1df: {  	v15 =	vld [tilespmem:s9+$0xFFFFFF80];
	v12 =	vmul.f32 v19, v11;
	[tilespmem:s12+$0x50] =	vst v14  }
0x1e0: {  	s12 =	sadd.s32 $0x100, s12;
	v16 =	vld [tilespmem:s9+$0xFFFFFFC0];
	[tilespmem:s18+$0xFFFFFFF0] =	vst v17  }
0x1e1: {  	[tilespmem:s12+$0x0] =	vst v12;
	v12 =	vld [tilespmem:s9+$0x40]  }
0x1e2: {  	v14 =	vld [tilespmem:s9+$0x10];
	[tilespmem:s18+$0x70] =	vst v18;
	s18 =	smov.u32 s22;
	s22 =	smov.u32 s13;
	s13 =	smov.u32 s12  }
0x1e3: {  	_ = 	snop  }
0x1e4: {  	v15 =	vmul.f32 v15, v10  }
0x1e5: {  	v17 =	vld [tilespmem:s23+$0xFFFFFFA0];
	v16 =	vmul.f32 v16, v9  }
0x1e6: {  	v48 =	vld [tilespmem:s23+$0xFFFFFFE0];
	[tilespmem:s12+$0xFFFFFF80] =	vst v15;
	v12 =	vmul.f32 v12, v8  }
0x1e7: {  	v15 =	vld [tilespmem:s9+$0xFFFFFF90];
	[tilespmem:s12+$0xFFFFFFC0] =	vst v16  }
0x1e8: {  	v7 =	vmul.f32 v13, v7;
	v16 =	vld [tilespmem:s9+$0xFFFFFFD0];
	[tilespmem:s12+$0x40] =	vst v12  }
0x1e9: {  	v14 =	vmul.f32 v14, v11;
	v12 =	vld [tilespmem:s9+$0x50]  }
0x1ea: {  	v51 =	vld [tilespmem:s23+$0x60];
	[tilespmem:s22+$0x30] =	vst v7;
	v49 =	vmul.f32 v17, v6  }
0x1eb: {  	v18 =	vld [tilespmem:s21+$0xFFFFFFB0];
	v13 =	vmul.f32 v48, v4;
	[tilespmem:s12+$0x10] =	vst v14  }
0x1ec: {  	v53 =	vld [tilespmem:s21+$0xFFFFFFF0];
	[tilespmem:s22+$0xFFFFFFA0] =	vst v49;
	v15 =	vmul.f32 v15, v10  }
0x1ed: {  	v58 =	vld [tilespmem:s21+$0x70];
	[tilespmem:s22+$0xFFFFFFE0] =	vst v13;
	v52 =	vmul.f32 v16, v9  }
0x1ee: {  	v50 =	vld [tilespmem:s9+$0x20];
	[tilespmem:s12+$0xFFFFFF90] =	vst v15;
	v12 =	vmul.f32 v12, v8  }
0x1ef: {  	v7 =	vmul.f32 v51, v5;
	[tilespmem:s12+$0xFFFFFFD0] =	vst v52;
	v54 =	vld [tilespmem:s9+$0xFFFFFFA0]  }
0x1f0: {  	v2 =	vmul.f32 v18, v2;
	[tilespmem:s12+$0x50] =	vst v12;
	v56 =	vld [tilespmem:s9+$0xFFFFFFE0]  }
0x1f1: {  	v3 =	vmul.f32 v53, v3;
	[tilespmem:s22+$0x60] =	vst v7;
	v57 =	vld [tilespmem:s9+$0x60]  }
0x1f2: {  	v1 =	vmul.f32 v58, v1;
	[tilespmem:s18+$0xFFFFFFB0] =	vst v2  }
0x1f3: {  	[tilespmem:s18+$0xFFFFFFF0] =	vst v3;
	v2 =	vld [tilespmem:s23+$0xFFFFFFB0];
	v55 =	vmul.f32 v50, v11  }
0x1f4: {  	[tilespmem:s18+$0x70] =	vst v1;
	v3 =	vld [tilespmem:s23+$0xFFFFFFF0];
	v14 =	vmul.f32 v54, v10  }
0x1f5: {  	v60 =	vld [tilespmem:s23+$0x70];
	[tilespmem:s12+$0x20] =	vst v55;
	v12 =	vmul.f32 v56, v9  }
0x1f6: {  	v59 =	vld [tilespmem:s9+$0x30];
	v13 =	vmul.f32 v57, v8;
	[tilespmem:s13+$0xFFFFFFA0] =	vst v14  }
0x1f7: {  	[tilespmem:s13+$0xFFFFFFE0] =	vst v12;
	v61 =	vld [tilespmem:s9+$0xFFFFFFB0]  }
0x1f8: {  	v1 =	vmul.f32 v2, v6;
	[tilespmem:s13+$0x60] =	vst v13;
	v62 =	vld [tilespmem:s9+$0xFFFFFFF0]  }
0x1f9: {  	v3 =	vmul.f32 v3, v4;
	v2 =	vld [tilespmem:s9+$0x70]  }
0x1fa: {  	v63 =	vmul.f32 v60, v5;
	[tilespmem:s22+$0xFFFFFFB0] =	vst v1  }
0x1fb: {  	p0 =	seq.s32 s17, $0x3D;
	[tilespmem:s22+$0xFFFFFFF0] =	vst v3;
	v7 =	vmul.f32 v59, v11  }
.Ltmp3:
0x1fc: {  	[tilespmem:s22+$0x70] =	vst v63;
	v1 =	vmul.f32 v61, v10;
	(pc) =	sbr.rel @p0 .LBB2_10-.Ltmp3, $4  }
0x1fd: {  	[tilespmem:s13+$0x30] =	vst v7;
	v3 =	vmul.f32 v62, v9  }
0x1fe: {  	v2 =	vmul.f32 v2, v8;
	[tilespmem:s13+$0xFFFFFFB0] =	vst v1  }
0x1ff: {  	[tilespmem:s13+$0xFFFFFFF0] =	vst v3  }
0x200: {  	[tilespmem:s13+$0x70] =	vst v2  }
.Ltmp4:
0x201: {  	(pc) =	sbr.rel .LBB2_4-.Ltmp4, $4  }
0x202: {  	s5 =	sadd.s32 $0xF0, s11  }
0x203: {  	[tilespmem:s2], [sflag:$0x2] =	stream.indirect.gather [hbm4b:s1+s25], $0x40, s5, s25, $0xb8;
	[tilespmem:$0x1DF40] =	vst v63  }
0x204: {  	s17 =	sadd.s32 $0x1, s17;
	s16 =	sadd.s32 $0xA0, s16  }
0x205: {  	[spmem:s3] =	stream.indirect.scatter.add.f32 [tilespmem:s8], [sflag:$0x4], $0x40, s19, s25, $0xb8;
	[tilespmem:$0x1DF40] =	vst v63  }
.LBB2_10:
0x206: {  	[spmem:s3] =	stream.indirect.scatter.add.f32 [tilespmem:s8], [sflag:$0x4], $0x40, s19, s25, $0xb8;
	[tilespmem:$0x1DF40] =	vst v63  }
0x207: {  	_ =	swait.ge [sflag:s6], $0x1400  }
0x208: {  	[sflag:s6] =	ssyncset.done $0x0  }
0x209: {  	s15 =	simm.s32 $0x3;
	[sflag:s6] =	ssyncadd.s32 $0xFFFFEC00  }
0x20a: {  	_ =	swait.ge [sflag:s15], $0x1400  }
0x20b: {  	[sflag:s15] =	ssyncset.done $0x0  }
0x20c: {  	[sflag:s15] =	ssyncadd.s32 $0xFFFFEC00  }
0x20d: {  	v1 =	vld [tilespmem:$0x26C0]  }
0x20e: {  	v2 =	vld [tilespmem:$0x4DD0];
	_ =	sdelay $0x1  }
0x20f: {  	v3 =	vld [tilespmem:$0x74E0];
	_ =	sdelay $0x4  }
0x210: {  	v1 =	vld.idx.msk [tilespmem:v1+s28+$0x0], $0xffff  }
0x211: {  	v2 =	vld.idx.msk [tilespmem:v2+s29+$0x0], $0xffff;
	_ =	sdelay $0x1  }
0x212: {  	v3 =	vld.idx.msk [tilespmem:v3+s30+$0x0], $0xffff;
	_ =	sdelay $0x2  }
0x213: {  	v1 =	vadd.f32 v2, v1;
	_ =	sdelay $0x1  }
0x214: {  	v1 =	vadd.f32 v3, v1;
	_ =	sdelay $0x1  }
0x215: {  	v2 =	vmul.f32 $2.000000030e-01, v1  }
0x216: {  	vm0 =	vge.f32 v1, $0.0e+00  }
0x217: {  	v1 =	vsel vm0, v1, v2  }
0x218: {  	v1 =	vmul.f32 $1.442695020e+00, v1;
	_ =	sdelay $0x1  }
0x219: {  	(erf) = vpow2.f32 v1;
	_ =	sdelay $0x2  }
0x21a: {  	v1 =	vld [tilespmem:$0x26D0]  }
0x21b: {  	v2 =	vld [tilespmem:$0x4DE0];
	_ =	sdelay $0x1  }
0x21c: {  	v3 =	vld [tilespmem:$0x74F0];
	_ =	sdelay $0x2  }
0x21d: {  	v4 =	vpop (erf)  }
0x21e: {  	[tilespmem:$0xEC70] =	vst v4  }
0x21f: {  	v1 =	vld.idx.msk [tilespmem:v1+s28+$0x0], $0xffff  }
0x220: {  	v2 =	vld.idx.msk [tilespmem:v2+s29+$0x0], $0xffff;
	_ =	sdelay $0x1  }
0x221: {  	v3 =	vld.idx.msk [tilespmem:v3+s30+$0x0], $0xffff;
	_ =	sdelay $0x2  }
0x222: {  	v1 =	vadd.f32 v2, v1;
	_ =	sdelay $0x1  }
0x223: {  	v1 =	vadd.f32 v3, v1;
	_ =	sdelay $0x1  }
0x224: {  	v2 =	vmul.f32 $2.000000030e-01, v1  }
0x225: {  	vm12 =	vge.f32 v1, $0.0e+00  }
0x226: {  	v1 =	vsel vm12, v1, v2  }
0x227: {  	v1 =	vmul.f32 $1.442695020e+00, v1;
	_ =	sdelay $0x1  }
0x228: {  	(erf) = vpow2.f32 v1;
	_ =	sdelay $0x2  }
0x229: {  	v1 =	vld [tilespmem:$0x26E0]  }
0x22a: {  	v2 =	vld [tilespmem:$0x4DF0];
	_ =	sdelay $0x1  }
0x22b: {  	v3 =	vld [tilespmem:$0x7500];
	_ =	sdelay $0x2  }
0x22c: {  	v4 =	vpop (erf)  }
0x22d: {  	[tilespmem:$0xEC80] =	vst v4  }
0x22e: {  	v1 =	vld.idx.msk [tilespmem:v1+s28+$0x0], $0xffff  }
0x22f: {  	v2 =	vld.idx.msk [tilespmem:v2+s29+$0x0], $0xffff;
	_ =	sdelay $0x1  }
0x230: {  	v3 =	vld.idx.msk [tilespmem:v3+s30+$0x0], $0xffff;
	_ =	sdelay $0x2  }
0x231: {  	v1 =	vadd.f32 v2, v1;
	_ =	sdelay $0x1  }
0x232: {  	v1 =	vadd.f32 v3, v1;
	_ =	sdelay $0x1  }
0x233: {  	v2 =	vmul.f32 $2.000000030e-01, v1  }
0x234: {  	vm13 =	vge.f32 v1, $0.0e+00  }
0x235: {  	v1 =	vsel vm13, v1, v2  }
0x236: {  	v1 =	vmul.f32 $1.442695020e+00, v1;
	_ =	sdelay $0x1  }
0x237: {  	(erf) = vpow2.f32 v1;
	_ =	sdelay $0x2  }
0x238: {  	v1 =	vld [tilespmem:$0x26F0]  }
0x239: {  	v2 =	vld [tilespmem:$0x4E00];
	_ =	sdelay $0x1  }
0x23a: {  	v3 =	vld [tilespmem:$0x7510];
	_ =	sdelay $0x2  }
0x23b: {  	v4 =	vpop (erf)  }
0x23c: {  	[tilespmem:$0xEC90] =	vst v4  }
0x23d: {  	v1 =	vld.idx.msk [tilespmem:v1+s28+$0x0], $0xffff  }
0x23e: {  	v2 =	vld.idx.msk [tilespmem:v2+s29+$0x0], $0xffff;
	_ =	sdelay $0x1  }
0x23f: {  	v3 =	vld.idx.msk [tilespmem:v3+s30+$0x0], $0xffff;
	_ =	sdelay $0x2  }
0x240: {  	v1 =	vadd.f32 v2, v1;
	_ =	sdelay $0x1  }
0x241: {  	v1 =	vadd.f32 v3, v1;
	_ =	sdelay $0x1  }
0x242: {  	v2 =	vmul.f32 $2.000000030e-01, v1  }
0x243: {  	vm14 =	vge.f32 v1, $0.0e+00  }
0x244: {  	v1 =	vsel vm14, v1, v2  }
0x245: {  	v1 =	vmul.f32 $1.442695020e+00, v1;
	_ =	sdelay $0x1  }
0x246: {  	(erf) = vpow2.f32 v1;
	_ =	sdelay $0x2  }
0x247: {  	v1 =	vld [tilespmem:$0x2700]  }
0x248: {  	v2 =	vld [tilespmem:$0x4E10];
	_ =	sdelay $0x1  }
0x249: {  	v3 =	vld [tilespmem:$0x7520];
	_ =	sdelay $0x2  }
0x24a: {  	v4 =	vpop (erf)  }
0x24b: {  	[tilespmem:$0xECA0] =	vst v4  }
0x24c: {  	v1 =	vld.idx.msk [tilespmem:v1+s28+$0x0], $0xffff  }
0x24d: {  	v2 =	vld.idx.msk [tilespmem:v2+s29+$0x0], $0xffff;
	_ =	sdelay $0x1  }
0x24e: {  	v3 =	vld.idx.msk [tilespmem:v3+s30+$0x0], $0xffff;
	_ =	sdelay $0x2  }
0x24f: {  	v1 =	vadd.f32 v2, v1;
	_ =	sdelay $0x1  }
0x250: {  	v1 =	vadd.f32 v3, v1;
	_ =	sdelay $0x1  }
0x251: {  	v2 =	vmul.f32 $2.000000030e-01, v1  }
0x252: {  	vm15 =	vge.f32 v1, $0.0e+00  }
0x253: {  	v1 =	vsel vm15, v1, v2  }
0x254: {  	v1 =	vmul.f32 $1.442695020e+00, v1;
	_ =	sdelay $0x1  }
0x255: {  	(erf) = vpow2.f32 v1;
	_ =	sdelay $0x2  }
0x256: {  	s5 =	simm.s32 $0x26C0  }
0x257: {  	s17 =	simm.s32 $0x26C1;
	s18 =	simm.s32 $0x26C2;
	v1 =	vmov s5  }
0x258: {  	v3 =	vmov s18;
	v2 =	vmov s17;
	v1 =	vand.u32 $0xFFFFFFFC, v1  }
0x259: {  	v3 =	vand.u32 $0xFFFFFFFE, v3;
	v2 =	vand.u32 $0xFFFFFFFD, v2;
	v1 =	vbroadcast v1, $0x0  }
0x25a: {  	v2 =	vbroadcast v2, $0x0  }
0x25b: {  	v4 =	vbroadcast v3, $0x0  }
0x25c: {  	v3 =	vpop (erf)  }
0x25d: {  	s19 =	simm.s32 $0xEC70;
	s17 =	simm.s32 $0x4DD0;
	[tilespmem:$0xECB0] =	vst v3  }
0x25e: {  	[spmem:s4] =	stream.indirect.scatter.add.f32 [tilespmem:s19], [sflag:$0x5], $0x1, s17, s25, $0xb8;
	[tilespmem:$0x1DF40] =	vst v63  }
0x25f: {  	s20 =	simm.s32 $0x26C3;
	v3 =	vld.idx.msk [tilespmem:v1+s0+$0x0], $0xffff  }
0x260: {  	v5 =	vmov s20;
	v1 =	vld.idx.msk [tilespmem:v2+s0+$0x0], $0xffff  }
0x261: {  	s11 =	simm.s32 $0xED40;
	v4 =	vld.idx.msk [tilespmem:v4+s0+$0x0], $0xffff  }
0x262: {  	v6 =	vld [tilespmem:s11+$0x0]  }
0x263: {  	v7 =	vld [tilespmem:s11+$0xFFFFFF80]  }
0x264: {  	v8 =	vld [tilespmem:s11+$0xFFFFFFC0]  }
0x265: {  	v2 =	vld.idx.msk [tilespmem:v5+s0+$0x0], $0xffff  }
0x266: {  	v5 =	vld [tilespmem:s11+$0x40]  }
0x267: {  	s21 =	simm.s32 $0x26C4;
	v6 =	vmul.f32 v6, v4  }
0x268: {  	s9 =	simm.s32 $0x11540;
	s22 =	simm.s32 $0x26C5;
	v9 =	vmov s21;
	v7 =	vmul.f32 v7, v3  }
0x269: {  	s10 =	simm.s32 $0x26C7;
	v10 =	vmov s22;
	v9 =	vand.u32 $0xFFFFFFFC, v9;
	v8 =	vmul.f32 v8, v1;
	[tilespmem:s9+$0x0] =	vst v6  }
0x26a: {  	v10 =	vand.u32 $0xFFFFFFFD, v10;
	v9 =	vbroadcast v9, $0x0;
	v6 =	vmov s10;
	[tilespmem:s9+$0xFFFFFF80] =	vst v7;
	v7 =	vld [tilespmem:s11+$0x10]  }
0x26b: {  	v10 =	vbroadcast v10, $0x0;
	v5 =	vmul.f32 v5, v2;
	[tilespmem:s9+$0xFFFFFFC0] =	vst v8;
	v11 =	vld [tilespmem:s11+$0xFFFFFF90]  }
0x26c: {  	s23 =	simm.s32 $0x26C6;
	v8 =	vld [tilespmem:s11+$0xFFFFFFD0]  }
0x26d: {  	[tilespmem:s9+$0x40] =	vst v5;
	v5 =	vmov s23  }
0x26e: {  	v12 =	vld [tilespmem:s11+$0x50];
	v13 =	vand.u32 $0xFFFFFFFE, v5  }
0x26f: {  	v13 =	vbroadcast v13, $0x0;
	v5 =	vld.idx.msk [tilespmem:v6+s0+$0x0], $0xffff;
	v14 =	vmul.f32 v7, v4  }
0x270: {  	v7 =	vld.idx.msk [tilespmem:v9+s0+$0x0], $0xffff;
	v9 =	vmul.f32 v11, v3  }
0x271: {  	v6 =	vld.idx.msk [tilespmem:v10+s0+$0x0], $0xffff;
	v8 =	vmul.f32 v8, v1;
	[tilespmem:s9+$0x10] =	vst v14  }
0x272: {  	[tilespmem:s9+$0xFFFFFF90] =	vst v9;
	v9 =	vld [tilespmem:s11+$0x20]  }
0x273: {  	[tilespmem:s9+$0xFFFFFFD0] =	vst v8;
	v10 =	vld [tilespmem:s11+$0xFFFFFFA0]  }
0x274: {  	v11 =	vld [tilespmem:s11+$0xFFFFFFE0]  }
0x275: {  	s13 =	simm.s32 $0xEE40;
	v8 =	vld.idx.msk [tilespmem:v13+s0+$0x0], $0xffff  }
0x276: {  	v12 =	vmul.f32 v12, v2;
	v14 =	vld [tilespmem:s13+$0x0]  }
0x277: {  	v13 =	vld [tilespmem:s13+$0xFFFFFF80];
	v9 =	vmul.f32 v9, v4  }
0x278: {  	[tilespmem:s9+$0x50] =	vst v12;
	v12 =	vld [tilespmem:s13+$0xFFFFFFC0];
	v15 =	vmul.f32 v10, v3  }
0x279: {  	v10 =	vld [tilespmem:s13+$0x40];
	v11 =	vmul.f32 v11, v1;
	[tilespmem:s9+$0x20] =	vst v9  }
0x27a: {  	s12 =	simm.s32 $0x4;
	s16 =	simm.s32 $0x11540;
	[tilespmem:s9+$0xFFFFFFA0] =	vst v15;
	v9 =	vld [tilespmem:s11+$0x30]  }
.LBB2_11:
0x27b: {  	s5 =	sadd.s32 $0x26C4, s12;
	s10 =	sadd.s32 $0x26C7, s12;
	v14 =	vmul.f32 v14, v8;
	[tilespmem:s9+$0xFFFFFFE0] =	vst v11;
	v11 =	vld [tilespmem:s11+$0x60]  }
0x27c: {  	s9 =	sadd.s32 $0x100, s9;
	v15 =	vmov s5;
	s5 =	sadd.s32 $0x26C5, s12;
	v16 =	vmov s10;
	v13 =	vmul.f32 v13, v7;
	v17 =	vld [tilespmem:s11+$0xFFFFFFB0]  }
0x27d: {  	v15 =	vand.u32 $0xFFFFFFFC, v15;
	v18 =	vmov s5;
	v12 =	vmul.f32 v12, v6;
	[tilespmem:s9+$0x0] =	vst v14;
	v14 =	vld [tilespmem:s11+$0xFFFFFFF0]  }
0x27e: {  	v15 =	vbroadcast v15, $0x0;
	v18 =	vand.u32 $0xFFFFFFFD, v18;
	[tilespmem:s9+$0xFFFFFF80] =	vst v13;
	v13 =	vld [tilespmem:s13+$0x10];
	v10 =	vmul.f32 v10, v5  }
0x27f: {  	v18 =	vbroadcast v18, $0x0;
	v19 =	vld [tilespmem:s13+$0xFFFFFF90];
	[tilespmem:s9+$0xFFFFFFC0] =	vst v12;
	v9 =	vmul.f32 v9, v4;
	v4 =	vmov v8  }
0x280: {  	s5 =	sadd.s32 $0x26C6, s12;
	s12 =	sadd.s32 $0x4, s12;
	v8 =	vld [tilespmem:s13+$0xFFFFFFD0];
	[tilespmem:s9+$0x40] =	vst v10;
	v10 =	vmul.f32 v11, v2  }
0x281: {  	p0 =	slt.u32 s12, $0x4C;
	v11 =	vmov s5;
	v12 =	vld [tilespmem:s13+$0x50];
	v17 =	vmul.f32 v17, v3;
	[tilespmem:s16+$0x30] =	vst v9;
	v3 =	vmov v7  }
0x282: {  	v7 =	vand.u32 $0xFFFFFFFE, v11;
	v9 =	vld.idx.msk [tilespmem:v16+s0+$0x0], $0xffff;
	v11 =	vmul.f32 v14, v1;
	[tilespmem:s16+$0x60] =	vst v10;
	v1 =	vmov v6  }
0x283: {  	v10 =	vbroadcast v7, $0x0;
	v13 =	vmul.f32 v13, v4;
	[tilespmem:s16+$0xFFFFFFB0] =	vst v17;
	v14 =	vld [tilespmem:s11+$0x70];
	s11 =	smov.u32 s13  }
0x284: {  	v7 =	vld.idx.msk [tilespmem:v15+s0+$0x0], $0xffff;
	v15 =	vmul.f32 v19, v3;
	[tilespmem:s16+$0xFFFFFFF0] =	vst v11  }
0x285: {  	v6 =	vld.idx.msk [tilespmem:v18+s0+$0x0], $0xffff;
	v8 =	vmul.f32 v8, v1;
	[tilespmem:s9+$0x10] =	vst v13  }
0x286: {  	[tilespmem:s9+$0xFFFFFF90] =	vst v15;
	v11 =	vld [tilespmem:s13+$0x20];
	v12 =	vmul.f32 v12, v5  }
0x287: {  	v15 =	vld [tilespmem:s13+$0xFFFFFFA0];
	[tilespmem:s9+$0xFFFFFFD0] =	vst v8  }
0x288: {  	v16 =	vld [tilespmem:s13+$0xFFFFFFE0];
	[tilespmem:s9+$0x50] =	vst v12;
	v12 =	vmul.f32 v14, v2;
	v2 =	vmov v5;
	v5 =	vmov v9  }
0x289: {  	s13 =	sadd.s32 $0x100, s13;
	v8 =	vld.idx.msk [tilespmem:v10+s0+$0x0], $0xffff  }
.Ltmp5:
0x28a: {  	v14 =	vld [tilespmem:s13+$0x0];
	[tilespmem:s16+$0x70] =	vst v12;
	s16 =	smov.u32 s9;
	(pc) =	sbr.rel @p0 .LBB2_11-.Ltmp5, $4  }
0x28b: {  	v13 =	vld [tilespmem:s13+$0xFFFFFF80];
	v9 =	vmul.f32 v11, v4  }
0x28c: {  	v12 =	vld [tilespmem:s13+$0xFFFFFFC0];
	v15 =	vmul.f32 v15, v3  }
0x28d: {  	v10 =	vld [tilespmem:s13+$0x40];
	v11 =	vmul.f32 v16, v1;
	[tilespmem:s9+$0x20] =	vst v9  }
0x28e: {  	[tilespmem:s9+$0xFFFFFFA0] =	vst v15;
	v9 =	vld [tilespmem:s11+$0x30]  }
0x28f: {  	v14 =	vmul.f32 v14, v8  }
0x290: {  	s5 =	sadd.s32 $0x100, s9;
	v13 =	vmul.f32 v13, v7  }
0x291: {  	v12 =	vmul.f32 v12, v6;
	[tilespmem:s5+$0x0] =	vst v14  }
0x292: {  	[tilespmem:s5+$0xFFFFFF80] =	vst v13;
	v58 =	vld [tilespmem:s13+$0x10];
	v10 =	vmul.f32 v10, v5  }
0x293: {  	v59 =	vld [tilespmem:s13+$0xFFFFFF90];
	[tilespmem:s5+$0xFFFFFFC0] =	vst v12  }
0x294: {  	v12 =	vld [tilespmem:s13+$0xFFFFFFD0];
	[tilespmem:s5+$0x40] =	vst v10  }
0x295: {  	v10 =	vld [tilespmem:s13+$0x50];
	_ =	sdelay $0x1  }
0x296: {  	v13 =	vmul.f32 v58, v8  }
0x297: {  	v14 =	vmul.f32 v59, v7  }
0x298: {  	v15 =	vld [tilespmem:s11+$0x60];
	v12 =	vmul.f32 v12, v6;
	[tilespmem:s5+$0x10] =	vst v13  }
0x299: {  	[tilespmem:s5+$0xFFFFFF90] =	vst v14;
	v13 =	vld [tilespmem:s13+$0x20];
	v10 =	vmul.f32 v10, v5  }
0x29a: {  	v14 =	vld [tilespmem:s13+$0xFFFFFFA0];
	[tilespmem:s5+$0xFFFFFFD0] =	vst v12  }
0x29b: {  	v12 =	vld [tilespmem:s13+$0xFFFFFFE0];
	[tilespmem:s5+$0x50] =	vst v10  }
0x29c: {  	v10 =	vld [tilespmem:s13+$0x60]  }
0x29d: {  	v15 =	vmul.f32 v15, v2  }
0x29e: {  	[tilespmem:s9+$0xFFFFFFE0] =	vst v11;
	v60 =	vld [tilespmem:s11+$0xFFFFFFB0];
	v13 =	vmul.f32 v13, v8  }
0x29f: {  	v16 =	vld [tilespmem:s11+$0xFFFFFFF0];
	[tilespmem:s16+$0x60] =	vst v15;
	v14 =	vmul.f32 v14, v7  }
0x2a0: {  	v15 =	vld [tilespmem:s11+$0x70];
	v12 =	vmul.f32 v12, v6;
	[tilespmem:s5+$0x20] =	vst v13  }
0x2a1: {  	[tilespmem:s5+$0xFFFFFFA0] =	vst v14;
	v13 =	vld [tilespmem:s13+$0x30];
	v10 =	vmul.f32 v10, v5  }
0x2a2: {  	v4 =	vmul.f32 v9, v4;
	[tilespmem:s5+$0xFFFFFFE0] =	vst v12;
	v61 =	vld [tilespmem:s13+$0xFFFFFFB0]  }
0x2a3: {  	v3 =	vmul.f32 v60, v3;
	v62 =	vld [tilespmem:s13+$0xFFFFFFF0];
	[tilespmem:s5+$0x60] =	vst v10  }
0x2a4: {  	[tilespmem:s16+$0x30] =	vst v4;
	v1 =	vmul.f32 v16, v1;
	v63 =	vld [tilespmem:s13+$0x70]  }
0x2a5: {  	[tilespmem:s16+$0xFFFFFFB0] =	vst v3;
	v2 =	vmul.f32 v15, v2  }
0x2a6: {  	[tilespmem:s16+$0xFFFFFFF0] =	vst v1;
	v1 =	vmul.f32 v13, v8  }
0x2a7: {  	[tilespmem:s16+$0x70] =	vst v2;
	v2 =	vmul.f32 v61, v7  }
0x2a8: {  	[tilespmem:s5+$0x30] =	vst v1;
	v1 =	vmul.f32 v62, v6  }
0x2a9: {  	[tilespmem:s5+$0xFFFFFFB0] =	vst v2;
	v2 =	vmul.f32 v63, v5  }
0x2aa: {  	[tilespmem:s5+$0xFFFFFFF0] =	vst v1  }
0x2ab: {  	s23 =	simm.s32 $0x4;
	[tilespmem:s5+$0x70] =	vst v2  }
0x2ac: {  	[spmem:s3] =	stream.indirect.scatter.add.f32 [tilespmem:s31], [sflag:$0x3], $0x40, s17, s25, $0xb8;
	[tilespmem:$0x1DF40] =	vst v63  }
0x2ad: {  	_ =	swait.ge [sflag:s23], $0x1400  }
0x2ae: {  	[sflag:s23] =	ssyncset.done $0x0  }
0x2af: {  	[sflag:s23] =	ssyncadd.s32 $0xFFFFEC00  }
0x2b0: {  	_ =	swait.ge [sflag:s15], $0x1400  }
0x2b1: {  	[sflag:s15] =	ssyncset.done $0x0  }
0x2b2: {  	[sflag:s15] =	ssyncadd.s32 $0xFFFFEC00  }
0x2b3: {  	_ =	swait.ge [sflag:s14], $0x50  }
0x2b4: {  	s9 =	simm.s32 $0x7C;
	[sflag:s14] =	ssyncset.done $0x0  }
.LBB2_13:
0x2b5: {  	p0 =	sne.s32 s9, $0x1;
	s9 =	sadd.s32 $0xFFFFFFFF, s9;
	[sflag:s14] =	ssyncadd.s32 $0xFFFFFFB0  }
.Ltmp6:
0x2b6: {  	(pc) =	sbr.rel @p0 .LBB2_13-.Ltmp6, $3  }
0x2b7: {  	_ =	sdelay $0x1  }
0x2b8: {  	_ =	swait.ge [sflag:s14], $0x50  }
0x2b9: {  	[sflag:s14] =	ssyncset.done $0x0  }
0x2ba: {  	[sflag:s14] =	ssyncadd.s32 $0xFFFFFFB0  }
0x2bb: {  	s5 =	stileid.u32;
	[bflag:$0x0] =	sbarrier.arrive $0xFFFF  }
0x2bc: {  	s5 =	sshll.u32 s5, $0x6;
	s15 =	rddreg [dreg:$0xc]  }
0x2bd: {  	s5 =	sor.u32 $0x1C06, s5;
	s10 =	rddreg [dreg:$0x15];
	s9 =	sshrl.u32 s15, $0x3  }
0x2be: {  	[hbm:s10], [sflag:s5] =	dma.local [spmem:s9], $0x1400  }
0x2bf: {  	_ =	swait.ge [sflag:s24], $0x1400  }
0x2c0: {  	[sflag:s24] =	ssyncset.done $0x0;
	s16 =	rddreg [dreg:$0x14]  }
0x2c1: {  	s21 =	rddreg [dreg:$0x16];
	[sflag:s24] =	ssyncadd.s32 $0xFFFFEC00;
	s20 =	sshrl.u32 s16, $0x3  }
0x2c2: {  	[hbm:s21], [sflag:s5] =	dma.local [spmem:s20], $0x50  }
0x2c3: {  	_ =	swait.ge [sflag:s24], $0x50  }
0x2c4: {  	s22 =	rddreg [dreg:$0x18]  }
0x2c5: {  	s23 =	rddreg [dreg:$0x17];
	s9 =	sadd.s32 $0x1, s22  }
0x2c6: {  	p0 =	sne.s32 s9, s23  }
.Ltmp7:
0x2c7: {  	_ = 	snop;
	(pc) =	sbr.rel @p0 .LBB2_1-.Ltmp7, $3  }
0x2c8: {  	_ =	sdelay $0x1  }
0x2c9: {  	[sflag:s24] =	ssyncset.done $0x0  }
0x2ca: {  	[sflag:s24] =	ssyncadd.s32 $0xFFFFFFB0  }
0x2cb: {  	_ =	sfence.sel $0x180000  }
0x2cc: {  	[bflag:$0x0] =	sbarrier.arrive $0xFFFF  }
0x2cd: {  	_ =	strace $0x9000004A  }
0x2ce: {  	s0 =	stileid.u32;
	[bflag:$0x2] =	sbarrier.arrive $0xFFFF  }
0x2cf: {  	p0 =	sne.s32 s0, $0x0;
	s0 =	rddreg [dreg:$0x5]  }
0x2d0: {  	s0 =	sadd.s32 @!p0 $0x100000, s0  }
0x2d1: {  	[sflag:s0] =	ssyncadd.tile.s32 @!p0 $0x1;
	_ =	shalt  }
.Lfunc_end2:
_tile_overlayer_lowered:
.L_overlay_start_2:
0x2d2: {  	(tag) =	ssettag $0x2  }
0x2d3: {  	s0 =	rddreg [dreg:$0x0];
	s2 =	stileid.u32  }
0x2d4: {  	s1 =	rddreg [dreg:$0x1];
	p0 =	sne.s32 s2, $0x0  }
0x2d5: {  	s3 =	rddreg [dreg:$0x2];
	[bflag:$0x3] =	sbarrier.arrive $0xFFFF;
	s2 =	simm.s32 @!p0 $0x1C06  }
0x2d6: {  	[timem:s3], [sflag:s2] =	dma.local @!p0 [hbm:s0], s1  }
0x2d7: {  	s0 =	simm.s32 @!p0 $0x6  }
0x2d8: {  	_ =	swait.ge @!p0 [sflag:s0], s1  }
0x2d9: {  	s1 =	ssub.s32 @!p0 $0x0, s1;
	[sflag:s0] =	ssyncset.done @!p0 $0x0  }
0x2da: {  	[sflag:s0] =	ssyncadd.s32 @!p0 s1  }
0x2db: {  	[bflag:$0x3] =	sbarrier.arrive $0xFFFF  }
0x2dc: {  	_ =	shalt  }

// kernel: kernel.9.cloned.1.call-start
scs
__scs_entry_jumppad:
0x0: {  	(pc) =	sbr.rel $0x88, $3  }
0x1: {  	(tag) =	ssettag $0x0;
	lr =	simm.s32 $0x1  }
0x2: {  	[smem:$0x3F98] =	sst lr;
	_ =	strace $0xD0000000  }
0x3: {  	_ = 	snop  }
0x4: {  	_ = 	snop  }
0x5: {  	_ = 	snop  }
0x6: {  	_ = 	snop  }
0x7: {  	_ = 	snop  }
__scs_overlays_trampoline_lowered:
0x8: {  	[smem:$0x3FA7] =	sst s0  }
0x9: {  	[smem:$0x3FA8] =	sst s1  }
0xa: {  	[smem:$0x3FA9] =	sst s2  }
0xb: {  	[smem:$0x3FAA] =	sst s3  }
0xc: {  	[smem:$0x3FAB] =	sst s4  }
0xd: {  	[smem:$0x3FAC] =	sst s5  }
0xe: {  	[smem:$0x3FAD] =	sst s6  }
0xf: {  	[smem:$0x3FAE] =	sst s7  }
0x10: {  	[smem:$0x3FAF] =	sst s8  }
0x11: {  	[smem:$0x3FB0] =	sst s9;
	s0 =	simm.s32 @!p0 $0x0  }
0x12: {  	s1 =	sld [smem:$0x3F96];
	s0 =	simm.s32 @p0 $0x1  }
0x13: {  	[smem:$0x3FB1] =	sst s0;
	s0 =	simm.s32 @!p1 $0x0  }
0x14: {  	s2 =	sld [smem:$0x3F95];
	s0 =	simm.s32 @p1 $0x1  }
0x15: {  	[smem:$0x3FB2] =	sst s0;
	s0 =	simm.s32 @!p2 $0x0  }
0x16: {  	s3 =	sld [smem:$0x3FDB];
	s0 =	simm.s32 @p2 $0x1  }
0x17: {  	s4 =	simm.s32 $0x1BF5;
	[smem:$0x3FB4] =	sst s0  }
0x18: {  	s0 =	sld [smem:$0x3F97];
	_ =	swait.ge [sflag:s4], $0x0  }
0x19: {  	s7 =	sld [smem:$0x3F98]  }
0x1a: {  	s8 =	sadd.s32 $0xFFFFE003, lr  }
0x1b: {  	s9 =	sadd.s32 $0xFFFFFEF7, lr;
	s5 =	simm.s32 $0xFFFFFFFF;
	p2 =	slt.u32 s8, $0xFFFFF086  }
0x1c: {  	p1 =	slt.u32 s9, $0xF7A;
	s5 =	simm.s32 @!p2 $0x0  }
0x1d: {  	s5 =	simm.s32 @p1 $0x1;
	p0 =	seq.s32 s7, s2  }
0x1e: {  	s7 =	smul.u32 @!p0 $0xF7A, s2;
	p2 =	seq.s32 @!p0 s5, $0x0  }
0x1f: {  	s9 =	smul.u32 $0xF7A, s1;
	s8 =	simm.s32 @!p0 $0x1BF5;
	p2 =	por !p2, p0  }
0x20: {  	[sflag:s8] =	ssyncset.s32 @!p0 $0xFFFFF086;
	s6 =	sadd.s32 @!p0 s3, s7;
	s7 =	simm.s32 @!p0 $0x108  }
0x21: {  	s3 =	sadd.s32 s3, s9;
	s6 =	sadd.s32 @!p0 $0x88, s6;
	s7 =	simm.s32 @p2 $0x1082  }
0x22: {  	[simem:s7], [sflag:s8] =	dma.local @!p0 [hbm:s6], $0xF7A  }
0x23: {  	s9 =	sor.u32 $0xD0000000, s2;
	s6 =	simm.s32 $0x108;
	_ =	swait.ge @!p0 [sflag:s8], $0x0  }
0x24: {  	s3 =	sadd.s32 $0x88, s3;
	s6 =	simm.s32 @!p1 $0x1082;
	[sflag:s4] =	ssyncset.s32 $0xFFFFF086  }
0x25: {  	[simem:s6], [sflag:s4] =	dma.local [hbm:s3], $0xF7A  }
0x26: {  	[smem:$0x3F98] =	sst s1;
	(tag) =	ssettag s2;
	_ =	strace s9  }
0x27: {  	s1 =	sld [smem:$0x3FA8]  }
0x28: {  	s2 =	sld [smem:$0x3FA9]  }
0x29: {  	s4 =	sld [smem:$0x3FAB]  }
0x2a: {  	p0 =	seq.s32 s5, $0x0;
	s5 =	sld [smem:$0x3FAC]  }
0x2b: {  	s6 =	sld [smem:$0x3FAD]  }
0x2c: {  	s7 =	sld [smem:$0x3FAE]  }
0x2d: {  	s3 =	simm.s32 $0x108;
	s8 =	sld [smem:$0x3FAF]  }
0x2e: {  	s3 =	simm.s32 @!p0 $0x1082;
	s9 =	sld [smem:$0x3FB0]  }
0x2f: {  	lr =	sadd.s32 s0, s3;
	s0 =	sld [smem:$0x3FA7]  }
0x30: {  	s3 =	sld [smem:$0x3FAA]  }
0x31: {  	[smem:$0x3FB3] =	sst s10  }
0x32: {  	s10 =	sld [smem:$0x3FB1];
	_ =	sdelay $0x3  }
0x33: {  	p0 =	seq.s32 s10, $0x1;
	s10 =	sld [smem:$0x3FB3];
	_ =	sdelay $0x3  }
0x34: {  	[smem:$0x3FB3] =	sst s10  }
0x35: {  	s10 =	sld [smem:$0x3FB2];
	_ =	sdelay $0x3  }
0x36: {  	p1 =	seq.s32 s10, $0x1;
	s10 =	sld [smem:$0x3FB3];
	_ =	sdelay $0x3  }
0x37: {  	[smem:$0x3FB3] =	sst s10  }
0x38: {  	s10 =	sld [smem:$0x3FB4]  }
0x39: {  	_ = 	snop;
	(pc) =	sbr.ind lr, $3  }
0x3a: {  	_ = 	snop  }
0x3b: {  	_ = 	snop  }
0x3c: {  	p2 =	seq.s32 s10, $0x1;
	s10 =	sld [smem:$0x3FB3]  }
0x3d: {  	_ =	shalt  }
0x3e: {  	_ =	shalt  }
0x3f: {  	_ =	shalt  }
0x40: {  	_ =	shalt  }
0x41: {  	_ =	shalt  }
0x42: {  	_ =	shalt  }
0x43: {  	_ =	shalt  }
0x44: {  	_ =	shalt  }
0x45: {  	_ =	shalt  }
0x46: {  	_ =	shalt  }
0x47: {  	_ =	shalt  }
0x48: {  	_ =	shalt  }
0x49: {  	_ =	shalt  }
0x4a: {  	_ =	shalt  }
0x4b: {  	_ =	shalt  }
0x4c: {  	_ =	shalt  }
0x4d: {  	_ =	shalt  }
0x4e: {  	_ =	shalt  }
0x4f: {  	_ =	shalt  }
0x50: {  	_ =	shalt  }
0x51: {  	_ =	shalt  }
0x52: {  	_ =	shalt  }
0x53: {  	_ =	shalt  }
0x54: {  	_ =	shalt  }
0x55: {  	_ =	shalt  }
0x56: {  	_ =	shalt  }
0x57: {  	_ =	shalt  }
0x58: {  	_ =	shalt  }
0x59: {  	_ =	shalt  }
0x5a: {  	_ =	shalt  }
0x5b: {  	_ =	shalt  }
0x5c: {  	_ =	shalt  }
0x5d: {  	_ =	shalt  }
0x5e: {  	_ =	shalt  }
0x5f: {  	_ =	shalt  }
0x60: {  	_ =	shalt  }
0x61: {  	_ =	shalt  }
0x62: {  	_ =	shalt  }
0x63: {  	_ =	shalt  }
0x64: {  	_ =	shalt  }
0x65: {  	_ =	shalt  }
0x66: {  	_ =	shalt  }
0x67: {  	_ =	shalt  }
0x68: {  	_ =	shalt  }
0x69: {  	_ =	shalt  }
0x6a: {  	_ =	shalt  }
0x6b: {  	_ =	shalt  }
0x6c: {  	_ =	shalt  }
0x6d: {  	_ =	shalt  }
0x6e: {  	_ =	shalt  }
0x6f: {  	_ =	shalt  }
0x70: {  	_ =	shalt  }
0x71: {  	_ =	shalt  }
0x72: {  	_ =	shalt  }
0x73: {  	_ =	shalt  }
0x74: {  	_ =	shalt  }
0x75: {  	_ =	shalt  }
0x76: {  	_ =	shalt  }
0x77: {  	_ =	shalt  }
0x78: {  	_ =	shalt  }
0x79: {  	_ =	shalt  }
0x7a: {  	_ =	shalt  }
0x7b: {  	_ =	shalt  }
0x7c: {  	_ =	shalt  }
0x7d: {  	_ =	shalt  }
0x7e: {  	_ =	shalt  }
0x7f: {  	_ =	shalt  }
0x80: {  	_ =	shalt  }
0x81: {  	_ =	shalt  }
0x82: {  	_ =	shalt  }
0x83: {  	_ =	shalt  }
0x84: {  	_ =	shalt  }
0x85: {  	_ =	shalt  }
0x86: {  	_ =	shalt  }
0x87: {  	_ =	shalt  }
.Lfunc_end0:
.L_simem_size_0:
called_computation.1_lowered:
.L_overlay_start_0:
0x88: {  	s2 =	sld [smem:$0x3FD9]  }
0x89: {  	s3 =	sld [smem:$0x3FFE];
	_ =	sdelay $0x1  }
0x8a: {  	s1 =	srdreg.scid  }
0x8b: {  	s0 =	sand.u32 $0x1, s1  }
0x8c: {  	s17 =	sshll.u32 s0, $0xA;
	s2 =	sadd.s32 s3, s2  }
0x8d: {  	s2 =	sadd.s32 s2, s17  }
0x8e: {  	[smem:$0x3FBF] =	sst s2  }
0x8f: {  	_ = 	snop  }
0x90: {  	s2 =	sld [smem:$0x3FC7];
	(tm) =	ssettm $0x1  }
0x91: {  	s18 =	sld [smem:$0x3FFB];
	_ =	sdelay $0x3  }
0x92: {  	_ =	strace s18  }
0x93: {  	s3 =	sld [smem:$0x3FFC];
	_ =	sdelay $0x3  }
0x94: {  	_ =	strace s3  }
0x95: {  	s3 =	sld [smem:$0x3FFD];
	_ =	sdelay $0x3  }
0x96: {  	_ =	strace s3  }
0x97: {  	_ =	strace $0x8FFFFFFF  }
0x98: {  	s19 =	sld [smem:$0x3FDB];
	_ =	sdelay $0x1  }
0x99: {  	s4 =	simm.s32 $_scs_section_size  }
0x9a: {  	s5 =	simm.s32 $_size__tile_overlayer_lowered;
	s6 =	simm.s32 $_tile_overlayer_lowered  }
0x9b: {  	s22 =	simm.s32 $0x1BFF;
	s21 =	sshll.u32 s6, $0x1;
	s3 =	sadd.s32 s4, s19  }
0x9c: {  	s7 =	simm.s32 $0x0;
	s20 =	sshll.u32 s5, $0x1;
	s5 =	sadd.s32 s21, s3  }
0x9d: {  	[timem:s7], [sflag:s22] =	dma.local [hbm:s5], s20  }
0x9e: {  	_ =	swait.ge [sflag:s22], s20  }
0x9f: {  	s4 =	ssub.s32 $0x0, s20;
	[sflag:s22] =	ssyncset.done $0x0  }
0xa0: {  	[sflag:s22] =	ssyncadd.s32 s4;
	_ =	sdelay $0x1  }
0xa1: {  	s23 =	simm.s32 $0x1B8B  }
0xa2: {  	_ =	swait.ge [sflag:s23], $0x1  }
0xa3: {  	[sflag:s23] =	ssyncset.done $0x0  }
0xa4: {  	s25 =	simm.s32 $0x1B8E;
	s24 =	sld [smem:$0x3FFE];
	[sflag:s23] =	ssyncadd.s32 $0xFFFFFFFF  }
0xa5: {  	s26 =	simm.s32 $execute0_lowered;
	[smem:$0x3FD2] =	sst s25  }
0xa6: {  	s5 =	sshll.u32 s26, $0x1;
	_ =	strace $0x80000046;
	[dreg:$0x1] =	wrdreg $0xFFFFFFFF  }
0xa7: {  	s28 =	simm.s32 $_size_execute0_lowered;
	s3 =	sadd.s32 s3, s5;
	[dreg:$0x0] =	wrdreg $0x0  }
0xa8: {  	s5 =	sshll.u32 s28, $0x1;
	[dreg:$0x2] =	wrdreg s3  }
0xa9: {  	[dreg:$0x3] =	wrdreg s5  }
0xaa: {  	[dreg:$0x4] =	wrdreg $0xC0  }
0xab: {  	_ =	task [dreg:s7], $0x5FFFF  }
0xac: {  	[dreg:$0x1] =	wrdreg $0xFFFFFFFF  }
0xad: {  	[dreg:$0x0] =	wrdreg $0x60  }
0xae: {  	[dreg:$0x2] =	wrdreg s24  }
0xaf: {  	[dreg:$0x3] =	wrdreg s2  }
0xb0: {  	[dreg:$0x4] =	wrdreg $0x13CC00  }
0xb1: {  	[dreg:$0x5] =	wrdreg $0xA  }
0xb2: {  	_ =	task.clear_ibuf [dreg:s7], $0x6FFFF;
	_ =	strace $0x90000046  }
0xb3: {  	s29 =	simm.s32 $0xA;
	_ =	strace $0x80000048  }
0xb4: {  	_ =	swait.ge [sflag:s29], $0x1  }
0xb5: {  	[sflag:s29] =	ssyncadd.s32 $0xFFFFFFFF  }
0xb6: {  	_ =	strace $0x90000048  }
0xb7: {  	_ =	sfence  }
0xb8: {  	s30 =	sld [smem:$0x0];
	_ =	sdelay $0x2  }
0xb9: {  	s31 =	sshll.u32 s1, $0xD;
	s1 =	sshrl.u32 s1, $0x2  }
0xba: {  	s3 =	sand.u32 $0x4000, s31;
	s1 =	sadd.s32 s1, s30  }
0xbb: {  	s0 =	sor.u32 s3, s0;
	s1 =	sshll.u32 s1, $0x11  }
0xbc: {  	s0 =	sor.u32 s1, s0  }
0xbd: {  	s0 =	sadd.s32 $0x8F2B, s0  }
0xbe: {  	[sflag:s0] =	ssyncadd.remote.s32 $0x1  }
0xbf: {  	_ =	sfence.sel $0xFFFF  }
0xc0: {  	[dreg:$0x0] =	wrdreg $0xFFFFFFFF;
	(pc) =	sbr.abs _section_cstart, $3  }
0xc1: {  	[dreg:$0x1] =	wrdreg $0xFFFFFFFF  }
0xc2: {  	_ =	task.clear_ibuf [dreg:s7], $0x2FFFF;
	_ =	strace $0x9FFFFFFF  }
0xc3: {  	(tm) =	ssettm $0x7FFFFFFF  }
tec
execute0_lowered:
.L_overlay_start_1:
0x0: {  	(tag) =	ssettag $0x1  }
0x1: {  	s0 =	rddreg [dreg:$0x0]  }
0x2: {  	s2 =	rddreg [dreg:$0x1]  }
0x3: {  	s1 =	rddreg [dreg:$0x2]  }
0x4: {  	s3 =	simm.s32 $0x0;
	s4 =	srdreg.scid;
	s9 =	stileid.u32  }
0x5: {  	s28 =	simm.s32 $0x114C0;
	s29 =	simm.s32 $0x50;
	s30 =	simm.s32 $0xECC0  }
0x6: {  	s31 =	simm.s32 $0x100C0;
	[smem:$0x7FF] =	sst s3;
	s4 =	sand.u32 $0x1, s4  }
0x7: {  	s5 =	smul.u32 $0xA000, s9;
	s6 =	sadd.s32 $0x14400, s0;
	s7 =	sshll.u32 s9, $0x1  }
0x8: {  	s8 =	sadd.s32 $0x13C00, s0;
	s9 =	smul.u32 $0x28000, s9;
	_ =	strace $0x80000047  }
0x9: {  	[dreg:$0x4] =	wrdreg s6;
	s14 =	smul.u32 $0xA0000, s4;
	s16 =	sor.u32 s4, s7  }
0xa: {  	s15 =	sadd.s32 $0x14200, s0;
	[dreg:$0x5] =	wrdreg s8;
	s8 =	smul.u32 $0x4E2, s16  }
0xb: {  	[dreg:$0x6] =	wrdreg s15;
	s7 =	sadd.s32 $0x14A00, s0;
	s4 =	ssub.s32 $0x2, s4  }
0xc: {  	s10 =	sshrl.u32 s4, $0x1;
	s19 =	sshrl.u32 s9, $0x2;
	s11 =	sadd.s32 s0, s8  }
0xd: {  	s20 =	sadd.s32 s19, s1;
	s2 =	sadd.s32 s2, s8;
	[dreg:$0x7] =	wrdreg s11  }
0xe: {  	s17 =	ssub.s32 s4, s10;
	s4 =	sadd.s32 $0x1400, s20;
	[dreg:$0x9] =	wrdreg s2  }
0xf: {  	s6 =	sadd.s32 s5, s14;
	s21 =	sadd.s32 $0x2800, s20;
	[dreg:$0xb] =	wrdreg s4  }
0x10: {  	s6 =	sshrl.u32 s6, $0x3;
	s22 =	sadd.s32 $0x3C00, s20;
	[dreg:$0xc] =	wrdreg s21  }
0x11: {  	s23 =	sadd.s32 $0x5000, s20;
	s24 =	sadd.s32 $0x6400, s20;
	[dreg:$0xd] =	wrdreg s22  }
0x12: {  	s25 =	sadd.s32 $0x7800, s20;
	s6 =	sadd.s32 s6, s0;
	[dreg:$0xe] =	wrdreg s23  }
0x13: {  	s18 =	sadd.s32 $0x9E00, s11;
	s11 =	sadd.s32 s5, s1;
	[dreg:$0xf] =	wrdreg s24  }
0x14: {  	[dreg:$0x10] =	wrdreg s25;
	s2 =	sadd.s32 $0x8C00, s20;
	s0 =	smax.u32 s17, $0x1  }
0x15: {  	s21 =	simm.s32 $0x5;
	s24 =	simm.s32 $0x7530;
	[dreg:$0x8] =	wrdreg s18  }
0x16: {  	s25 =	simm.s32 $0x9D30;
	s22 =	simm.s32 $0xC5B0;
	[dreg:$0x11] =	wrdreg s2  }
0x17: {  	s23 =	simm.s32 $0x2;
	s26 =	sadd.s32 $0x28400, s6;
	[dreg:$0x13] =	wrdreg s0  }
0x18: {  	s0 =	simm.s32 $0x1;
	s2 =	simm.s32 $0x128C0;
	[dreg:$0xa] =	wrdreg s11  }
0x19: {  	v0 =	vimm.f32 $0.0e+00;
	s6 =	simm.s32 $0x0;
	[dreg:$0x12] =	wrdreg s26;
	s26 =	simm.s32 $0xC530  }
.LBB2_1:
0x1a: {  	s4 =	rddreg [dreg:$0x8]  }
0x1b: {  	[tilespmem:s3], [sflag:$0x5] =	stream.linear.gather [hbm4b:s4+s3], $0x2710, $0x38;
	[tilespmem:$0x1DCC0] =	vst v63  }
0x1c: {  	_ =	swait.ge [sflag:s21], $0x2710  }
0x1d: {  	[sflag:s21] =	ssyncset.done $0x0  }
0x1e: {  	s5 =	simm.s32 $0x2710;
	s15 =	rddreg [dreg:$0x7];
	[sflag:s21] =	ssyncadd.s32 $0xFFFFD8F0  }
0x1f: {  	[tilespmem:s5], [sflag:$0x5] =	stream.linear.gather [hbm4b:s15+s3], $0x2710, $0x38;
	[tilespmem:$0x1DCC0] =	vst v63  }
0x20: {  	_ =	swait.ge [sflag:s21], $0x2710  }
0x21: {  	[sflag:s21] =	ssyncset.done $0x0  }
0x22: {  	s17 =	simm.s32 $0x4E20;
	s16 =	rddreg [dreg:$0x9];
	[sflag:s21] =	ssyncadd.s32 $0xFFFFD8F0  }
0x23: {  	[tilespmem:s17], [sflag:$0x5] =	stream.linear.gather [hbm4b:s16+s3], $0x2710, $0x38;
	[tilespmem:$0x1DCC0] =	vst v63  }
0x24: {  	_ =	swait.ge [sflag:s21], $0x2710  }
0x25: {  	[sflag:s21] =	ssyncset.done $0x0  }
0x26: {  	s18 =	rddreg [dreg:$0x4];
	[sflag:s21] =	ssyncadd.s32 $0xFFFFD8F0  }
0x27: {  	[tilespmem:s24], [sflag:$0x5] =	stream.linear.gather [hbm4b:s18+s3], $0x2800, $0x38;
	[tilespmem:$0x1DCC0] =	vst v63  }
0x28: {  	_ =	swait.ge [sflag:s21], $0x2800  }
0x29: {  	[sflag:s21] =	ssyncset.done $0x0  }
0x2a: {  	s19 =	rddreg [dreg:$0x5];
	[sflag:s21] =	ssyncadd.s32 $0xFFFFD800  }
0x2b: {  	[tilespmem:s25], [sflag:$0x5] =	stream.linear.gather [hbm4b:s19+s3], $0x2800, $0x38;
	[tilespmem:$0x1DCC0] =	vst v63  }
0x2c: {  	_ =	swait.ge [sflag:s21], $0x2800  }
0x2d: {  	[sflag:s21] =	ssyncset.done $0x0  }
0x2e: {  	s20 =	rddreg [dreg:$0x6];
	[sflag:s21] =	ssyncadd.s32 $0xFFFFD800  }
0x2f: {  	[tilespmem:s26], [sflag:$0x5] =	stream.linear.gather [hbm4b:s20+s3], $0x80, $0x38;
	[tilespmem:$0x1DCC0] =	vst v63  }
0x30: {  	s8 =	sand.u32 $0x7F00, s3;
	s9 =	sand.u32 $0x30, s3;
	_ =	swait.ge [sflag:s21], $0x80  }
0x31: {  	s10 =	sshrl.u32 s8, $0x2;
	s8 =	simm.s32 $0x40;
	[sflag:s21] =	ssyncset.done $0x0  }
0x32: {  	s10 =	sor.u32 s9, s10;
	s9 =	simm.s32 $0x0;
	[sflag:s21] =	ssyncadd.s32 $0xFFFFFF80  }
.LBB2_2:
0x33: {  	p0 =	sne.s32 s8, $0x4FC0  }
0x34: {  	[tilespmem:s10+$0x114C0] =	vst v0;
	s9 =	sadd.s32 $0x10, s9;
	s10 =	smov.u32 s8;
	s8 =	sadd.s32 $0x40, s8  }
.Ltmp0:
0x35: {  	(pc) =	sbr.rel @p0 .LBB2_2-.Ltmp0, $4  }
0x36: {  	_ = 	snop  }
0x37: {  	s10 =	sand.u32 $0x7F00, s10  }
0x38: {  	s12 =	sand.u32 $0x30, s9;
	s10 =	sshrl.u32 s10, $0x2  }
0x39: {  	s10 =	sor.u32 s12, s10  }
0x3a: {  	[tilespmem:s10+$0x114C0] =	vst v0  }
0x3b: {  	[spmem:s11] =	stream.linear.scatter [tilespmem:s28], [sflag:$0x5], $0x1400, $0x38;
	[tilespmem:$0x1DCC0] =	vst v63  }
0x3c: {  	_ =	swait.ge [sflag:s21], $0x1400  }
0x3d: {  	[sflag:s21] =	ssyncset.done $0x0  }
0x3e: {  	s4 =	rddreg [dreg:$0xb];
	[sflag:s21] =	ssyncadd.s32 $0xFFFFEC00  }
0x3f: {  	[spmem:s4] =	stream.linear.scatter [tilespmem:s28], [sflag:$0x5], $0x1400, $0x38;
	[tilespmem:$0x1DCC0] =	vst v63  }
0x40: {  	_ =	swait.ge [sflag:s21], $0x1400  }
0x41: {  	[sflag:s21] =	ssyncset.done $0x0  }
0x42: {  	s15 =	rddreg [dreg:$0xc];
	[sflag:s21] =	ssyncadd.s32 $0xFFFFEC00  }
0x43: {  	[spmem:s15] =	stream.linear.scatter [tilespmem:s28], [sflag:$0x5], $0x1400, $0x38;
	[tilespmem:$0x1DCC0] =	vst v63  }
0x44: {  	_ =	swait.ge [sflag:s21], $0x1400  }
0x45: {  	[sflag:s21] =	ssyncset.done $0x0  }
0x46: {  	s16 =	rddreg [dreg:$0xd];
	[sflag:s21] =	ssyncadd.s32 $0xFFFFEC00  }
0x47: {  	[spmem:s16] =	stream.linear.scatter [tilespmem:s28], [sflag:$0x5], $0x1400, $0x38;
	[tilespmem:$0x1DCC0] =	vst v63  }
0x48: {  	_ =	swait.ge [sflag:s21], $0x1400  }
0x49: {  	[sflag:s21] =	ssyncset.done $0x0  }
0x4a: {  	s17 =	rddreg [dreg:$0xe];
	[sflag:s21] =	ssyncadd.s32 $0xFFFFEC00  }
0x4b: {  	[spmem:s17] =	stream.linear.scatter [tilespmem:s28], [sflag:$0x5], $0x1400, $0x38;
	[tilespmem:$0x1DCC0] =	vst v63  }
0x4c: {  	_ =	swait.ge [sflag:s21], $0x1400  }
0x4d: {  	[sflag:s21] =	ssyncset.done $0x0  }
0x4e: {  	s18 =	rddreg [dreg:$0xf];
	[sflag:s21] =	ssyncadd.s32 $0xFFFFEC00  }
0x4f: {  	[spmem:s18] =	stream.linear.scatter [tilespmem:s28], [sflag:$0x5], $0x1400, $0x38;
	[tilespmem:$0x1DCC0] =	vst v63  }
0x50: {  	_ =	swait.ge [sflag:s21], $0x1400  }
0x51: {  	[sflag:s21] =	ssyncset.done $0x0  }
0x52: {  	s19 =	rddreg [dreg:$0x10];
	[sflag:s21] =	ssyncadd.s32 $0xFFFFEC00  }
0x53: {  	[spmem:s19] =	stream.linear.scatter [tilespmem:s28], [sflag:$0x5], $0x1400, $0x38;
	[tilespmem:$0x1DCC0] =	vst v63  }
0x54: {  	_ =	swait.ge [sflag:s21], $0x1400  }
0x55: {  	[sflag:s21] =	ssyncset.done $0x0  }
0x56: {  	s20 =	rddreg [dreg:$0x11];
	[sflag:s21] =	ssyncadd.s32 $0xFFFFEC00  }
0x57: {  	[spmem:s20] =	stream.linear.scatter [tilespmem:s28], [sflag:$0x5], $0x1400, $0x38;
	[tilespmem:$0x1DCC0] =	vst v63  }
0x58: {  	_ =	swait.ge [sflag:s21], $0x1400  }
0x59: {  	[sflag:s21] =	ssyncset.done $0x0  }
0x5a: {  	[sflag:s21] =	ssyncadd.s32 $0xFFFFEC00  }
0x5b: {  	s9 =	simm.s32 $0x0;
	[bflag:$0x0] =	sbarrier.arrive $0xFFFF  }
0x5c: {  	[tilespmem:s30], [sflag:$0x1] =	stream.indirect.gather [hbm4b:s7+s29], $0x40, s9, s29, $0xb8;
	[tilespmem:$0x1DCC0] =	vst v63  }
0x5d: {  	s10 =	simm.s32 $0x0  }
0x5e: {  	[tilespmem:s31], [sflag:$0x2] =	stream.indirect.gather [hbm4b:s7+s29], $0x40, s29, s29, $0xb8;
	[tilespmem:$0x1DCC0] =	vst v63  }
.LBB2_4:
0x5f: {  	_ =	swait.ge [sflag:s0], $0x1400  }
0x60: {  	p0 =	seq.s32 s10, $0x0;
	[sflag:s0] =	ssyncset.done $0x0  }
0x61: {  	s8 =	simm.s32 @!p0 $0x3;
	[sflag:s0] =	ssyncadd.s32 $0xFFFFEC00  }
0x62: {  	_ =	swait.ge @!p0 [sflag:s8], $0x1400  }
0x63: {  	s12 =	smul.u32 $0xA0, s10;
	[sflag:s8] =	ssyncset.done @!p0 $0x0  }
0x64: {  	[sflag:s8] =	ssyncadd.s32 @!p0 $0xFFFFEC00  }
0x65: {  	v1 =	vld [tilespmem:s12+$0x0]  }
0x66: {  	v2 =	vld [tilespmem:s12+$0x2710];
	_ =	sdelay $0x1  }
0x67: {  	v3 =	vld [tilespmem:s12+$0x4E20];
	_ =	sdelay $0x4  }
0x68: {  	v1 =	vld.idx.msk [tilespmem:v1+s24+$0x0], $0xffff  }
0x69: {  	v2 =	vld.idx.msk [tilespmem:v2+s25+$0x0], $0xffff;
	_ =	sdelay $0x1  }
0x6a: {  	v3 =	vld.idx.msk [tilespmem:v3+s26+$0x0], $0xffff;
	_ =	sdelay $0x2  }
0x6b: {  	v1 =	vadd.f32 v2, v1;
	_ =	sdelay $0x1  }
0x6c: {  	v1 =	vadd.f32 v3, v1;
	_ =	sdelay $0x1  }
0x6d: {  	v2 =	vmul.f32 $2.000000030e-01, v1  }
0x6e: {  	vm0 =	vge.f32 v1, $0.0e+00  }
0x6f: {  	v1 =	vsel vm0, v1, v2  }
0x70: {  	v1 =	vmul.f32 $1.442695020e+00, v1;
	_ =	sdelay $0x1  }
0x71: {  	(erf) = vpow2.f32 v1;
	_ =	sdelay $0x2  }
0x72: {  	v1 =	vld [tilespmem:s12+$0x10]  }
0x73: {  	v2 =	vld [tilespmem:s12+$0x2720];
	_ =	sdelay $0x1  }
0x74: {  	v3 =	vld [tilespmem:s12+$0x4E30];
	_ =	sdelay $0x2  }
0x75: {  	v4 =	vpop (erf)  }
0x76: {  	[tilespmem:s12+$0xC5B0] =	vst v4  }
0x77: {  	v1 =	vld.idx.msk [tilespmem:v1+s24+$0x0], $0xffff  }
0x78: {  	v2 =	vld.idx.msk [tilespmem:v2+s25+$0x0], $0xffff;
	_ =	sdelay $0x1  }
0x79: {  	v3 =	vld.idx.msk [tilespmem:v3+s26+$0x0], $0xffff;
	_ =	sdelay $0x2  }
0x7a: {  	v1 =	vadd.f32 v2, v1;
	_ =	sdelay $0x1  }
0x7b: {  	v1 =	vadd.f32 v3, v1;
	_ =	sdelay $0x1  }
0x7c: {  	v2 =	vmul.f32 $2.000000030e-01, v1  }
0x7d: {  	vm12 =	vge.f32 v1, $0.0e+00  }
0x7e: {  	v1 =	vsel vm12, v1, v2  }
0x7f: {  	v1 =	vmul.f32 $1.442695020e+00, v1;
	_ =	sdelay $0x1  }
0x80: {  	(erf) = vpow2.f32 v1;
	_ =	sdelay $0x2  }
0x81: {  	v1 =	vld [tilespmem:s12+$0x20]  }
0x82: {  	v2 =	vld [tilespmem:s12+$0x2730];
	_ =	sdelay $0x1  }
0x83: {  	v3 =	vld [tilespmem:s12+$0x4E40];
	_ =	sdelay $0x2  }
0x84: {  	v4 =	vpop (erf)  }
0x85: {  	[tilespmem:s12+$0xC5C0] =	vst v4  }
0x86: {  	v1 =	vld.idx.msk [tilespmem:v1+s24+$0x0], $0xffff  }
0x87: {  	v2 =	vld.idx.msk [tilespmem:v2+s25+$0x0], $0xffff;
	_ =	sdelay $0x1  }
0x88: {  	v3 =	vld.idx.msk [tilespmem:v3+s26+$0x0], $0xffff;
	_ =	sdelay $0x2  }
0x89: {  	v1 =	vadd.f32 v2, v1;
	_ =	sdelay $0x1  }
0x8a: {  	v1 =	vadd.f32 v3, v1;
	_ =	sdelay $0x1  }
0x8b: {  	v2 =	vmul.f32 $2.000000030e-01, v1  }
0x8c: {  	vm13 =	vge.f32 v1, $0.0e+00  }
0x8d: {  	v1 =	vsel vm13, v1, v2  }
0x8e: {  	v1 =	vmul.f32 $1.442695020e+00, v1;
	_ =	sdelay $0x1  }
0x8f: {  	(erf) = vpow2.f32 v1;
	_ =	sdelay $0x2  }
0x90: {  	v1 =	vld [tilespmem:s12+$0x30]  }
0x91: {  	v2 =	vld [tilespmem:s12+$0x2740];
	_ =	sdelay $0x1  }
0x92: {  	v3 =	vld [tilespmem:s12+$0x4E50];
	_ =	sdelay $0x2  }
0x93: {  	v4 =	vpop (erf)  }
0x94: {  	[tilespmem:s12+$0xC5D0] =	vst v4  }
0x95: {  	v1 =	vld.idx.msk [tilespmem:v1+s24+$0x0], $0xffff  }
0x96: {  	v2 =	vld.idx.msk [tilespmem:v2+s25+$0x0], $0xffff;
	_ =	sdelay $0x1  }
0x97: {  	v3 =	vld.idx.msk [tilespmem:v3+s26+$0x0], $0xffff;
	_ =	sdelay $0x2  }
0x98: {  	v1 =	vadd.f32 v2, v1;
	_ =	sdelay $0x1  }
0x99: {  	v1 =	vadd.f32 v3, v1;
	_ =	sdelay $0x1  }
0x9a: {  	v2 =	vmul.f32 $2.000000030e-01, v1  }
0x9b: {  	vm14 =	vge.f32 v1, $0.0e+00  }
0x9c: {  	v1 =	vsel vm14, v1, v2  }
0x9d: {  	v1 =	vmul.f32 $1.442695020e+00, v1;
	_ =	sdelay $0x1  }
0x9e: {  	(erf) = vpow2.f32 v1;
	_ =	sdelay $0x2  }
0x9f: {  	v1 =	vld [tilespmem:s12+$0x40]  }
0xa0: {  	v2 =	vld [tilespmem:s12+$0x2750];
	_ =	sdelay $0x1  }
0xa1: {  	v3 =	vld [tilespmem:s12+$0x4E60];
	_ =	sdelay $0x2  }
0xa2: {  	v4 =	vpop (erf)  }
0xa3: {  	[tilespmem:s12+$0xC5E0] =	vst v4  }
0xa4: {  	v1 =	vld.idx.msk [tilespmem:v1+s24+$0x0], $0xffff  }
0xa5: {  	v2 =	vld.idx.msk [tilespmem:v2+s25+$0x0], $0xffff;
	_ =	sdelay $0x1  }
0xa6: {  	v3 =	vld.idx.msk [tilespmem:v3+s26+$0x0], $0xffff;
	_ =	sdelay $0x2  }
0xa7: {  	v1 =	vadd.f32 v2, v1;
	_ =	sdelay $0x1  }
0xa8: {  	v1 =	vadd.f32 v3, v1;
	_ =	sdelay $0x1  }
0xa9: {  	v2 =	vmul.f32 $2.000000030e-01, v1  }
0xaa: {  	vm15 =	vge.f32 v1, $0.0e+00  }
0xab: {  	v1 =	vsel vm15, v1, v2  }
0xac: {  	v1 =	vmul.f32 $1.442695020e+00, v1;
	_ =	sdelay $0x1  }
0xad: {  	(erf) = vpow2.f32 v1  }
0xae: {  	s20 =	sadd.s32 $0xFFFFFFFC, s9  }
0xaf: {  	s13 =	sadd.s32 $0x6, s20  }
0xb0: {  	v1 =	vmov s13  }
0xb1: {  	v1 =	vand.u32 $0xFFFFFFFE, v1  }
0xb2: {  	v1 =	vbroadcast v1, $0x0  }
0xb3: {  	s4 =	sadd.s32 $0x4, s20  }
0xb4: {  	v2 =	vmov s4  }
0xb5: {  	v2 =	vand.u32 $0xFFFFFFFC, v2  }
0xb6: {  	v2 =	vbroadcast v2, $0x0;
	v3 =	vpop (erf)  }
0xb7: {  	s5 =	sadd.s32 $0x5, s20;
	[tilespmem:s12+$0xC5F0] =	vst v3  }
0xb8: {  	s14 =	simm.s32 $0xED40;
	s8 =	sadd.s32 $0x7, s20;
	v4 =	vmov s5;
	v8 =	vld.idx.msk [tilespmem:v1+s22+$0x0], $0xffff  }
0xb9: {  	v3 =	vand.u32 $0xFFFFFFFD, v4;
	v4 =	vmov s8;
	v1 =	vld [tilespmem:s14+$0x0]  }
0xba: {  	v3 =	vbroadcast v3, $0x0;
	_ =	sdelay $0x1  }
0xbb: {  	s11 =	sadd.s32 $0x0, s9;
	v2 =	vld.idx.msk [tilespmem:v2+s22+$0x0], $0xffff  }
0xbc: {  	s16 =	sadd.s32 $0x6, s11;
	v5 =	vld [tilespmem:s14+$0xFFFFFF80]  }
0xbd: {  	v7 =	vmov s16;
	v6 =	vmul.f32 v1, v8;
	v1 =	vld.idx.msk [tilespmem:v4+s22+$0x0], $0xffff  }
0xbe: {  	v4 =	vand.u32 $0xFFFFFFFE, v7;
	v7 =	vld [tilespmem:s14+$0xFFFFFFC0]  }
0xbf: {  	v3 =	vld.idx.msk [tilespmem:v3+s22+$0x0], $0xffff;
	v4 =	vbroadcast v4, $0x0  }
0xc0: {  	s15 =	sadd.s32 $0x4, s11;
	s13 =	simm.s32 $0x11540;
	v9 =	vld [tilespmem:s14+$0x40]  }
0xc1: {  	v10 =	vmov s15;
	v5 =	vmul.f32 v5, v2;
	[tilespmem:s13+$0x0] =	vst v6  }
0xc2: {  	s17 =	sadd.s32 $0x5, s11;
	v10 =	vand.u32 $0xFFFFFFFC, v10;
	v6 =	vld [tilespmem:s14+$0x10]  }
0xc3: {  	v11 =	vmov s17;
	v10 =	vbroadcast v10, $0x0;
	[tilespmem:s13+$0xFFFFFF80] =	vst v5  }
0xc4: {  	v5 =	vmul.f32 v7, v3;
	v7 =	vand.u32 $0xFFFFFFFD, v11;
	v11 =	vld [tilespmem:s14+$0xFFFFFF90]  }
0xc5: {  	s16 =	simm.s32 $0xEE40;
	v12 =	vbroadcast v7, $0x0;
	v7 =	vld.idx.msk [tilespmem:v4+s22+$0x0], $0xffff;
	v4 =	vmul.f32 v9, v1  }
0xc6: {  	s8 =	sadd.s32 $0x7, s11;
	[tilespmem:s13+$0xFFFFFFC0] =	vst v5;
	v5 =	vld [tilespmem:s16+$0x0]  }
0xc7: {  	v9 =	vmov s8;
	v6 =	vmul.f32 v6, v8;
	v13 =	vld [tilespmem:s14+$0xFFFFFFD0];
	[tilespmem:s13+$0x40] =	vst v4  }
0xc8: {  	v15 =	vld [tilespmem:s14+$0x50]  }
0xc9: {  	[tilespmem:s13+$0x10] =	vst v6;
	v6 =	vld.idx.msk [tilespmem:v10+s22+$0x0], $0xffff  }
0xca: {  	v14 =	vld [tilespmem:s14+$0x20]  }
0xcb: {  	s18 =	sadd.s32 $0x4, s9;
	v4 =	vld.idx.msk [tilespmem:v12+s22+$0x0], $0xffff;
	v10 =	vmul.f32 v5, v7  }
0xcc: {  	s15 =	simm.s32 $0x11640;
	s17 =	sadd.s32 $0x6, s18;
	v5 =	vld.idx.msk [tilespmem:v9+s22+$0x0], $0xffff  }
0xcd: {  	v16 =	vmov s17;
	v11 =	vmul.f32 v11, v2;
	v9 =	vld [tilespmem:s16+$0xFFFFFF80];
	[tilespmem:s15+$0x0] =	vst v10  }
0xce: {  	v16 =	vand.u32 $0xFFFFFFFE, v16;
	v13 =	vmul.f32 v13, v3;
	v12 =	vld [tilespmem:s16+$0x10]  }
0xcf: {  	v16 =	vbroadcast v16, $0x0;
	[tilespmem:s13+$0xFFFFFF90] =	vst v11;
	v10 =	vmul.f32 v14, v8;
	v14 =	vld [tilespmem:s16+$0xFFFFFFC0]  }
0xd0: {  	[tilespmem:s13+$0xFFFFFFD0] =	vst v13;
	v13 =	vld [tilespmem:s14+$0xFFFFFFA0]  }
0xd1: {  	v11 =	vmul.f32 v15, v1;
	v17 =	vld [tilespmem:s14+$0xFFFFFFE0]  }
0xd2: {  	s19 =	sadd.s32 $0x4, s18;
	[tilespmem:s13+$0x20] =	vst v10;
	v10 =	vld [tilespmem:s16+$0x40];
	v9 =	vmul.f32 v9, v6  }
0xd3: {  	s20 =	sadd.s32 $0x5, s18;
	[tilespmem:s13+$0x50] =	vst v11;
	v11 =	vmov s19;
	v15 =	vld [tilespmem:s14+$0x30];
	v12 =	vmul.f32 v12, v7  }
0xd4: {  	v19 =	vmov s20;
	v18 =	vld [tilespmem:s14+$0x60];
	v11 =	vand.u32 $0xFFFFFFFC, v11;
	[tilespmem:s15+$0xFFFFFF80] =	vst v9  }
0xd5: {  	v20 =	vbroadcast v11, $0x0;
	v11 =	vld.idx.msk [tilespmem:v16+s22+$0x0], $0xffff;
	v9 =	vand.u32 $0xFFFFFFFD, v19;
	v14 =	vmul.f32 v14, v4;
	[tilespmem:s15+$0x10] =	vst v12  }
0xd6: {  	v9 =	vbroadcast v9, $0x0;
	v12 =	vld [tilespmem:s16+$0x20]  }
0xd7: {  	s8 =	sadd.s32 $0x7, s18;
	v19 =	vld [tilespmem:s16+$0xFFFFFF90];
	v10 =	vmul.f32 v10, v5;
	[tilespmem:s15+$0xFFFFFFC0] =	vst v14  }
0xd8: {  	s17 =	simm.s32 $0xEF40;
	v14 =	vld [tilespmem:s16+$0xFFFFFFD0];
	v8 =	vmul.f32 v15, v8;
	v15 =	vmov s8  }
0xd9: {  	v16 =	vld [tilespmem:s17+$0x0];
	[tilespmem:s15+$0x40] =	vst v10;
	v10 =	vmul.f32 v13, v2  }
0xda: {  	v21 =	vld [tilespmem:s16+$0x50];
	[tilespmem:s13+$0x30] =	vst v8;
	v8 =	vmul.f32 v17, v3  }
0xdb: {  	[tilespmem:s13+$0xFFFFFFA0] =	vst v10;
	v10 =	vld.idx.msk [tilespmem:v20+s22+$0x0], $0xffff;
	v12 =	vmul.f32 v12, v7  }
0xdc: {  	v13 =	vmul.f32 v19, v6;
	v9 =	vld.idx.msk [tilespmem:v9+s22+$0x0], $0xffff;
	[tilespmem:s13+$0xFFFFFFE0] =	vst v8  }
0xdd: {  	v14 =	vmul.f32 v14, v4;
	v8 =	vld.idx.msk [tilespmem:v15+s22+$0x0], $0xffff;
	[tilespmem:s15+$0x20] =	vst v12  }
0xde: {  	[tilespmem:s15+$0xFFFFFF90] =	vst v13;
	v12 =	vmul.f32 v18, v1;
	v13 =	vld [tilespmem:s16+$0x30]  }
0xdf: {  	v15 =	vld [tilespmem:s17+$0xFFFFFF80];
	[tilespmem:s15+$0xFFFFFFD0] =	vst v14;
	v14 =	vmul.f32 v16, v11  }
0xe0: {  	s20 =	simm.s32 $0x11740;
	v17 =	vmul.f32 v21, v5;
	v16 =	vld [tilespmem:s17+$0xFFFFFFC0];
	[tilespmem:s13+$0x60] =	vst v12  }
0xe1: {  	[tilespmem:s20+$0x0] =	vst v14;
	v12 =	vld [tilespmem:s17+$0x40]  }
0xe2: {  	s18 =	sadd.s32 $0x2710, s12;
	s19 =	simm.s32 $0x11740;
	s8 =	simm.s32 $0x8;
	[tilespmem:s15+$0x50] =	vst v17;
	v14 =	vld [tilespmem:s17+$0x10]  }
.LBB2_5:
0xe3: {  	s5 =	sadd.s32 s8, s9;
	s8 =	sadd.s32 $0x4, s8;
	v17 =	vld [tilespmem:s16+$0xFFFFFFA0];
	v13 =	vmul.f32 v13, v7;
	v7 =	vmov v11  }
0xe4: {  	s11 =	sadd.s32 $0x4, s5;
	s4 =	sadd.s32 $0x6, s5;
	p1 =	slt.u32 s8, $0x4C;
	v11 =	vmul.f32 v15, v10;
	v15 =	vld [tilespmem:s16+$0xFFFFFFE0]  }
0xe5: {  	v18 =	vmov s11;
	s11 =	sadd.s32 $0x5, s5;
	v19 =	vmov s4;
	s4 =	sadd.s32 $0x7, s5;
	v16 =	vmul.f32 v16, v9;
	[tilespmem:s15+$0x30] =	vst v13;
	v13 =	vld [tilespmem:s16+$0x60]  }
0xe6: {  	v18 =	vand.u32 $0xFFFFFFFC, v18;
	v20 =	vmov s11;
	v19 =	vand.u32 $0xFFFFFFFE, v19;
	[tilespmem:s20+$0xFFFFFF80] =	vst v11;
	v11 =	vld [tilespmem:s14+$0xFFFFFFB0]  }
0xe7: {  	v20 =	vand.u32 $0xFFFFFFFD, v20;
	v19 =	vbroadcast v19, $0x0;
	v21 =	vld [tilespmem:s17+$0xFFFFFF90];
	[tilespmem:s20+$0xFFFFFFC0] =	vst v16;
	v14 =	vmul.f32 v14, v7  }
0xe8: {  	v16 =	vbroadcast v18, $0x0;
	v18 =	vbroadcast v20, $0x0;
	v20 =	vmov s4;
	v22 =	vld [tilespmem:s17+$0xFFFFFFD0]  }
0xe9: {  	v12 =	vmul.f32 v12, v8;
	[tilespmem:s20+$0x10] =	vst v14;
	v14 =	vmul.f32 v17, v6;
	v17 =	vld [tilespmem:s14+$0xFFFFFFF0]  }
0xea: {  	v15 =	vmul.f32 v15, v4;
	v23 =	vld [tilespmem:s17+$0x20];
	v13 =	vmul.f32 v13, v5  }
0xeb: {  	[tilespmem:s20+$0x40] =	vst v12;
	v12 =	vmul.f32 v11, v2;
	v24 =	vld [tilespmem:s14+$0x70];
	v2 =	vmov v6;
	v6 =	vmov v10;
	s14 =	smov.u32 s16;
	s16 =	smov.u32 s17  }
0xec: {  	v10 =	vmul.f32 v21, v6;
	v21 =	vld [tilespmem:s17+$0x50];
	[tilespmem:s15+$0xFFFFFFA0] =	vst v14  }
0xed: {  	s17 =	sadd.s32 $0x100, s17;
	v11 =	vld.idx.msk [tilespmem:v19+s22+$0x0], $0xffff;
	v14 =	vmul.f32 v22, v9;
	[tilespmem:s15+$0xFFFFFFE0] =	vst v15  }
0xee: {  	v19 =	vld [tilespmem:s17+$0x0];
	[tilespmem:s20+$0xFFFFFF90] =	vst v10;
	v17 =	vmul.f32 v17, v3;
	v3 =	vmov v4;
	v4 =	vmov v9  }
0xef: {  	v10 =	vld.idx.msk [tilespmem:v16+s22+$0x0], $0xffff;
	[tilespmem:s20+$0xFFFFFFD0] =	vst v14;
	v14 =	vmul.f32 v23, v7  }
0xf0: {  	v9 =	vld.idx.msk [tilespmem:v18+s22+$0x0], $0xffff;
	[tilespmem:s15+$0x60] =	vst v13;
	v18 =	vmul.f32 v24, v1;
	v1 =	vmov v5;
	v5 =	vmov v8  }
0xf1: {  	v8 =	vld.idx.msk [tilespmem:v20+s22+$0x0], $0xffff;
	[tilespmem:s20+$0x20] =	vst v14;
	v14 =	vmul.f32 v21, v5  }
.Ltmp1:
0xf2: {  	v13 =	vld [tilespmem:s16+$0x30];
	[tilespmem:s13+$0xFFFFFFB0] =	vst v12;
	(pc) =	sbr.rel @p1 .LBB2_5-.Ltmp1, $4  }
0xf3: {  	v15 =	vld [tilespmem:s17+$0xFFFFFF80];
	v12 =	vmul.f32 v19, v11;
	[tilespmem:s20+$0x50] =	vst v14  }
0xf4: {  	s20 =	sadd.s32 $0x100, s20;
	v16 =	vld [tilespmem:s17+$0xFFFFFFC0];
	[tilespmem:s13+$0xFFFFFFF0] =	vst v17  }
0xf5: {  	[tilespmem:s20+$0x0] =	vst v12;
	v12 =	vld [tilespmem:s17+$0x40]  }
0xf6: {  	v14 =	vld [tilespmem:s17+$0x10];
	[tilespmem:s13+$0x70] =	vst v18;
	s13 =	smov.u32 s15;
	s15 =	smov.u32 s19;
	s19 =	smov.u32 s20  }
0xf7: {  	_ = 	snop  }
0xf8: {  	v15 =	vmul.f32 v15, v10  }
0xf9: {  	v17 =	vld [tilespmem:s16+$0xFFFFFFA0];
	v16 =	vmul.f32 v16, v9  }
0xfa: {  	v7 =	vmul.f32 v13, v7;
	v13 =	vld [tilespmem:s16+$0xFFFFFFE0];
	[tilespmem:s20+$0xFFFFFF80] =	vst v15  }
0xfb: {  	v12 =	vmul.f32 v12, v8;
	v15 =	vld [tilespmem:s17+$0xFFFFFF90];
	[tilespmem:s20+$0xFFFFFFC0] =	vst v16  }
0xfc: {  	v14 =	vmul.f32 v14, v11;
	v16 =	vld [tilespmem:s17+$0xFFFFFFD0]  }
0xfd: {  	v18 =	vld [tilespmem:s14+$0xFFFFFFB0];
	[tilespmem:s20+$0x40] =	vst v12  }
0xfe: {  	v12 =	vld [tilespmem:s17+$0x50];
	[tilespmem:s20+$0x10] =	vst v14  }
0xff: {  	v14 =	vmul.f32 v17, v6;
	v17 =	vld [tilespmem:s17+$0x20]  }
0x100: {  	[tilespmem:s15+$0x30] =	vst v7;
	v15 =	vmul.f32 v15, v10  }
0x101: {  	v7 =	vld [tilespmem:s16+$0x60];
	[tilespmem:s15+$0xFFFFFFA0] =	vst v14;
	v14 =	vmul.f32 v16, v9  }
0x102: {  	v13 =	vmul.f32 v13, v4;
	v16 =	vld [tilespmem:s14+$0xFFFFFFF0];
	[tilespmem:s20+$0xFFFFFF90] =	vst v15  }
0x103: {  	v12 =	vmul.f32 v12, v8;
	[tilespmem:s20+$0xFFFFFFD0] =	vst v14;
	v14 =	vld [tilespmem:s17+$0xFFFFFFA0]  }
0x104: {  	v2 =	vmul.f32 v18, v2;
	[tilespmem:s15+$0xFFFFFFE0] =	vst v13;
	v15 =	vmul.f32 v17, v11;
	v17 =	vld [tilespmem:s14+$0x70]  }
0x105: {  	[tilespmem:s20+$0x50] =	vst v12;
	v12 =	vld [tilespmem:s17+$0xFFFFFFE0]  }
0x106: {  	v7 =	vmul.f32 v7, v5;
	[tilespmem:s13+$0xFFFFFFB0] =	vst v2;
	v13 =	vld [tilespmem:s17+$0x60]  }
0x107: {  	v2 =	vld [tilespmem:s16+$0xFFFFFFB0];
	[tilespmem:s20+$0x20] =	vst v15;
	v3 =	vmul.f32 v16, v3  }
0x108: {  	[tilespmem:s15+$0x60] =	vst v7;
	v7 =	vld [tilespmem:s17+$0x30];
	v14 =	vmul.f32 v14, v10  }
0x109: {  	[tilespmem:s13+$0xFFFFFFF0] =	vst v3;
	v1 =	vmul.f32 v17, v1  }
0x10a: {  	v3 =	vld [tilespmem:s16+$0xFFFFFFF0];
	v12 =	vmul.f32 v12, v9;
	[tilespmem:s19+$0xFFFFFFA0] =	vst v14  }
0x10b: {  	v15 =	vld [tilespmem:s16+$0x70];
	v13 =	vmul.f32 v13, v8;
	[tilespmem:s13+$0x70] =	vst v1  }
0x10c: {  	[tilespmem:s19+$0xFFFFFFE0] =	vst v12;
	v12 =	vld [tilespmem:s17+$0xFFFFFFB0]  }
0x10d: {  	v1 =	vmul.f32 v2, v6;
	v7 =	vmul.f32 v7, v11;
	[tilespmem:s19+$0x60] =	vst v13;
	v11 =	vld [tilespmem:s17+$0xFFFFFFF0]  }
0x10e: {  	v2 =	vld [tilespmem:s17+$0x70]  }
0x10f: {  	[tilespmem:s15+$0xFFFFFFB0] =	vst v1;
	v3 =	vmul.f32 v3, v4  }
0x110: {  	[tilespmem:s19+$0x30] =	vst v7;
	v4 =	vmul.f32 v15, v5  }
0x111: {  	[tilespmem:s15+$0xFFFFFFF0] =	vst v3;
	v1 =	vmul.f32 v12, v10  }
0x112: {  	s4 =	smul.u32 $0x280, s10;
	[tilespmem:s15+$0x70] =	vst v4;
	v3 =	vmul.f32 v11, v9  }
0x113: {  	v2 =	vmul.f32 v2, v8;
	[tilespmem:s19+$0xFFFFFFB0] =	vst v1  }
0x114: {  	s13 =	sshra.s32 s4, $0x2;
	[tilespmem:s19+$0xFFFFFFF0] =	vst v3  }
0x115: {  	s4 =	sadd.s32 $0xA0, s13;
	[tilespmem:s19+$0x70] =	vst v2  }
0x116: {  	[tilespmem:s30], [sflag:$0x1] =	stream.indirect.gather [hbm4b:s7+s29], $0x40, s4, s29, $0xb8;
	[tilespmem:$0x1DCC0] =	vst v63  }
0x117: {  	_ = 	snop  }
0x118: {  	[spmem:s1] =	stream.indirect.scatter.add.f32 [tilespmem:s28], [sflag:$0x3], $0x40, s18, s29, $0xb8;
	[tilespmem:$0x1DCC0] =	vst v63  }
0x119: {  	_ =	swait.ge [sflag:s23], $0x1400  }
0x11a: {  	[sflag:s23] =	ssyncset.done $0x0  }
0x11b: {  	s4 =	simm.s32 @!p0 $0x4;
	[sflag:s23] =	ssyncadd.s32 $0xFFFFEC00  }
0x11c: {  	_ =	swait.ge @!p0 [sflag:s4], $0x1400  }
0x11d: {  	[sflag:s4] =	ssyncset.done @!p0 $0x0  }
0x11e: {  	[sflag:s4] =	ssyncadd.s32 @!p0 $0xFFFFEC00  }
0x11f: {  	v1 =	vld [tilespmem:s12+$0x50]  }
0x120: {  	v2 =	vld [tilespmem:s12+$0x2760];
	_ =	sdelay $0x1  }
0x121: {  	v3 =	vld [tilespmem:s12+$0x4E70];
	_ =	sdelay $0x4  }
0x122: {  	v1 =	vld.idx.msk [tilespmem:v1+s24+$0x0], $0xffff  }
0x123: {  	v2 =	vld.idx.msk [tilespmem:v2+s25+$0x0], $0xffff;
	_ =	sdelay $0x1  }
0x124: {  	v3 =	vld.idx.msk [tilespmem:v3+s26+$0x0], $0xffff;
	_ =	sdelay $0x2  }
0x125: {  	v1 =	vadd.f32 v2, v1;
	_ =	sdelay $0x1  }
0x126: {  	v1 =	vadd.f32 v3, v1;
	_ =	sdelay $0x1  }
0x127: {  	v2 =	vmul.f32 $2.000000030e-01, v1  }
0x128: {  	vm0 =	vge.f32 v1, $0.0e+00  }
0x129: {  	v1 =	vsel vm0, v1, v2  }
0x12a: {  	v1 =	vmul.f32 $1.442695020e+00, v1;
	_ =	sdelay $0x1  }
0x12b: {  	(erf) = vpow2.f32 v1;
	_ =	sdelay $0x2  }
0x12c: {  	v1 =	vld [tilespmem:s12+$0x60]  }
0x12d: {  	v2 =	vld [tilespmem:s12+$0x2770];
	_ =	sdelay $0x1  }
0x12e: {  	v3 =	vld [tilespmem:s12+$0x4E80];
	_ =	sdelay $0x2  }
0x12f: {  	v4 =	vpop (erf)  }
0x130: {  	[tilespmem:s12+$0xC600] =	vst v4  }
0x131: {  	v1 =	vld.idx.msk [tilespmem:v1+s24+$0x0], $0xffff  }
0x132: {  	v2 =	vld.idx.msk [tilespmem:v2+s25+$0x0], $0xffff;
	_ =	sdelay $0x1  }
0x133: {  	v3 =	vld.idx.msk [tilespmem:v3+s26+$0x0], $0xffff;
	_ =	sdelay $0x2  }
0x134: {  	v1 =	vadd.f32 v2, v1;
	_ =	sdelay $0x1  }
0x135: {  	v1 =	vadd.f32 v3, v1;
	_ =	sdelay $0x1  }
0x136: {  	v2 =	vmul.f32 $2.000000030e-01, v1  }
0x137: {  	vm12 =	vge.f32 v1, $0.0e+00  }
0x138: {  	v1 =	vsel vm12, v1, v2  }
0x139: {  	v1 =	vmul.f32 $1.442695020e+00, v1;
	_ =	sdelay $0x1  }
0x13a: {  	(erf) = vpow2.f32 v1;
	_ =	sdelay $0x2  }
0x13b: {  	v1 =	vld [tilespmem:s12+$0x70]  }
0x13c: {  	v2 =	vld [tilespmem:s12+$0x2780];
	_ =	sdelay $0x1  }
0x13d: {  	v3 =	vld [tilespmem:s12+$0x4E90];
	_ =	sdelay $0x2  }
0x13e: {  	v4 =	vpop (erf)  }
0x13f: {  	[tilespmem:s12+$0xC610] =	vst v4  }
0x140: {  	v1 =	vld.idx.msk [tilespmem:v1+s24+$0x0], $0xffff  }
0x141: {  	v2 =	vld.idx.msk [tilespmem:v2+s25+$0x0], $0xffff;
	_ =	sdelay $0x1  }
0x142: {  	v3 =	vld.idx.msk [tilespmem:v3+s26+$0x0], $0xffff;
	_ =	sdelay $0x2  }
0x143: {  	v1 =	vadd.f32 v2, v1;
	_ =	sdelay $0x1  }
0x144: {  	v1 =	vadd.f32 v3, v1;
	_ =	sdelay $0x1  }
0x145: {  	v2 =	vmul.f32 $2.000000030e-01, v1  }
0x146: {  	vm13 =	vge.f32 v1, $0.0e+00  }
0x147: {  	v1 =	vsel vm13, v1, v2  }
0x148: {  	v1 =	vmul.f32 $1.442695020e+00, v1;
	_ =	sdelay $0x1  }
0x149: {  	(erf) = vpow2.f32 v1;
	_ =	sdelay $0x2  }
0x14a: {  	v1 =	vld [tilespmem:s12+$0x80]  }
0x14b: {  	v2 =	vld [tilespmem:s12+$0x2790];
	_ =	sdelay $0x1  }
0x14c: {  	v3 =	vld [tilespmem:s12+$0x4EA0];
	_ =	sdelay $0x2  }
0x14d: {  	v4 =	vpop (erf)  }
0x14e: {  	[tilespmem:s12+$0xC620] =	vst v4  }
0x14f: {  	v1 =	vld.idx.msk [tilespmem:v1+s24+$0x0], $0xffff  }
0x150: {  	v2 =	vld.idx.msk [tilespmem:v2+s25+$0x0], $0xffff;
	_ =	sdelay $0x1  }
0x151: {  	v3 =	vld.idx.msk [tilespmem:v3+s26+$0x0], $0xffff;
	_ =	sdelay $0x2  }
0x152: {  	v1 =	vadd.f32 v2, v1;
	_ =	sdelay $0x1  }
0x153: {  	v1 =	vadd.f32 v3, v1;
	_ =	sdelay $0x1  }
0x154: {  	v2 =	vmul.f32 $2.000000030e-01, v1  }
0x155: {  	vm14 =	vge.f32 v1, $0.0e+00  }
0x156: {  	v1 =	vsel vm14, v1, v2  }
0x157: {  	v1 =	vmul.f32 $1.442695020e+00, v1;
	_ =	sdelay $0x1  }
0x158: {  	(erf) = vpow2.f32 v1;
	_ =	sdelay $0x2  }
0x159: {  	v1 =	vld [tilespmem:s12+$0x90]  }
0x15a: {  	v2 =	vld [tilespmem:s12+$0x27A0];
	_ =	sdelay $0x1  }
0x15b: {  	v3 =	vld [tilespmem:s12+$0x4EB0];
	_ =	sdelay $0x2  }
0x15c: {  	v4 =	vpop (erf)  }
0x15d: {  	[tilespmem:s12+$0xC630] =	vst v4  }
0x15e: {  	v1 =	vld.idx.msk [tilespmem:v1+s24+$0x0], $0xffff  }
0x15f: {  	v2 =	vld.idx.msk [tilespmem:v2+s25+$0x0], $0xffff;
	_ =	sdelay $0x1  }
0x160: {  	v3 =	vld.idx.msk [tilespmem:v3+s26+$0x0], $0xffff;
	_ =	sdelay $0x2  }
0x161: {  	v1 =	vadd.f32 v2, v1;
	_ =	sdelay $0x1  }
0x162: {  	v1 =	vadd.f32 v3, v1;
	_ =	sdelay $0x1  }
0x163: {  	v2 =	vmul.f32 $2.000000030e-01, v1  }
0x164: {  	vm15 =	vge.f32 v1, $0.0e+00  }
0x165: {  	v1 =	vsel vm15, v1, v2  }
0x166: {  	v1 =	vmul.f32 $1.442695020e+00, v1;
	_ =	sdelay $0x1  }
0x167: {  	(erf) = vpow2.f32 v1  }
0x168: {  	s14 =	sadd.s32 $0xFFFFFFFC, s9  }
0x169: {  	s5 =	sadd.s32 $0x56, s14  }
0x16a: {  	v1 =	vmov s5  }
0x16b: {  	v1 =	vand.u32 $0xFFFFFFFE, v1  }
0x16c: {  	v1 =	vbroadcast v1, $0x0  }
0x16d: {  	s16 =	sadd.s32 $0x54, s14  }
0x16e: {  	v2 =	vmov s16  }
0x16f: {  	v2 =	vand.u32 $0xFFFFFFFC, v2  }
0x170: {  	v2 =	vbroadcast v2, $0x0;
	v3 =	vpop (erf)  }
0x171: {  	s17 =	sadd.s32 $0x55, s14;
	[tilespmem:s12+$0xC640] =	vst v3  }
0x172: {  	s15 =	simm.s32 $0x10140;
	s4 =	sadd.s32 $0x57, s14;
	v4 =	vmov s17;
	v8 =	vld.idx.msk [tilespmem:v1+s22+$0x0], $0xffff  }
0x173: {  	v3 =	vand.u32 $0xFFFFFFFD, v4;
	v4 =	vmov s4;
	v1 =	vld [tilespmem:s15+$0x0]  }
0x174: {  	v3 =	vbroadcast v3, $0x0;
	_ =	sdelay $0x1  }
0x175: {  	s18 =	sadd.s32 $0x0, s9;
	v2 =	vld.idx.msk [tilespmem:v2+s22+$0x0], $0xffff  }
0x176: {  	s19 =	sadd.s32 $0x56, s18;
	v5 =	vld [tilespmem:s15+$0xFFFFFF80]  }
0x177: {  	v7 =	vmov s19;
	v6 =	vmul.f32 v1, v8;
	v1 =	vld.idx.msk [tilespmem:v4+s22+$0x0], $0xffff  }
0x178: {  	v4 =	vand.u32 $0xFFFFFFFE, v7;
	v7 =	vld [tilespmem:s15+$0xFFFFFFC0]  }
0x179: {  	v3 =	vld.idx.msk [tilespmem:v3+s22+$0x0], $0xffff;
	v4 =	vbroadcast v4, $0x0  }
0x17a: {  	s20 =	sadd.s32 $0x54, s18;
	s14 =	simm.s32 $0x12940;
	v9 =	vld [tilespmem:s15+$0x40]  }
0x17b: {  	v10 =	vmov s20;
	v5 =	vmul.f32 v5, v2;
	[tilespmem:s14+$0x0] =	vst v6  }
0x17c: {  	s8 =	sadd.s32 $0x55, s18;
	v10 =	vand.u32 $0xFFFFFFFC, v10;
	v6 =	vld [tilespmem:s15+$0x10]  }
0x17d: {  	v11 =	vmov s8;
	v10 =	vbroadcast v10, $0x0;
	[tilespmem:s14+$0xFFFFFF80] =	vst v5  }
0x17e: {  	v5 =	vmul.f32 v7, v3;
	v7 =	vand.u32 $0xFFFFFFFD, v11;
	v11 =	vld [tilespmem:s15+$0xFFFFFF90]  }
0x17f: {  	s17 =	simm.s32 $0x10240;
	v12 =	vbroadcast v7, $0x0;
	v7 =	vld.idx.msk [tilespmem:v4+s22+$0x0], $0xffff;
	v4 =	vmul.f32 v9, v1  }
0x180: {  	s4 =	sadd.s32 $0x57, s18;
	[tilespmem:s14+$0xFFFFFFC0] =	vst v5;
	v5 =	vld [tilespmem:s17+$0x0]  }
0x181: {  	v9 =	vmov s4;
	v6 =	vmul.f32 v6, v8;
	v13 =	vld [tilespmem:s15+$0xFFFFFFD0];
	[tilespmem:s14+$0x40] =	vst v4  }
0x182: {  	v15 =	vld [tilespmem:s15+$0x50]  }
0x183: {  	[tilespmem:s14+$0x10] =	vst v6;
	v6 =	vld.idx.msk [tilespmem:v10+s22+$0x0], $0xffff  }
0x184: {  	v14 =	vld [tilespmem:s15+$0x20]  }
0x185: {  	s11 =	sadd.s32 $0x4, s9;
	v4 =	vld.idx.msk [tilespmem:v12+s22+$0x0], $0xffff;
	v10 =	vmul.f32 v5, v7  }
0x186: {  	s16 =	simm.s32 $0x12A40;
	s18 =	sadd.s32 $0x56, s11;
	v5 =	vld.idx.msk [tilespmem:v9+s22+$0x0], $0xffff  }
0x187: {  	v16 =	vmov s18;
	v11 =	vmul.f32 v11, v2;
	v9 =	vld [tilespmem:s17+$0xFFFFFF80];
	[tilespmem:s16+$0x0] =	vst v10  }
0x188: {  	v16 =	vand.u32 $0xFFFFFFFE, v16;
	v13 =	vmul.f32 v13, v3;
	v12 =	vld [tilespmem:s17+$0x10]  }
0x189: {  	v16 =	vbroadcast v16, $0x0;
	[tilespmem:s14+$0xFFFFFF90] =	vst v11;
	v10 =	vmul.f32 v14, v8;
	v14 =	vld [tilespmem:s17+$0xFFFFFFC0]  }
0x18a: {  	[tilespmem:s14+$0xFFFFFFD0] =	vst v13;
	v13 =	vld [tilespmem:s15+$0xFFFFFFA0]  }
0x18b: {  	v11 =	vmul.f32 v15, v1;
	v17 =	vld [tilespmem:s15+$0xFFFFFFE0]  }
0x18c: {  	s19 =	sadd.s32 $0x54, s11;
	[tilespmem:s14+$0x20] =	vst v10;
	v10 =	vld [tilespmem:s17+$0x40];
	v9 =	vmul.f32 v9, v6  }
0x18d: {  	s20 =	sadd.s32 $0x55, s11;
	[tilespmem:s14+$0x50] =	vst v11;
	v11 =	vmov s19;
	v15 =	vld [tilespmem:s15+$0x30];
	v12 =	vmul.f32 v12, v7  }
0x18e: {  	v19 =	vmov s20;
	v18 =	vld [tilespmem:s15+$0x60];
	v11 =	vand.u32 $0xFFFFFFFC, v11;
	[tilespmem:s16+$0xFFFFFF80] =	vst v9  }
0x18f: {  	v20 =	vbroadcast v11, $0x0;
	v11 =	vld.idx.msk [tilespmem:v16+s22+$0x0], $0xffff;
	v9 =	vand.u32 $0xFFFFFFFD, v19;
	v14 =	vmul.f32 v14, v4;
	[tilespmem:s16+$0x10] =	vst v12  }
0x190: {  	v9 =	vbroadcast v9, $0x0;
	v12 =	vld [tilespmem:s17+$0x20]  }
0x191: {  	s4 =	sadd.s32 $0x57, s11;
	v19 =	vld [tilespmem:s17+$0xFFFFFF90];
	v10 =	vmul.f32 v10, v5;
	[tilespmem:s16+$0xFFFFFFC0] =	vst v14  }
0x192: {  	s18 =	simm.s32 $0x10340;
	v14 =	vld [tilespmem:s17+$0xFFFFFFD0];
	v8 =	vmul.f32 v15, v8;
	v15 =	vmov s4  }
0x193: {  	v16 =	vld [tilespmem:s18+$0x0];
	[tilespmem:s16+$0x40] =	vst v10;
	v10 =	vmul.f32 v13, v2  }
0x194: {  	v21 =	vld [tilespmem:s17+$0x50];
	[tilespmem:s14+$0x30] =	vst v8;
	v8 =	vmul.f32 v17, v3  }
0x195: {  	[tilespmem:s14+$0xFFFFFFA0] =	vst v10;
	v10 =	vld.idx.msk [tilespmem:v20+s22+$0x0], $0xffff;
	v12 =	vmul.f32 v12, v7  }
0x196: {  	v13 =	vmul.f32 v19, v6;
	v9 =	vld.idx.msk [tilespmem:v9+s22+$0x0], $0xffff;
	[tilespmem:s14+$0xFFFFFFE0] =	vst v8  }
0x197: {  	v14 =	vmul.f32 v14, v4;
	v8 =	vld.idx.msk [tilespmem:v15+s22+$0x0], $0xffff;
	[tilespmem:s16+$0x20] =	vst v12  }
0x198: {  	[tilespmem:s16+$0xFFFFFF90] =	vst v13;
	v12 =	vmul.f32 v18, v1;
	v13 =	vld [tilespmem:s17+$0x30]  }
0x199: {  	v15 =	vld [tilespmem:s18+$0xFFFFFF80];
	[tilespmem:s16+$0xFFFFFFD0] =	vst v14;
	v14 =	vmul.f32 v16, v11  }
0x19a: {  	s20 =	simm.s32 $0x12B40;
	v17 =	vmul.f32 v21, v5;
	v16 =	vld [tilespmem:s18+$0xFFFFFFC0];
	[tilespmem:s14+$0x60] =	vst v12  }
0x19b: {  	[tilespmem:s20+$0x0] =	vst v14;
	v12 =	vld [tilespmem:s18+$0x40]  }
0x19c: {  	s8 =	simm.s32 $0x8;
	s12 =	sadd.s32 $0x2760, s12;
	s19 =	simm.s32 $0x12B40;
	[tilespmem:s16+$0x50] =	vst v17;
	v14 =	vld [tilespmem:s18+$0x10]  }
.LBB2_7:
0x19d: {  	s4 =	sadd.s32 s8, s9;
	s8 =	sadd.s32 $0x4, s8;
	v17 =	vld [tilespmem:s17+$0xFFFFFFA0];
	v13 =	vmul.f32 v13, v7;
	v7 =	vmov v11  }
0x19e: {  	s5 =	sadd.s32 $0x54, s4;
	s11 =	sadd.s32 $0x56, s4;
	p0 =	slt.u32 s8, $0x4C;
	v11 =	vmul.f32 v15, v10;
	v15 =	vld [tilespmem:s17+$0xFFFFFFE0]  }
0x19f: {  	v18 =	vmov s5;
	s5 =	sadd.s32 $0x55, s4;
	v19 =	vmov s11;
	s4 =	sadd.s32 $0x57, s4;
	v16 =	vmul.f32 v16, v9;
	[tilespmem:s16+$0x30] =	vst v13;
	v13 =	vld [tilespmem:s17+$0x60]  }
0x1a0: {  	v18 =	vand.u32 $0xFFFFFFFC, v18;
	v20 =	vmov s5;
	v19 =	vand.u32 $0xFFFFFFFE, v19;
	[tilespmem:s20+$0xFFFFFF80] =	vst v11;
	v11 =	vld [tilespmem:s15+$0xFFFFFFB0]  }
0x1a1: {  	v20 =	vand.u32 $0xFFFFFFFD, v20;
	v19 =	vbroadcast v19, $0x0;
	v21 =	vld [tilespmem:s18+$0xFFFFFF90];
	[tilespmem:s20+$0xFFFFFFC0] =	vst v16;
	v14 =	vmul.f32 v14, v7  }
0x1a2: {  	v16 =	vbroadcast v18, $0x0;
	v18 =	vbroadcast v20, $0x0;
	v20 =	vmov s4;
	v22 =	vld [tilespmem:s18+$0xFFFFFFD0]  }
0x1a3: {  	v12 =	vmul.f32 v12, v8;
	[tilespmem:s20+$0x10] =	vst v14;
	v14 =	vmul.f32 v17, v6;
	v17 =	vld [tilespmem:s15+$0xFFFFFFF0]  }
0x1a4: {  	v15 =	vmul.f32 v15, v4;
	v23 =	vld [tilespmem:s18+$0x20];
	v13 =	vmul.f32 v13, v5  }
0x1a5: {  	[tilespmem:s20+$0x40] =	vst v12;
	v12 =	vmul.f32 v11, v2;
	v24 =	vld [tilespmem:s15+$0x70];
	v2 =	vmov v6;
	v6 =	vmov v10;
	s15 =	smov.u32 s17;
	s17 =	smov.u32 s18  }
0x1a6: {  	v10 =	vmul.f32 v21, v6;
	v21 =	vld [tilespmem:s18+$0x50];
	[tilespmem:s16+$0xFFFFFFA0] =	vst v14  }
0x1a7: {  	s18 =	sadd.s32 $0x100, s18;
	v11 =	vld.idx.msk [tilespmem:v19+s22+$0x0], $0xffff;
	v14 =	vmul.f32 v22, v9;
	[tilespmem:s16+$0xFFFFFFE0] =	vst v15  }
0x1a8: {  	v19 =	vld [tilespmem:s18+$0x0];
	[tilespmem:s20+$0xFFFFFF90] =	vst v10;
	v17 =	vmul.f32 v17, v3;
	v3 =	vmov v4;
	v4 =	vmov v9  }
0x1a9: {  	v10 =	vld.idx.msk [tilespmem:v16+s22+$0x0], $0xffff;
	[tilespmem:s20+$0xFFFFFFD0] =	vst v14;
	v14 =	vmul.f32 v23, v7  }
0x1aa: {  	v9 =	vld.idx.msk [tilespmem:v18+s22+$0x0], $0xffff;
	[tilespmem:s16+$0x60] =	vst v13;
	v18 =	vmul.f32 v24, v1;
	v1 =	vmov v5;
	v5 =	vmov v8  }
0x1ab: {  	v8 =	vld.idx.msk [tilespmem:v20+s22+$0x0], $0xffff;
	[tilespmem:s20+$0x20] =	vst v14;
	v14 =	vmul.f32 v21, v5  }
.Ltmp2:
0x1ac: {  	v13 =	vld [tilespmem:s17+$0x30];
	[tilespmem:s14+$0xFFFFFFB0] =	vst v12;
	(pc) =	sbr.rel @p0 .LBB2_7-.Ltmp2, $4  }
0x1ad: {  	v15 =	vld [tilespmem:s18+$0xFFFFFF80];
	v12 =	vmul.f32 v19, v11;
	[tilespmem:s20+$0x50] =	vst v14  }
0x1ae: {  	s20 =	sadd.s32 $0x100, s20;
	v16 =	vld [tilespmem:s18+$0xFFFFFFC0];
	[tilespmem:s14+$0xFFFFFFF0] =	vst v17  }
0x1af: {  	[tilespmem:s20+$0x0] =	vst v12;
	v12 =	vld [tilespmem:s18+$0x40]  }
0x1b0: {  	v14 =	vld [tilespmem:s18+$0x10];
	[tilespmem:s14+$0x70] =	vst v18;
	s14 =	smov.u32 s16;
	s16 =	smov.u32 s19;
	s19 =	smov.u32 s20  }
0x1b1: {  	_ = 	snop  }
0x1b2: {  	v15 =	vmul.f32 v15, v10  }
0x1b3: {  	v17 =	vld [tilespmem:s17+$0xFFFFFFA0];
	v16 =	vmul.f32 v16, v9  }
0x1b4: {  	v48 =	vld [tilespmem:s17+$0xFFFFFFE0];
	[tilespmem:s20+$0xFFFFFF80] =	vst v15;
	v12 =	vmul.f32 v12, v8  }
0x1b5: {  	v15 =	vld [tilespmem:s18+$0xFFFFFF90];
	[tilespmem:s20+$0xFFFFFFC0] =	vst v16  }
0x1b6: {  	v7 =	vmul.f32 v13, v7;
	v16 =	vld [tilespmem:s18+$0xFFFFFFD0];
	[tilespmem:s20+$0x40] =	vst v12  }
0x1b7: {  	v14 =	vmul.f32 v14, v11;
	v12 =	vld [tilespmem:s18+$0x50]  }
0x1b8: {  	v51 =	vld [tilespmem:s17+$0x60];
	[tilespmem:s16+$0x30] =	vst v7;
	v49 =	vmul.f32 v17, v6  }
0x1b9: {  	v18 =	vld [tilespmem:s15+$0xFFFFFFB0];
	v13 =	vmul.f32 v48, v4;
	[tilespmem:s20+$0x10] =	vst v14  }
0x1ba: {  	v53 =	vld [tilespmem:s15+$0xFFFFFFF0];
	[tilespmem:s16+$0xFFFFFFA0] =	vst v49;
	v15 =	vmul.f32 v15, v10  }
0x1bb: {  	v58 =	vld [tilespmem:s15+$0x70];
	[tilespmem:s16+$0xFFFFFFE0] =	vst v13;
	v52 =	vmul.f32 v16, v9  }
0x1bc: {  	v50 =	vld [tilespmem:s18+$0x20];
	[tilespmem:s20+$0xFFFFFF90] =	vst v15;
	v12 =	vmul.f32 v12, v8  }
0x1bd: {  	v7 =	vmul.f32 v51, v5;
	[tilespmem:s20+$0xFFFFFFD0] =	vst v52;
	v54 =	vld [tilespmem:s18+$0xFFFFFFA0]  }
0x1be: {  	v2 =	vmul.f32 v18, v2;
	[tilespmem:s20+$0x50] =	vst v12;
	v56 =	vld [tilespmem:s18+$0xFFFFFFE0]  }
0x1bf: {  	v3 =	vmul.f32 v53, v3;
	[tilespmem:s16+$0x60] =	vst v7;
	v57 =	vld [tilespmem:s18+$0x60]  }
0x1c0: {  	v1 =	vmul.f32 v58, v1;
	[tilespmem:s14+$0xFFFFFFB0] =	vst v2  }
0x1c1: {  	[tilespmem:s14+$0xFFFFFFF0] =	vst v3;
	v2 =	vld [tilespmem:s17+$0xFFFFFFB0];
	v55 =	vmul.f32 v50, v11  }
0x1c2: {  	[tilespmem:s14+$0x70] =	vst v1;
	v3 =	vld [tilespmem:s17+$0xFFFFFFF0];
	v14 =	vmul.f32 v54, v10  }
0x1c3: {  	v60 =	vld [tilespmem:s17+$0x70];
	[tilespmem:s20+$0x20] =	vst v55;
	v12 =	vmul.f32 v56, v9  }
0x1c4: {  	v59 =	vld [tilespmem:s18+$0x30];
	v13 =	vmul.f32 v57, v8;
	[tilespmem:s19+$0xFFFFFFA0] =	vst v14  }
0x1c5: {  	[tilespmem:s19+$0xFFFFFFE0] =	vst v12;
	v61 =	vld [tilespmem:s18+$0xFFFFFFB0]  }
0x1c6: {  	v1 =	vmul.f32 v2, v6;
	[tilespmem:s19+$0x60] =	vst v13;
	v62 =	vld [tilespmem:s18+$0xFFFFFFF0]  }
0x1c7: {  	v3 =	vmul.f32 v3, v4;
	v2 =	vld [tilespmem:s18+$0x70]  }
0x1c8: {  	v63 =	vmul.f32 v60, v5;
	[tilespmem:s16+$0xFFFFFFB0] =	vst v1  }
0x1c9: {  	p0 =	seq.s32 s10, $0x3D;
	[tilespmem:s16+$0xFFFFFFF0] =	vst v3;
	v7 =	vmul.f32 v59, v11  }
.Ltmp3:
0x1ca: {  	[tilespmem:s16+$0x70] =	vst v63;
	v1 =	vmul.f32 v61, v10;
	(pc) =	sbr.rel @p0 .LBB2_10-.Ltmp3, $4  }
0x1cb: {  	[tilespmem:s19+$0x30] =	vst v7;
	v3 =	vmul.f32 v62, v9  }
0x1cc: {  	v2 =	vmul.f32 v2, v8;
	[tilespmem:s19+$0xFFFFFFB0] =	vst v1  }
0x1cd: {  	[tilespmem:s19+$0xFFFFFFF0] =	vst v3  }
0x1ce: {  	[tilespmem:s19+$0x70] =	vst v2  }
.Ltmp4:
0x1cf: {  	(pc) =	sbr.rel .LBB2_4-.Ltmp4, $4  }
0x1d0: {  	s4 =	sadd.s32 $0xF0, s13  }
0x1d1: {  	[tilespmem:s31], [sflag:$0x2] =	stream.indirect.gather [hbm4b:s7+s29], $0x40, s4, s29, $0xb8;
	[tilespmem:$0x1DCC0] =	vst v63  }
0x1d2: {  	s10 =	sadd.s32 $0x1, s10;
	s9 =	sadd.s32 $0xA0, s9  }
0x1d3: {  	[spmem:s1] =	stream.indirect.scatter.add.f32 [tilespmem:s2], [sflag:$0x4], $0x40, s12, s29, $0xb8;
	[tilespmem:$0x1DCC0] =	vst v63  }
.LBB2_10:
0x1d4: {  	[spmem:s1] =	stream.indirect.scatter.add.f32 [tilespmem:s2], [sflag:$0x4], $0x40, s12, s29, $0xb8;
	[tilespmem:$0x1DCC0] =	vst v63  }
0x1d5: {  	_ =	swait.ge [sflag:s0], $0x1400  }
0x1d6: {  	[sflag:s0] =	ssyncset.done $0x0  }
0x1d7: {  	s11 =	simm.s32 $0x3;
	[sflag:s0] =	ssyncadd.s32 $0xFFFFEC00  }
0x1d8: {  	_ =	swait.ge [sflag:s11], $0x1400  }
0x1d9: {  	[sflag:s11] =	ssyncset.done $0x0  }
0x1da: {  	[sflag:s11] =	ssyncadd.s32 $0xFFFFEC00  }
0x1db: {  	v1 =	vld [tilespmem:$0x26C0]  }
0x1dc: {  	v2 =	vld [tilespmem:$0x4DD0];
	_ =	sdelay $0x1  }
0x1dd: {  	v3 =	vld [tilespmem:$0x74E0];
	_ =	sdelay $0x4  }
0x1de: {  	v1 =	vld.idx.msk [tilespmem:v1+s24+$0x0], $0xffff  }
0x1df: {  	v2 =	vld.idx.msk [tilespmem:v2+s25+$0x0], $0xffff;
	_ =	sdelay $0x1  }
0x1e0: {  	v3 =	vld.idx.msk [tilespmem:v3+s26+$0x0], $0xffff;
	_ =	sdelay $0x2  }
0x1e1: {  	v1 =	vadd.f32 v2, v1;
	_ =	sdelay $0x1  }
0x1e2: {  	v1 =	vadd.f32 v3, v1;
	_ =	sdelay $0x1  }
0x1e3: {  	v2 =	vmul.f32 $2.000000030e-01, v1  }
0x1e4: {  	vm0 =	vge.f32 v1, $0.0e+00  }
0x1e5: {  	v1 =	vsel vm0, v1, v2  }
0x1e6: {  	v1 =	vmul.f32 $1.442695020e+00, v1;
	_ =	sdelay $0x1  }
0x1e7: {  	(erf) = vpow2.f32 v1;
	_ =	sdelay $0x2  }
0x1e8: {  	v1 =	vld [tilespmem:$0x26D0]  }
0x1e9: {  	v2 =	vld [tilespmem:$0x4DE0];
	_ =	sdelay $0x1  }
0x1ea: {  	v3 =	vld [tilespmem:$0x74F0];
	_ =	sdelay $0x2  }
0x1eb: {  	v4 =	vpop (erf)  }
0x1ec: {  	[tilespmem:$0xEC70] =	vst v4  }
0x1ed: {  	v1 =	vld.idx.msk [tilespmem:v1+s24+$0x0], $0xffff  }
0x1ee: {  	v2 =	vld.idx.msk [tilespmem:v2+s25+$0x0], $0xffff;
	_ =	sdelay $0x1  }
0x1ef: {  	v3 =	vld.idx.msk [tilespmem:v3+s26+$0x0], $0xffff;
	_ =	sdelay $0x2  }
0x1f0: {  	v1 =	vadd.f32 v2, v1;
	_ =	sdelay $0x1  }
0x1f1: {  	v1 =	vadd.f32 v3, v1;
	_ =	sdelay $0x1  }
0x1f2: {  	v2 =	vmul.f32 $2.000000030e-01, v1  }
0x1f3: {  	vm12 =	vge.f32 v1, $0.0e+00  }
0x1f4: {  	v1 =	vsel vm12, v1, v2  }
0x1f5: {  	v1 =	vmul.f32 $1.442695020e+00, v1;
	_ =	sdelay $0x1  }
0x1f6: {  	(erf) = vpow2.f32 v1;
	_ =	sdelay $0x2  }
0x1f7: {  	v1 =	vld [tilespmem:$0x26E0]  }
0x1f8: {  	v2 =	vld [tilespmem:$0x4DF0];
	_ =	sdelay $0x1  }
0x1f9: {  	v3 =	vld [tilespmem:$0x7500];
	_ =	sdelay $0x2  }
0x1fa: {  	v4 =	vpop (erf)  }
0x1fb: {  	[tilespmem:$0xEC80] =	vst v4  }
0x1fc: {  	v1 =	vld.idx.msk [tilespmem:v1+s24+$0x0], $0xffff  }
0x1fd: {  	v2 =	vld.idx.msk [tilespmem:v2+s25+$0x0], $0xffff;
	_ =	sdelay $0x1  }
0x1fe: {  	v3 =	vld.idx.msk [tilespmem:v3+s26+$0x0], $0xffff;
	_ =	sdelay $0x2  }
0x1ff: {  	v1 =	vadd.f32 v2, v1;
	_ =	sdelay $0x1  }
0x200: {  	v1 =	vadd.f32 v3, v1;
	_ =	sdelay $0x1  }
0x201: {  	v2 =	vmul.f32 $2.000000030e-01, v1  }
0x202: {  	vm13 =	vge.f32 v1, $0.0e+00  }
0x203: {  	v1 =	vsel vm13, v1, v2  }
0x204: {  	v1 =	vmul.f32 $1.442695020e+00, v1;
	_ =	sdelay $0x1  }
0x205: {  	(erf) = vpow2.f32 v1;
	_ =	sdelay $0x2  }
0x206: {  	v1 =	vld [tilespmem:$0x26F0]  }
0x207: {  	v2 =	vld [tilespmem:$0x4E00];
	_ =	sdelay $0x1  }
0x208: {  	v3 =	vld [tilespmem:$0x7510];
	_ =	sdelay $0x2  }
0x209: {  	v4 =	vpop (erf)  }
0x20a: {  	[tilespmem:$0xEC90] =	vst v4  }
0x20b: {  	v1 =	vld.idx.msk [tilespmem:v1+s24+$0x0], $0xffff  }
0x20c: {  	v2 =	vld.idx.msk [tilespmem:v2+s25+$0x0], $0xffff;
	_ =	sdelay $0x1  }
0x20d: {  	v3 =	vld.idx.msk [tilespmem:v3+s26+$0x0], $0xffff;
	_ =	sdelay $0x2  }
0x20e: {  	v1 =	vadd.f32 v2, v1;
	_ =	sdelay $0x1  }
0x20f: {  	v1 =	vadd.f32 v3, v1;
	_ =	sdelay $0x1  }
0x210: {  	v2 =	vmul.f32 $2.000000030e-01, v1  }
0x211: {  	vm14 =	vge.f32 v1, $0.0e+00  }
0x212: {  	v1 =	vsel vm14, v1, v2  }
0x213: {  	v1 =	vmul.f32 $1.442695020e+00, v1;
	_ =	sdelay $0x1  }
0x214: {  	(erf) = vpow2.f32 v1;
	_ =	sdelay $0x2  }
0x215: {  	v1 =	vld [tilespmem:$0x2700]  }
0x216: {  	v2 =	vld [tilespmem:$0x4E10];
	_ =	sdelay $0x1  }
0x217: {  	v3 =	vld [tilespmem:$0x7520];
	_ =	sdelay $0x2  }
0x218: {  	v4 =	vpop (erf)  }
0x219: {  	[tilespmem:$0xECA0] =	vst v4  }
0x21a: {  	v1 =	vld.idx.msk [tilespmem:v1+s24+$0x0], $0xffff  }
0x21b: {  	v2 =	vld.idx.msk [tilespmem:v2+s25+$0x0], $0xffff;
	_ =	sdelay $0x1  }
0x21c: {  	v3 =	vld.idx.msk [tilespmem:v3+s26+$0x0], $0xffff;
	_ =	sdelay $0x2  }
0x21d: {  	v1 =	vadd.f32 v2, v1;
	_ =	sdelay $0x1  }
0x21e: {  	v1 =	vadd.f32 v3, v1;
	_ =	sdelay $0x1  }
0x21f: {  	v2 =	vmul.f32 $2.000000030e-01, v1  }
0x220: {  	vm15 =	vge.f32 v1, $0.0e+00  }
0x221: {  	v1 =	vsel vm15, v1, v2  }
0x222: {  	v1 =	vmul.f32 $1.442695020e+00, v1;
	_ =	sdelay $0x1  }
0x223: {  	(erf) = vpow2.f32 v1;
	_ =	sdelay $0x1  }
0x224: {  	s4 =	simm.s32 $0x26C0  }
0x225: {  	s15 =	simm.s32 $0x26C1;
	v1 =	vmov s4  }
0x226: {  	s16 =	simm.s32 $0x26C2;
	v2 =	vmov s15;
	v1 =	vand.u32 $0xFFFFFFFC, v1  }
0x227: {  	v3 =	vmov s16;
	v2 =	vand.u32 $0xFFFFFFFD, v2;
	v1 =	vbroadcast v1, $0x0  }
0x228: {  	v3 =	vand.u32 $0xFFFFFFFE, v3;
	v2 =	vbroadcast v2, $0x0  }
0x229: {  	v4 =	vbroadcast v3, $0x0;
	_ =	sdelay $0x1  }
0x22a: {  	v3 =	vpop (erf)  }
0x22b: {  	[tilespmem:$0xECB0] =	vst v3  }
0x22c: {  	s17 =	simm.s32 $0x26C3;
	v3 =	vld.idx.msk [tilespmem:v1+s22+$0x0], $0xffff  }
0x22d: {  	v5 =	vmov s17;
	v1 =	vld.idx.msk [tilespmem:v2+s22+$0x0], $0xffff  }
0x22e: {  	s9 =	simm.s32 $0xED40;
	v4 =	vld.idx.msk [tilespmem:v4+s22+$0x0], $0xffff  }
0x22f: {  	v6 =	vld [tilespmem:s9+$0x0]  }
0x230: {  	v7 =	vld [tilespmem:s9+$0xFFFFFF80]  }
0x231: {  	v8 =	vld [tilespmem:s9+$0xFFFFFFC0]  }
0x232: {  	v2 =	vld.idx.msk [tilespmem:v5+s22+$0x0], $0xffff  }
0x233: {  	v5 =	vld [tilespmem:s9+$0x40]  }
0x234: {  	s18 =	simm.s32 $0x26C4;
	v6 =	vmul.f32 v6, v4  }
0x235: {  	s10 =	simm.s32 $0x11540;
	s19 =	simm.s32 $0x26C5;
	v9 =	vmov s18;
	v7 =	vmul.f32 v7, v3  }
0x236: {  	s5 =	simm.s32 $0x26C7;
	v10 =	vmov s19;
	v9 =	vand.u32 $0xFFFFFFFC, v9;
	v8 =	vmul.f32 v8, v1;
	[tilespmem:s10+$0x0] =	vst v6  }
0x237: {  	v10 =	vand.u32 $0xFFFFFFFD, v10;
	v9 =	vbroadcast v9, $0x0;
	v6 =	vmov s5;
	[tilespmem:s10+$0xFFFFFF80] =	vst v7;
	v7 =	vld [tilespmem:s9+$0x10]  }
0x238: {  	v10 =	vbroadcast v10, $0x0;
	v5 =	vmul.f32 v5, v2;
	[tilespmem:s10+$0xFFFFFFC0] =	vst v8;
	v11 =	vld [tilespmem:s9+$0xFFFFFF90]  }
0x239: {  	s20 =	simm.s32 $0x26C6;
	v8 =	vld [tilespmem:s9+$0xFFFFFFD0]  }
0x23a: {  	[tilespmem:s10+$0x40] =	vst v5;
	v5 =	vmov s20  }
0x23b: {  	v12 =	vld [tilespmem:s9+$0x50];
	v13 =	vand.u32 $0xFFFFFFFE, v5  }
0x23c: {  	v13 =	vbroadcast v13, $0x0;
	v5 =	vld.idx.msk [tilespmem:v6+s22+$0x0], $0xffff;
	v14 =	vmul.f32 v7, v4  }
0x23d: {  	v7 =	vld.idx.msk [tilespmem:v9+s22+$0x0], $0xffff;
	v9 =	vmul.f32 v11, v3  }
0x23e: {  	v6 =	vld.idx.msk [tilespmem:v10+s22+$0x0], $0xffff;
	v8 =	vmul.f32 v8, v1;
	[tilespmem:s10+$0x10] =	vst v14  }
0x23f: {  	[tilespmem:s10+$0xFFFFFF90] =	vst v9;
	v9 =	vld [tilespmem:s9+$0x20]  }
0x240: {  	[tilespmem:s10+$0xFFFFFFD0] =	vst v8;
	v10 =	vld [tilespmem:s9+$0xFFFFFFA0]  }
0x241: {  	v11 =	vld [tilespmem:s9+$0xFFFFFFE0]  }
0x242: {  	s12 =	simm.s32 $0xEE40;
	v8 =	vld.idx.msk [tilespmem:v13+s22+$0x0], $0xffff  }
0x243: {  	v12 =	vmul.f32 v12, v2;
	v14 =	vld [tilespmem:s12+$0x0]  }
0x244: {  	v13 =	vld [tilespmem:s12+$0xFFFFFF80];
	v9 =	vmul.f32 v9, v4  }
0x245: {  	[tilespmem:s10+$0x50] =	vst v12;
	v12 =	vld [tilespmem:s12+$0xFFFFFFC0];
	v15 =	vmul.f32 v10, v3  }
0x246: {  	v10 =	vld [tilespmem:s12+$0x40];
	v11 =	vmul.f32 v11, v1;
	[tilespmem:s10+$0x20] =	vst v9  }
0x247: {  	s8 =	simm.s32 $0x4;
	s13 =	simm.s32 $0x11540;
	[tilespmem:s10+$0xFFFFFFA0] =	vst v15;
	v9 =	vld [tilespmem:s9+$0x30]  }
.LBB2_11:
0x248: {  	s4 =	sadd.s32 $0x26C4, s8;
	s5 =	sadd.s32 $0x26C7, s8;
	v14 =	vmul.f32 v14, v8;
	[tilespmem:s10+$0xFFFFFFE0] =	vst v11;
	v11 =	vld [tilespmem:s9+$0x60]  }
0x249: {  	s10 =	sadd.s32 $0x100, s10;
	v15 =	vmov s4;
	s4 =	sadd.s32 $0x26C5, s8;
	v16 =	vmov s5;
	v13 =	vmul.f32 v13, v7;
	v17 =	vld [tilespmem:s9+$0xFFFFFFB0]  }
0x24a: {  	v15 =	vand.u32 $0xFFFFFFFC, v15;
	v18 =	vmov s4;
	v12 =	vmul.f32 v12, v6;
	[tilespmem:s10+$0x0] =	vst v14;
	v14 =	vld [tilespmem:s9+$0xFFFFFFF0]  }
0x24b: {  	v15 =	vbroadcast v15, $0x0;
	v18 =	vand.u32 $0xFFFFFFFD, v18;
	[tilespmem:s10+$0xFFFFFF80] =	vst v13;
	v13 =	vld [tilespmem:s12+$0x10];
	v10 =	vmul.f32 v10, v5  }
0x24c: {  	v18 =	vbroadcast v18, $0x0;
	v19 =	vld [tilespmem:s12+$0xFFFFFF90];
	[tilespmem:s10+$0xFFFFFFC0] =	vst v12;
	v9 =	vmul.f32 v9, v4;
	v4 =	vmov v8  }
0x24d: {  	s4 =	sadd.s32 $0x26C6, s8;
	s8 =	sadd.s32 $0x4, s8;
	v8 =	vld [tilespmem:s12+$0xFFFFFFD0];
	[tilespmem:s10+$0x40] =	vst v10;
	v10 =	vmul.f32 v11, v2  }
0x24e: {  	p0 =	slt.u32 s8, $0x4C;
	v11 =	vmov s4;
	v12 =	vld [tilespmem:s12+$0x50];
	v17 =	vmul.f32 v17, v3;
	[tilespmem:s13+$0x30] =	vst v9;
	v3 =	vmov v7  }
0x24f: {  	v7 =	vand.u32 $0xFFFFFFFE, v11;
	v9 =	vld.idx.msk [tilespmem:v16+s22+$0x0], $0xffff;
	v11 =	vmul.f32 v14, v1;
	[tilespmem:s13+$0x60] =	vst v10;
	v1 =	vmov v6  }
0x250: {  	v10 =	vbroadcast v7, $0x0;
	v13 =	vmul.f32 v13, v4;
	[tilespmem:s13+$0xFFFFFFB0] =	vst v17;
	v14 =	vld [tilespmem:s9+$0x70];
	s9 =	smov.u32 s12  }
0x251: {  	v7 =	vld.idx.msk [tilespmem:v15+s22+$0x0], $0xffff;
	v15 =	vmul.f32 v19, v3;
	[tilespmem:s13+$0xFFFFFFF0] =	vst v11  }
0x252: {  	v6 =	vld.idx.msk [tilespmem:v18+s22+$0x0], $0xffff;
	v8 =	vmul.f32 v8, v1;
	[tilespmem:s10+$0x10] =	vst v13  }
0x253: {  	[tilespmem:s10+$0xFFFFFF90] =	vst v15;
	v11 =	vld [tilespmem:s12+$0x20];
	v12 =	vmul.f32 v12, v5  }
0x254: {  	v15 =	vld [tilespmem:s12+$0xFFFFFFA0];
	[tilespmem:s10+$0xFFFFFFD0] =	vst v8  }
0x255: {  	v16 =	vld [tilespmem:s12+$0xFFFFFFE0];
	[tilespmem:s10+$0x50] =	vst v12;
	v12 =	vmul.f32 v14, v2;
	v2 =	vmov v5;
	v5 =	vmov v9  }
0x256: {  	s12 =	sadd.s32 $0x100, s12;
	v8 =	vld.idx.msk [tilespmem:v10+s22+$0x0], $0xffff  }
.Ltmp5:
0x257: {  	v14 =	vld [tilespmem:s12+$0x0];
	[tilespmem:s13+$0x70] =	vst v12;
	s13 =	smov.u32 s10;
	(pc) =	sbr.rel @p0 .LBB2_11-.Ltmp5, $4  }
0x258: {  	v13 =	vld [tilespmem:s12+$0xFFFFFF80];
	v9 =	vmul.f32 v11, v4  }
0x259: {  	v12 =	vld [tilespmem:s12+$0xFFFFFFC0];
	v15 =	vmul.f32 v15, v3  }
0x25a: {  	v10 =	vld [tilespmem:s12+$0x40];
	v11 =	vmul.f32 v16, v1;
	[tilespmem:s10+$0x20] =	vst v9  }
0x25b: {  	[tilespmem:s10+$0xFFFFFFA0] =	vst v15;
	v9 =	vld [tilespmem:s9+$0x30]  }
0x25c: {  	v14 =	vmul.f32 v14, v8  }
0x25d: {  	s4 =	sadd.s32 $0x100, s10;
	v13 =	vmul.f32 v13, v7  }
0x25e: {  	v12 =	vmul.f32 v12, v6;
	[tilespmem:s4+$0x0] =	vst v14  }
0x25f: {  	[tilespmem:s4+$0xFFFFFF80] =	vst v13;
	v58 =	vld [tilespmem:s12+$0x10];
	v10 =	vmul.f32 v10, v5  }
0x260: {  	v59 =	vld [tilespmem:s12+$0xFFFFFF90];
	[tilespmem:s4+$0xFFFFFFC0] =	vst v12  }
0x261: {  	v12 =	vld [tilespmem:s12+$0xFFFFFFD0];
	[tilespmem:s4+$0x40] =	vst v10  }
0x262: {  	v10 =	vld [tilespmem:s12+$0x50];
	_ =	sdelay $0x1  }
0x263: {  	v13 =	vmul.f32 v58, v8  }
0x264: {  	v14 =	vmul.f32 v59, v7  }
0x265: {  	v15 =	vld [tilespmem:s9+$0x60];
	v12 =	vmul.f32 v12, v6;
	[tilespmem:s4+$0x10] =	vst v13  }
0x266: {  	[tilespmem:s4+$0xFFFFFF90] =	vst v14;
	v13 =	vld [tilespmem:s12+$0x20];
	v10 =	vmul.f32 v10, v5  }
0x267: {  	v14 =	vld [tilespmem:s12+$0xFFFFFFA0];
	[tilespmem:s4+$0xFFFFFFD0] =	vst v12  }
0x268: {  	v12 =	vld [tilespmem:s12+$0xFFFFFFE0];
	[tilespmem:s4+$0x50] =	vst v10  }
0x269: {  	v10 =	vld [tilespmem:s12+$0x60]  }
0x26a: {  	v15 =	vmul.f32 v15, v2  }
0x26b: {  	[tilespmem:s10+$0xFFFFFFE0] =	vst v11;
	v60 =	vld [tilespmem:s9+$0xFFFFFFB0];
	v13 =	vmul.f32 v13, v8  }
0x26c: {  	v16 =	vld [tilespmem:s9+$0xFFFFFFF0];
	[tilespmem:s13+$0x60] =	vst v15;
	v14 =	vmul.f32 v14, v7  }
0x26d: {  	v15 =	vld [tilespmem:s9+$0x70];
	v12 =	vmul.f32 v12, v6;
	[tilespmem:s4+$0x20] =	vst v13  }
0x26e: {  	[tilespmem:s4+$0xFFFFFFA0] =	vst v14;
	v13 =	vld [tilespmem:s12+$0x30];
	v10 =	vmul.f32 v10, v5  }
0x26f: {  	v4 =	vmul.f32 v9, v4;
	[tilespmem:s4+$0xFFFFFFE0] =	vst v12;
	v61 =	vld [tilespmem:s12+$0xFFFFFFB0]  }
0x270: {  	v3 =	vmul.f32 v60, v3;
	v62 =	vld [tilespmem:s12+$0xFFFFFFF0];
	[tilespmem:s4+$0x60] =	vst v10  }
0x271: {  	[tilespmem:s13+$0x30] =	vst v4;
	v1 =	vmul.f32 v16, v1;
	v63 =	vld [tilespmem:s12+$0x70]  }
0x272: {  	[tilespmem:s13+$0xFFFFFFB0] =	vst v3;
	v2 =	vmul.f32 v15, v2  }
0x273: {  	[tilespmem:s13+$0xFFFFFFF0] =	vst v1;
	v1 =	vmul.f32 v13, v8  }
0x274: {  	[tilespmem:s13+$0x70] =	vst v2;
	v2 =	vmul.f32 v61, v7  }
0x275: {  	[tilespmem:s4+$0x30] =	vst v1;
	v1 =	vmul.f32 v62, v6  }
0x276: {  	[tilespmem:s4+$0xFFFFFFB0] =	vst v2;
	v2 =	vmul.f32 v63, v5  }
0x277: {  	[tilespmem:s4+$0xFFFFFFF0] =	vst v1  }
0x278: {  	s17 =	simm.s32 $0x4DD0;
	s18 =	simm.s32 $0x4;
	[tilespmem:s4+$0x70] =	vst v2  }
0x279: {  	[spmem:s1] =	stream.indirect.scatter.add.f32 [tilespmem:s28], [sflag:$0x3], $0x40, s17, s29, $0xb8;
	[tilespmem:$0x1DCC0] =	vst v63  }
0x27a: {  	_ =	swait.ge [sflag:s18], $0x1400  }
0x27b: {  	[sflag:s18] =	ssyncset.done $0x0  }
0x27c: {  	[sflag:s18] =	ssyncadd.s32 $0xFFFFEC00  }
0x27d: {  	_ =	swait.ge [sflag:s11], $0x1400  }
0x27e: {  	[sflag:s11] =	ssyncset.done $0x0  }
0x27f: {  	[sflag:s11] =	ssyncadd.s32 $0xFFFFEC00  }
0x280: {  	s19 =	stileid.u32;
	[bflag:$0x0] =	sbarrier.arrive $0xFFFF  }
0x281: {  	s4 =	sshll.u32 s19, $0x6;
	s11 =	rddreg [dreg:$0xa]  }
0x282: {  	s4 =	sor.u32 $0x1C05, s4;
	s8 =	rddreg [dreg:$0x12];
	s5 =	sshrl.u32 s11, $0x3  }
0x283: {  	[hbm:s8], [sflag:s4] =	dma.local [spmem:s5], $0x1400  }
0x284: {  	_ =	swait.ge [sflag:s21], $0x1400  }
0x285: {  	s6 =	sadd.s32 $0x1, s6;
	s20 =	rddreg [dreg:$0x13]  }
0x286: {  	p0 =	sne.s32 s6, s20  }
.Ltmp6:
0x287: {  	_ = 	snop;
	(pc) =	sbr.rel @p0 .LBB2_1-.Ltmp6, $3  }
0x288: {  	_ =	sdelay $0x1  }
0x289: {  	[sflag:s21] =	ssyncset.done $0x0  }
0x28a: {  	[sflag:s21] =	ssyncadd.s32 $0xFFFFEC00  }
0x28b: {  	_ =	sfence.sel $0x180000  }
0x28c: {  	[bflag:$0x0] =	sbarrier.arrive $0xFFFF  }
0x28d: {  	_ =	strace $0x90000047  }
0x28e: {  	s0 =	stileid.u32;
	[bflag:$0x2] =	sbarrier.arrive $0xFFFF  }
0x28f: {  	p0 =	sne.s32 s0, $0x0;
	s0 =	rddreg [dreg:$0x3]  }
0x290: {  	s0 =	sadd.s32 @!p0 $0x100000, s0  }
0x291: {  	[sflag:s0] =	ssyncadd.tile.s32 @!p0 $0x1;
	_ =	shalt  }
.Lfunc_end2:
_tile_overlayer_lowered:
.L_overlay_start_2:
0x292: {  	(tag) =	ssettag $0x2  }
0x293: {  	s0 =	rddreg [dreg:$0x0];
	s2 =	stileid.u32  }
0x294: {  	s1 =	rddreg [dreg:$0x1];
	p0 =	sne.s32 s2, $0x0  }
0x295: {  	s3 =	rddreg [dreg:$0x2];
	[bflag:$0x3] =	sbarrier.arrive $0xFFFF;
	s2 =	simm.s32 @!p0 $0x1C05  }
0x296: {  	[timem:s3], [sflag:s2] =	dma.local @!p0 [hbm:s0], s1  }
0x297: {  	s0 =	simm.s32 @!p0 $0x5  }
0x298: {  	_ =	swait.ge @!p0 [sflag:s0], s1  }
0x299: {  	s1 =	ssub.s32 @!p0 $0x0, s1;
	[sflag:s0] =	ssyncset.done @!p0 $0x0  }
0x29a: {  	[sflag:s0] =	ssyncadd.s32 @!p0 s1  }
0x29b: {  	[bflag:$0x3] =	sbarrier.arrive $0xFFFF  }
0x29c: {  	_ =	shalt  }

</sc_bundles>
